<compile_context>
chip_gen: v7x
topology: tpu7x:2x2x1
jax: 0.10.2.dev20260603
libtpu: 0.0.44.dev20260713+nightly
codegen_flags: <defaults>
</compile_context>

<pallas_src>
import functools

import jax
import jax.numpy as jnp
from jax import lax
from jax.experimental import pallas as pl
from jax.experimental.pallas import tpu as pltpu
from jax.experimental.pallas import tpu_sc as plsc

B = 16384
D = 64
DP = 128
N_W = 32
BPW = B // N_W
N_PASS = 2
BPP = BPW // N_PASS
G = 16
N_PREDS = 1000000
HALF = N_PREDS // 2
TC_COLS = 16384
TC_ROWS = TC_COLS // 2
TC_GRID = -(-N_PREDS // TC_COLS)
N_REL_PHYS = 50


def _tc_pack(pred_t):
    def body(x_ref, o_ref):
        xt = lax.transpose(x_ref[...], (1, 0))
        v = xt.reshape(TC_COLS // 16, 16, D)
        ya = v[:, :8, :].reshape(TC_ROWS, D)
        yb = v[:, 8:, :].reshape(TC_ROWS, D)
        o_ref[...] = jnp.concatenate([ya, yb], axis=1)

    return pl.pallas_call(
        body,
        grid=(TC_GRID,),
        in_specs=[
            pl.BlockSpec((D, TC_COLS), lambda i: (0, i)),
        ],
        out_specs=pl.BlockSpec((TC_ROWS, DP), lambda i: (i, 0)),
        out_shape=jax.ShapeDtypeStruct((HALF, DP), jnp.float32),
    )(pred_t)


def _make_sc_kernel():
    mesh = plsc.VectorSubcoreMesh(core_axis_name="c", subcore_axis_name="s")

    @functools.partial(
        pl.kernel,
        mesh=mesh,
        out_type=jax.ShapeDtypeStruct((D, B), jnp.float32),
        compiler_params=pltpu.CompilerParams(
            use_tc_tiling_on_sc=True, needs_layout_passes=False),
        scratch_types=[
            pltpu.VMEM((BPP,), jnp.int32),
            pltpu.VMEM((BPP,), jnp.int32),
            pltpu.VMEM((BPP,), jnp.int32),
            pltpu.VMEM((BPP,), jnp.int32),
            pltpu.VMEM((BPP,), jnp.int32),
            pltpu.VMEM((BPP, DP), jnp.float32),
            pltpu.VMEM((BPP, DP), jnp.float32),
            pltpu.VMEM((N_REL_PHYS, DP), jnp.float32),
            pltpu.VMEM((D, BPP), jnp.float32),
            pltpu.SemaphoreType.DMA,
            pltpu.SemaphoreType.DMA,
        ],
    )
    def sc_kernel(pred_hbm, rel_hbm, h_hbm, t_hbm, r_hbm, out_hbm,
                  hidx, tidx, ridx, hphys, tphys, hb, tb, relb, obt,
                  sem_h, sem_t):
        wid = lax.axis_index("s") * 2 + lax.axis_index("c")
        base = wid * BPW
        pltpu.sync_copy(rel_hbm, relb)
        lanes = lax.iota(jnp.int32, 16)

        for p in range(N_PASS):
            off = base + p * BPP
            pltpu.sync_copy(h_hbm.at[pl.ds(off, BPP)], hidx)
            pltpu.sync_copy(t_hbm.at[pl.ds(off, BPP)], tidx)
            pltpu.sync_copy(r_hbm.at[pl.ds(off, BPP)], ridx)

            def to_phys(g, carry):
                s = pl.ds(g * 16, 16)
                hv = hidx[s]
                tv = tidx[s]
                hphys[s] = lax.shift_left(lax.shift_right_logical(hv, 4), 3) | (hv & 7)
                tphys[s] = lax.shift_left(lax.shift_right_logical(tv, 4), 3) | (tv & 7)
                return carry

            lax.fori_loop(0, BPP // 16, to_phys, 0)

            ch = pltpu.async_copy(pred_hbm.at[hphys], hb, sem_h)
            ct = pltpu.async_copy(pred_hbm.at[tphys], tb, sem_t)
            ch.wait()
            ct.wait()

            def group(g, carry):
                s = pl.ds(g * 16, 16)
                hv = hidx[s]
                tv = tidx[s]
                rv = ridx[s]
                hcol = lax.shift_left(hv & 8, 3)
                tcol = lax.shift_left(tv & 8, 3)
                rrow = lax.shift_right_logical(rv, 1)
                rcol = lax.shift_left((rv & 1), 6)
                rowv = g * 16 + lanes
                for d in range(D):
                    hval = plsc.load_gather(hb, [rowv, hcol + d])
                    tval = plsc.load_gather(tb, [rowv, tcol + d])
                    rval = plsc.load_gather(relb, [rrow, rcol + d])
                    obt[d, s] = jnp.abs(hval + rval - tval)
                return carry

            lax.fori_loop(0, BPP // G, group, 0)

            pltpu.sync_copy(obt, out_hbm.at[:, pl.ds(off, BPP)])

    return sc_kernel


def kernel(pred_table, rel_table, h_idx, t_idx, r_idx):
    n_rel = rel_table.shape[0]
    pred2 = _tc_pack(pred_table.T)
    rel2 = rel_table.reshape(n_rel // 2, DP)
    sc = _make_sc_kernel()
    out_t = sc(
        pred2,
        rel2,
        h_idx.astype(jnp.int32),
        t_idx.astype(jnp.int32),
        r_idx.astype(jnp.int32),
    )
    return out_t.T

# --- scband reference (transcript-rebuilt; emitter-appended) ---
"""Pipeline reference for scband-abstract-event-trans-58660663329007 (READ-ONLY COPY).

The authoritative reference and input builder live on the scoring server;
editing this copy changes nothing except your own understanding.
"""

import jax, jax.numpy as jnp
import numpy as np

N_PREDS = 1000000
PRED_DIM = 64
N_REL = 100
REL_DIM = 64
B = 16384
NORM = 1


def setup_inputs(seed: int = 0) -> dict:
    key = jax.random.key(seed)
    k1, k2, k3, k4, k5 = jax.random.split(key, 5)
    # xavier_uniform init, as in the torch module
    bound_p = float(np.sqrt(6.0 / (N_PREDS + PRED_DIM)))
    pred_table = jax.random.uniform(k1, (N_PREDS, PRED_DIM), minval=-bound_p, maxval=bound_p, dtype=jnp.float32)
    bound_r = float(np.sqrt(6.0 / (N_REL + REL_DIM)))
    rel_table = jax.random.uniform(k2, (N_REL, REL_DIM), minval=-bound_r, maxval=bound_r, dtype=jnp.float32)
    h_idx = jax.random.randint(k3, (B,), 0, N_PREDS)
    t_idx = jax.random.randint(k4, (B,), 0, N_PREDS)
    r_idx = jax.random.randint(k5, (B,), 0, N_REL)
    return {"pred_table": pred_table, "rel_table": rel_table, "h_idx": h_idx, "t_idx": t_idx, "r_idx": r_idx}


def reference(pred_table, rel_table, h_idx, t_idx, r_idx):
    # embedding lookups (self.pred_embeddings(p), self.rel_embeddings(r))
    h = jnp.take(pred_table, h_idx, axis=0)
    t = jnp.take(pred_table, t_idx, axis=0)
    r = jnp.take(rel_table, r_idx, axis=0)
    # _calc: TransE-style translation score
    if NORM == 1:
        return jnp.abs(h + r - t)
    return jnp.power(jnp.abs(h + r - t), NORM)

if __name__ == "__main__":
    import jax
    _d = setup_inputs()
    print(jax.jit(kernel)(*tuple(_d.values())))

</pallas_src>

<mosaic_0001>
#map = affine_map<(d0, d1) -> (0, 0)>
#map1 = affine_map<(d0, d1) -> (0)>
module attributes {stable_mosaic.version = 14 : i64} {
  func.func @sc_kernel(%arg0: i32, %arg1: i32, %arg2: memref<500000x128xf32, #tpu.memory_space<hbm>>, %arg3: memref<50x128xf32, #tpu.memory_space<hbm>>, %arg4: memref<16384xi32, #tpu.memory_space<hbm>>, %arg5: memref<16384xi32, #tpu.memory_space<hbm>>, %arg6: memref<16384xi32, #tpu.memory_space<hbm>>, %arg7: memref<64x16384xf32, #tpu.memory_space<hbm>>, %arg8: memref<256xi32, #tpu.memory_space<vmem>>, %arg9: memref<256xi32, #tpu.memory_space<vmem>>, %arg10: memref<256xi32, #tpu.memory_space<vmem>>, %arg11: memref<256xi32, #tpu.memory_space<vmem>>, %arg12: memref<256xi32, #tpu.memory_space<vmem>>, %arg13: memref<256x128xf32, #tpu.memory_space<vmem>>, %arg14: memref<256x128xf32, #tpu.memory_space<vmem>>, %arg15: memref<50x128xf32, #tpu.memory_space<vmem>>, %arg16: memref<64x256xf32, #tpu.memory_space<vmem>>, %arg17: memref<!tpu.dma_semaphore, #tpu.memory_space<semaphore_mem>>, %arg18: memref<!tpu.dma_semaphore, #tpu.memory_space<semaphore_mem>>) attributes {dimension_semantics = [#tpu.dimension_semantics<core_parallel>, #tpu.dimension_semantics<subcore_parallel>], iteration_bounds = array<i64: 2, 16>, scalar_prefetch = 0 : i64, scratch_operands = 11 : i64, tpu.core_type = #tpu.core_type<sc_vector_subcore>, window_params = [{transform_indices = #map}, {transform_indices = #map}, {transform_indices = #map1}, {transform_indices = #map1}, {transform_indices = #map1}, {transform_indices = #map}]} {
    %mul3A = arith.constant 2 : i32
    %mul3A_0 = arith.muli %arg1, %mul3A : i32
    %add3A = arith.addi %mul3A_0, %arg0 : i32
    %mul3A_1 = arith.constant 512 : i32
    %mul3A_2 = arith.muli %add3A, %mul3A_1 : i32
    "tpu.region"() ({
      %run_scoped3A = tpu.sem_alloc : memref<!tpu.dma_semaphore, #tpu.memory_space<semaphore_mem>>
      tpu.enqueue_dma source(%arg3 : memref<50x128xf32, #tpu.memory_space<hbm>>) target(%arg15 : memref<50x128xf32, #tpu.memory_space<vmem>>) target_semaphore(%run_scoped3A : memref<!tpu.dma_semaphore, #tpu.memory_space<semaphore_mem>>)
      tpu.wait_dma2 semaphore(%run_scoped3A : memref<!tpu.dma_semaphore, #tpu.memory_space<semaphore_mem>>) src(%arg3 : memref<50x128xf32, #tpu.memory_space<hbm>>) dst(%arg15 : memref<50x128xf32, #tpu.memory_space<vmem>>)
      tpu.yield
    }) : () -> ()
    %iota3A = tpu.iota {dimensions = array<i32: 0>} : vector<16xi32>
    %add3A_3 = arith.constant 0 : i32
    %add3A_4 = arith.addi %mul3A_2, %add3A_3 : i32
    "tpu.region"() ({
      %run_scoped3A = tpu.sem_alloc : memref<!tpu.dma_semaphore, #tpu.memory_space<semaphore_mem>>
      %dma_start3A_52 = tpu.memref_slice %arg4[%add3A_4] : memref<16384xi32, #tpu.memory_space<hbm>> -> memref<256xi32, #tpu.memory_space<hbm>>
      %dma_start3A_53 = tpu.memref_slice %arg4[%add3A_4] : memref<16384xi32, #tpu.memory_space<hbm>> -> memref<256xi32, #tpu.memory_space<hbm>>
      tpu.enqueue_dma source(%dma_start3A_53 : memref<256xi32, #tpu.memory_space<hbm>>) target(%arg8 : memref<256xi32, #tpu.memory_space<vmem>>) target_semaphore(%run_scoped3A : memref<!tpu.dma_semaphore, #tpu.memory_space<semaphore_mem>>)
      %dma_wait3A_54 = tpu.memref_slice %arg4[%add3A_4] : memref<16384xi32, #tpu.memory_space<hbm>> -> memref<256xi32, #tpu.memory_space<hbm>>
      %dma_wait3A_55 = tpu.memref_slice %arg4[%add3A_4] : memref<16384xi32, #tpu.memory_space<hbm>> -> memref<256xi32, #tpu.memory_space<hbm>>
      tpu.wait_dma2 semaphore(%run_scoped3A : memref<!tpu.dma_semaphore, #tpu.memory_space<semaphore_mem>>) src(%dma_wait3A_55 : memref<256xi32, #tpu.memory_space<hbm>>) dst(%arg8 : memref<256xi32, #tpu.memory_space<vmem>>)
      tpu.yield
    }) : () -> ()
    "tpu.region"() ({
      %run_scoped3A = tpu.sem_alloc : memref<!tpu.dma_semaphore, #tpu.memory_space<semaphore_mem>>
      %dma_start3A_52 = tpu.memref_slice %arg5[%add3A_4] : memref<16384xi32, #tpu.memory_space<hbm>> -> memref<256xi32, #tpu.memory_space<hbm>>
      %dma_start3A_53 = tpu.memref_slice %arg5[%add3A_4] : memref<16384xi32, #tpu.memory_space<hbm>> -> memref<256xi32, #tpu.memory_space<hbm>>
      tpu.enqueue_dma source(%dma_start3A_53 : memref<256xi32, #tpu.memory_space<hbm>>) target(%arg9 : memref<256xi32, #tpu.memory_space<vmem>>) target_semaphore(%run_scoped3A : memref<!tpu.dma_semaphore, #tpu.memory_space<semaphore_mem>>)
      %dma_wait3A_54 = tpu.memref_slice %arg5[%add3A_4] : memref<16384xi32, #tpu.memory_space<hbm>> -> memref<256xi32, #tpu.memory_space<hbm>>
      %dma_wait3A_55 = tpu.memref_slice %arg5[%add3A_4] : memref<16384xi32, #tpu.memory_space<hbm>> -> memref<256xi32, #tpu.memory_space<hbm>>
      tpu.wait_dma2 semaphore(%run_scoped3A : memref<!tpu.dma_semaphore, #tpu.memory_space<semaphore_mem>>) src(%dma_wait3A_55 : memref<256xi32, #tpu.memory_space<hbm>>) dst(%arg9 : memref<256xi32, #tpu.memory_space<vmem>>)
      tpu.yield
    }) : () -> ()
    "tpu.region"() ({
      %run_scoped3A = tpu.sem_alloc : memref<!tpu.dma_semaphore, #tpu.memory_space<semaphore_mem>>
      %dma_start3A_52 = tpu.memref_slice %arg6[%add3A_4] : memref<16384xi32, #tpu.memory_space<hbm>> -> memref<256xi32, #tpu.memory_space<hbm>>
      %dma_start3A_53 = tpu.memref_slice %arg6[%add3A_4] : memref<16384xi32, #tpu.memory_space<hbm>> -> memref<256xi32, #tpu.memory_space<hbm>>
      tpu.enqueue_dma source(%dma_start3A_53 : memref<256xi32, #tpu.memory_space<hbm>>) target(%arg10 : memref<256xi32, #tpu.memory_space<vmem>>) target_semaphore(%run_scoped3A : memref<!tpu.dma_semaphore, #tpu.memory_space<semaphore_mem>>)
      %dma_wait3A_54 = tpu.memref_slice %arg6[%add3A_4] : memref<16384xi32, #tpu.memory_space<hbm>> -> memref<256xi32, #tpu.memory_space<hbm>>
      %dma_wait3A_55 = tpu.memref_slice %arg6[%add3A_4] : memref<16384xi32, #tpu.memory_space<hbm>> -> memref<256xi32, #tpu.memory_space<hbm>>
      tpu.wait_dma2 semaphore(%run_scoped3A : memref<!tpu.dma_semaphore, #tpu.memory_space<semaphore_mem>>) src(%dma_wait3A_55 : memref<256xi32, #tpu.memory_space<hbm>>) dst(%arg10 : memref<256xi32, #tpu.memory_space<vmem>>)
      tpu.yield
    }) : () -> ()
    %scan3A = arith.constant 0 : i32
    %scan3A_5 = arith.constant 0 : i32
    %scan3A_6 = arith.constant 16 : i32
    %scan3A_7 = arith.addi %scan3A_5, %scan3A_6 : i32
    %scan3A_8 = arith.constant 1 : i32
    scf.for %scan3A_52 = %scan3A_5 to %scan3A_7 step %scan3A_8  : i32 {
      %mul3A_53 = arith.constant 16 : i32
      %mul3A_54 = arith.muli %scan3A_52, %mul3A_53 : i32
      %get3A = arith.index_cast %mul3A_54 : i32 to index
      %get3A_55 = tpu.vector_load %arg8[%get3A] {strides = array<i32>} : memref<256xi32, #tpu.memory_space<vmem>>, vector<16xi32>,
      %get3A_56 = arith.index_cast %mul3A_54 : i32 to index
      %get3A_57 = tpu.vector_load %arg9[%get3A_56] {strides = array<i32>} : memref<256xi32, #tpu.memory_space<vmem>>, vector<16xi32>,
      %shift_right_logical3A = arith.constant 4 : i32
      %shift_right_logical3A_58 = vector.broadcast %shift_right_logical3A : i32 to vector<16xi32>
      %shift_right_logical3A_59 = arith.shrui %get3A_55, %shift_right_logical3A_58 : vector<16xi32>
      %shift_left3A = arith.constant 3 : i32
      %shift_left3A_60 = vector.broadcast %shift_left3A : i32 to vector<16xi32>
      %shift_left3A_61 = arith.shli %shift_right_logical3A_59, %shift_left3A_60 : vector<16xi32>
      %and3A = arith.constant 7 : i32
      %and3A_62 = vector.broadcast %and3A : i32 to vector<16xi32>
      %and3A_63 = arith.andi %get3A_55, %and3A_62 : vector<16xi32>
      %or3A = arith.ori %shift_left3A_61, %and3A_63 : vector<16xi32>
      %swap3A = arith.index_cast %mul3A_54 : i32 to index
      %swap3A_64 = tpu.vector_load %arg11[%swap3A] {strides = array<i32>} : memref<256xi32, #tpu.memory_space<vmem>>, vector<16xi32>,
      tpu.vector_store %arg11[%swap3A], %or3A {strides = array<i32>} : memref<256xi32, #tpu.memory_space<vmem>>, vector<16xi32>,
      %shift_right_logical3A_65 = arith.constant 4 : i32
      %shift_right_logical3A_66 = vector.broadcast %shift_right_logical3A_65 : i32 to vector<16xi32>
      %shift_right_logical3A_67 = arith.shrui %get3A_57, %shift_right_logical3A_66 : vector<16xi32>
      %shift_left3A_68 = arith.constant 3 : i32
      %shift_left3A_69 = vector.broadcast %shift_left3A_68 : i32 to vector<16xi32>
      %shift_left3A_70 = arith.shli %shift_right_logical3A_67, %shift_left3A_69 : vector<16xi32>
      %and3A_71 = arith.constant 7 : i32
      %and3A_72 = vector.broadcast %and3A_71 : i32 to vector<16xi32>
      %and3A_73 = arith.andi %get3A_57, %and3A_72 : vector<16xi32>
      %or3A_74 = arith.ori %shift_left3A_70, %and3A_73 : vector<16xi32>
      %swap3A_75 = arith.index_cast %mul3A_54 : i32 to index
      %swap3A_76 = tpu.vector_load %arg12[%swap3A_75] {strides = array<i32>} : memref<256xi32, #tpu.memory_space<vmem>>, vector<16xi32>,
      tpu.vector_store %arg12[%swap3A_75], %or3A_74 {strides = array<i32>} : memref<256xi32, #tpu.memory_space<vmem>>, vector<16xi32>,
    }
    %scan3A_9 = arith.constant 16 : i32
    %dma_start3A = arith.constant 0 : i32
    %dma_start3A_10 = arith.constant 0 : i32
    %dma_start3A_11 = tpu.memref_slice %arg2[%dma_start3A, %dma_start3A_10] : memref<500000x128xf32, #tpu.memory_space<hbm>> -> memref<500000x128xf32, #tpu.memory_space<hbm>>
    tpu.enqueue_indirect_dma source(%dma_start3A_11 : memref<500000x128xf32, #tpu.memory_space<hbm>>) target(%arg13 : memref<256x128xf32, #tpu.memory_space<vmem>>) offsets(%arg11 : memref<256xi32, #tpu.memory_space<vmem>>) semaphore(%arg17 : memref<!tpu.dma_semaphore, #tpu.memory_space<semaphore_mem>>)
    %dma_start3A_12 = arith.constant 0 : i32
    %dma_start3A_13 = arith.constant 0 : i32
    %dma_start3A_14 = tpu.memref_slice %arg2[%dma_start3A_12, %dma_start3A_13] : memref<500000x128xf32, #tpu.memory_space<hbm>> -> memref<500000x128xf32, #tpu.memory_space<hbm>>
    tpu.enqueue_indirect_dma source(%dma_start3A_14 : memref<500000x128xf32, #tpu.memory_space<hbm>>) target(%arg14 : memref<256x128xf32, #tpu.memory_space<vmem>>) offsets(%arg12 : memref<256xi32, #tpu.memory_space<vmem>>) semaphore(%arg18 : memref<!tpu.dma_semaphore, #tpu.memory_space<semaphore_mem>>)
    %dma_wait3A = arith.constant 0 : i32
    %dma_wait3A_15 = arith.constant 0 : i32
    %dma_wait3A_16 = tpu.memref_slice %arg2[%dma_wait3A, %dma_wait3A_15] : memref<500000x128xf32, #tpu.memory_space<hbm>> -> memref<500000x128xf32, #tpu.memory_space<hbm>>
    tpu.wait_indirect_dma semaphore(%arg17 : memref<!tpu.dma_semaphore, #tpu.memory_space<semaphore_mem>>) src(%dma_wait3A_16 : memref<500000x128xf32, #tpu.memory_space<hbm>>) dst(%arg13 : memref<256x128xf32, #tpu.memory_space<vmem>>)
    %dma_wait3A_17 = arith.constant 0 : i32
    %dma_wait3A_18 = arith.constant 0 : i32
    %dma_wait3A_19 = tpu.memref_slice %arg2[%dma_wait3A_17, %dma_wait3A_18] : memref<500000x128xf32, #tpu.memory_space<hbm>> -> memref<500000x128xf32, #tpu.memory_space<hbm>>
    tpu.wait_indirect_dma semaphore(%arg18 : memref<!tpu.dma_semaphore, #tpu.memory_space<semaphore_mem>>) src(%dma_wait3A_19 : memref<500000x128xf32, #tpu.memory_space<hbm>>) dst(%arg14 : memref<256x128xf32, #tpu.memory_space<vmem>>)
    %scan3A_20 = arith.constant 0 : i32
    %scan3A_21 = arith.constant 0 : i32
    %scan3A_22 = arith.constant 16 : i32
    %scan3A_23 = arith.addi %scan3A_21, %scan3A_22 : i32
    %scan3A_24 = arith.constant 1 : i32
    scf.for %scan3A_52 = %scan3A_21 to %scan3A_23 step %scan3A_24  : i32 {
      %mul3A_53 = arith.constant 16 : i32
      %mul3A_54 = arith.muli %scan3A_52, %mul3A_53 : i32
      %get3A = arith.index_cast %mul3A_54 : i32 to index
      %get3A_55 = tpu.vector_load %arg8[%get3A] {strides = array<i32>} : memref<256xi32, #tpu.memory_space<vmem>>, vector<16xi32>,
      %get3A_56 = arith.index_cast %mul3A_54 : i32 to index
      %get3A_57 = tpu.vector_load %arg9[%get3A_56] {strides = array<i32>} : memref<256xi32, #tpu.memory_space<vmem>>, vector<16xi32>,
      %get3A_58 = arith.index_cast %mul3A_54 : i32 to index
      %get3A_59 = tpu.vector_load %arg10[%get3A_58] {strides = array<i32>} : memref<256xi32, #tpu.memory_space<vmem>>, vector<16xi32>,
      %and3A = arith.constant 8 : i32
      %and3A_60 = vector.broadcast %and3A : i32 to vector<16xi32>
      %and3A_61 = arith.andi %get3A_55, %and3A_60 : vector<16xi32>
      %shift_left3A = arith.constant 3 : i32
      %shift_left3A_62 = vector.broadcast %shift_left3A : i32 to vector<16xi32>
      %shift_left3A_63 = arith.shli %and3A_61, %shift_left3A_62 : vector<16xi32>
      %and3A_64 = arith.constant 8 : i32
      %and3A_65 = vector.broadcast %and3A_64 : i32 to vector<16xi32>
      %and3A_66 = arith.andi %get3A_57, %and3A_65 : vector<16xi32>
      %shift_left3A_67 = arith.constant 3 : i32
      %shift_left3A_68 = vector.broadcast %shift_left3A_67 : i32 to vector<16xi32>
      %shift_left3A_69 = arith.shli %and3A_66, %shift_left3A_68 : vector<16xi32>
      %shift_right_logical3A = arith.constant 1 : i32
      %shift_right_logical3A_70 = vector.broadcast %shift_right_logical3A : i32 to vector<16xi32>
      %shift_right_logical3A_71 = arith.shrui %get3A_59, %shift_right_logical3A_70 : vector<16xi32>
      %and3A_72 = arith.constant 1 : i32
      %and3A_73 = vector.broadcast %and3A_72 : i32 to vector<16xi32>
      %and3A_74 = arith.andi %get3A_59, %and3A_73 : vector<16xi32>
      %shift_left3A_75 = arith.constant 6 : i32
      %shift_left3A_76 = vector.broadcast %shift_left3A_75 : i32 to vector<16xi32>
      %shift_left3A_77 = arith.shli %and3A_74, %shift_left3A_76 : vector<16xi32>
      %mul3A_78 = arith.constant 16 : i32
      %mul3A_79 = arith.muli %scan3A_52, %mul3A_78 : i32
      %add3A_80 = vector.broadcast %mul3A_79 : i32 to vector<16xi32>
      %add3A_81 = arith.addi %add3A_80, %iota3A : vector<16xi32>
      %add3A_82 = arith.constant 0 : i32
      %add3A_83 = vector.broadcast %add3A_82 : i32 to vector<16xi32>
      %add3A_84 = arith.addi %shift_left3A_63, %add3A_83 : vector<16xi32>
      %gather3A = tpu.vector_load_idx %arg13[%add3A_81, %add3A_84] : memref<256x128xf32, #tpu.memory_space<vmem>>[vector<16xi32>, vector<16xi32>], vector<16xf32>,
      %add3A_85 = arith.constant 0 : i32
      %add3A_86 = vector.broadcast %add3A_85 : i32 to vector<16xi32>
      %add3A_87 = arith.addi %shift_left3A_69, %add3A_86 : vector<16xi32>
      %gather3A_88 = tpu.vector_load_idx %arg14[%add3A_81, %add3A_87] : memref<256x128xf32, #tpu.memory_space<vmem>>[vector<16xi32>, vector<16xi32>], vector<16xf32>,
      %add3A_89 = arith.constant 0 : i32
      %add3A_90 = vector.broadcast %add3A_89 : i32 to vector<16xi32>
      %add3A_91 = arith.addi %shift_left3A_77, %add3A_90 : vector<16xi32>
      %gather3A_92 = tpu.vector_load_idx %arg15[%shift_right_logical3A_71, %add3A_91] : memref<50x128xf32, #tpu.memory_space<vmem>>[vector<16xi32>, vector<16xi32>], vector<16xf32>,
      %add3A_93 = arith.addf %gather3A, %gather3A_92 : vector<16xf32>
      %sub3A = arith.subf %add3A_93, %gather3A_88 : vector<16xf32>
      %abs3A = math.absf %sub3A : vector<16xf32>
      %swap3A = arith.constant 0 : i32
      %swap3A_94 = arith.index_cast %swap3A : i32 to index
      %swap3A_95 = arith.index_cast %mul3A_54 : i32 to index
      %swap3A_96 = tpu.vector_load %arg16[%swap3A_94, %swap3A_95] {strides = array<i32>} : memref<64x256xf32, #tpu.memory_space<vmem>>, vector<16xf32>,
      tpu.vector_store %arg16[%swap3A_94, %swap3A_95], %abs3A {strides = array<i32>} : memref<64x256xf32, #tpu.memory_space<vmem>>, vector<16xf32>,
      %add3A_97 = arith.constant 1 : i32
      %add3A_98 = vector.broadcast %add3A_97 : i32 to vector<16xi32>
      %add3A_99 = arith.addi %shift_left3A_63, %add3A_98 : vector<16xi32>
      %gather3A_100 = tpu.vector_load_idx %arg13[%add3A_81, %add3A_99] : memref<256x128xf32, #tpu.memory_space<vmem>>[vector<16xi32>, vector<16xi32>], vector<16xf32>,
      %add3A_101 = arith.constant 1 : i32
      %add3A_102 = vector.broadcast %add3A_101 : i32 to vector<16xi32>
      %add3A_103 = arith.addi %shift_left3A_69, %add3A_102 : vector<16xi32>
      %gather3A_104 = tpu.vector_load_idx %arg14[%add3A_81, %add3A_103] : memref<256x128xf32, #tpu.memory_space<vmem>>[vector<16xi32>, vector<16xi32>], vector<16xf32>,
      %add3A_105 = arith.constant 1 : i32
      %add3A_106 = vector.broadcast %add3A_105 : i32 to vector<16xi32>
      %add3A_107 = arith.addi %shift_left3A_77, %add3A_106 : vector<16xi32>
      %gather3A_108 = tpu.vector_load_idx %arg15[%shift_right_logical3A_71, %add3A_107] : memref<50x128xf32, #tpu.memory_space<vmem>>[vector<16xi32>, vector<16xi32>], vector<16xf32>,
      %add3A_109 = arith.addf %gather3A_100, %gather3A_108 : vector<16xf32>
      %sub3A_110 = arith.subf %add3A_109, %gather3A_104 : vector<16xf32>
      %abs3A_111 = math.absf %sub3A_110 : vector<16xf32>
      %swap3A_112 = arith.constant 1 : i32
      %swap3A_113 = arith.index_cast %swap3A_112 : i32 to index
      %swap3A_114 = arith.index_cast %mul3A_54 : i32 to index
      %swap3A_115 = tpu.vector_load %arg16[%swap3A_113, %swap3A_114] {strides = array<i32>} : memref<64x256xf32, #tpu.memory_space<vmem>>, vector<16xf32>,
      tpu.vector_store %arg16[%swap3A_113, %swap3A_114], %abs3A_111 {strides = array<i32>} : memref<64x256xf32, #tpu.memory_space<vmem>>, vector<16xf32>,
      %add3A_116 = arith.constant 2 : i32
      %add3A_117 = vector.broadcast %add3A_116 : i32 to vector<16xi32>
      %add3A_118 = arith.addi %shift_left3A_63, %add3A_117 : vector<16xi32>
      %gather3A_119 = tpu.vector_load_idx %arg13[%add3A_81, %add3A_118] : memref<256x128xf32, #tpu.memory_space<vmem>>[vector<16xi32>, vector<16xi32>], vector<16xf32>,
      %add3A_120 = arith.constant 2 : i32
      %add3A_121 = vector.broadcast %add3A_120 : i32 to vector<16xi32>
      %add3A_122 = arith.addi %shift_left3A_69, %add3A_121 : vector<16xi32>
      %gather3A_123 = tpu.vector_load_idx %arg14[%add3A_81, %add3A_122] : memref<256x128xf32, #tpu.memory_space<vmem>>[vector<16xi32>, vector<16xi32>], vector<16xf32>,
      %add3A_124 = arith.constant 2 : i32
      %add3A_125 = vector.broadcast %add3A_124 : i32 to vector<16xi32>
      %add3A_126 = arith.addi %shift_left3A_77, %add3A_125 : vector<16xi32>
      %gather3A_127 = tpu.vector_load_idx %arg15[%shift_right_logical3A_71, %add3A_126] : memref<50x128xf32, #tpu.memory_space<vmem>>[vector<16xi32>, vector<16xi32>], vector<16xf32>,
      %add3A_128 = arith.addf %gather3A_119, %gather3A_127 : vector<16xf32>
      %sub3A_129 = arith.subf %add3A_128, %gather3A_123 : vector<16xf32>
      %abs3A_130 = math.absf %sub3A_129 : vector<16xf32>
      %swap3A_131 = arith.constant 2 : i32
      %swap3A_132 = arith.index_cast %swap3A_131 : i32 to index
      %swap3A_133 = arith.index_cast %mul3A_54 : i32 to index
      %swap3A_134 = tpu.vector_load %arg16[%swap3A_132, %swap3A_133] {strides = array<i32>} : memref<64x256xf32, #tpu.memory_space<vmem>>, vector<16xf32>,
      tpu.vector_store %arg16[%swap3A_132, %swap3A_133], %abs3A_130 {strides = array<i32>} : memref<64x256xf32, #tpu.memory_space<vmem>>, vector<16xf32>,
      %add3A_135 = arith.constant 3 : i32
      %add3A_136 = vector.broadcast %add3A_135 : i32 to vector<16xi32>
      %add3A_137 = arith.addi %shift_left3A_63, %add3A_136 : vector<16xi32>
      %gather3A_138 = tpu.vector_load_idx %arg13[%add3A_81, %add3A_137] : memref<256x128xf32, #tpu.memory_space<vmem>>[vector<16xi32>, vector<16xi32>], vector<16xf32>,
      %add3A_139 = arith.constant 3 : i32
      %add3A_140 = vector.broadcast %add3A_139 : i32 to vector<16xi32>
      %add3A_141 = arith.addi %shift_left3A_69, %add3A_140 : vector<16xi32>
      %gather3A_142 = tpu.vector_load_idx %arg14[%add3A_81, %add3A_141] : memref<256x128xf32, #tpu.memory_space<vmem>>[vector<16xi32>, vector<16xi32>], vector<16xf32>,
      %add3A_143 = arith.constant 3 : i32
      %add3A_144 = vector.broadcast %add3A_143 : i32 to vector<16xi32>
      %add3A_145 = arith.addi %shift_left3A_77, %add3A_144 : vector<16xi32>
      %gather3A_146 = tpu.vector_load_idx %arg15[%shift_right_logical3A_71, %add3A_145] : memref<50x128xf32, #tpu.memory_space<vmem>>[vector<16xi32>, vector<16xi32>], vector<16xf32>,
      %add3A_147 = arith.addf %gather3A_138, %gather3A_146 : vector<16xf32>
      %sub3A_148 = arith.subf %add3A_147, %gather3A_142 : vector<16xf32>
      %abs3A_149 = math.absf %sub3A_148 : vector<16xf32>
      %swap3A_150 = arith.constant 3 : i32
      %swap3A_151 = arith.index_cast %swap3A_150 : i32 to index
      %swap3A_152 = arith.index_cast %mul3A_54 : i32 to index
      %swap3A_153 = tpu.vector_load %arg16[%swap3A_151, %swap3A_152] {strides = array<i32>} : memref<64x256xf32, #tpu.memory_space<vmem>>, vector<16xf32>,
      tpu.vector_store %arg16[%swap3A_151, %swap3A_152], %abs3A_149 {strides = array<i32>} : memref<64x256xf32, #tpu.memory_space<vmem>>, vector<16xf32>,
      %add3A_154 = arith.constant 4 : i32
      %add3A_155 = vector.broadcast %add3A_154 : i32 to vector<16xi32>
      %add3A_156 = arith.addi %shift_left3A_63, %add3A_155 : vector<16xi32>
      %gather3A_157 = tpu.vector_load_idx %arg13[%add3A_81, %add3A_156] : memref<256x128xf32, #tpu.memory_space<vmem>>[vector<16xi32>, vector<16xi32>], vector<16xf32>,
      %add3A_158 = arith.constant 4 : i32
      %add3A_159 = vector.broadcast %add3A_158 : i32 to vector<16xi32>
      %add3A_160 = arith.addi %shift_left3A_69, %add3A_159 : vector<16xi32>
      %gather3A_161 = tpu.vector_load_idx %arg14[%add3A_81, %add3A_160] : memref<256x128xf32, #tpu.memory_space<vmem>>[vector<16xi32>, vector<16xi32>], vector<16xf32>,
      %add3A_162 = arith.constant 4 : i32
      %add3A_163 = vector.broadcast %add3A_162 : i32 to vector<16xi32>
      %add3A_164 = arith.addi %shift_left3A_77, %add3A_163 : vector<16xi32>
      %gather3A_165 = tpu.vector_load_idx %arg15[%shift_right_logical3A_71, %add3A_164] : memref<50x128xf32, #tpu.memory_space<vmem>>[vector<16xi32>, vector<16xi32>], vector<16xf32>,
      %add3A_166 = arith.addf %gather3A_157, %gather3A_165 : vector<16xf32>
      %sub3A_167 = arith.subf %add3A_166, %gather3A_161 : vector<16xf32>
      %abs3A_168 = math.absf %sub3A_167 : vector<16xf32>
      %swap3A_169 = arith.constant 4 : i32
      %swap3A_170 = arith.index_cast %swap3A_169 : i32 to index
      %swap3A_171 = arith.index_cast %mul3A_54 : i32 to index
      %swap3A_172 = tpu.vector_load %arg16[%swap3A_170, %swap3A_171] {strides = array<i32>} : memref<64x256xf32, #tpu.memory_space<vmem>>, vector<16xf32>,
      tpu.vector_store %arg16[%swap3A_170, %swap3A_171], %abs3A_168 {strides = array<i32>} : memref<64x256xf32, #tpu.memory_space<vmem>>, vector<16xf32>,
      %add3A_173 = arith.constant 5 : i32
      %add3A_174 = vector.broadcast %add3A_173 : i32 to vector<16xi32>
      %add3A_175 = arith.addi %shift_left3A_63, %add3A_174 : vector<16xi32>
      %gather3A_176 = tpu.vector_load_idx %arg13[%add3A_81, %add3A_175] : memref<256x128xf32, #tpu.memory_space<vmem>>[vector<16xi32>, vector<16xi32>], vector<16xf32>,
      %add3A_177 = arith.constant 5 : i32
      %add3A_178 = vector.broadcast %add3A_177 : i32 to vector<16xi32>
      %add3A_179 = arith.addi %shift_left3A_69, %add3A_178 : vector<16xi32>
      %gather3A_180 = tpu.vector_load_idx %arg14[%add3A_81, %add3A_179] : memref<256x128xf32, #tpu.memory_space<vmem>>[vector<16xi32>, vector<16xi32>], vector<16xf32>,
      %add3A_181 = arith.constant 5 : i32
      %add3A_182 = vector.broadcast %add3A_181 : i32 to vector<16xi32>
      %add3A_183 = arith.addi %shift_left3A_77, %add3A_182 : vector<16xi32>
      %gather3A_184 = tpu.vector_load_idx %arg15[%shift_right_logical3A_71, %add3A_183] : memref<50x128xf32, #tpu.memory_space<vmem>>[vector<16xi32>, vector<16xi32>], vector<16xf32>,
      %add3A_185 = arith.addf %gather3A_176, %gather3A_184 : vector<16xf32>
      %sub3A_186 = arith.subf %add3A_185, %gather3A_180 : vector<16xf32>
      %abs3A_187 = math.absf %sub3A_186 : vector<16xf32>
      %swap3A_188 = arith.constant 5 : i32
      %swap3A_189 = arith.index_cast %swap3A_188 : i32 to index
      %swap3A_190 = arith.index_cast %mul3A_54 : i32 to index
      %swap3A_191 = tpu.vector_load %arg16[%swap3A_189, %swap3A_190] {strides = array<i32>} : memref<64x256xf32, #tpu.memory_space<vmem>>, vector<16xf32>,
      tpu.vector_store %arg16[%swap3A_189, %swap3A_190], %abs3A_187 {strides = array<i32>} : memref<64x256xf32, #tpu.memory_space<vmem>>, vector<16xf32>,
      %add3A_192 = arith.constant 6 : i32
      %add3A_193 = vector.broadcast %add3A_192 : i32 to vector<16xi32>
      %add3A_194 = arith.addi %shift_left3A_63, %add3A_193 : vector<16xi32>
      %gather3A_195 = tpu.vector_load_idx %arg13[%add3A_81, %add3A_194] : memref<256x128xf32, #tpu.memory_space<vmem>>[vector<16xi32>, vector<16xi32>], vector<16xf32>,
      %add3A_196 = arith.constant 6 : i32
      %add3A_197 = vector.broadcast %add3A_196 : i32 to vector<16xi32>
      %add3A_198 = arith.addi %shift_left3A_69, %add3A_197 : vector<16xi32>
      %gather3A_199 = tpu.vector_load_idx %arg14[%add3A_81, %add3A_198] : memref<256x128xf32, #tpu.memory_space<vmem>>[vector<16xi32>, vector<16xi32>], vector<16xf32>,
      %add3A_200 = arith.constant 6 : i32
      %add3A_201 = vector.broadcast %add3A_200 : i32 to vector<16xi32>
      %add3A_202 = arith.addi %shift_left3A_77, %add3A_201 : vector<16xi32>
      %gather3A_203 = tpu.vector_load_idx %arg15[%shift_right_logical3A_71, %add3A_202] : memref<50x128xf32, #tpu.memory_space<vmem>>[vector<16xi32>, vector<16xi32>], vector<16xf32>,
      %add3A_204 = arith.addf %gather3A_195, %gather3A_203 : vector<16xf32>
      %sub3A_205 = arith.subf %add3A_204, %gather3A_199 : vector<16xf32>
      %abs3A_206 = math.absf %sub3A_205 : vector<16xf32>
      %swap3A_207 = arith.constant 6 : i32
      %swap3A_208 = arith.index_cast %swap3A_207 : i32 to index
      %swap3A_209 = arith.index_cast %mul3A_54 : i32 to index
      %swap3A_210 = tpu.vector_load %arg16[%swap3A_208, %swap3A_209] {strides = array<i32>} : memref<64x256xf32, #tpu.memory_space<vmem>>, vector<16xf32>,
      tpu.vector_store %arg16[%swap3A_208, %swap3A_209], %abs3A_206 {strides = array<i32>} : memref<64x256xf32, #tpu.memory_space<vmem>>, vector<16xf32>,
      %add3A_211 = arith.constant 7 : i32
      %add3A_212 = vector.broadcast %add3A_211 : i32 to vector<16xi32>
      %add3A_213 = arith.addi %shift_left3A_63, %add3A_212 : vector<16xi32>
      %gather3A_214 = tpu.vector_load_idx %arg13[%add3A_81, %add3A_213] : memref<256x128xf32, #tpu.memory_space<vmem>>[vector<16xi32>, vector<16xi32>], vector<16xf32>,
      %add3A_215 = arith.constant 7 : i32
      %add3A_216 = vector.broadcast %add3A_215 : i32 to vector<16xi32>
      %add3A_217 = arith.addi %shift_left3A_69, %add3A_216 : vector<16xi32>
      %gather3A_218 = tpu.vector_load_idx %arg14[%add3A_81, %add3A_217] : memref<256x128xf32, #tpu.memory_space<vmem>>[vector<16xi32>, vector<16xi32>], vector<16xf32>,
      %add3A_219 = arith.constant 7 : i32
      %add3A_220 = vector.broadcast %add3A_219 : i32 to vector<16xi32>
      %add3A_221 = arith.addi %shift_left3A_77, %add3A_220 : vector<16xi32>
      %gather3A_222 = tpu.vector_load_idx %arg15[%shift_right_logical3A_71, %add3A_221] : memref<50x128xf32, #tpu.memory_space<vmem>>[vector<16xi32>, vector<16xi32>], vector<16xf32>,
      %add3A_223 = arith.addf %gather3A_214, %gather3A_222 : vector<16xf32>
      %sub3A_224 = arith.subf %add3A_223, %gather3A_218 : vector<16xf32>
      %abs3A_225 = math.absf %sub3A_224 : vector<16xf32>
      %swap3A_226 = arith.constant 7 : i32
      %swap3A_227 = arith.index_cast %swap3A_226 : i32 to index
      %swap3A_228 = arith.index_cast %mul3A_54 : i32 to index
      %swap3A_229 = tpu.vector_load %arg16[%swap3A_227, %swap3A_228] {strides = array<i32>} : memref<64x256xf32, #tpu.memory_space<vmem>>, vector<16xf32>,
      tpu.vector_store %arg16[%swap3A_227, %swap3A_228], %abs3A_225 {strides = array<i32>} : memref<64x256xf32, #tpu.memory_space<vmem>>, vector<16xf32>,
      %add3A_230 = arith.constant 8 : i32
      %add3A_231 = vector.broadcast %add3A_230 : i32 to vector<16xi32>
      %add3A_232 = arith.addi %shift_left3A_63, %add3A_231 : vector<16xi32>
      %gather3A_233 = tpu.vector_load_idx %arg13[%add3A_81, %add3A_232] : memref<256x128xf32, #tpu.memory_space<vmem>>[vector<16xi32>, vector<16xi32>], vector<16xf32>,
      %add3A_234 = arith.constant 8 : i32
      %add3A_235 = vector.broadcast %add3A_234 : i32 to vector<16xi32>
      %add3A_236 = arith.addi %shift_left3A_69, %add3A_235 : vector<16xi32>
      %gather3A_237 = tpu.vector_load_idx %arg14[%add3A_81, %add3A_236] : memref<256x128xf32, #tpu.memory_space<vmem>>[vector<16xi32>, vector<16xi32>], vector<16xf32>,
      %add3A_238 = arith.constant 8 : i32
      %add3A_239 = vector.broadcast %add3A_238 : i32 to vector<16xi32>
      %add3A_240 = arith.addi %shift_left3A_77, %add3A_239 : vector<16xi32>
      %gather3A_241 = tpu.vector_load_idx %arg15[%shift_right_logical3A_71, %add3A_240] : memref<50x128xf32, #tpu.memory_space<vmem>>[vector<16xi32>, vector<16xi32>], vector<16xf32>,
      %add3A_242 = arith.addf %gather3A_233, %gather3A_241 : vector<16xf32>
      %sub3A_243 = arith.subf %add3A_242, %gather3A_237 : vector<16xf32>
      %abs3A_244 = math.absf %sub3A_243 : vector<16xf32>
      %swap3A_245 = arith.constant 8 : i32
      %swap3A_246 = arith.index_cast %swap3A_245 : i32 to index
      %swap3A_247 = arith.index_cast %mul3A_54 : i32 to index
      %swap3A_248 = tpu.vector_load %arg16[%swap3A_246, %swap3A_247] {strides = array<i32>} : memref<64x256xf32, #tpu.memory_space<vmem>>, vector<16xf32>,
      tpu.vector_store %arg16[%swap3A_246, %swap3A_247], %abs3A_244 {strides = array<i32>} : memref<64x256xf32, #tpu.memory_space<vmem>>, vector<16xf32>,
      %add3A_249 = arith.constant 9 : i32
      %add3A_250 = vector.broadcast %add3A_249 : i32 to vector<16xi32>
      %add3A_251 = arith.addi %shift_left3A_63, %add3A_250 : vector<16xi32>
      %gather3A_252 = tpu.vector_load_idx %arg13[%add3A_81, %add3A_251] : memref<256x128xf32, #tpu.memory_space<vmem>>[vector<16xi32>, vector<16xi32>], vector<16xf32>,
      %add3A_253 = arith.constant 9 : i32
      %add3A_254 = vector.broadcast %add3A_253 : i32 to vector<16xi32>
      %add3A_255 = arith.addi %shift_left3A_69, %add3A_254 : vector<16xi32>
      %gather3A_256 = tpu.vector_load_idx %arg14[%add3A_81, %add3A_255] : memref<256x128xf32, #tpu.memory_space<vmem>>[vector<16xi32>, vector<16xi32>], vector<16xf32>,
      %add3A_257 = arith.constant 9 : i32
      %add3A_258 = vector.broadcast %add3A_257 : i32 to vector<16xi32>
      %add3A_259 = arith.addi %shift_left3A_77, %add3A_258 : vector<16xi32>
      %gather3A_260 = tpu.vector_load_idx %arg15[%shift_right_logical3A_71, %add3A_259] : memref<50x128xf32, #tpu.memory_space<vmem>>[vector<16xi32>, vector<16xi32>], vector<16xf32>,
      %add3A_261 = arith.addf %gather3A_252, %gather3A_260 : vector<16xf32>
      %sub3A_262 = arith.subf %add3A_261, %gather3A_256 : vector<16xf32>
      %abs3A_263 = math.absf %sub3A_262 : vector<16xf32>
      %swap3A_264 = arith.constant 9 : i32
      %swap3A_265 = arith.index_cast %swap3A_264 : i32 to index
      %swap3A_266 = arith.index_cast %mul3A_54 : i32 to index
      %swap3A_267 = tpu.vector_load %arg16[%swap3A_265, %swap3A_266] {strides = array<i32>} : memref<64x256xf32, #tpu.memory_space<vmem>>, vector<16xf32>,
      tpu.vector_store %arg16[%swap3A_265, %swap3A_266], %abs3A_263 {strides = array<i32>} : memref<64x256xf32, #tpu.memory_space<vmem>>, vector<16xf32>,
      %add3A_268 = arith.constant 10 : i32
      %add3A_269 = vector.broadcast %add3A_268 : i32 to vector<16xi32>
      %add3A_270 = arith.addi %shift_left3A_63, %add3A_269 : vector<16xi32>
      %gather3A_271 = tpu.vector_load_idx %arg13[%add3A_81, %add3A_270] : memref<256x128xf32, #tpu.memory_space<vmem>>[vector<16xi32>, vector<16xi32>], vector<16xf32>,
      %add3A_272 = arith.constant 10 : i32
      %add3A_273 = vector.broadcast %add3A_272 : i32 to vector<16xi32>
      %add3A_274 = arith.addi %shift_left3A_69, %add3A_273 : vector<16xi32>
      %gather3A_275 = tpu.vector_load_idx %arg14[%add3A_81, %add3A_274] : memref<256x128xf32, #tpu.memory_space<vmem>>[vector<16xi32>, vector<16xi32>], vector<16xf32>,
      %add3A_276 = arith.constant 10 : i32
      %add3A_277 = vector.broadcast %add3A_276 : i32 to vector<16xi32>
      %add3A_278 = arith.addi %shift_left3A_77, %add3A_277 : vector<16xi32>
      %gather3A_279 = tpu.vector_load_idx %arg15[%shift_right_logical3A_71, %add3A_278] : memref<50x128xf32, #tpu.memory_space<vmem>>[vector<16xi32>, vector<16xi32>], vector<16xf32>,
      %add3A_280 = arith.addf %gather3A_271, %gather3A_279 : vector<16xf32>
      %sub3A_281 = arith.subf %add3A_280, %gather3A_275 : vector<16xf32>
      %abs3A_282 = math.absf %sub3A_281 : vector<16xf32>
      %swap3A_283 = arith.constant 10 : i32
      %swap3A_284 = arith.index_cast %swap3A_283 : i32 to index
      %swap3A_285 = arith.index_cast %mul3A_54 : i32 to index
      %swap3A_286 = tpu.vector_load %arg16[%swap3A_284, %swap3A_285] {strides = array<i32>} : memref<64x256xf32, #tpu.memory_space<vmem>>, vector<16xf32>,
      tpu.vector_store %arg16[%swap3A_284, %swap3A_285], %abs3A_282 {strides = array<i32>} : memref<64x256xf32, #tpu.memory_space<vmem>>, vector<16xf32>,
      %add3A_287 = arith.constant 11 : i32
      %add3A_288 = vector.broadcast %add3A_287 : i32 to vector<16xi32>
      %add3A_289 = arith.addi %shift_left3A_63, %add3A_288 : vector<16xi32>
      %gather3A_290 = tpu.vector_load_idx %arg13[%add3A_81, %add3A_289] : memref<256x128xf32, #tpu.memory_space<vmem>>[vector<16xi32>, vector<16xi32>], vector<16xf32>,
      %add3A_291 = arith.constant 11 : i32
      %add3A_292 = vector.broadcast %add3A_291 : i32 to vector<16xi32>
      %add3A_293 = arith.addi %shift_left3A_69, %add3A_292 : vector<16xi32>
      %gather3A_294 = tpu.vector_load_idx %arg14[%add3A_81, %add3A_293] : memref<256x128xf32, #tpu.memory_space<vmem>>[vector<16xi32>, vector<16xi32>], vector<16xf32>,
      %add3A_295 = arith.constant 11 : i32
      %add3A_296 = vector.broadcast %add3A_295 : i32 to vector<16xi32>
      %add3A_297 = arith.addi %shift_left3A_77, %add3A_296 : vector<16xi32>
      %gather3A_298 = tpu.vector_load_idx %arg15[%shift_right_logical3A_71, %add3A_297] : memref<50x128xf32, #tpu.memory_space<vmem>>[vector<16xi32>, vector<16xi32>], vector<16xf32>,
      %add3A_299 = arith.addf %gather3A_290, %gather3A_298 : vector<16xf32>
      %sub3A_300 = arith.subf %add3A_299, %gather3A_294 : vector<16xf32>
      %abs3A_301 = math.absf %sub3A_300 : vector<16xf32>
      %swap3A_302 = arith.constant 11 : i32
      %swap3A_303 = arith.index_cast %swap3A_302 : i32 to index
      %swap3A_304 = arith.index_cast %mul3A_54 : i32 to index
      %swap3A_305 = tpu.vector_load %arg16[%swap3A_303, %swap3A_304] {strides = array<i32>} : memref<64x256xf32, #tpu.memory_space<vmem>>, vector<16xf32>,
      tpu.vector_store %arg16[%swap3A_303, %swap3A_304], %abs3A_301 {strides = array<i32>} : memref<64x256xf32, #tpu.memory_space<vmem>>, vector<16xf32>,
      %add3A_306 = arith.constant 12 : i32
      %add3A_307 = vector.broadcast %add3A_306 : i32 to vector<16xi32>
      %add3A_308 = arith.addi %shift_left3A_63, %add3A_307 : vector<16xi32>
      %gather3A_309 = tpu.vector_load_idx %arg13[%add3A_81, %add3A_308] : memref<256x128xf32, #tpu.memory_space<vmem>>[vector<16xi32>, vector<16xi32>], vector<16xf32>,
      %add3A_310 = arith.constant 12 : i32
      %add3A_311 = vector.broadcast %add3A_310 : i32 to vector<16xi32>
      %add3A_312 = arith.addi %shift_left3A_69, %add3A_311 : vector<16xi32>
      %gather3A_313 = tpu.vector_load_idx %arg14[%add3A_81, %add3A_312] : memref<256x128xf32, #tpu.memory_space<vmem>>[vector<16xi32>, vector<16xi32>], vector<16xf32>,
      %add3A_314 = arith.constant 12 : i32
      %add3A_315 = vector.broadcast %add3A_314 : i32 to vector<16xi32>
      %add3A_316 = arith.addi %shift_left3A_77, %add3A_315 : vector<16xi32>
      %gather3A_317 = tpu.vector_load_idx %arg15[%shift_right_logical3A_71, %add3A_316] : memref<50x128xf32, #tpu.memory_space<vmem>>[vector<16xi32>, vector<16xi32>], vector<16xf32>,
      %add3A_318 = arith.addf %gather3A_309, %gather3A_317 : vector<16xf32>
      %sub3A_319 = arith.subf %add3A_318, %gather3A_313 : vector<16xf32>
      %abs3A_320 = math.absf %sub3A_319 : vector<16xf32>
      %swap3A_321 = arith.constant 12 : i32
      %swap3A_322 = arith.index_cast %swap3A_321 : i32 to index
      %swap3A_323 = arith.index_cast %mul3A_54 : i32 to index
      %swap3A_324 = tpu.vector_load %arg16[%swap3A_322, %swap3A_323] {strides = array<i32>} : memref<64x256xf32, #tpu.memory_space<vmem>>, vector<16xf32>,
      tpu.vector_store %arg16[%swap3A_322, %swap3A_323], %abs3A_320 {strides = array<i32>} : memref<64x256xf32, #tpu.memory_space<vmem>>, vector<16xf32>,
      %add3A_325 = arith.constant 13 : i32
      %add3A_326 = vector.broadcast %add3A_325 : i32 to vector<16xi32>
      %add3A_327 = arith.addi %shift_left3A_63, %add3A_326 : vector<16xi32>
      %gather3A_328 = tpu.vector_load_idx %arg13[%add3A_81, %add3A_327] : memref<256x128xf32, #tpu.memory_space<vmem>>[vector<16xi32>, vector<16xi32>], vector<16xf32>,
      %add3A_329 = arith.constant 13 : i32
      %add3A_330 = vector.broadcast %add3A_329 : i32 to vector<16xi32>
      %add3A_331 = arith.addi %shift_left3A_69, %add3A_330 : vector<16xi32>
      %gather3A_332 = tpu.vector_load_idx %arg14[%add3A_81, %add3A_331] : memref<256x128xf32, #tpu.memory_space<vmem>>[vector<16xi32>, vector<16xi32>], vector<16xf32>,
      %add3A_333 = arith.constant 13 : i32
      %add3A_334 = vector.broadcast %add3A_333 : i32 to vector<16xi32>
      %add3A_335 = arith.addi %shift_left3A_77, %add3A_334 : vector<16xi32>
      %gather3A_336 = tpu.vector_load_idx %arg15[%shift_right_logical3A_71, %add3A_335] : memref<50x128xf32, #tpu.memory_space<vmem>>[vector<16xi32>, vector<16xi32>], vector<16xf32>,
      %add3A_337 = arith.addf %gather3A_328, %gather3A_336 : vector<16xf32>
      %sub3A_338 = arith.subf %add3A_337, %gather3A_332 : vector<16xf32>
      %abs3A_339 = math.absf %sub3A_338 : vector<16xf32>
      %swap3A_340 = arith.constant 13 : i32
      %swap3A_341 = arith.index_cast %swap3A_340 : i32 to index
      %swap3A_342 = arith.index_cast %mul3A_54 : i32 to index
      %swap3A_343 = tpu.vector_load %arg16[%swap3A_341, %swap3A_342] {strides = array<i32>} : memref<64x256xf32, #tpu.memory_space<vmem>>, vector<16xf32>,
      tpu.vector_store %arg16[%swap3A_341, %swap3A_342], %abs3A_339 {strides = array<i32>} : memref<64x256xf32, #tpu.memory_space<vmem>>, vector<16xf32>,
      %add3A_344 = arith.constant 14 : i32
      %add3A_345 = vector.broadcast %add3A_344 : i32 to vector<16xi32>
      %add3A_346 = arith.addi %shift_left3A_63, %add3A_345 : vector<16xi32>
      %gather3A_347 = tpu.vector_load_idx %arg13[%add3A_81, %add3A_346] : memref<256x128xf32, #tpu.memory_space<vmem>>[vector<16xi32>, vector<16xi32>], vector<16xf32>,
      %add3A_348 = arith.constant 14 : i32
      %add3A_349 = vector.broadcast %add3A_348 : i32 to vector<16xi32>
      %add3A_350 = arith.addi %shift_left3A_69, %add3A_349 : vector<16xi32>
      %gather3A_351 = tpu.vector_load_idx %arg14[%add3A_81, %add3A_350] : memref<256x128xf32, #tpu.memory_space<vmem>>[vector<16xi32>, vector<16xi32>], vector<16xf32>,
      %add3A_352 = arith.constant 14 : i32
      %add3A_353 = vector.broadcast %add3A_352 : i32 to vector<16xi32>
      %add3A_354 = arith.addi %shift_left3A_77, %add3A_353 : vector<16xi32>
      %gather3A_355 = tpu.vector_load_idx %arg15[%shift_right_logical3A_71, %add3A_354] : memref<50x128xf32, #tpu.memory_space<vmem>>[vector<16xi32>, vector<16xi32>], vector<16xf32>,
      %add3A_356 = arith.addf %gather3A_347, %gather3A_355 : vector<16xf32>
      %sub3A_357 = arith.subf %add3A_356, %gather3A_351 : vector<16xf32>
      %abs3A_358 = math.absf %sub3A_357 : vector<16xf32>
      %swap3A_359 = arith.constant 14 : i32
      %swap3A_360 = arith.index_cast %swap3A_359 : i32 to index
      %swap3A_361 = arith.index_cast %mul3A_54 : i32 to index
      %swap3A_362 = tpu.vector_load %arg16[%swap3A_360, %swap3A_361] {strides = array<i32>} : memref<64x256xf32, #tpu.memory_space<vmem>>, vector<16xf32>,
      tpu.vector_store %arg16[%swap3A_360, %swap3A_361], %abs3A_358 {strides = array<i32>} : memref<64x256xf32, #tpu.memory_space<vmem>>, vector<16xf32>,
      %add3A_363 = arith.constant 15 : i32
      %add3A_364 = vector.broadcast %add3A_363 : i32 to vector<16xi32>
      %add3A_365 = arith.addi %shift_left3A_63, %add3A_364 : vector<16xi32>
      %gather3A_366 = tpu.vector_load_idx %arg13[%add3A_81, %add3A_365] : memref<256x128xf32, #tpu.memory_space<vmem>>[vector<16xi32>, vector<16xi32>], vector<16xf32>,
      %add3A_367 = arith.constant 15 : i32
      %add3A_368 = vector.broadcast %add3A_367 : i32 to vector<16xi32>
      %add3A_369 = arith.addi %shift_left3A_69, %add3A_368 : vector<16xi32>
      %gather3A_370 = tpu.vector_load_idx %arg14[%add3A_81, %add3A_369] : memref<256x128xf32, #tpu.memory_space<vmem>>[vector<16xi32>, vector<16xi32>], vector<16xf32>,
      %add3A_371 = arith.constant 15 : i32
      %add3A_372 = vector.broadcast %add3A_371 : i32 to vector<16xi32>
      %add3A_373 = arith.addi %shift_left3A_77, %add3A_372 : vector<16xi32>
      %gather3A_374 = tpu.vector_load_idx %arg15[%shift_right_logical3A_71, %add3A_373] : memref<50x128xf32, #tpu.memory_space<vmem>>[vector<16xi32>, vector<16xi32>], vector<16xf32>,
      %add3A_375 = arith.addf %gather3A_366, %gather3A_374 : vector<16xf32>
      %sub3A_376 = arith.subf %add3A_375, %gather3A_370 : vector<16xf32>
      %abs3A_377 = math.absf %sub3A_376 : vector<16xf32>
      %swap3A_378 = arith.constant 15 : i32
      %swap3A_379 = arith.index_cast %swap3A_378 : i32 to index
      %swap3A_380 = arith.index_cast %mul3A_54 : i32 to index
      %swap3A_381 = tpu.vector_load %arg16[%swap3A_379, %swap3A_380] {strides = array<i32>} : memref<64x256xf32, #tpu.memory_space<vmem>>, vector<16xf32>,
      tpu.vector_store %arg16[%swap3A_379, %swap3A_380], %abs3A_377 {strides = array<i32>} : memref<64x256xf32, #tpu.memory_space<vmem>>, vector<16xf32>,
      %add3A_382 = arith.constant 16 : i32
      %add3A_383 = vector.broadcast %add3A_382 : i32 to vector<16xi32>
      %add3A_384 = arith.addi %shift_left3A_63, %add3A_383 : vector<16xi32>
      %gather3A_385 = tpu.vector_load_idx %arg13[%add3A_81, %add3A_384] : memref<256x128xf32, #tpu.memory_space<vmem>>[vector<16xi32>, vector<16xi32>], vector<16xf32>,
      %add3A_386 = arith.constant 16 : i32
      %add3A_387 = vector.broadcast %add3A_386 : i32 to vector<16xi32>
      %add3A_388 = arith.addi %shift_left3A_69, %add3A_387 : vector<16xi32>
      %gather3A_389 = tpu.vector_load_idx %arg14[%add3A_81, %add3A_388] : memref<256x128xf32, #tpu.memory_space<vmem>>[vector<16xi32>, vector<16xi32>], vector<16xf32>,
      %add3A_390 = arith.constant 16 : i32
      %add3A_391 = vector.broadcast %add3A_390 : i32 to vector<16xi32>
      %add3A_392 = arith.addi %shift_left3A_77, %add3A_391 : vector<16xi32>
      %gather3A_393 = tpu.vector_load_idx %arg15[%shift_right_logical3A_71, %add3A_392] : memref<50x128xf32, #tpu.memory_space<vmem>>[vector<16xi32>, vector<16xi32>], vector<16xf32>,
      %add3A_394 = arith.addf %gather3A_385, %gather3A_393 : vector<16xf32>
      %sub3A_395 = arith.subf %add3A_394, %gather3A_389 : vector<16xf32>
      %abs3A_396 = math.absf %sub3A_395 : vector<16xf32>
      %swap3A_397 = arith.constant 16 : i32
      %swap3A_398 = arith.index_cast %swap3A_397 : i32 to index
      %swap3A_399 = arith.index_cast %mul3A_54 : i32 to index
      %swap3A_400 = tpu.vector_load %arg16[%swap3A_398, %swap3A_399] {strides = array<i32>} : memref<64x256xf32, #tpu.memory_space<vmem>>, vector<16xf32>,
      tpu.vector_store %arg16[%swap3A_398, %swap3A_399], %abs3A_396 {strides = array<i32>} : memref<64x256xf32, #tpu.memory_space<vmem>>, vector<16xf32>,
      %add3A_401 = arith.constant 17 : i32
      %add3A_402 = vector.broadcast %add3A_401 : i32 to vector<16xi32>
      %add3A_403 = arith.addi %shift_left3A_63, %add3A_402 : vector<16xi32>
      %gather3A_404 = tpu.vector_load_idx %arg13[%add3A_81, %add3A_403] : memref<256x128xf32, #tpu.memory_space<vmem>>[vector<16xi32>, vector<16xi32>], vector<16xf32>,
      %add3A_405 = arith.constant 17 : i32
      %add3A_406 = vector.broadcast %add3A_405 : i32 to vector<16xi32>
      %add3A_407 = arith.addi %shift_left3A_69, %add3A_406 : vector<16xi32>
      %gather3A_408 = tpu.vector_load_idx %arg14[%add3A_81, %add3A_407] : memref<256x128xf32, #tpu.memory_space<vmem>>[vector<16xi32>, vector<16xi32>], vector<16xf32>,
      %add3A_409 = arith.constant 17 : i32
      %add3A_410 = vector.broadcast %add3A_409 : i32 to vector<16xi32>
      %add3A_411 = arith.addi %shift_left3A_77, %add3A_410 : vector<16xi32>
      %gather3A_412 = tpu.vector_load_idx %arg15[%shift_right_logical3A_71, %add3A_411] : memref<50x128xf32, #tpu.memory_space<vmem>>[vector<16xi32>, vector<16xi32>], vector<16xf32>,
      %add3A_413 = arith.addf %gather3A_404, %gather3A_412 : vector<16xf32>
      %sub3A_414 = arith.subf %add3A_413, %gather3A_408 : vector<16xf32>
      %abs3A_415 = math.absf %sub3A_414 : vector<16xf32>
      %swap3A_416 = arith.constant 17 : i32
      %swap3A_417 = arith.index_cast %swap3A_416 : i32 to index
      %swap3A_418 = arith.index_cast %mul3A_54 : i32 to index
      %swap3A_419 = tpu.vector_load %arg16[%swap3A_417, %swap3A_418] {strides = array<i32>} : memref<64x256xf32, #tpu.memory_space<vmem>>, vector<16xf32>,
      tpu.vector_store %arg16[%swap3A_417, %swap3A_418], %abs3A_415 {strides = array<i32>} : memref<64x256xf32, #tpu.memory_space<vmem>>, vector<16xf32>,
      %add3A_420 = arith.constant 18 : i32
      %add3A_421 = vector.broadcast %add3A_420 : i32 to vector<16xi32>
      %add3A_422 = arith.addi %shift_left3A_63, %add3A_421 : vector<16xi32>
      %gather3A_423 = tpu.vector_load_idx %arg13[%add3A_81, %add3A_422] : memref<256x128xf32, #tpu.memory_space<vmem>>[vector<16xi32>, vector<16xi32>], vector<16xf32>,
      %add3A_424 = arith.constant 18 : i32
      %add3A_425 = vector.broadcast %add3A_424 : i32 to vector<16xi32>
      %add3A_426 = arith.addi %shift_left3A_69, %add3A_425 : vector<16xi32>
      %gather3A_427 = tpu.vector_load_idx %arg14[%add3A_81, %add3A_426] : memref<256x128xf32, #tpu.memory_space<vmem>>[vector<16xi32>, vector<16xi32>], vector<16xf32>,
      %add3A_428 = arith.constant 18 : i32
      %add3A_429 = vector.broadcast %add3A_428 : i32 to vector<16xi32>
      %add3A_430 = arith.addi %shift_left3A_77, %add3A_429 : vector<16xi32>
      %gather3A_431 = tpu.vector_load_idx %arg15[%shift_right_logical3A_71, %add3A_430] : memref<50x128xf32, #tpu.memory_space<vmem>>[vector<16xi32>, vector<16xi32>], vector<16xf32>,
      %add3A_432 = arith.addf %gather3A_423, %gather3A_431 : vector<16xf32>
      %sub3A_433 = arith.subf %add3A_432, %gather3A_427 : vector<16xf32>
      %abs3A_434 = math.absf %sub3A_433 : vector<16xf32>
      %swap3A_435 = arith.constant 18 : i32
      %swap3A_436 = arith.index_cast %swap3A_435 : i32 to index
      %swap3A_437 = arith.index_cast %mul3A_54 : i32 to index
      %swap3A_438 = tpu.vector_load %arg16[%swap3A_436, %swap3A_437] {strides = array<i32>} : memref<64x256xf32, #tpu.memory_space<vmem>>, vector<16xf32>,
      tpu.vector_store %arg16[%swap3A_436, %swap3A_437], %abs3A_434 {strides = array<i32>} : memref<64x256xf32, #tpu.memory_space<vmem>>, vector<16xf32>,
      %add3A_439 = arith.constant 19 : i32
      %add3A_440 = vector.broadcast %add3A_439 : i32 to vector<16xi32>
      %add3A_441 = arith.addi %shift_left3A_63, %add3A_440 : vector<16xi32>
      %gather3A_442 = tpu.vector_load_idx %arg13[%add3A_81, %add3A_441] : memref<256x128xf32, #tpu.memory_space<vmem>>[vector<16xi32>, vector<16xi32>], vector<16xf32>,
      %add3A_443 = arith.constant 19 : i32
      %add3A_444 = vector.broadcast %add3A_443 : i32 to vector<16xi32>
      %add3A_445 = arith.addi %shift_left3A_69, %add3A_444 : vector<16xi32>
      %gather3A_446 = tpu.vector_load_idx %arg14[%add3A_81, %add3A_445] : memref<256x128xf32, #tpu.memory_space<vmem>>[vector<16xi32>, vector<16xi32>], vector<16xf32>,
      %add3A_447 = arith.constant 19 : i32
      %add3A_448 = vector.broadcast %add3A_447 : i32 to vector<16xi32>
      %add3A_449 = arith.addi %shift_left3A_77, %add3A_448 : vector<16xi32>
      %gather3A_450 = tpu.vector_load_idx %arg15[%shift_right_logical3A_71, %add3A_449] : memref<50x128xf32, #tpu.memory_space<vmem>>[vector<16xi32>, vector<16xi32>], vector<16xf32>,
      %add3A_451 = arith.addf %gather3A_442, %gather3A_450 : vector<16xf32>
      %sub3A_452 = arith.subf %add3A_451, %gather3A_446 : vector<16xf32>
      %abs3A_453 = math.absf %sub3A_452 : vector<16xf32>
      %swap3A_454 = arith.constant 19 : i32
      %swap3A_455 = arith.index_cast %swap3A_454 : i32 to index
      %swap3A_456 = arith.index_cast %mul3A_54 : i32 to index
      %swap3A_457 = tpu.vector_load %arg16[%swap3A_455, %swap3A_456] {strides = array<i32>} : memref<64x256xf32, #tpu.memory_space<vmem>>, vector<16xf32>,
      tpu.vector_store %arg16[%swap3A_455, %swap3A_456], %abs3A_453 {strides = array<i32>} : memref<64x256xf32, #tpu.memory_space<vmem>>, vector<16xf32>,
      %add3A_458 = arith.constant 20 : i32
      %add3A_459 = vector.broadcast %add3A_458 : i32 to vector<16xi32>
      %add3A_460 = arith.addi %shift_left3A_63, %add3A_459 : vector<16xi32>
      %gather3A_461 = tpu.vector_load_idx %arg13[%add3A_81, %add3A_460] : memref<256x128xf32, #tpu.memory_space<vmem>>[vector<16xi32>, vector<16xi32>], vector<16xf32>,
      %add3A_462 = arith.constant 20 : i32
      %add3A_463 = vector.broadcast %add3A_462 : i32 to vector<16xi32>
      %add3A_464 = arith.addi %shift_left3A_69, %add3A_463 : vector<16xi32>
      %gather3A_465 = tpu.vector_load_idx %arg14[%add3A_81, %add3A_464] : memref<256x128xf32, #tpu.memory_space<vmem>>[vector<16xi32>, vector<16xi32>], vector<16xf32>,
      %add3A_466 = arith.constant 20 : i32
      %add3A_467 = vector.broadcast %add3A_466 : i32 to vector<16xi32>
      %add3A_468 = arith.addi %shift_left3A_77, %add3A_467 : vector<16xi32>
      %gather3A_469 = tpu.vector_load_idx %arg15[%shift_right_logical3A_71, %add3A_468] : memref<50x128xf32, #tpu.memory_space<vmem>>[vector<16xi32>, vector<16xi32>], vector<16xf32>,
      %add3A_470 = arith.addf %gather3A_461, %gather3A_469 : vector<16xf32>
      %sub3A_471 = arith.subf %add3A_470, %gather3A_465 : vector<16xf32>
      %abs3A_472 = math.absf %sub3A_471 : vector<16xf32>
      %swap3A_473 = arith.constant 20 : i32
      %swap3A_474 = arith.index_cast %swap3A_473 : i32 to index
      %swap3A_475 = arith.index_cast %mul3A_54 : i32 to index
      %swap3A_476 = tpu.vector_load %arg16[%swap3A_474, %swap3A_475] {strides = array<i32>} : memref<64x256xf32, #tpu.memory_space<vmem>>, vector<16xf32>,
      tpu.vector_store %arg16[%swap3A_474, %swap3A_475], %abs3A_472 {strides = array<i32>} : memref<64x256xf32, #tpu.memory_space<vmem>>, vector<16xf32>,
      %add3A_477 = arith.constant 21 : i32
      %add3A_478 = vector.broadcast %add3A_477 : i32 to vector<16xi32>
      %add3A_479 = arith.addi %shift_left3A_63, %add3A_478 : vector<16xi32>
      %gather3A_480 = tpu.vector_load_idx %arg13[%add3A_81, %add3A_479] : memref<256x128xf32, #tpu.memory_space<vmem>>[vector<16xi32>, vector<16xi32>], vector<16xf32>,
      %add3A_481 = arith.constant 21 : i32
      %add3A_482 = vector.broadcast %add3A_481 : i32 to vector<16xi32>
      %add3A_483 = arith.addi %shift_left3A_69, %add3A_482 : vector<16xi32>
      %gather3A_484 = tpu.vector_load_idx %arg14[%add3A_81, %add3A_483] : memref<256x128xf32, #tpu.memory_space<vmem>>[vector<16xi32>, vector<16xi32>], vector<16xf32>,
      %add3A_485 = arith.constant 21 : i32
      %add3A_486 = vector.broadcast %add3A_485 : i32 to vector<16xi32>
      %add3A_487 = arith.addi %shift_left3A_77, %add3A_486 : vector<16xi32>
      %gather3A_488 = tpu.vector_load_idx %arg15[%shift_right_logical3A_71, %add3A_487] : memref<50x128xf32, #tpu.memory_space<vmem>>[vector<16xi32>, vector<16xi32>], vector<16xf32>,
      %add3A_489 = arith.addf %gather3A_480, %gather3A_488 : vector<16xf32>
      %sub3A_490 = arith.subf %add3A_489, %gather3A_484 : vector<16xf32>
      %abs3A_491 = math.absf %sub3A_490 : vector<16xf32>
      %swap3A_492 = arith.constant 21 : i32
      %swap3A_493 = arith.index_cast %swap3A_492 : i32 to index
      %swap3A_494 = arith.index_cast %mul3A_54 : i32 to index
      %swap3A_495 = tpu.vector_load %arg16[%swap3A_493, %swap3A_494] {strides = array<i32>} : memref<64x256xf32, #tpu.memory_space<vmem>>, vector<16xf32>,
      tpu.vector_store %arg16[%swap3A_493, %swap3A_494], %abs3A_491 {strides = array<i32>} : memref<64x256xf32, #tpu.memory_space<vmem>>, vector<16xf32>,
      %add3A_496 = arith.constant 22 : i32
      %add3A_497 = vector.broadcast %add3A_496 : i32 to vector<16xi32>
      %add3A_498 = arith.addi %shift_left3A_63, %add3A_497 : vector<16xi32>
      %gather3A_499 = tpu.vector_load_idx %arg13[%add3A_81, %add3A_498] : memref<256x128xf32, #tpu.memory_space<vmem>>[vector<16xi32>, vector<16xi32>], vector<16xf32>,
      %add3A_500 = arith.constant 22 : i32
      %add3A_501 = vector.broadcast %add3A_500 : i32 to vector<16xi32>
      %add3A_502 = arith.addi %shift_left3A_69, %add3A_501 : vector<16xi32>
      %gather3A_503 = tpu.vector_load_idx %arg14[%add3A_81, %add3A_502] : memref<256x128xf32, #tpu.memory_space<vmem>>[vector<16xi32>, vector<16xi32>], vector<16xf32>,
      %add3A_504 = arith.constant 22 : i32
      %add3A_505 = vector.broadcast %add3A_504 : i32 to vector<16xi32>
      %add3A_506 = arith.addi %shift_left3A_77, %add3A_505 : vector<16xi32>
      %gather3A_507 = tpu.vector_load_idx %arg15[%shift_right_logical3A_71, %add3A_506] : memref<50x128xf32, #tpu.memory_space<vmem>>[vector<16xi32>, vector<16xi32>], vector<16xf32>,
      %add3A_508 = arith.addf %gather3A_499, %gather3A_507 : vector<16xf32>
      %sub3A_509 = arith.subf %add3A_508, %gather3A_503 : vector<16xf32>
      %abs3A_510 = math.absf %sub3A_509 : vector<16xf32>
      %swap3A_511 = arith.constant 22 : i32
      %swap3A_512 = arith.index_cast %swap3A_511 : i32 to index
      %swap3A_513 = arith.index_cast %mul3A_54 : i32 to index
      %swap3A_514 = tpu.vector_load %arg16[%swap3A_512, %swap3A_513] {strides = array<i32>} : memref<64x256xf32, #tpu.memory_space<vmem>>, vector<16xf32>,
      tpu.vector_store %arg16[%swap3A_512, %swap3A_513], %abs3A_510 {strides = array<i32>} : memref<64x256xf32, #tpu.memory_space<vmem>>, vector<16xf32>,
      %add3A_515 = arith.constant 23 : i32
      %add3A_516 = vector.broadcast %add3A_515 : i32 to vector<16xi32>
      %add3A_517 = arith.addi %shift_left3A_63, %add3A_516 : vector<16xi32>
      %gather3A_518 = tpu.vector_load_idx %arg13[%add3A_81, %add3A_517] : memref<256x128xf32, #tpu.memory_space<vmem>>[vector<16xi32>, vector<16xi32>], vector<16xf32>,
      %add3A_519 = arith.constant 23 : i32
      %add3A_520 = vector.broadcast %add3A_519 : i32 to vector<16xi32>
      %add3A_521 = arith.addi %shift_left3A_69, %add3A_520 : vector<16xi32>
      %gather3A_522 = tpu.vector_load_idx %arg14[%add3A_81, %add3A_521] : memref<256x128xf32, #tpu.memory_space<vmem>>[vector<16xi32>, vector<16xi32>], vector<16xf32>,
      %add3A_523 = arith.constant 23 : i32
      %add3A_524 = vector.broadcast %add3A_523 : i32 to vector<16xi32>
      %add3A_525 = arith.addi %shift_left3A_77, %add3A_524 : vector<16xi32>
      %gather3A_526 = tpu.vector_load_idx %arg15[%shift_right_logical3A_71, %add3A_525] : memref<50x128xf32, #tpu.memory_space<vmem>>[vector<16xi32>, vector<16xi32>], vector<16xf32>,
      %add3A_527 = arith.addf %gather3A_518, %gather3A_526 : vector<16xf32>
      %sub3A_528 = arith.subf %add3A_527, %gather3A_522 : vector<16xf32>
      %abs3A_529 = math.absf %sub3A_528 : vector<16xf32>
      %swap3A_530 = arith.constant 23 : i32
      %swap3A_531 = arith.index_cast %swap3A_530 : i32 to index
      %swap3A_532 = arith.index_cast %mul3A_54 : i32 to index
      %swap3A_533 = tpu.vector_load %arg16[%swap3A_531, %swap3A_532] {strides = array<i32>} : memref<64x256xf32, #tpu.memory_space<vmem>>, vector<16xf32>,
      tpu.vector_store %arg16[%swap3A_531, %swap3A_532], %abs3A_529 {strides = array<i32>} : memref<64x256xf32, #tpu.memory_space<vmem>>, vector<16xf32>,
      %add3A_534 = arith.constant 24 : i32
      %add3A_535 = vector.broadcast %add3A_534 : i32 to vector<16xi32>
      %add3A_536 = arith.addi %shift_left3A_63, %add3A_535 : vector<16xi32>
      %gather3A_537 = tpu.vector_load_idx %arg13[%add3A_81, %add3A_536] : memref<256x128xf32, #tpu.memory_space<vmem>>[vector<16xi32>, vector<16xi32>], vector<16xf32>,
      %add3A_538 = arith.constant 24 : i32
      %add3A_539 = vector.broadcast %add3A_538 : i32 to vector<16xi32>
      %add3A_540 = arith.addi %shift_left3A_69, %add3A_539 : vector<16xi32>
      %gather3A_541 = tpu.vector_load_idx %arg14[%add3A_81, %add3A_540] : memref<256x128xf32, #tpu.memory_space<vmem>>[vector<16xi32>, vector<16xi32>], vector<16xf32>,
      %add3A_542 = arith.constant 24 : i32
      %add3A_543 = vector.broadcast %add3A_542 : i32 to vector<16xi32>
      %add3A_544 = arith.addi %shift_left3A_77, %add3A_543 : vector<16xi32>
      %gather3A_545 = tpu.vector_load_idx %arg15[%shift_right_logical3A_71, %add3A_544] : memref<50x128xf32, #tpu.memory_space<vmem>>[vector<16xi32>, vector<16xi32>], vector<16xf32>,
      %add3A_546 = arith.addf %gather3A_537, %gather3A_545 : vector<16xf32>
      %sub3A_547 = arith.subf %add3A_546, %gather3A_541 : vector<16xf32>
      %abs3A_548 = math.absf %sub3A_547 : vector<16xf32>
      %swap3A_549 = arith.constant 24 : i32
      %swap3A_550 = arith.index_cast %swap3A_549 : i32 to index
      %swap3A_551 = arith.index_cast %mul3A_54 : i32 to index
      %swap3A_552 = tpu.vector_load %arg16[%swap3A_550, %swap3A_551] {strides = array<i32>} : memref<64x256xf32, #tpu.memory_space<vmem>>, vector<16xf32>,
      tpu.vector_store %arg16[%swap3A_550, %swap3A_551], %abs3A_548 {strides = array<i32>} : memref<64x256xf32, #tpu.memory_space<vmem>>, vector<16xf32>,
      %add3A_553 = arith.constant 25 : i32
      %add3A_554 = vector.broadcast %add3A_553 : i32 to vector<16xi32>
      %add3A_555 = arith.addi %shift_left3A_63, %add3A_554 : vector<16xi32>
      %gather3A_556 = tpu.vector_load_idx %arg13[%add3A_81, %add3A_555] : memref<256x128xf32, #tpu.memory_space<vmem>>[vector<16xi32>, vector<16xi32>], vector<16xf32>,
      %add3A_557 = arith.constant 25 : i32
      %add3A_558 = vector.broadcast %add3A_557 : i32 to vector<16xi32>
      %add3A_559 = arith.addi %shift_left3A_69, %add3A_558 : vector<16xi32>
      %gather3A_560 = tpu.vector_load_idx %arg14[%add3A_81, %add3A_559] : memref<256x128xf32, #tpu.memory_space<vmem>>[vector<16xi32>, vector<16xi32>], vector<16xf32>,
      %add3A_561 = arith.constant 25 : i32
      %add3A_562 = vector.broadcast %add3A_561 : i32 to vector<16xi32>
      %add3A_563 = arith.addi %shift_left3A_77, %add3A_562 : vector<16xi32>
      %gather3A_564 = tpu.vector_load_idx %arg15[%shift_right_logical3A_71, %add3A_563] : memref<50x128xf32, #tpu.memory_space<vmem>>[vector<16xi32>, vector<16xi32>], vector<16xf32>,
      %add3A_565 = arith.addf %gather3A_556, %gather3A_564 : vector<16xf32>
      %sub3A_566 = arith.subf %add3A_565, %gather3A_560 : vector<16xf32>
      %abs3A_567 = math.absf %sub3A_566 : vector<16xf32>
      %swap3A_568 = arith.constant 25 : i32
      %swap3A_569 = arith.index_cast %swap3A_568 : i32 to index
      %swap3A_570 = arith.index_cast %mul3A_54 : i32 to index
      %swap3A_571 = tpu.vector_load %arg16[%swap3A_569, %swap3A_570] {strides = array<i32>} : memref<64x256xf32, #tpu.memory_space<vmem>>, vector<16xf32>,
      tpu.vector_store %arg16[%swap3A_569, %swap3A_570], %abs3A_567 {strides = array<i32>} : memref<64x256xf32, #tpu.memory_space<vmem>>, vector<16xf32>,
      %add3A_572 = arith.constant 26 : i32
      %add3A_573 = vector.broadcast %add3A_572 : i32 to vector<16xi32>
      %add3A_574 = arith.addi %shift_left3A_63, %add3A_573 : vector<16xi32>
      %gather3A_575 = tpu.vector_load_idx %arg13[%add3A_81, %add3A_574] : memref<256x128xf32, #tpu.memory_space<vmem>>[vector<16xi32>, vector<16xi32>], vector<16xf32>,
      %add3A_576 = arith.constant 26 : i32
      %add3A_577 = vector.broadcast %add3A_576 : i32 to vector<16xi32>
      %add3A_578 = arith.addi %shift_left3A_69, %add3A_577 : vector<16xi32>
      %gather3A_579 = tpu.vector_load_idx %arg14[%add3A_81, %add3A_578] : memref<256x128xf32, #tpu.memory_space<vmem>>[vector<16xi32>, vector<16xi32>], vector<16xf32>,
      %add3A_580 = arith.constant 26 : i32
      %add3A_581 = vector.broadcast %add3A_580 : i32 to vector<16xi32>
      %add3A_582 = arith.addi %shift_left3A_77, %add3A_581 : vector<16xi32>
      %gather3A_583 = tpu.vector_load_idx %arg15[%shift_right_logical3A_71, %add3A_582] : memref<50x128xf32, #tpu.memory_space<vmem>>[vector<16xi32>, vector<16xi32>], vector<16xf32>,
      %add3A_584 = arith.addf %gather3A_575, %gather3A_583 : vector<16xf32>
      %sub3A_585 = arith.subf %add3A_584, %gather3A_579 : vector<16xf32>
      %abs3A_586 = math.absf %sub3A_585 : vector<16xf32>
      %swap3A_587 = arith.constant 26 : i32
      %swap3A_588 = arith.index_cast %swap3A_587 : i32 to index
      %swap3A_589 = arith.index_cast %mul3A_54 : i32 to index
      %swap3A_590 = tpu.vector_load %arg16[%swap3A_588, %swap3A_589] {strides = array<i32>} : memref<64x256xf32, #tpu.memory_space<vmem>>, vector<16xf32>,
      tpu.vector_store %arg16[%swap3A_588, %swap3A_589], %abs3A_586 {strides = array<i32>} : memref<64x256xf32, #tpu.memory_space<vmem>>, vector<16xf32>,
      %add3A_591 = arith.constant 27 : i32
      %add3A_592 = vector.broadcast %add3A_591 : i32 to vector<16xi32>
      %add3A_593 = arith.addi %shift_left3A_63, %add3A_592 : vector<16xi32>
      %gather3A_594 = tpu.vector_load_idx %arg13[%add3A_81, %add3A_593] : memref<256x128xf32, #tpu.memory_space<vmem>>[vector<16xi32>, vector<16xi32>], vector<16xf32>,
      %add3A_595 = arith.constant 27 : i32
      %add3A_596 = vector.broadcast %add3A_595 : i32 to vector<16xi32>
      %add3A_597 = arith.addi %shift_left3A_69, %add3A_596 : vector<16xi32>
      %gather3A_598 = tpu.vector_load_idx %arg14[%add3A_81, %add3A_597] : memref<256x128xf32, #tpu.memory_space<vmem>>[vector<16xi32>, vector<16xi32>], vector<16xf32>,
      %add3A_599 = arith.constant 27 : i32
      %add3A_600 = vector.broadcast %add3A_599 : i32 to vector<16xi32>
      %add3A_601 = arith.addi %shift_left3A_77, %add3A_600 : vector<16xi32>
      %gather3A_602 = tpu.vector_load_idx %arg15[%shift_right_logical3A_71, %add3A_601] : memref<50x128xf32, #tpu.memory_space<vmem>>[vector<16xi32>, vector<16xi32>], vector<16xf32>,
      %add3A_603 = arith.addf %gather3A_594, %gather3A_602 : vector<16xf32>
      %sub3A_604 = arith.subf %add3A_603, %gather3A_598 : vector<16xf32>
      %abs3A_605 = math.absf %sub3A_604 : vector<16xf32>
      %swap3A_606 = arith.constant 27 : i32
      %swap3A_607 = arith.index_cast %swap3A_606 : i32 to index
      %swap3A_608 = arith.index_cast %mul3A_54 : i32 to index
      %swap3A_609 = tpu.vector_load %arg16[%swap3A_607, %swap3A_608] {strides = array<i32>} : memref<64x256xf32, #tpu.memory_space<vmem>>, vector<16xf32>,
      tpu.vector_store %arg16[%swap3A_607, %swap3A_608], %abs3A_605 {strides = array<i32>} : memref<64x256xf32, #tpu.memory_space<vmem>>, vector<16xf32>,
      %add3A_610 = arith.constant 28 : i32
      %add3A_611 = vector.broadcast %add3A_610 : i32 to vector<16xi32>
      %add3A_612 = arith.addi %shift_left3A_63, %add3A_611 : vector<16xi32>
      %gather3A_613 = tpu.vector_load_idx %arg13[%add3A_81, %add3A_612] : memref<256x128xf32, #tpu.memory_space<vmem>>[vector<16xi32>, vector<16xi32>], vector<16xf32>,
      %add3A_614 = arith.constant 28 : i32
      %add3A_615 = vector.broadcast %add3A_614 : i32 to vector<16xi32>
      %add3A_616 = arith.addi %shift_left3A_69, %add3A_615 : vector<16xi32>
      %gather3A_617 = tpu.vector_load_idx %arg14[%add3A_81, %add3A_616] : memref<256x128xf32, #tpu.memory_space<vmem>>[vector<16xi32>, vector<16xi32>], vector<16xf32>,
      %add3A_618 = arith.constant 28 : i32
      %add3A_619 = vector.broadcast %add3A_618 : i32 to vector<16xi32>
      %add3A_620 = arith.addi %shift_left3A_77, %add3A_619 : vector<16xi32>
      %gather3A_621 = tpu.vector_load_idx %arg15[%shift_right_logical3A_71, %add3A_620] : memref<50x128xf32, #tpu.memory_space<vmem>>[vector<16xi32>, vector<16xi32>], vector<16xf32>,
      %add3A_622 = arith.addf %gather3A_613, %gather3A_621 : vector<16xf32>
      %sub3A_623 = arith.subf %add3A_622, %gather3A_617 : vector<16xf32>
      %abs3A_624 = math.absf %sub3A_623 : vector<16xf32>
      %swap3A_625 = arith.constant 28 : i32
      %swap3A_626 = arith.index_cast %swap3A_625 : i32 to index
      %swap3A_627 = arith.index_cast %mul3A_54 : i32 to index
      %swap3A_628 = tpu.vector_load %arg16[%swap3A_626, %swap3A_627] {strides = array<i32>} : memref<64x256xf32, #tpu.memory_space<vmem>>, vector<16xf32>,
      tpu.vector_store %arg16[%swap3A_626, %swap3A_627], %abs3A_624 {strides = array<i32>} : memref<64x256xf32, #tpu.memory_space<vmem>>, vector<16xf32>,
      %add3A_629 = arith.constant 29 : i32
      %add3A_630 = vector.broadcast %add3A_629 : i32 to vector<16xi32>
      %add3A_631 = arith.addi %shift_left3A_63, %add3A_630 : vector<16xi32>
      %gather3A_632 = tpu.vector_load_idx %arg13[%add3A_81, %add3A_631] : memref<256x128xf32, #tpu.memory_space<vmem>>[vector<16xi32>, vector<16xi32>], vector<16xf32>,
      %add3A_633 = arith.constant 29 : i32
      %add3A_634 = vector.broadcast %add3A_633 : i32 to vector<16xi32>
      %add3A_635 = arith.addi %shift_left3A_69, %add3A_634 : vector<16xi32>
      %gather3A_636 = tpu.vector_load_idx %arg14[%add3A_81, %add3A_635] : memref<256x128xf32, #tpu.memory_space<vmem>>[vector<16xi32>, vector<16xi32>], vector<16xf32>,
      %add3A_637 = arith.constant 29 : i32
      %add3A_638 = vector.broadcast %add3A_637 : i32 to vector<16xi32>
      %add3A_639 = arith.addi %shift_left3A_77, %add3A_638 : vector<16xi32>
      %gather3A_640 = tpu.vector_load_idx %arg15[%shift_right_logical3A_71, %add3A_639] : memref<50x128xf32, #tpu.memory_space<vmem>>[vector<16xi32>, vector<16xi32>], vector<16xf32>,
      %add3A_641 = arith.addf %gather3A_632, %gather3A_640 : vector<16xf32>
      %sub3A_642 = arith.subf %add3A_641, %gather3A_636 : vector<16xf32>
      %abs3A_643 = math.absf %sub3A_642 : vector<16xf32>
      %swap3A_644 = arith.constant 29 : i32
      %swap3A_645 = arith.index_cast %swap3A_644 : i32 to index
      %swap3A_646 = arith.index_cast %mul3A_54 : i32 to index
      %swap3A_647 = tpu.vector_load %arg16[%swap3A_645, %swap3A_646] {strides = array<i32>} : memref<64x256xf32, #tpu.memory_space<vmem>>, vector<16xf32>,
      tpu.vector_store %arg16[%swap3A_645, %swap3A_646], %abs3A_643 {strides = array<i32>} : memref<64x256xf32, #tpu.memory_space<vmem>>, vector<16xf32>,
      %add3A_648 = arith.constant 30 : i32
      %add3A_649 = vector.broadcast %add3A_648 : i32 to vector<16xi32>
      %add3A_650 = arith.addi %shift_left3A_63, %add3A_649 : vector<16xi32>
      %gather3A_651 = tpu.vector_load_idx %arg13[%add3A_81, %add3A_650] : memref<256x128xf32, #tpu.memory_space<vmem>>[vector<16xi32>, vector<16xi32>], vector<16xf32>,
      %add3A_652 = arith.constant 30 : i32
      %add3A_653 = vector.broadcast %add3A_652 : i32 to vector<16xi32>
      %add3A_654 = arith.addi %shift_left3A_69, %add3A_653 : vector<16xi32>
      %gather3A_655 = tpu.vector_load_idx %arg14[%add3A_81, %add3A_654] : memref<256x128xf32, #tpu.memory_space<vmem>>[vector<16xi32>, vector<16xi32>], vector<16xf32>,
      %add3A_656 = arith.constant 30 : i32
      %add3A_657 = vector.broadcast %add3A_656 : i32 to vector<16xi32>
      %add3A_658 = arith.addi %shift_left3A_77, %add3A_657 : vector<16xi32>
      %gather3A_659 = tpu.vector_load_idx %arg15[%shift_right_logical3A_71, %add3A_658] : memref<50x128xf32, #tpu.memory_space<vmem>>[vector<16xi32>, vector<16xi32>], vector<16xf32>,
      %add3A_660 = arith.addf %gather3A_651, %gather3A_659 : vector<16xf32>
      %sub3A_661 = arith.subf %add3A_660, %gather3A_655 : vector<16xf32>
      %abs3A_662 = math.absf %sub3A_661 : vector<16xf32>
      %swap3A_663 = arith.constant 30 : i32
      %swap3A_664 = arith.index_cast %swap3A_663 : i32 to index
      %swap3A_665 = arith.index_cast %mul3A_54 : i32 to index
      %swap3A_666 = tpu.vector_load %arg16[%swap3A_664, %swap3A_665] {strides = array<i32>} : memref<64x256xf32, #tpu.memory_space<vmem>>, vector<16xf32>,
      tpu.vector_store %arg16[%swap3A_664, %swap3A_665], %abs3A_662 {strides = array<i32>} : memref<64x256xf32, #tpu.memory_space<vmem>>, vector<16xf32>,
      %add3A_667 = arith.constant 31 : i32
      %add3A_668 = vector.broadcast %add3A_667 : i32 to vector<16xi32>
      %add3A_669 = arith.addi %shift_left3A_63, %add3A_668 : vector<16xi32>
      %gather3A_670 = tpu.vector_load_idx %arg13[%add3A_81, %add3A_669] : memref<256x128xf32, #tpu.memory_space<vmem>>[vector<16xi32>, vector<16xi32>], vector<16xf32>,
      %add3A_671 = arith.constant 31 : i32
      %add3A_672 = vector.broadcast %add3A_671 : i32 to vector<16xi32>
      %add3A_673 = arith.addi %shift_left3A_69, %add3A_672 : vector<16xi32>
      %gather3A_674 = tpu.vector_load_idx %arg14[%add3A_81, %add3A_673] : memref<256x128xf32, #tpu.memory_space<vmem>>[vector<16xi32>, vector<16xi32>], vector<16xf32>,
      %add3A_675 = arith.constant 31 : i32
      %add3A_676 = vector.broadcast %add3A_675 : i32 to vector<16xi32>
      %add3A_677 = arith.addi %shift_left3A_77, %add3A_676 : vector<16xi32>
      %gather3A_678 = tpu.vector_load_idx %arg15[%shift_right_logical3A_71, %add3A_677] : memref<50x128xf32, #tpu.memory_space<vmem>>[vector<16xi32>, vector<16xi32>], vector<16xf32>,
      %add3A_679 = arith.addf %gather3A_670, %gather3A_678 : vector<16xf32>
      %sub3A_680 = arith.subf %add3A_679, %gather3A_674 : vector<16xf32>
      %abs3A_681 = math.absf %sub3A_680 : vector<16xf32>
      %swap3A_682 = arith.constant 31 : i32
      %swap3A_683 = arith.index_cast %swap3A_682 : i32 to index
      %swap3A_684 = arith.index_cast %mul3A_54 : i32 to index
      %swap3A_685 = tpu.vector_load %arg16[%swap3A_683, %swap3A_684] {strides = array<i32>} : memref<64x256xf32, #tpu.memory_space<vmem>>, vector<16xf32>,
      tpu.vector_store %arg16[%swap3A_683, %swap3A_684], %abs3A_681 {strides = array<i32>} : memref<64x256xf32, #tpu.memory_space<vmem>>, vector<16xf32>,
      %add3A_686 = arith.constant 32 : i32
      %add3A_687 = vector.broadcast %add3A_686 : i32 to vector<16xi32>
      %add3A_688 = arith.addi %shift_left3A_63, %add3A_687 : vector<16xi32>
      %gather3A_689 = tpu.vector_load_idx %arg13[%add3A_81, %add3A_688] : memref<256x128xf32, #tpu.memory_space<vmem>>[vector<16xi32>, vector<16xi32>], vector<16xf32>,
      %add3A_690 = arith.constant 32 : i32
      %add3A_691 = vector.broadcast %add3A_690 : i32 to vector<16xi32>
      %add3A_692 = arith.addi %shift_left3A_69, %add3A_691 : vector<16xi32>
      %gather3A_693 = tpu.vector_load_idx %arg14[%add3A_81, %add3A_692] : memref<256x128xf32, #tpu.memory_space<vmem>>[vector<16xi32>, vector<16xi32>], vector<16xf32>,
      %add3A_694 = arith.constant 32 : i32
      %add3A_695 = vector.broadcast %add3A_694 : i32 to vector<16xi32>
      %add3A_696 = arith.addi %shift_left3A_77, %add3A_695 : vector<16xi32>
      %gather3A_697 = tpu.vector_load_idx %arg15[%shift_right_logical3A_71, %add3A_696] : memref<50x128xf32, #tpu.memory_space<vmem>>[vector<16xi32>, vector<16xi32>], vector<16xf32>,
      %add3A_698 = arith.addf %gather3A_689, %gather3A_697 : vector<16xf32>
      %sub3A_699 = arith.subf %add3A_698, %gather3A_693 : vector<16xf32>
      %abs3A_700 = math.absf %sub3A_699 : vector<16xf32>
      %swap3A_701 = arith.constant 32 : i32
      %swap3A_702 = arith.index_cast %swap3A_701 : i32 to index
      %swap3A_703 = arith.index_cast %mul3A_54 : i32 to index
      %swap3A_704 = tpu.vector_load %arg16[%swap3A_702, %swap3A_703] {strides = array<i32>} : memref<64x256xf32, #tpu.memory_space<vmem>>, vector<16xf32>,
      tpu.vector_store %arg16[%swap3A_702, %swap3A_703], %abs3A_700 {strides = array<i32>} : memref<64x256xf32, #tpu.memory_space<vmem>>, vector<16xf32>,
      %add3A_705 = arith.constant 33 : i32
      %add3A_706 = vector.broadcast %add3A_705 : i32 to vector<16xi32>
      %add3A_707 = arith.addi %shift_left3A_63, %add3A_706 : vector<16xi32>
      %gather3A_708 = tpu.vector_load_idx %arg13[%add3A_81, %add3A_707] : memref<256x128xf32, #tpu.memory_space<vmem>>[vector<16xi32>, vector<16xi32>], vector<16xf32>,
      %add3A_709 = arith.constant 33 : i32
      %add3A_710 = vector.broadcast %add3A_709 : i32 to vector<16xi32>
      %add3A_711 = arith.addi %shift_left3A_69, %add3A_710 : vector<16xi32>
      %gather3A_712 = tpu.vector_load_idx %arg14[%add3A_81, %add3A_711] : memref<256x128xf32, #tpu.memory_space<vmem>>[vector<16xi32>, vector<16xi32>], vector<16xf32>,
      %add3A_713 = arith.constant 33 : i32
      %add3A_714 = vector.broadcast %add3A_713 : i32 to vector<16xi32>
      %add3A_715 = arith.addi %shift_left3A_77, %add3A_714 : vector<16xi32>
      %gather3A_716 = tpu.vector_load_idx %arg15[%shift_right_logical3A_71, %add3A_715] : memref<50x128xf32, #tpu.memory_space<vmem>>[vector<16xi32>, vector<16xi32>], vector<16xf32>,
      %add3A_717 = arith.addf %gather3A_708, %gather3A_716 : vector<16xf32>
      %sub3A_718 = arith.subf %add3A_717, %gather3A_712 : vector<16xf32>
      %abs3A_719 = math.absf %sub3A_718 : vector<16xf32>
      %swap3A_720 = arith.constant 33 : i32
      %swap3A_721 = arith.index_cast %swap3A_720 : i32 to index
      %swap3A_722 = arith.index_cast %mul3A_54 : i32 to index
      %swap3A_723 = tpu.vector_load %arg16[%swap3A_721, %swap3A_722] {strides = array<i32>} : memref<64x256xf32, #tpu.memory_space<vmem>>, vector<16xf32>,
      tpu.vector_store %arg16[%swap3A_721, %swap3A_722], %abs3A_719 {strides = array<i32>} : memref<64x256xf32, #tpu.memory_space<vmem>>, vector<16xf32>,
      %add3A_724 = arith.constant 34 : i32
      %add3A_725 = vector.broadcast %add3A_724 : i32 to vector<16xi32>
      %add3A_726 = arith.addi %shift_left3A_63, %add3A_725 : vector<16xi32>
      %gather3A_727 = tpu.vector_load_idx %arg13[%add3A_81, %add3A_726] : memref<256x128xf32, #tpu.memory_space<vmem>>[vector<16xi32>, vector<16xi32>], vector<16xf32>,
      %add3A_728 = arith.constant 34 : i32
      %add3A_729 = vector.broadcast %add3A_728 : i32 to vector<16xi32>
      %add3A_730 = arith.addi %shift_left3A_69, %add3A_729 : vector<16xi32>
      %gather3A_731 = tpu.vector_load_idx %arg14[%add3A_81, %add3A_730] : memref<256x128xf32, #tpu.memory_space<vmem>>[vector<16xi32>, vector<16xi32>], vector<16xf32>,
      %add3A_732 = arith.constant 34 : i32
      %add3A_733 = vector.broadcast %add3A_732 : i32 to vector<16xi32>
      %add3A_734 = arith.addi %shift_left3A_77, %add3A_733 : vector<16xi32>
      %gather3A_735 = tpu.vector_load_idx %arg15[%shift_right_logical3A_71, %add3A_734] : memref<50x128xf32, #tpu.memory_space<vmem>>[vector<16xi32>, vector<16xi32>], vector<16xf32>,
      %add3A_736 = arith.addf %gather3A_727, %gather3A_735 : vector<16xf32>
      %sub3A_737 = arith.subf %add3A_736, %gather3A_731 : vector<16xf32>
      %abs3A_738 = math.absf %sub3A_737 : vector<16xf32>
      %swap3A_739 = arith.constant 34 : i32
      %swap3A_740 = arith.index_cast %swap3A_739 : i32 to index
      %swap3A_741 = arith.index_cast %mul3A_54 : i32 to index
      %swap3A_742 = tpu.vector_load %arg16[%swap3A_740, %swap3A_741] {strides = array<i32>} : memref<64x256xf32, #tpu.memory_space<vmem>>, vector<16xf32>,
      tpu.vector_store %arg16[%swap3A_740, %swap3A_741], %abs3A_738 {strides = array<i32>} : memref<64x256xf32, #tpu.memory_space<vmem>>, vector<16xf32>,
      %add3A_743 = arith.constant 35 : i32
      %add3A_744 = vector.broadcast %add3A_743 : i32 to vector<16xi32>
      %add3A_745 = arith.addi %shift_left3A_63, %add3A_744 : vector<16xi32>
      %gather3A_746 = tpu.vector_load_idx %arg13[%add3A_81, %add3A_745] : memref<256x128xf32, #tpu.memory_space<vmem>>[vector<16xi32>, vector<16xi32>], vector<16xf32>,
      %add3A_747 = arith.constant 35 : i32
      %add3A_748 = vector.broadcast %add3A_747 : i32 to vector<16xi32>
      %add3A_749 = arith.addi %shift_left3A_69, %add3A_748 : vector<16xi32>
      %gather3A_750 = tpu.vector_load_idx %arg14[%add3A_81, %add3A_749] : memref<256x128xf32, #tpu.memory_space<vmem>>[vector<16xi32>, vector<16xi32>], vector<16xf32>,
      %add3A_751 = arith.constant 35 : i32
      %add3A_752 = vector.broadcast %add3A_751 : i32 to vector<16xi32>
      %add3A_753 = arith.addi %shift_left3A_77, %add3A_752 : vector<16xi32>
      %gather3A_754 = tpu.vector_load_idx %arg15[%shift_right_logical3A_71, %add3A_753] : memref<50x128xf32, #tpu.memory_space<vmem>>[vector<16xi32>, vector<16xi32>], vector<16xf32>,
      %add3A_755 = arith.addf %gather3A_746, %gather3A_754 : vector<16xf32>
      %sub3A_756 = arith.subf %add3A_755, %gather3A_750 : vector<16xf32>
      %abs3A_757 = math.absf %sub3A_756 : vector<16xf32>
      %swap3A_758 = arith.constant 35 : i32
      %swap3A_759 = arith.index_cast %swap3A_758 : i32 to index
      %swap3A_760 = arith.index_cast %mul3A_54 : i32 to index
      %swap3A_761 = tpu.vector_load %arg16[%swap3A_759, %swap3A_760] {strides = array<i32>} : memref<64x256xf32, #tpu.memory_space<vmem>>, vector<16xf32>,
      tpu.vector_store %arg16[%swap3A_759, %swap3A_760], %abs3A_757 {strides = array<i32>} : memref<64x256xf32, #tpu.memory_space<vmem>>, vector<16xf32>,
      %add3A_762 = arith.constant 36 : i32
      %add3A_763 = vector.broadcast %add3A_762 : i32 to vector<16xi32>
      %add3A_764 = arith.addi %shift_left3A_63, %add3A_763 : vector<16xi32>
      %gather3A_765 = tpu.vector_load_idx %arg13[%add3A_81, %add3A_764] : memref<256x128xf32, #tpu.memory_space<vmem>>[vector<16xi32>, vector<16xi32>], vector<16xf32>,
      %add3A_766 = arith.constant 36 : i32
      %add3A_767 = vector.broadcast %add3A_766 : i32 to vector<16xi32>
      %add3A_768 = arith.addi %shift_left3A_69, %add3A_767 : vector<16xi32>
      %gather3A_769 = tpu.vector_load_idx %arg14[%add3A_81, %add3A_768] : memref<256x128xf32, #tpu.memory_space<vmem>>[vector<16xi32>, vector<16xi32>], vector<16xf32>,
      %add3A_770 = arith.constant 36 : i32
      %add3A_771 = vector.broadcast %add3A_770 : i32 to vector<16xi32>
      %add3A_772 = arith.addi %shift_left3A_77, %add3A_771 : vector<16xi32>
      %gather3A_773 = tpu.vector_load_idx %arg15[%shift_right_logical3A_71, %add3A_772] : memref<50x128xf32, #tpu.memory_space<vmem>>[vector<16xi32>, vector<16xi32>], vector<16xf32>,
      %add3A_774 = arith.addf %gather3A_765, %gather3A_773 : vector<16xf32>
      %sub3A_775 = arith.subf %add3A_774, %gather3A_769 : vector<16xf32>
      %abs3A_776 = math.absf %sub3A_775 : vector<16xf32>
      %swap3A_777 = arith.constant 36 : i32
      %swap3A_778 = arith.index_cast %swap3A_777 : i32 to index
      %swap3A_779 = arith.index_cast %mul3A_54 : i32 to index
      %swap3A_780 = tpu.vector_load %arg16[%swap3A_778, %swap3A_779] {strides = array<i32>} : memref<64x256xf32, #tpu.memory_space<vmem>>, vector<16xf32>,
      tpu.vector_store %arg16[%swap3A_778, %swap3A_779], %abs3A_776 {strides = array<i32>} : memref<64x256xf32, #tpu.memory_space<vmem>>, vector<16xf32>,
      %add3A_781 = arith.constant 37 : i32
      %add3A_782 = vector.broadcast %add3A_781 : i32 to vector<16xi32>
      %add3A_783 = arith.addi %shift_left3A_63, %add3A_782 : vector<16xi32>
      %gather3A_784 = tpu.vector_load_idx %arg13[%add3A_81, %add3A_783] : memref<256x128xf32, #tpu.memory_space<vmem>>[vector<16xi32>, vector<16xi32>], vector<16xf32>,
      %add3A_785 = arith.constant 37 : i32
      %add3A_786 = vector.broadcast %add3A_785 : i32 to vector<16xi32>
      %add3A_787 = arith.addi %shift_left3A_69, %add3A_786 : vector<16xi32>
      %gather3A_788 = tpu.vector_load_idx %arg14[%add3A_81, %add3A_787] : memref<256x128xf32, #tpu.memory_space<vmem>>[vector<16xi32>, vector<16xi32>], vector<16xf32>,
      %add3A_789 = arith.constant 37 : i32
      %add3A_790 = vector.broadcast %add3A_789 : i32 to vector<16xi32>
      %add3A_791 = arith.addi %shift_left3A_77, %add3A_790 : vector<16xi32>
      %gather3A_792 = tpu.vector_load_idx %arg15[%shift_right_logical3A_71, %add3A_791] : memref<50x128xf32, #tpu.memory_space<vmem>>[vector<16xi32>, vector<16xi32>], vector<16xf32>,
      %add3A_793 = arith.addf %gather3A_784, %gather3A_792 : vector<16xf32>
      %sub3A_794 = arith.subf %add3A_793, %gather3A_788 : vector<16xf32>
      %abs3A_795 = math.absf %sub3A_794 : vector<16xf32>
      %swap3A_796 = arith.constant 37 : i32
      %swap3A_797 = arith.index_cast %swap3A_796 : i32 to index
      %swap3A_798 = arith.index_cast %mul3A_54 : i32 to index
      %swap3A_799 = tpu.vector_load %arg16[%swap3A_797, %swap3A_798] {strides = array<i32>} : memref<64x256xf32, #tpu.memory_space<vmem>>, vector<16xf32>,
      tpu.vector_store %arg16[%swap3A_797, %swap3A_798], %abs3A_795 {strides = array<i32>} : memref<64x256xf32, #tpu.memory_space<vmem>>, vector<16xf32>,
      %add3A_800 = arith.constant 38 : i32
      %add3A_801 = vector.broadcast %add3A_800 : i32 to vector<16xi32>
      %add3A_802 = arith.addi %shift_left3A_63, %add3A_801 : vector<16xi32>
      %gather3A_803 = tpu.vector_load_idx %arg13[%add3A_81, %add3A_802] : memref<256x128xf32, #tpu.memory_space<vmem>>[vector<16xi32>, vector<16xi32>], vector<16xf32>,
      %add3A_804 = arith.constant 38 : i32
      %add3A_805 = vector.broadcast %add3A_804 : i32 to vector<16xi32>
      %add3A_806 = arith.addi %shift_left3A_69, %add3A_805 : vector<16xi32>
      %gather3A_807 = tpu.vector_load_idx %arg14[%add3A_81, %add3A_806] : memref<256x128xf32, #tpu.memory_space<vmem>>[vector<16xi32>, vector<16xi32>], vector<16xf32>,
      %add3A_808 = arith.constant 38 : i32
      %add3A_809 = vector.broadcast %add3A_808 : i32 to vector<16xi32>
      %add3A_810 = arith.addi %shift_left3A_77, %add3A_809 : vector<16xi32>
      %gather3A_811 = tpu.vector_load_idx %arg15[%shift_right_logical3A_71, %add3A_810] : memref<50x128xf32, #tpu.memory_space<vmem>>[vector<16xi32>, vector<16xi32>], vector<16xf32>,
      %add3A_812 = arith.addf %gather3A_803, %gather3A_811 : vector<16xf32>
      %sub3A_813 = arith.subf %add3A_812, %gather3A_807 : vector<16xf32>
      %abs3A_814 = math.absf %sub3A_813 : vector<16xf32>
      %swap3A_815 = arith.constant 38 : i32
      %swap3A_816 = arith.index_cast %swap3A_815 : i32 to index
      %swap3A_817 = arith.index_cast %mul3A_54 : i32 to index
      %swap3A_818 = tpu.vector_load %arg16[%swap3A_816, %swap3A_817] {strides = array<i32>} : memref<64x256xf32, #tpu.memory_space<vmem>>, vector<16xf32>,
      tpu.vector_store %arg16[%swap3A_816, %swap3A_817], %abs3A_814 {strides = array<i32>} : memref<64x256xf32, #tpu.memory_space<vmem>>, vector<16xf32>,
      %add3A_819 = arith.constant 39 : i32
      %add3A_820 = vector.broadcast %add3A_819 : i32 to vector<16xi32>
      %add3A_821 = arith.addi %shift_left3A_63, %add3A_820 : vector<16xi32>
      %gather3A_822 = tpu.vector_load_idx %arg13[%add3A_81, %add3A_821] : memref<256x128xf32, #tpu.memory_space<vmem>>[vector<16xi32>, vector<16xi32>], vector<16xf32>,
      %add3A_823 = arith.constant 39 : i32
      %add3A_824 = vector.broadcast %add3A_823 : i32 to vector<16xi32>
      %add3A_825 = arith.addi %shift_left3A_69, %add3A_824 : vector<16xi32>
      %gather3A_826 = tpu.vector_load_idx %arg14[%add3A_81, %add3A_825] : memref<256x128xf32, #tpu.memory_space<vmem>>[vector<16xi32>, vector<16xi32>], vector<16xf32>,
      %add3A_827 = arith.constant 39 : i32
      %add3A_828 = vector.broadcast %add3A_827 : i32 to vector<16xi32>
      %add3A_829 = arith.addi %shift_left3A_77, %add3A_828 : vector<16xi32>
      %gather3A_830 = tpu.vector_load_idx %arg15[%shift_right_logical3A_71, %add3A_829] : memref<50x128xf32, #tpu.memory_space<vmem>>[vector<16xi32>, vector<16xi32>], vector<16xf32>,
      %add3A_831 = arith.addf %gather3A_822, %gather3A_830 : vector<16xf32>
      %sub3A_832 = arith.subf %add3A_831, %gather3A_826 : vector<16xf32>
      %abs3A_833 = math.absf %sub3A_832 : vector<16xf32>
      %swap3A_834 = arith.constant 39 : i32
      %swap3A_835 = arith.index_cast %swap3A_834 : i32 to index
      %swap3A_836 = arith.index_cast %mul3A_54 : i32 to index
      %swap3A_837 = tpu.vector_load %arg16[%swap3A_835, %swap3A_836] {strides = array<i32>} : memref<64x256xf32, #tpu.memory_space<vmem>>, vector<16xf32>,
      tpu.vector_store %arg16[%swap3A_835, %swap3A_836], %abs3A_833 {strides = array<i32>} : memref<64x256xf32, #tpu.memory_space<vmem>>, vector<16xf32>,
      %add3A_838 = arith.constant 40 : i32
      %add3A_839 = vector.broadcast %add3A_838 : i32 to vector<16xi32>
      %add3A_840 = arith.addi %shift_left3A_63, %add3A_839 : vector<16xi32>
      %gather3A_841 = tpu.vector_load_idx %arg13[%add3A_81, %add3A_840] : memref<256x128xf32, #tpu.memory_space<vmem>>[vector<16xi32>, vector<16xi32>], vector<16xf32>,
      %add3A_842 = arith.constant 40 : i32
      %add3A_843 = vector.broadcast %add3A_842 : i32 to vector<16xi32>
      %add3A_844 = arith.addi %shift_left3A_69, %add3A_843 : vector<16xi32>
      %gather3A_845 = tpu.vector_load_idx %arg14[%add3A_81, %add3A_844] : memref<256x128xf32, #tpu.memory_space<vmem>>[vector<16xi32>, vector<16xi32>], vector<16xf32>,
      %add3A_846 = arith.constant 40 : i32
      %add3A_847 = vector.broadcast %add3A_846 : i32 to vector<16xi32>
      %add3A_848 = arith.addi %shift_left3A_77, %add3A_847 : vector<16xi32>
      %gather3A_849 = tpu.vector_load_idx %arg15[%shift_right_logical3A_71, %add3A_848] : memref<50x128xf32, #tpu.memory_space<vmem>>[vector<16xi32>, vector<16xi32>], vector<16xf32>,
      %add3A_850 = arith.addf %gather3A_841, %gather3A_849 : vector<16xf32>
      %sub3A_851 = arith.subf %add3A_850, %gather3A_845 : vector<16xf32>
      %abs3A_852 = math.absf %sub3A_851 : vector<16xf32>
      %swap3A_853 = arith.constant 40 : i32
      %swap3A_854 = arith.index_cast %swap3A_853 : i32 to index
      %swap3A_855 = arith.index_cast %mul3A_54 : i32 to index
      %swap3A_856 = tpu.vector_load %arg16[%swap3A_854, %swap3A_855] {strides = array<i32>} : memref<64x256xf32, #tpu.memory_space<vmem>>, vector<16xf32>,
      tpu.vector_store %arg16[%swap3A_854, %swap3A_855], %abs3A_852 {strides = array<i32>} : memref<64x256xf32, #tpu.memory_space<vmem>>, vector<16xf32>,
      %add3A_857 = arith.constant 41 : i32
      %add3A_858 = vector.broadcast %add3A_857 : i32 to vector<16xi32>
      %add3A_859 = arith.addi %shift_left3A_63, %add3A_858 : vector<16xi32>
      %gather3A_860 = tpu.vector_load_idx %arg13[%add3A_81, %add3A_859] : memref<256x128xf32, #tpu.memory_space<vmem>>[vector<16xi32>, vector<16xi32>], vector<16xf32>,
      %add3A_861 = arith.constant 41 : i32
      %add3A_862 = vector.broadcast %add3A_861 : i32 to vector<16xi32>
      %add3A_863 = arith.addi %shift_left3A_69, %add3A_862 : vector<16xi32>
      %gather3A_864 = tpu.vector_load_idx %arg14[%add3A_81, %add3A_863] : memref<256x128xf32, #tpu.memory_space<vmem>>[vector<16xi32>, vector<16xi32>], vector<16xf32>,
      %add3A_865 = arith.constant 41 : i32
      %add3A_866 = vector.broadcast %add3A_865 : i32 to vector<16xi32>
      %add3A_867 = arith.addi %shift_left3A_77, %add3A_866 : vector<16xi32>
      %gather3A_868 = tpu.vector_load_idx %arg15[%shift_right_logical3A_71, %add3A_867] : memref<50x128xf32, #tpu.memory_space<vmem>>[vector<16xi32>, vector<16xi32>], vector<16xf32>,
      %add3A_869 = arith.addf %gather3A_860, %gather3A_868 : vector<16xf32>
      %sub3A_870 = arith.subf %add3A_869, %gather3A_864 : vector<16xf32>
      %abs3A_871 = math.absf %sub3A_870 : vector<16xf32>
      %swap3A_872 = arith.constant 41 : i32
      %swap3A_873 = arith.index_cast %swap3A_872 : i32 to index
      %swap3A_874 = arith.index_cast %mul3A_54 : i32 to index
      %swap3A_875 = tpu.vector_load %arg16[%swap3A_873, %swap3A_874] {strides = array<i32>} : memref<64x256xf32, #tpu.memory_space<vmem>>, vector<16xf32>,
      tpu.vector_store %arg16[%swap3A_873, %swap3A_874], %abs3A_871 {strides = array<i32>} : memref<64x256xf32, #tpu.memory_space<vmem>>, vector<16xf32>,
      %add3A_876 = arith.constant 42 : i32
      %add3A_877 = vector.broadcast %add3A_876 : i32 to vector<16xi32>
      %add3A_878 = arith.addi %shift_left3A_63, %add3A_877 : vector<16xi32>
      %gather3A_879 = tpu.vector_load_idx %arg13[%add3A_81, %add3A_878] : memref<256x128xf32, #tpu.memory_space<vmem>>[vector<16xi32>, vector<16xi32>], vector<16xf32>,
      %add3A_880 = arith.constant 42 : i32
      %add3A_881 = vector.broadcast %add3A_880 : i32 to vector<16xi32>
      %add3A_882 = arith.addi %shift_left3A_69, %add3A_881 : vector<16xi32>
      %gather3A_883 = tpu.vector_load_idx %arg14[%add3A_81, %add3A_882] : memref<256x128xf32, #tpu.memory_space<vmem>>[vector<16xi32>, vector<16xi32>], vector<16xf32>,
      %add3A_884 = arith.constant 42 : i32
      %add3A_885 = vector.broadcast %add3A_884 : i32 to vector<16xi32>
      %add3A_886 = arith.addi %shift_left3A_77, %add3A_885 : vector<16xi32>
      %gather3A_887 = tpu.vector_load_idx %arg15[%shift_right_logical3A_71, %add3A_886] : memref<50x128xf32, #tpu.memory_space<vmem>>[vector<16xi32>, vector<16xi32>], vector<16xf32>,
      %add3A_888 = arith.addf %gather3A_879, %gather3A_887 : vector<16xf32>
      %sub3A_889 = arith.subf %add3A_888, %gather3A_883 : vector<16xf32>
      %abs3A_890 = math.absf %sub3A_889 : vector<16xf32>
      %swap3A_891 = arith.constant 42 : i32
      %swap3A_892 = arith.index_cast %swap3A_891 : i32 to index
      %swap3A_893 = arith.index_cast %mul3A_54 : i32 to index
      %swap3A_894 = tpu.vector_load %arg16[%swap3A_892, %swap3A_893] {strides = array<i32>} : memref<64x256xf32, #tpu.memory_space<vmem>>, vector<16xf32>,
      tpu.vector_store %arg16[%swap3A_892, %swap3A_893], %abs3A_890 {strides = array<i32>} : memref<64x256xf32, #tpu.memory_space<vmem>>, vector<16xf32>,
      %add3A_895 = arith.constant 43 : i32
      %add3A_896 = vector.broadcast %add3A_895 : i32 to vector<16xi32>
      %add3A_897 = arith.addi %shift_left3A_63, %add3A_896 : vector<16xi32>
      %gather3A_898 = tpu.vector_load_idx %arg13[%add3A_81, %add3A_897] : memref<256x128xf32, #tpu.memory_space<vmem>>[vector<16xi32>, vector<16xi32>], vector<16xf32>,
      %add3A_899 = arith.constant 43 : i32
      %add3A_900 = vector.broadcast %add3A_899 : i32 to vector<16xi32>
      %add3A_901 = arith.addi %shift_left3A_69, %add3A_900 : vector<16xi32>
      %gather3A_902 = tpu.vector_load_idx %arg14[%add3A_81, %add3A_901] : memref<256x128xf32, #tpu.memory_space<vmem>>[vector<16xi32>, vector<16xi32>], vector<16xf32>,
      %add3A_903 = arith.constant 43 : i32
      %add3A_904 = vector.broadcast %add3A_903 : i32 to vector<16xi32>
      %add3A_905 = arith.addi %shift_left3A_77, %add3A_904 : vector<16xi32>
      %gather3A_906 = tpu.vector_load_idx %arg15[%shift_right_logical3A_71, %add3A_905] : memref<50x128xf32, #tpu.memory_space<vmem>>[vector<16xi32>, vector<16xi32>], vector<16xf32>,
      %add3A_907 = arith.addf %gather3A_898, %gather3A_906 : vector<16xf32>
      %sub3A_908 = arith.subf %add3A_907, %gather3A_902 : vector<16xf32>
      %abs3A_909 = math.absf %sub3A_908 : vector<16xf32>
      %swap3A_910 = arith.constant 43 : i32
      %swap3A_911 = arith.index_cast %swap3A_910 : i32 to index
      %swap3A_912 = arith.index_cast %mul3A_54 : i32 to index
      %swap3A_913 = tpu.vector_load %arg16[%swap3A_911, %swap3A_912] {strides = array<i32>} : memref<64x256xf32, #tpu.memory_space<vmem>>, vector<16xf32>,
      tpu.vector_store %arg16[%swap3A_911, %swap3A_912], %abs3A_909 {strides = array<i32>} : memref<64x256xf32, #tpu.memory_space<vmem>>, vector<16xf32>,
      %add3A_914 = arith.constant 44 : i32
      %add3A_915 = vector.broadcast %add3A_914 : i32 to vector<16xi32>
      %add3A_916 = arith.addi %shift_left3A_63, %add3A_915 : vector<16xi32>
      %gather3A_917 = tpu.vector_load_idx %arg13[%add3A_81, %add3A_916] : memref<256x128xf32, #tpu.memory_space<vmem>>[vector<16xi32>, vector<16xi32>], vector<16xf32>,
      %add3A_918 = arith.constant 44 : i32
      %add3A_919 = vector.broadcast %add3A_918 : i32 to vector<16xi32>
      %add3A_920 = arith.addi %shift_left3A_69, %add3A_919 : vector<16xi32>
      %gather3A_921 = tpu.vector_load_idx %arg14[%add3A_81, %add3A_920] : memref<256x128xf32, #tpu.memory_space<vmem>>[vector<16xi32>, vector<16xi32>], vector<16xf32>,
      %add3A_922 = arith.constant 44 : i32
      %add3A_923 = vector.broadcast %add3A_922 : i32 to vector<16xi32>
      %add3A_924 = arith.addi %shift_left3A_77, %add3A_923 : vector<16xi32>
      %gather3A_925 = tpu.vector_load_idx %arg15[%shift_right_logical3A_71, %add3A_924] : memref<50x128xf32, #tpu.memory_space<vmem>>[vector<16xi32>, vector<16xi32>], vector<16xf32>,
      %add3A_926 = arith.addf %gather3A_917, %gather3A_925 : vector<16xf32>
      %sub3A_927 = arith.subf %add3A_926, %gather3A_921 : vector<16xf32>
      %abs3A_928 = math.absf %sub3A_927 : vector<16xf32>
      %swap3A_929 = arith.constant 44 : i32
      %swap3A_930 = arith.index_cast %swap3A_929 : i32 to index
      %swap3A_931 = arith.index_cast %mul3A_54 : i32 to index
      %swap3A_932 = tpu.vector_load %arg16[%swap3A_930, %swap3A_931] {strides = array<i32>} : memref<64x256xf32, #tpu.memory_space<vmem>>, vector<16xf32>,
      tpu.vector_store %arg16[%swap3A_930, %swap3A_931], %abs3A_928 {strides = array<i32>} : memref<64x256xf32, #tpu.memory_space<vmem>>, vector<16xf32>,
      %add3A_933 = arith.constant 45 : i32
      %add3A_934 = vector.broadcast %add3A_933 : i32 to vector<16xi32>
      %add3A_935 = arith.addi %shift_left3A_63, %add3A_934 : vector<16xi32>
      %gather3A_936 = tpu.vector_load_idx %arg13[%add3A_81, %add3A_935] : memref<256x128xf32, #tpu.memory_space<vmem>>[vector<16xi32>, vector<16xi32>], vector<16xf32>,
      %add3A_937 = arith.constant 45 : i32
      %add3A_938 = vector.broadcast %add3A_937 : i32 to vector<16xi32>
      %add3A_939 = arith.addi %shift_left3A_69, %add3A_938 : vector<16xi32>
      %gather3A_940 = tpu.vector_load_idx %arg14[%add3A_81, %add3A_939] : memref<256x128xf32, #tpu.memory_space<vmem>>[vector<16xi32>, vector<16xi32>], vector<16xf32>,
      %add3A_941 = arith.constant 45 : i32
      %add3A_942 = vector.broadcast %add3A_941 : i32 to vector<16xi32>
      %add3A_943 = arith.addi %shift_left3A_77, %add3A_942 : vector<16xi32>
      %gather3A_944 = tpu.vector_load_idx %arg15[%shift_right_logical3A_71, %add3A_943] : memref<50x128xf32, #tpu.memory_space<vmem>>[vector<16xi32>, vector<16xi32>], vector<16xf32>,
      %add3A_945 = arith.addf %gather3A_936, %gather3A_944 : vector<16xf32>
      %sub3A_946 = arith.subf %add3A_945, %gather3A_940 : vector<16xf32>
      %abs3A_947 = math.absf %sub3A_946 : vector<16xf32>
      %swap3A_948 = arith.constant 45 : i32
      %swap3A_949 = arith.index_cast %swap3A_948 : i32 to index
      %swap3A_950 = arith.index_cast %mul3A_54 : i32 to index
      %swap3A_951 = tpu.vector_load %arg16[%swap3A_949, %swap3A_950] {strides = array<i32>} : memref<64x256xf32, #tpu.memory_space<vmem>>, vector<16xf32>,
      tpu.vector_store %arg16[%swap3A_949, %swap3A_950], %abs3A_947 {strides = array<i32>} : memref<64x256xf32, #tpu.memory_space<vmem>>, vector<16xf32>,
      %add3A_952 = arith.constant 46 : i32
      %add3A_953 = vector.broadcast %add3A_952 : i32 to vector<16xi32>
      %add3A_954 = arith.addi %shift_left3A_63, %add3A_953 : vector<16xi32>
      %gather3A_955 = tpu.vector_load_idx %arg13[%add3A_81, %add3A_954] : memref<256x128xf32, #tpu.memory_space<vmem>>[vector<16xi32>, vector<16xi32>], vector<16xf32>,
      %add3A_956 = arith.constant 46 : i32
      %add3A_957 = vector.broadcast %add3A_956 : i32 to vector<16xi32>
      %add3A_958 = arith.addi %shift_left3A_69, %add3A_957 : vector<16xi32>
      %gather3A_959 = tpu.vector_load_idx %arg14[%add3A_81, %add3A_958] : memref<256x128xf32, #tpu.memory_space<vmem>>[vector<16xi32>, vector<16xi32>], vector<16xf32>,
      %add3A_960 = arith.constant 46 : i32
      %add3A_961 = vector.broadcast %add3A_960 : i32 to vector<16xi32>
      %add3A_962 = arith.addi %shift_left3A_77, %add3A_961 : vector<16xi32>
      %gather3A_963 = tpu.vector_load_idx %arg15[%shift_right_logical3A_71, %add3A_962] : memref<50x128xf32, #tpu.memory_space<vmem>>[vector<16xi32>, vector<16xi32>], vector<16xf32>,
      %add3A_964 = arith.addf %gather3A_955, %gather3A_963 : vector<16xf32>
      %sub3A_965 = arith.subf %add3A_964, %gather3A_959 : vector<16xf32>
      %abs3A_966 = math.absf %sub3A_965 : vector<16xf32>
      %swap3A_967 = arith.constant 46 : i32
      %swap3A_968 = arith.index_cast %swap3A_967 : i32 to index
      %swap3A_969 = arith.index_cast %mul3A_54 : i32 to index
      %swap3A_970 = tpu.vector_load %arg16[%swap3A_968, %swap3A_969] {strides = array<i32>} : memref<64x256xf32, #tpu.memory_space<vmem>>, vector<16xf32>,
      tpu.vector_store %arg16[%swap3A_968, %swap3A_969], %abs3A_966 {strides = array<i32>} : memref<64x256xf32, #tpu.memory_space<vmem>>, vector<16xf32>,
      %add3A_971 = arith.constant 47 : i32
      %add3A_972 = vector.broadcast %add3A_971 : i32 to vector<16xi32>
      %add3A_973 = arith.addi %shift_left3A_63, %add3A_972 : vector<16xi32>
      %gather3A_974 = tpu.vector_load_idx %arg13[%add3A_81, %add3A_973] : memref<256x128xf32, #tpu.memory_space<vmem>>[vector<16xi32>, vector<16xi32>], vector<16xf32>,
      %add3A_975 = arith.constant 47 : i32
      %add3A_976 = vector.broadcast %add3A_975 : i32 to vector<16xi32>
      %add3A_977 = arith.addi %shift_left3A_69, %add3A_976 : vector<16xi32>
      %gather3A_978 = tpu.vector_load_idx %arg14[%add3A_81, %add3A_977] : memref<256x128xf32, #tpu.memory_space<vmem>>[vector<16xi32>, vector<16xi32>], vector<16xf32>,
      %add3A_979 = arith.constant 47 : i32
      %add3A_980 = vector.broadcast %add3A_979 : i32 to vector<16xi32>
      %add3A_981 = arith.addi %shift_left3A_77, %add3A_980 : vector<16xi32>
      %gather3A_982 = tpu.vector_load_idx %arg15[%shift_right_logical3A_71, %add3A_981] : memref<50x128xf32, #tpu.memory_space<vmem>>[vector<16xi32>, vector<16xi32>], vector<16xf32>,
      %add3A_983 = arith.addf %gather3A_974, %gather3A_982 : vector<16xf32>
      %sub3A_984 = arith.subf %add3A_983, %gather3A_978 : vector<16xf32>
      %abs3A_985 = math.absf %sub3A_984 : vector<16xf32>
      %swap3A_986 = arith.constant 47 : i32
      %swap3A_987 = arith.index_cast %swap3A_986 : i32 to index
      %swap3A_988 = arith.index_cast %mul3A_54 : i32 to index
      %swap3A_989 = tpu.vector_load %arg16[%swap3A_987, %swap3A_988] {strides = array<i32>} : memref<64x256xf32, #tpu.memory_space<vmem>>, vector<16xf32>,
      tpu.vector_store %arg16[%swap3A_987, %swap3A_988], %abs3A_985 {strides = array<i32>} : memref<64x256xf32, #tpu.memory_space<vmem>>, vector<16xf32>,
      %add3A_990 = arith.constant 48 : i32
      %add3A_991 = vector.broadcast %add3A_990 : i32 to vector<16xi32>
      %add3A_992 = arith.addi %shift_left3A_63, %add3A_991 : vector<16xi32>
      %gather3A_993 = tpu.vector_load_idx %arg13[%add3A_81, %add3A_992] : memref<256x128xf32, #tpu.memory_space<vmem>>[vector<16xi32>, vector<16xi32>], vector<16xf32>,
      %add3A_994 = arith.constant 48 : i32
      %add3A_995 = vector.broadcast %add3A_994 : i32 to vector<16xi32>
      %add3A_996 = arith.addi %shift_left3A_69, %add3A_995 : vector<16xi32>
      %gather3A_997 = tpu.vector_load_idx %arg14[%add3A_81, %add3A_996] : memref<256x128xf32, #tpu.memory_space<vmem>>[vector<16xi32>, vector<16xi32>], vector<16xf32>,
      %add3A_998 = arith.constant 48 : i32
      %add3A_999 = vector.broadcast %add3A_998 : i32 to vector<16xi32>
      %add3A_1000 = arith.addi %shift_left3A_77, %add3A_999 : vector<16xi32>
      %gather3A_1001 = tpu.vector_load_idx %arg15[%shift_right_logical3A_71, %add3A_1000] : memref<50x128xf32, #tpu.memory_space<vmem>>[vector<16xi32>, vector<16xi32>], vector<16xf32>,
      %add3A_1002 = arith.addf %gather3A_993, %gather3A_1001 : vector<16xf32>
      %sub3A_1003 = arith.subf %add3A_1002, %gather3A_997 : vector<16xf32>
      %abs3A_1004 = math.absf %sub3A_1003 : vector<16xf32>
      %swap3A_1005 = arith.constant 48 : i32
      %swap3A_1006 = arith.index_cast %swap3A_1005 : i32 to index
      %swap3A_1007 = arith.index_cast %mul3A_54 : i32 to index
      %swap3A_1008 = tpu.vector_load %arg16[%swap3A_1006, %swap3A_1007] {strides = array<i32>} : memref<64x256xf32, #tpu.memory_space<vmem>>, vector<16xf32>,
      tpu.vector_store %arg16[%swap3A_1006, %swap3A_1007], %abs3A_1004 {strides = array<i32>} : memref<64x256xf32, #tpu.memory_space<vmem>>, vector<16xf32>,
      %add3A_1009 = arith.constant 49 : i32
      %add3A_1010 = vector.broadcast %add3A_1009 : i32 to vector<16xi32>
      %add3A_1011 = arith.addi %shift_left3A_63, %add3A_1010 : vector<16xi32>
      %gather3A_1012 = tpu.vector_load_idx %arg13[%add3A_81, %add3A_1011] : memref<256x128xf32, #tpu.memory_space<vmem>>[vector<16xi32>, vector<16xi32>], vector<16xf32>,
      %add3A_1013 = arith.constant 49 : i32
      %add3A_1014 = vector.broadcast %add3A_1013 : i32 to vector<16xi32>
      %add3A_1015 = arith.addi %shift_left3A_69, %add3A_1014 : vector<16xi32>
      %gather3A_1016 = tpu.vector_load_idx %arg14[%add3A_81, %add3A_1015] : memref<256x128xf32, #tpu.memory_space<vmem>>[vector<16xi32>, vector<16xi32>], vector<16xf32>,
      %add3A_1017 = arith.constant 49 : i32
      %add3A_1018 = vector.broadcast %add3A_1017 : i32 to vector<16xi32>
      %add3A_1019 = arith.addi %shift_left3A_77, %add3A_1018 : vector<16xi32>
      %gather3A_1020 = tpu.vector_load_idx %arg15[%shift_right_logical3A_71, %add3A_1019] : memref<50x128xf32, #tpu.memory_space<vmem>>[vector<16xi32>, vector<16xi32>], vector<16xf32>,
      %add3A_1021 = arith.addf %gather3A_1012, %gather3A_1020 : vector<16xf32>
      %sub3A_1022 = arith.subf %add3A_1021, %gather3A_1016 : vector<16xf32>
      %abs3A_1023 = math.absf %sub3A_1022 : vector<16xf32>
      %swap3A_1024 = arith.constant 49 : i32
      %swap3A_1025 = arith.index_cast %swap3A_1024 : i32 to index
      %swap3A_1026 = arith.index_cast %mul3A_54 : i32 to index
      %swap3A_1027 = tpu.vector_load %arg16[%swap3A_1025, %swap3A_1026] {strides = array<i32>} : memref<64x256xf32, #tpu.memory_space<vmem>>, vector<16xf32>,
      tpu.vector_store %arg16[%swap3A_1025, %swap3A_1026], %abs3A_1023 {strides = array<i32>} : memref<64x256xf32, #tpu.memory_space<vmem>>, vector<16xf32>,
      %add3A_1028 = arith.constant 50 : i32
      %add3A_1029 = vector.broadcast %add3A_1028 : i32 to vector<16xi32>
      %add3A_1030 = arith.addi %shift_left3A_63, %add3A_1029 : vector<16xi32>
      %gather3A_1031 = tpu.vector_load_idx %arg13[%add3A_81, %add3A_1030] : memref<256x128xf32, #tpu.memory_space<vmem>>[vector<16xi32>, vector<16xi32>], vector<16xf32>,
      %add3A_1032 = arith.constant 50 : i32
      %add3A_1033 = vector.broadcast %add3A_1032 : i32 to vector<16xi32>
      %add3A_1034 = arith.addi %shift_left3A_69, %add3A_1033 : vector<16xi32>
      %gather3A_1035 = tpu.vector_load_idx %arg14[%add3A_81, %add3A_1034] : memref<256x128xf32, #tpu.memory_space<vmem>>[vector<16xi32>, vector<16xi32>], vector<16xf32>,
      %add3A_1036 = arith.constant 50 : i32
      %add3A_1037 = vector.broadcast %add3A_1036 : i32 to vector<16xi32>
      %add3A_1038 = arith.addi %shift_left3A_77, %add3A_1037 : vector<16xi32>
      %gather3A_1039 = tpu.vector_load_idx %arg15[%shift_right_logical3A_71, %add3A_1038] : memref<50x128xf32, #tpu.memory_space<vmem>>[vector<16xi32>, vector<16xi32>], vector<16xf32>,
      %add3A_1040 = arith.addf %gather3A_1031, %gather3A_1039 : vector<16xf32>
      %sub3A_1041 = arith.subf %add3A_1040, %gather3A_1035 : vector<16xf32>
      %abs3A_1042 = math.absf %sub3A_1041 : vector<16xf32>
      %swap3A_1043 = arith.constant 50 : i32
      %swap3A_1044 = arith.index_cast %swap3A_1043 : i32 to index
      %swap3A_1045 = arith.index_cast %mul3A_54 : i32 to index
      %swap3A_1046 = tpu.vector_load %arg16[%swap3A_1044, %swap3A_1045] {strides = array<i32>} : memref<64x256xf32, #tpu.memory_space<vmem>>, vector<16xf32>,
      tpu.vector_store %arg16[%swap3A_1044, %swap3A_1045], %abs3A_1042 {strides = array<i32>} : memref<64x256xf32, #tpu.memory_space<vmem>>, vector<16xf32>,
      %add3A_1047 = arith.constant 51 : i32
      %add3A_1048 = vector.broadcast %add3A_1047 : i32 to vector<16xi32>
      %add3A_1049 = arith.addi %shift_left3A_63, %add3A_1048 : vector<16xi32>
      %gather3A_1050 = tpu.vector_load_idx %arg13[%add3A_81, %add3A_1049] : memref<256x128xf32, #tpu.memory_space<vmem>>[vector<16xi32>, vector<16xi32>], vector<16xf32>,
      %add3A_1051 = arith.constant 51 : i32
      %add3A_1052 = vector.broadcast %add3A_1051 : i32 to vector<16xi32>
      %add3A_1053 = arith.addi %shift_left3A_69, %add3A_1052 : vector<16xi32>
      %gather3A_1054 = tpu.vector_load_idx %arg14[%add3A_81, %add3A_1053] : memref<256x128xf32, #tpu.memory_space<vmem>>[vector<16xi32>, vector<16xi32>], vector<16xf32>,
      %add3A_1055 = arith.constant 51 : i32
      %add3A_1056 = vector.broadcast %add3A_1055 : i32 to vector<16xi32>
      %add3A_1057 = arith.addi %shift_left3A_77, %add3A_1056 : vector<16xi32>
      %gather3A_1058 = tpu.vector_load_idx %arg15[%shift_right_logical3A_71, %add3A_1057] : memref<50x128xf32, #tpu.memory_space<vmem>>[vector<16xi32>, vector<16xi32>], vector<16xf32>,
      %add3A_1059 = arith.addf %gather3A_1050, %gather3A_1058 : vector<16xf32>
      %sub3A_1060 = arith.subf %add3A_1059, %gather3A_1054 : vector<16xf32>
      %abs3A_1061 = math.absf %sub3A_1060 : vector<16xf32>
      %swap3A_1062 = arith.constant 51 : i32
      %swap3A_1063 = arith.index_cast %swap3A_1062 : i32 to index
      %swap3A_1064 = arith.index_cast %mul3A_54 : i32 to index
      %swap3A_1065 = tpu.vector_load %arg16[%swap3A_1063, %swap3A_1064] {strides = array<i32>} : memref<64x256xf32, #tpu.memory_space<vmem>>, vector<16xf32>,
      tpu.vector_store %arg16[%swap3A_1063, %swap3A_1064], %abs3A_1061 {strides = array<i32>} : memref<64x256xf32, #tpu.memory_space<vmem>>, vector<16xf32>,
      %add3A_1066 = arith.constant 52 : i32
      %add3A_1067 = vector.broadcast %add3A_1066 : i32 to vector<16xi32>
      %add3A_1068 = arith.addi %shift_left3A_63, %add3A_1067 : vector<16xi32>
      %gather3A_1069 = tpu.vector_load_idx %arg13[%add3A_81, %add3A_1068] : memref<256x128xf32, #tpu.memory_space<vmem>>[vector<16xi32>, vector<16xi32>], vector<16xf32>,
      %add3A_1070 = arith.constant 52 : i32
      %add3A_1071 = vector.broadcast %add3A_1070 : i32 to vector<16xi32>
      %add3A_1072 = arith.addi %shift_left3A_69, %add3A_1071 : vector<16xi32>
      %gather3A_1073 = tpu.vector_load_idx %arg14[%add3A_81, %add3A_1072] : memref<256x128xf32, #tpu.memory_space<vmem>>[vector<16xi32>, vector<16xi32>], vector<16xf32>,
      %add3A_1074 = arith.constant 52 : i32
      %add3A_1075 = vector.broadcast %add3A_1074 : i32 to vector<16xi32>
      %add3A_1076 = arith.addi %shift_left3A_77, %add3A_1075 : vector<16xi32>
      %gather3A_1077 = tpu.vector_load_idx %arg15[%shift_right_logical3A_71, %add3A_1076] : memref<50x128xf32, #tpu.memory_space<vmem>>[vector<16xi32>, vector<16xi32>], vector<16xf32>,
      %add3A_1078 = arith.addf %gather3A_1069, %gather3A_1077 : vector<16xf32>
      %sub3A_1079 = arith.subf %add3A_1078, %gather3A_1073 : vector<16xf32>
      %abs3A_1080 = math.absf %sub3A_1079 : vector<16xf32>
      %swap3A_1081 = arith.constant 52 : i32
      %swap3A_1082 = arith.index_cast %swap3A_1081 : i32 to index
      %swap3A_1083 = arith.index_cast %mul3A_54 : i32 to index
      %swap3A_1084 = tpu.vector_load %arg16[%swap3A_1082, %swap3A_1083] {strides = array<i32>} : memref<64x256xf32, #tpu.memory_space<vmem>>, vector<16xf32>,
      tpu.vector_store %arg16[%swap3A_1082, %swap3A_1083], %abs3A_1080 {strides = array<i32>} : memref<64x256xf32, #tpu.memory_space<vmem>>, vector<16xf32>,
      %add3A_1085 = arith.constant 53 : i32
      %add3A_1086 = vector.broadcast %add3A_1085 : i32 to vector<16xi32>
      %add3A_1087 = arith.addi %shift_left3A_63, %add3A_1086 : vector<16xi32>
      %gather3A_1088 = tpu.vector_load_idx %arg13[%add3A_81, %add3A_1087] : memref<256x128xf32, #tpu.memory_space<vmem>>[vector<16xi32>, vector<16xi32>], vector<16xf32>,
      %add3A_1089 = arith.constant 53 : i32
      %add3A_1090 = vector.broadcast %add3A_1089 : i32 to vector<16xi32>
      %add3A_1091 = arith.addi %shift_left3A_69, %add3A_1090 : vector<16xi32>
      %gather3A_1092 = tpu.vector_load_idx %arg14[%add3A_81, %add3A_1091] : memref<256x128xf32, #tpu.memory_space<vmem>>[vector<16xi32>, vector<16xi32>], vector<16xf32>,
      %add3A_1093 = arith.constant 53 : i32
      %add3A_1094 = vector.broadcast %add3A_1093 : i32 to vector<16xi32>
      %add3A_1095 = arith.addi %shift_left3A_77, %add3A_1094 : vector<16xi32>
      %gather3A_1096 = tpu.vector_load_idx %arg15[%shift_right_logical3A_71, %add3A_1095] : memref<50x128xf32, #tpu.memory_space<vmem>>[vector<16xi32>, vector<16xi32>], vector<16xf32>,
      %add3A_1097 = arith.addf %gather3A_1088, %gather3A_1096 : vector<16xf32>
      %sub3A_1098 = arith.subf %add3A_1097, %gather3A_1092 : vector<16xf32>
      %abs3A_1099 = math.absf %sub3A_1098 : vector<16xf32>
      %swap3A_1100 = arith.constant 53 : i32
      %swap3A_1101 = arith.index_cast %swap3A_1100 : i32 to index
      %swap3A_1102 = arith.index_cast %mul3A_54 : i32 to index
      %swap3A_1103 = tpu.vector_load %arg16[%swap3A_1101, %swap3A_1102] {strides = array<i32>} : memref<64x256xf32, #tpu.memory_space<vmem>>, vector<16xf32>,
      tpu.vector_store %arg16[%swap3A_1101, %swap3A_1102], %abs3A_1099 {strides = array<i32>} : memref<64x256xf32, #tpu.memory_space<vmem>>, vector<16xf32>,
      %add3A_1104 = arith.constant 54 : i32
      %add3A_1105 = vector.broadcast %add3A_1104 : i32 to vector<16xi32>
      %add3A_1106 = arith.addi %shift_left3A_63, %add3A_1105 : vector<16xi32>
      %gather3A_1107 = tpu.vector_load_idx %arg13[%add3A_81, %add3A_1106] : memref<256x128xf32, #tpu.memory_space<vmem>>[vector<16xi32>, vector<16xi32>], vector<16xf32>,
      %add3A_1108 = arith.constant 54 : i32
      %add3A_1109 = vector.broadcast %add3A_1108 : i32 to vector<16xi32>
      %add3A_1110 = arith.addi %shift_left3A_69, %add3A_1109 : vector<16xi32>
      %gather3A_1111 = tpu.vector_load_idx %arg14[%add3A_81, %add3A_1110] : memref<256x128xf32, #tpu.memory_space<vmem>>[vector<16xi32>, vector<16xi32>], vector<16xf32>,
      %add3A_1112 = arith.constant 54 : i32
      %add3A_1113 = vector.broadcast %add3A_1112 : i32 to vector<16xi32>
      %add3A_1114 = arith.addi %shift_left3A_77, %add3A_1113 : vector<16xi32>
      %gather3A_1115 = tpu.vector_load_idx %arg15[%shift_right_logical3A_71, %add3A_1114] : memref<50x128xf32, #tpu.memory_space<vmem>>[vector<16xi32>, vector<16xi32>], vector<16xf32>,
      %add3A_1116 = arith.addf %gather3A_1107, %gather3A_1115 : vector<16xf32>
      %sub3A_1117 = arith.subf %add3A_1116, %gather3A_1111 : vector<16xf32>
      %abs3A_1118 = math.absf %sub3A_1117 : vector<16xf32>
      %swap3A_1119 = arith.constant 54 : i32
      %swap3A_1120 = arith.index_cast %swap3A_1119 : i32 to index
      %swap3A_1121 = arith.index_cast %mul3A_54 : i32 to index
      %swap3A_1122 = tpu.vector_load %arg16[%swap3A_1120, %swap3A_1121] {strides = array<i32>} : memref<64x256xf32, #tpu.memory_space<vmem>>, vector<16xf32>,
      tpu.vector_store %arg16[%swap3A_1120, %swap3A_1121], %abs3A_1118 {strides = array<i32>} : memref<64x256xf32, #tpu.memory_space<vmem>>, vector<16xf32>,
      %add3A_1123 = arith.constant 55 : i32
      %add3A_1124 = vector.broadcast %add3A_1123 : i32 to vector<16xi32>
      %add3A_1125 = arith.addi %shift_left3A_63, %add3A_1124 : vector<16xi32>
      %gather3A_1126 = tpu.vector_load_idx %arg13[%add3A_81, %add3A_1125] : memref<256x128xf32, #tpu.memory_space<vmem>>[vector<16xi32>, vector<16xi32>], vector<16xf32>,
      %add3A_1127 = arith.constant 55 : i32
      %add3A_1128 = vector.broadcast %add3A_1127 : i32 to vector<16xi32>
      %add3A_1129 = arith.addi %shift_left3A_69, %add3A_1128 : vector<16xi32>
      %gather3A_1130 = tpu.vector_load_idx %arg14[%add3A_81, %add3A_1129] : memref<256x128xf32, #tpu.memory_space<vmem>>[vector<16xi32>, vector<16xi32>], vector<16xf32>,
      %add3A_1131 = arith.constant 55 : i32
      %add3A_1132 = vector.broadcast %add3A_1131 : i32 to vector<16xi32>
      %add3A_1133 = arith.addi %shift_left3A_77, %add3A_1132 : vector<16xi32>
      %gather3A_1134 = tpu.vector_load_idx %arg15[%shift_right_logical3A_71, %add3A_1133] : memref<50x128xf32, #tpu.memory_space<vmem>>[vector<16xi32>, vector<16xi32>], vector<16xf32>,
      %add3A_1135 = arith.addf %gather3A_1126, %gather3A_1134 : vector<16xf32>
      %sub3A_1136 = arith.subf %add3A_1135, %gather3A_1130 : vector<16xf32>
      %abs3A_1137 = math.absf %sub3A_1136 : vector<16xf32>
      %swap3A_1138 = arith.constant 55 : i32
      %swap3A_1139 = arith.index_cast %swap3A_1138 : i32 to index
      %swap3A_1140 = arith.index_cast %mul3A_54 : i32 to index
      %swap3A_1141 = tpu.vector_load %arg16[%swap3A_1139, %swap3A_1140] {strides = array<i32>} : memref<64x256xf32, #tpu.memory_space<vmem>>, vector<16xf32>,
      tpu.vector_store %arg16[%swap3A_1139, %swap3A_1140], %abs3A_1137 {strides = array<i32>} : memref<64x256xf32, #tpu.memory_space<vmem>>, vector<16xf32>,
      %add3A_1142 = arith.constant 56 : i32
      %add3A_1143 = vector.broadcast %add3A_1142 : i32 to vector<16xi32>
      %add3A_1144 = arith.addi %shift_left3A_63, %add3A_1143 : vector<16xi32>
      %gather3A_1145 = tpu.vector_load_idx %arg13[%add3A_81, %add3A_1144] : memref<256x128xf32, #tpu.memory_space<vmem>>[vector<16xi32>, vector<16xi32>], vector<16xf32>,
      %add3A_1146 = arith.constant 56 : i32
      %add3A_1147 = vector.broadcast %add3A_1146 : i32 to vector<16xi32>
      %add3A_1148 = arith.addi %shift_left3A_69, %add3A_1147 : vector<16xi32>
      %gather3A_1149 = tpu.vector_load_idx %arg14[%add3A_81, %add3A_1148] : memref<256x128xf32, #tpu.memory_space<vmem>>[vector<16xi32>, vector<16xi32>], vector<16xf32>,
      %add3A_1150 = arith.constant 56 : i32
      %add3A_1151 = vector.broadcast %add3A_1150 : i32 to vector<16xi32>
      %add3A_1152 = arith.addi %shift_left3A_77, %add3A_1151 : vector<16xi32>
      %gather3A_1153 = tpu.vector_load_idx %arg15[%shift_right_logical3A_71, %add3A_1152] : memref<50x128xf32, #tpu.memory_space<vmem>>[vector<16xi32>, vector<16xi32>], vector<16xf32>,
      %add3A_1154 = arith.addf %gather3A_1145, %gather3A_1153 : vector<16xf32>
      %sub3A_1155 = arith.subf %add3A_1154, %gather3A_1149 : vector<16xf32>
      %abs3A_1156 = math.absf %sub3A_1155 : vector<16xf32>
      %swap3A_1157 = arith.constant 56 : i32
      %swap3A_1158 = arith.index_cast %swap3A_1157 : i32 to index
      %swap3A_1159 = arith.index_cast %mul3A_54 : i32 to index
      %swap3A_1160 = tpu.vector_load %arg16[%swap3A_1158, %swap3A_1159] {strides = array<i32>} : memref<64x256xf32, #tpu.memory_space<vmem>>, vector<16xf32>,
      tpu.vector_store %arg16[%swap3A_1158, %swap3A_1159], %abs3A_1156 {strides = array<i32>} : memref<64x256xf32, #tpu.memory_space<vmem>>, vector<16xf32>,
      %add3A_1161 = arith.constant 57 : i32
      %add3A_1162 = vector.broadcast %add3A_1161 : i32 to vector<16xi32>
      %add3A_1163 = arith.addi %shift_left3A_63, %add3A_1162 : vector<16xi32>
      %gather3A_1164 = tpu.vector_load_idx %arg13[%add3A_81, %add3A_1163] : memref<256x128xf32, #tpu.memory_space<vmem>>[vector<16xi32>, vector<16xi32>], vector<16xf32>,
      %add3A_1165 = arith.constant 57 : i32
      %add3A_1166 = vector.broadcast %add3A_1165 : i32 to vector<16xi32>
      %add3A_1167 = arith.addi %shift_left3A_69, %add3A_1166 : vector<16xi32>
      %gather3A_1168 = tpu.vector_load_idx %arg14[%add3A_81, %add3A_1167] : memref<256x128xf32, #tpu.memory_space<vmem>>[vector<16xi32>, vector<16xi32>], vector<16xf32>,
      %add3A_1169 = arith.constant 57 : i32
      %add3A_1170 = vector.broadcast %add3A_1169 : i32 to vector<16xi32>
      %add3A_1171 = arith.addi %shift_left3A_77, %add3A_1170 : vector<16xi32>
      %gather3A_1172 = tpu.vector_load_idx %arg15[%shift_right_logical3A_71, %add3A_1171] : memref<50x128xf32, #tpu.memory_space<vmem>>[vector<16xi32>, vector<16xi32>], vector<16xf32>,
      %add3A_1173 = arith.addf %gather3A_1164, %gather3A_1172 : vector<16xf32>
      %sub3A_1174 = arith.subf %add3A_1173, %gather3A_1168 : vector<16xf32>
      %abs3A_1175 = math.absf %sub3A_1174 : vector<16xf32>
      %swap3A_1176 = arith.constant 57 : i32
      %swap3A_1177 = arith.index_cast %swap3A_1176 : i32 to index
      %swap3A_1178 = arith.index_cast %mul3A_54 : i32 to index
      %swap3A_1179 = tpu.vector_load %arg16[%swap3A_1177, %swap3A_1178] {strides = array<i32>} : memref<64x256xf32, #tpu.memory_space<vmem>>, vector<16xf32>,
      tpu.vector_store %arg16[%swap3A_1177, %swap3A_1178], %abs3A_1175 {strides = array<i32>} : memref<64x256xf32, #tpu.memory_space<vmem>>, vector<16xf32>,
      %add3A_1180 = arith.constant 58 : i32
      %add3A_1181 = vector.broadcast %add3A_1180 : i32 to vector<16xi32>
      %add3A_1182 = arith.addi %shift_left3A_63, %add3A_1181 : vector<16xi32>
      %gather3A_1183 = tpu.vector_load_idx %arg13[%add3A_81, %add3A_1182] : memref<256x128xf32, #tpu.memory_space<vmem>>[vector<16xi32>, vector<16xi32>], vector<16xf32>,
      %add3A_1184 = arith.constant 58 : i32
      %add3A_1185 = vector.broadcast %add3A_1184 : i32 to vector<16xi32>
      %add3A_1186 = arith.addi %shift_left3A_69, %add3A_1185 : vector<16xi32>
      %gather3A_1187 = tpu.vector_load_idx %arg14[%add3A_81, %add3A_1186] : memref<256x128xf32, #tpu.memory_space<vmem>>[vector<16xi32>, vector<16xi32>], vector<16xf32>,
      %add3A_1188 = arith.constant 58 : i32
      %add3A_1189 = vector.broadcast %add3A_1188 : i32 to vector<16xi32>
      %add3A_1190 = arith.addi %shift_left3A_77, %add3A_1189 : vector<16xi32>
      %gather3A_1191 = tpu.vector_load_idx %arg15[%shift_right_logical3A_71, %add3A_1190] : memref<50x128xf32, #tpu.memory_space<vmem>>[vector<16xi32>, vector<16xi32>], vector<16xf32>,
      %add3A_1192 = arith.addf %gather3A_1183, %gather3A_1191 : vector<16xf32>
      %sub3A_1193 = arith.subf %add3A_1192, %gather3A_1187 : vector<16xf32>
      %abs3A_1194 = math.absf %sub3A_1193 : vector<16xf32>
      %swap3A_1195 = arith.constant 58 : i32
      %swap3A_1196 = arith.index_cast %swap3A_1195 : i32 to index
      %swap3A_1197 = arith.index_cast %mul3A_54 : i32 to index
      %swap3A_1198 = tpu.vector_load %arg16[%swap3A_1196, %swap3A_1197] {strides = array<i32>} : memref<64x256xf32, #tpu.memory_space<vmem>>, vector<16xf32>,
      tpu.vector_store %arg16[%swap3A_1196, %swap3A_1197], %abs3A_1194 {strides = array<i32>} : memref<64x256xf32, #tpu.memory_space<vmem>>, vector<16xf32>,
      %add3A_1199 = arith.constant 59 : i32
      %add3A_1200 = vector.broadcast %add3A_1199 : i32 to vector<16xi32>
      %add3A_1201 = arith.addi %shift_left3A_63, %add3A_1200 : vector<16xi32>
      %gather3A_1202 = tpu.vector_load_idx %arg13[%add3A_81, %add3A_1201] : memref<256x128xf32, #tpu.memory_space<vmem>>[vector<16xi32>, vector<16xi32>], vector<16xf32>,
      %add3A_1203 = arith.constant 59 : i32
      %add3A_1204 = vector.broadcast %add3A_1203 : i32 to vector<16xi32>
      %add3A_1205 = arith.addi %shift_left3A_69, %add3A_1204 : vector<16xi32>
      %gather3A_1206 = tpu.vector_load_idx %arg14[%add3A_81, %add3A_1205] : memref<256x128xf32, #tpu.memory_space<vmem>>[vector<16xi32>, vector<16xi32>], vector<16xf32>,
      %add3A_1207 = arith.constant 59 : i32
      %add3A_1208 = vector.broadcast %add3A_1207 : i32 to vector<16xi32>
      %add3A_1209 = arith.addi %shift_left3A_77, %add3A_1208 : vector<16xi32>
      %gather3A_1210 = tpu.vector_load_idx %arg15[%shift_right_logical3A_71, %add3A_1209] : memref<50x128xf32, #tpu.memory_space<vmem>>[vector<16xi32>, vector<16xi32>], vector<16xf32>,
      %add3A_1211 = arith.addf %gather3A_1202, %gather3A_1210 : vector<16xf32>
      %sub3A_1212 = arith.subf %add3A_1211, %gather3A_1206 : vector<16xf32>
      %abs3A_1213 = math.absf %sub3A_1212 : vector<16xf32>
      %swap3A_1214 = arith.constant 59 : i32
      %swap3A_1215 = arith.index_cast %swap3A_1214 : i32 to index
      %swap3A_1216 = arith.index_cast %mul3A_54 : i32 to index
      %swap3A_1217 = tpu.vector_load %arg16[%swap3A_1215, %swap3A_1216] {strides = array<i32>} : memref<64x256xf32, #tpu.memory_space<vmem>>, vector<16xf32>,
      tpu.vector_store %arg16[%swap3A_1215, %swap3A_1216], %abs3A_1213 {strides = array<i32>} : memref<64x256xf32, #tpu.memory_space<vmem>>, vector<16xf32>,
      %add3A_1218 = arith.constant 60 : i32
      %add3A_1219 = vector.broadcast %add3A_1218 : i32 to vector<16xi32>
      %add3A_1220 = arith.addi %shift_left3A_63, %add3A_1219 : vector<16xi32>
      %gather3A_1221 = tpu.vector_load_idx %arg13[%add3A_81, %add3A_1220] : memref<256x128xf32, #tpu.memory_space<vmem>>[vector<16xi32>, vector<16xi32>], vector<16xf32>,
      %add3A_1222 = arith.constant 60 : i32
      %add3A_1223 = vector.broadcast %add3A_1222 : i32 to vector<16xi32>
      %add3A_1224 = arith.addi %shift_left3A_69, %add3A_1223 : vector<16xi32>
      %gather3A_1225 = tpu.vector_load_idx %arg14[%add3A_81, %add3A_1224] : memref<256x128xf32, #tpu.memory_space<vmem>>[vector<16xi32>, vector<16xi32>], vector<16xf32>,
      %add3A_1226 = arith.constant 60 : i32
      %add3A_1227 = vector.broadcast %add3A_1226 : i32 to vector<16xi32>
      %add3A_1228 = arith.addi %shift_left3A_77, %add3A_1227 : vector<16xi32>
      %gather3A_1229 = tpu.vector_load_idx %arg15[%shift_right_logical3A_71, %add3A_1228] : memref<50x128xf32, #tpu.memory_space<vmem>>[vector<16xi32>, vector<16xi32>], vector<16xf32>,
      %add3A_1230 = arith.addf %gather3A_1221, %gather3A_1229 : vector<16xf32>
      %sub3A_1231 = arith.subf %add3A_1230, %gather3A_1225 : vector<16xf32>
      %abs3A_1232 = math.absf %sub3A_1231 : vector<16xf32>
      %swap3A_1233 = arith.constant 60 : i32
      %swap3A_1234 = arith.index_cast %swap3A_1233 : i32 to index
      %swap3A_1235 = arith.index_cast %mul3A_54 : i32 to index
      %swap3A_1236 = tpu.vector_load %arg16[%swap3A_1234, %swap3A_1235] {strides = array<i32>} : memref<64x256xf32, #tpu.memory_space<vmem>>, vector<16xf32>,
      tpu.vector_store %arg16[%swap3A_1234, %swap3A_1235], %abs3A_1232 {strides = array<i32>} : memref<64x256xf32, #tpu.memory_space<vmem>>, vector<16xf32>,
      %add3A_1237 = arith.constant 61 : i32
      %add3A_1238 = vector.broadcast %add3A_1237 : i32 to vector<16xi32>
      %add3A_1239 = arith.addi %shift_left3A_63, %add3A_1238 : vector<16xi32>
      %gather3A_1240 = tpu.vector_load_idx %arg13[%add3A_81, %add3A_1239] : memref<256x128xf32, #tpu.memory_space<vmem>>[vector<16xi32>, vector<16xi32>], vector<16xf32>,
      %add3A_1241 = arith.constant 61 : i32
      %add3A_1242 = vector.broadcast %add3A_1241 : i32 to vector<16xi32>
      %add3A_1243 = arith.addi %shift_left3A_69, %add3A_1242 : vector<16xi32>
      %gather3A_1244 = tpu.vector_load_idx %arg14[%add3A_81, %add3A_1243] : memref<256x128xf32, #tpu.memory_space<vmem>>[vector<16xi32>, vector<16xi32>], vector<16xf32>,
      %add3A_1245 = arith.constant 61 : i32
      %add3A_1246 = vector.broadcast %add3A_1245 : i32 to vector<16xi32>
      %add3A_1247 = arith.addi %shift_left3A_77, %add3A_1246 : vector<16xi32>
      %gather3A_1248 = tpu.vector_load_idx %arg15[%shift_right_logical3A_71, %add3A_1247] : memref<50x128xf32, #tpu.memory_space<vmem>>[vector<16xi32>, vector<16xi32>], vector<16xf32>,
      %add3A_1249 = arith.addf %gather3A_1240, %gather3A_1248 : vector<16xf32>
      %sub3A_1250 = arith.subf %add3A_1249, %gather3A_1244 : vector<16xf32>
      %abs3A_1251 = math.absf %sub3A_1250 : vector<16xf32>
      %swap3A_1252 = arith.constant 61 : i32
      %swap3A_1253 = arith.index_cast %swap3A_1252 : i32 to index
      %swap3A_1254 = arith.index_cast %mul3A_54 : i32 to index
      %swap3A_1255 = tpu.vector_load %arg16[%swap3A_1253, %swap3A_1254] {strides = array<i32>} : memref<64x256xf32, #tpu.memory_space<vmem>>, vector<16xf32>,
      tpu.vector_store %arg16[%swap3A_1253, %swap3A_1254], %abs3A_1251 {strides = array<i32>} : memref<64x256xf32, #tpu.memory_space<vmem>>, vector<16xf32>,
      %add3A_1256 = arith.constant 62 : i32
      %add3A_1257 = vector.broadcast %add3A_1256 : i32 to vector<16xi32>
      %add3A_1258 = arith.addi %shift_left3A_63, %add3A_1257 : vector<16xi32>
      %gather3A_1259 = tpu.vector_load_idx %arg13[%add3A_81, %add3A_1258] : memref<256x128xf32, #tpu.memory_space<vmem>>[vector<16xi32>, vector<16xi32>], vector<16xf32>,
      %add3A_1260 = arith.constant 62 : i32
      %add3A_1261 = vector.broadcast %add3A_1260 : i32 to vector<16xi32>
      %add3A_1262 = arith.addi %shift_left3A_69, %add3A_1261 : vector<16xi32>
      %gather3A_1263 = tpu.vector_load_idx %arg14[%add3A_81, %add3A_1262] : memref<256x128xf32, #tpu.memory_space<vmem>>[vector<16xi32>, vector<16xi32>], vector<16xf32>,
      %add3A_1264 = arith.constant 62 : i32
      %add3A_1265 = vector.broadcast %add3A_1264 : i32 to vector<16xi32>
      %add3A_1266 = arith.addi %shift_left3A_77, %add3A_1265 : vector<16xi32>
      %gather3A_1267 = tpu.vector_load_idx %arg15[%shift_right_logical3A_71, %add3A_1266] : memref<50x128xf32, #tpu.memory_space<vmem>>[vector<16xi32>, vector<16xi32>], vector<16xf32>,
      %add3A_1268 = arith.addf %gather3A_1259, %gather3A_1267 : vector<16xf32>
      %sub3A_1269 = arith.subf %add3A_1268, %gather3A_1263 : vector<16xf32>
      %abs3A_1270 = math.absf %sub3A_1269 : vector<16xf32>
      %swap3A_1271 = arith.constant 62 : i32
      %swap3A_1272 = arith.index_cast %swap3A_1271 : i32 to index
      %swap3A_1273 = arith.index_cast %mul3A_54 : i32 to index
      %swap3A_1274 = tpu.vector_load %arg16[%swap3A_1272, %swap3A_1273] {strides = array<i32>} : memref<64x256xf32, #tpu.memory_space<vmem>>, vector<16xf32>,
      tpu.vector_store %arg16[%swap3A_1272, %swap3A_1273], %abs3A_1270 {strides = array<i32>} : memref<64x256xf32, #tpu.memory_space<vmem>>, vector<16xf32>,
      %add3A_1275 = arith.constant 63 : i32
      %add3A_1276 = vector.broadcast %add3A_1275 : i32 to vector<16xi32>
      %add3A_1277 = arith.addi %shift_left3A_63, %add3A_1276 : vector<16xi32>
      %gather3A_1278 = tpu.vector_load_idx %arg13[%add3A_81, %add3A_1277] : memref<256x128xf32, #tpu.memory_space<vmem>>[vector<16xi32>, vector<16xi32>], vector<16xf32>,
      %add3A_1279 = arith.constant 63 : i32
      %add3A_1280 = vector.broadcast %add3A_1279 : i32 to vector<16xi32>
      %add3A_1281 = arith.addi %shift_left3A_69, %add3A_1280 : vector<16xi32>
      %gather3A_1282 = tpu.vector_load_idx %arg14[%add3A_81, %add3A_1281] : memref<256x128xf32, #tpu.memory_space<vmem>>[vector<16xi32>, vector<16xi32>], vector<16xf32>,
      %add3A_1283 = arith.constant 63 : i32
      %add3A_1284 = vector.broadcast %add3A_1283 : i32 to vector<16xi32>
      %add3A_1285 = arith.addi %shift_left3A_77, %add3A_1284 : vector<16xi32>
      %gather3A_1286 = tpu.vector_load_idx %arg15[%shift_right_logical3A_71, %add3A_1285] : memref<50x128xf32, #tpu.memory_space<vmem>>[vector<16xi32>, vector<16xi32>], vector<16xf32>,
      %add3A_1287 = arith.addf %gather3A_1278, %gather3A_1286 : vector<16xf32>
      %sub3A_1288 = arith.subf %add3A_1287, %gather3A_1282 : vector<16xf32>
      %abs3A_1289 = math.absf %sub3A_1288 : vector<16xf32>
      %swap3A_1290 = arith.constant 63 : i32
      %swap3A_1291 = arith.index_cast %swap3A_1290 : i32 to index
      %swap3A_1292 = arith.index_cast %mul3A_54 : i32 to index
      %swap3A_1293 = tpu.vector_load %arg16[%swap3A_1291, %swap3A_1292] {strides = array<i32>} : memref<64x256xf32, #tpu.memory_space<vmem>>, vector<16xf32>,
      tpu.vector_store %arg16[%swap3A_1291, %swap3A_1292], %abs3A_1289 {strides = array<i32>} : memref<64x256xf32, #tpu.memory_space<vmem>>, vector<16xf32>,
    }
    %scan3A_25 = arith.constant 16 : i32
    "tpu.region"() ({
      %run_scoped3A = tpu.sem_alloc : memref<!tpu.dma_semaphore, #tpu.memory_space<semaphore_mem>>
      %dma_start3A_52 = arith.constant 0 : i32
      %dma_start3A_53 = tpu.memref_slice %arg7[%dma_start3A_52, %add3A_4] : memref<64x16384xf32, #tpu.memory_space<hbm>> -> memref<64x256xf32, #tpu.memory_space<hbm>>
      %dma_start3A_54 = arith.constant 0 : i32
      %dma_start3A_55 = tpu.memref_slice %arg7[%dma_start3A_54, %add3A_4] : memref<64x16384xf32, #tpu.memory_space<hbm>> -> memref<64x256xf32, #tpu.memory_space<hbm>>
      tpu.enqueue_dma source(%arg16 : memref<64x256xf32, #tpu.memory_space<vmem>>) target(%dma_start3A_55 : memref<64x256xf32, #tpu.memory_space<hbm>>) target_semaphore(%run_scoped3A : memref<!tpu.dma_semaphore, #tpu.memory_space<semaphore_mem>>)
      %dma_wait3A_56 = arith.constant 0 : i32
      %dma_wait3A_57 = tpu.memref_slice %arg7[%dma_wait3A_56, %add3A_4] : memref<64x16384xf32, #tpu.memory_space<hbm>> -> memref<64x256xf32, #tpu.memory_space<hbm>>
      %dma_wait3A_58 = arith.constant 0 : i32
      %dma_wait3A_59 = tpu.memref_slice %arg7[%dma_wait3A_58, %add3A_4] : memref<64x16384xf32, #tpu.memory_space<hbm>> -> memref<64x256xf32, #tpu.memory_space<hbm>>
      tpu.wait_dma2 semaphore(%run_scoped3A : memref<!tpu.dma_semaphore, #tpu.memory_space<semaphore_mem>>) src(%arg16 : memref<64x256xf32, #tpu.memory_space<vmem>>) dst(%dma_wait3A_59 : memref<64x256xf32, #tpu.memory_space<hbm>>)
      tpu.yield
    }) : () -> ()
    %add3A_26 = arith.constant 256 : i32
    %add3A_27 = arith.addi %mul3A_2, %add3A_26 : i32
    "tpu.region"() ({
      %run_scoped3A = tpu.sem_alloc : memref<!tpu.dma_semaphore, #tpu.memory_space<semaphore_mem>>
      %dma_start3A_52 = tpu.memref_slice %arg4[%add3A_27] : memref<16384xi32, #tpu.memory_space<hbm>> -> memref<256xi32, #tpu.memory_space<hbm>>
      %dma_start3A_53 = tpu.memref_slice %arg4[%add3A_27] : memref<16384xi32, #tpu.memory_space<hbm>> -> memref<256xi32, #tpu.memory_space<hbm>>
      tpu.enqueue_dma source(%dma_start3A_53 : memref<256xi32, #tpu.memory_space<hbm>>) target(%arg8 : memref<256xi32, #tpu.memory_space<vmem>>) target_semaphore(%run_scoped3A : memref<!tpu.dma_semaphore, #tpu.memory_space<semaphore_mem>>)
      %dma_wait3A_54 = tpu.memref_slice %arg4[%add3A_27] : memref<16384xi32, #tpu.memory_space<hbm>> -> memref<256xi32, #tpu.memory_space<hbm>>
      %dma_wait3A_55 = tpu.memref_slice %arg4[%add3A_27] : memref<16384xi32, #tpu.memory_space<hbm>> -> memref<256xi32, #tpu.memory_space<hbm>>
      tpu.wait_dma2 semaphore(%run_scoped3A : memref<!tpu.dma_semaphore, #tpu.memory_space<semaphore_mem>>) src(%dma_wait3A_55 : memref<256xi32, #tpu.memory_space<hbm>>) dst(%arg8 : memref<256xi32, #tpu.memory_space<vmem>>)
      tpu.yield
    }) : () -> ()
    "tpu.region"() ({
      %run_scoped3A = tpu.sem_alloc : memref<!tpu.dma_semaphore, #tpu.memory_space<semaphore_mem>>
      %dma_start3A_52 = tpu.memref_slice %arg5[%add3A_27] : memref<16384xi32, #tpu.memory_space<hbm>> -> memref<256xi32, #tpu.memory_space<hbm>>
      %dma_start3A_53 = tpu.memref_slice %arg5[%add3A_27] : memref<16384xi32, #tpu.memory_space<hbm>> -> memref<256xi32, #tpu.memory_space<hbm>>
      tpu.enqueue_dma source(%dma_start3A_53 : memref<256xi32, #tpu.memory_space<hbm>>) target(%arg9 : memref<256xi32, #tpu.memory_space<vmem>>) target_semaphore(%run_scoped3A : memref<!tpu.dma_semaphore, #tpu.memory_space<semaphore_mem>>)
      %dma_wait3A_54 = tpu.memref_slice %arg5[%add3A_27] : memref<16384xi32, #tpu.memory_space<hbm>> -> memref<256xi32, #tpu.memory_space<hbm>>
      %dma_wait3A_55 = tpu.memref_slice %arg5[%add3A_27] : memref<16384xi32, #tpu.memory_space<hbm>> -> memref<256xi32, #tpu.memory_space<hbm>>
      tpu.wait_dma2 semaphore(%run_scoped3A : memref<!tpu.dma_semaphore, #tpu.memory_space<semaphore_mem>>) src(%dma_wait3A_55 : memref<256xi32, #tpu.memory_space<hbm>>) dst(%arg9 : memref<256xi32, #tpu.memory_space<vmem>>)
      tpu.yield
    }) : () -> ()
    "tpu.region"() ({
      %run_scoped3A = tpu.sem_alloc : memref<!tpu.dma_semaphore, #tpu.memory_space<semaphore_mem>>
      %dma_start3A_52 = tpu.memref_slice %arg6[%add3A_27] : memref<16384xi32, #tpu.memory_space<hbm>> -> memref<256xi32, #tpu.memory_space<hbm>>
      %dma_start3A_53 = tpu.memref_slice %arg6[%add3A_27] : memref<16384xi32, #tpu.memory_space<hbm>> -> memref<256xi32, #tpu.memory_space<hbm>>
      tpu.enqueue_dma source(%dma_start3A_53 : memref<256xi32, #tpu.memory_space<hbm>>) target(%arg10 : memref<256xi32, #tpu.memory_space<vmem>>) target_semaphore(%run_scoped3A : memref<!tpu.dma_semaphore, #tpu.memory_space<semaphore_mem>>)
      %dma_wait3A_54 = tpu.memref_slice %arg6[%add3A_27] : memref<16384xi32, #tpu.memory_space<hbm>> -> memref<256xi32, #tpu.memory_space<hbm>>
      %dma_wait3A_55 = tpu.memref_slice %arg6[%add3A_27] : memref<16384xi32, #tpu.memory_space<hbm>> -> memref<256xi32, #tpu.memory_space<hbm>>
      tpu.wait_dma2 semaphore(%run_scoped3A : memref<!tpu.dma_semaphore, #tpu.memory_space<semaphore_mem>>) src(%dma_wait3A_55 : memref<256xi32, #tpu.memory_space<hbm>>) dst(%arg10 : memref<256xi32, #tpu.memory_space<vmem>>)
      tpu.yield
    }) : () -> ()
    %scan3A_28 = arith.constant 0 : i32
    %scan3A_29 = arith.constant 0 : i32
    %scan3A_30 = arith.constant 16 : i32
    %scan3A_31 = arith.addi %scan3A_29, %scan3A_30 : i32
    %scan3A_32 = arith.constant 1 : i32
    scf.for %scan3A_52 = %scan3A_29 to %scan3A_31 step %scan3A_32  : i32 {
      %mul3A_53 = arith.constant 16 : i32
      %mul3A_54 = arith.muli %scan3A_52, %mul3A_53 : i32
      %get3A = arith.index_cast %mul3A_54 : i32 to index
      %get3A_55 = tpu.vector_load %arg8[%get3A] {strides = array<i32>} : memref<256xi32, #tpu.memory_space<vmem>>, vector<16xi32>,
      %get3A_56 = arith.index_cast %mul3A_54 : i32 to index
      %get3A_57 = tpu.vector_load %arg9[%get3A_56] {strides = array<i32>} : memref<256xi32, #tpu.memory_space<vmem>>, vector<16xi32>,
      %shift_right_logical3A = arith.constant 4 : i32
      %shift_right_logical3A_58 = vector.broadcast %shift_right_logical3A : i32 to vector<16xi32>
      %shift_right_logical3A_59 = arith.shrui %get3A_55, %shift_right_logical3A_58 : vector<16xi32>
      %shift_left3A = arith.constant 3 : i32
      %shift_left3A_60 = vector.broadcast %shift_left3A : i32 to vector<16xi32>
      %shift_left3A_61 = arith.shli %shift_right_logical3A_59, %shift_left3A_60 : vector<16xi32>
      %and3A = arith.constant 7 : i32
      %and3A_62 = vector.broadcast %and3A : i32 to vector<16xi32>
      %and3A_63 = arith.andi %get3A_55, %and3A_62 : vector<16xi32>
      %or3A = arith.ori %shift_left3A_61, %and3A_63 : vector<16xi32>
      %swap3A = arith.index_cast %mul3A_54 : i32 to index
      %swap3A_64 = tpu.vector_load %arg11[%swap3A] {strides = array<i32>} : memref<256xi32, #tpu.memory_space<vmem>>, vector<16xi32>,
      tpu.vector_store %arg11[%swap3A], %or3A {strides = array<i32>} : memref<256xi32, #tpu.memory_space<vmem>>, vector<16xi32>,
      %shift_right_logical3A_65 = arith.constant 4 : i32
      %shift_right_logical3A_66 = vector.broadcast %shift_right_logical3A_65 : i32 to vector<16xi32>
      %shift_right_logical3A_67 = arith.shrui %get3A_57, %shift_right_logical3A_66 : vector<16xi32>
      %shift_left3A_68 = arith.constant 3 : i32
      %shift_left3A_69 = vector.broadcast %shift_left3A_68 : i32 to vector<16xi32>
      %shift_left3A_70 = arith.shli %shift_right_logical3A_67, %shift_left3A_69 : vector<16xi32>
      %and3A_71 = arith.constant 7 : i32
      %and3A_72 = vector.broadcast %and3A_71 : i32 to vector<16xi32>
      %and3A_73 = arith.andi %get3A_57, %and3A_72 : vector<16xi32>
      %or3A_74 = arith.ori %shift_left3A_70, %and3A_73 : vector<16xi32>
      %swap3A_75 = arith.index_cast %mul3A_54 : i32 to index
      %swap3A_76 = tpu.vector_load %arg12[%swap3A_75] {strides = array<i32>} : memref<256xi32, #tpu.memory_space<vmem>>, vector<16xi32>,
      tpu.vector_store %arg12[%swap3A_75], %or3A_74 {strides = array<i32>} : memref<256xi32, #tpu.memory_space<vmem>>, vector<16xi32>,
    }
    %scan3A_33 = arith.constant 16 : i32
    %dma_start3A_34 = arith.constant 0 : i32
    %dma_start3A_35 = arith.constant 0 : i32
    %dma_start3A_36 = tpu.memref_slice %arg2[%dma_start3A_34, %dma_start3A_35] : memref<500000x128xf32, #tpu.memory_space<hbm>> -> memref<500000x128xf32, #tpu.memory_space<hbm>>
    tpu.enqueue_indirect_dma source(%dma_start3A_36 : memref<500000x128xf32, #tpu.memory_space<hbm>>) target(%arg13 : memref<256x128xf32, #tpu.memory_space<vmem>>) offsets(%arg11 : memref<256xi32, #tpu.memory_space<vmem>>) semaphore(%arg17 : memref<!tpu.dma_semaphore, #tpu.memory_space<semaphore_mem>>)
    %dma_start3A_37 = arith.constant 0 : i32
    %dma_start3A_38 = arith.constant 0 : i32
    %dma_start3A_39 = tpu.memref_slice %arg2[%dma_start3A_37, %dma_start3A_38] : memref<500000x128xf32, #tpu.memory_space<hbm>> -> memref<500000x128xf32, #tpu.memory_space<hbm>>
    tpu.enqueue_indirect_dma source(%dma_start3A_39 : memref<500000x128xf32, #tpu.memory_space<hbm>>) target(%arg14 : memref<256x128xf32, #tpu.memory_space<vmem>>) offsets(%arg12 : memref<256xi32, #tpu.memory_space<vmem>>) semaphore(%arg18 : memref<!tpu.dma_semaphore, #tpu.memory_space<semaphore_mem>>)
    %dma_wait3A_40 = arith.constant 0 : i32
    %dma_wait3A_41 = arith.constant 0 : i32
    %dma_wait3A_42 = tpu.memref_slice %arg2[%dma_wait3A_40, %dma_wait3A_41] : memref<500000x128xf32, #tpu.memory_space<hbm>> -> memref<500000x128xf32, #tpu.memory_space<hbm>>
    tpu.wait_indirect_dma semaphore(%arg17 : memref<!tpu.dma_semaphore, #tpu.memory_space<semaphore_mem>>) src(%dma_wait3A_42 : memref<500000x128xf32, #tpu.memory_space<hbm>>) dst(%arg13 : memref<256x128xf32, #tpu.memory_space<vmem>>)
    %dma_wait3A_43 = arith.constant 0 : i32
    %dma_wait3A_44 = arith.constant 0 : i32
    %dma_wait3A_45 = tpu.memref_slice %arg2[%dma_wait3A_43, %dma_wait3A_44] : memref<500000x128xf32, #tpu.memory_space<hbm>> -> memref<500000x128xf32, #tpu.memory_space<hbm>>
    tpu.wait_indirect_dma semaphore(%arg18 : memref<!tpu.dma_semaphore, #tpu.memory_space<semaphore_mem>>) src(%dma_wait3A_45 : memref<500000x128xf32, #tpu.memory_space<hbm>>) dst(%arg14 : memref<256x128xf32, #tpu.memory_space<vmem>>)
    %scan3A_46 = arith.constant 0 : i32
    %scan3A_47 = arith.constant 0 : i32
    %scan3A_48 = arith.constant 16 : i32
    %scan3A_49 = arith.addi %scan3A_47, %scan3A_48 : i32
    %scan3A_50 = arith.constant 1 : i32
    scf.for %scan3A_52 = %scan3A_47 to %scan3A_49 step %scan3A_50  : i32 {
      %mul3A_53 = arith.constant 16 : i32
      %mul3A_54 = arith.muli %scan3A_52, %mul3A_53 : i32
      %get3A = arith.index_cast %mul3A_54 : i32 to index
      %get3A_55 = tpu.vector_load %arg8[%get3A] {strides = array<i32>} : memref<256xi32, #tpu.memory_space<vmem>>, vector<16xi32>,
      %get3A_56 = arith.index_cast %mul3A_54 : i32 to index
      %get3A_57 = tpu.vector_load %arg9[%get3A_56] {strides = array<i32>} : memref<256xi32, #tpu.memory_space<vmem>>, vector<16xi32>,
      %get3A_58 = arith.index_cast %mul3A_54 : i32 to index
      %get3A_59 = tpu.vector_load %arg10[%get3A_58] {strides = array<i32>} : memref<256xi32, #tpu.memory_space<vmem>>, vector<16xi32>,
      %and3A = arith.constant 8 : i32
      %and3A_60 = vector.broadcast %and3A : i32 to vector<16xi32>
      %and3A_61 = arith.andi %get3A_55, %and3A_60 : vector<16xi32>
      %shift_left3A = arith.constant 3 : i32
      %shift_left3A_62 = vector.broadcast %shift_left3A : i32 to vector<16xi32>
      %shift_left3A_63 = arith.shli %and3A_61, %shift_left3A_62 : vector<16xi32>
      %and3A_64 = arith.constant 8 : i32
      %and3A_65 = vector.broadcast %and3A_64 : i32 to vector<16xi32>
      %and3A_66 = arith.andi %get3A_57, %and3A_65 : vector<16xi32>
      %shift_left3A_67 = arith.constant 3 : i32
      %shift_left3A_68 = vector.broadcast %shift_left3A_67 : i32 to vector<16xi32>
      %shift_left3A_69 = arith.shli %and3A_66, %shift_left3A_68 : vector<16xi32>
      %shift_right_logical3A = arith.constant 1 : i32
      %shift_right_logical3A_70 = vector.broadcast %shift_right_logical3A : i32 to vector<16xi32>
      %shift_right_logical3A_71 = arith.shrui %get3A_59, %shift_right_logical3A_70 : vector<16xi32>
      %and3A_72 = arith.constant 1 : i32
      %and3A_73 = vector.broadcast %and3A_72 : i32 to vector<16xi32>
      %and3A_74 = arith.andi %get3A_59, %and3A_73 : vector<16xi32>
      %shift_left3A_75 = arith.constant 6 : i32
      %shift_left3A_76 = vector.broadcast %shift_left3A_75 : i32 to vector<16xi32>
      %shift_left3A_77 = arith.shli %and3A_74, %shift_left3A_76 : vector<16xi32>
      %mul3A_78 = arith.constant 16 : i32
      %mul3A_79 = arith.muli %scan3A_52, %mul3A_78 : i32
      %add3A_80 = vector.broadcast %mul3A_79 : i32 to vector<16xi32>
      %add3A_81 = arith.addi %add3A_80, %iota3A : vector<16xi32>
      %add3A_82 = arith.constant 0 : i32
      %add3A_83 = vector.broadcast %add3A_82 : i32 to vector<16xi32>
      %add3A_84 = arith.addi %shift_left3A_63, %add3A_83 : vector<16xi32>
      %gather3A = tpu.vector_load_idx %arg13[%add3A_81, %add3A_84] : memref<256x128xf32, #tpu.memory_space<vmem>>[vector<16xi32>, vector<16xi32>], vector<16xf32>,
      %add3A_85 = arith.constant 0 : i32
      %add3A_86 = vector.broadcast %add3A_85 : i32 to vector<16xi32>
      %add3A_87 = arith.addi %shift_left3A_69, %add3A_86 : vector<16xi32>
      %gather3A_88 = tpu.vector_load_idx %arg14[%add3A_81, %add3A_87] : memref<256x128xf32, #tpu.memory_space<vmem>>[vector<16xi32>, vector<16xi32>], vector<16xf32>,
      %add3A_89 = arith.constant 0 : i32
      %add3A_90 = vector.broadcast %add3A_89 : i32 to vector<16xi32>
      %add3A_91 = arith.addi %shift_left3A_77, %add3A_90 : vector<16xi32>
      %gather3A_92 = tpu.vector_load_idx %arg15[%shift_right_logical3A_71, %add3A_91] : memref<50x128xf32, #tpu.memory_space<vmem>>[vector<16xi32>, vector<16xi32>], vector<16xf32>,
      %add3A_93 = arith.addf %gather3A, %gather3A_92 : vector<16xf32>
      %sub3A = arith.subf %add3A_93, %gather3A_88 : vector<16xf32>
      %abs3A = math.absf %sub3A : vector<16xf32>
      %swap3A = arith.constant 0 : i32
      %swap3A_94 = arith.index_cast %swap3A : i32 to index
      %swap3A_95 = arith.index_cast %mul3A_54 : i32 to index
      %swap3A_96 = tpu.vector_load %arg16[%swap3A_94, %swap3A_95] {strides = array<i32>} : memref<64x256xf32, #tpu.memory_space<vmem>>, vector<16xf32>,
      tpu.vector_store %arg16[%swap3A_94, %swap3A_95], %abs3A {strides = array<i32>} : memref<64x256xf32, #tpu.memory_space<vmem>>, vector<16xf32>,
      %add3A_97 = arith.constant 1 : i32
      %add3A_98 = vector.broadcast %add3A_97 : i32 to vector<16xi32>
      %add3A_99 = arith.addi %shift_left3A_63, %add3A_98 : vector<16xi32>
      %gather3A_100 = tpu.vector_load_idx %arg13[%add3A_81, %add3A_99] : memref<256x128xf32, #tpu.memory_space<vmem>>[vector<16xi32>, vector<16xi32>], vector<16xf32>,
      %add3A_101 = arith.constant 1 : i32
      %add3A_102 = vector.broadcast %add3A_101 : i32 to vector<16xi32>
      %add3A_103 = arith.addi %shift_left3A_69, %add3A_102 : vector<16xi32>
      %gather3A_104 = tpu.vector_load_idx %arg14[%add3A_81, %add3A_103] : memref<256x128xf32, #tpu.memory_space<vmem>>[vector<16xi32>, vector<16xi32>], vector<16xf32>,
      %add3A_105 = arith.constant 1 : i32
      %add3A_106 = vector.broadcast %add3A_105 : i32 to vector<16xi32>
      %add3A_107 = arith.addi %shift_left3A_77, %add3A_106 : vector<16xi32>
      %gather3A_108 = tpu.vector_load_idx %arg15[%shift_right_logical3A_71, %add3A_107] : memref<50x128xf32, #tpu.memory_space<vmem>>[vector<16xi32>, vector<16xi32>], vector<16xf32>,
      %add3A_109 = arith.addf %gather3A_100, %gather3A_108 : vector<16xf32>
      %sub3A_110 = arith.subf %add3A_109, %gather3A_104 : vector<16xf32>
      %abs3A_111 = math.absf %sub3A_110 : vector<16xf32>
      %swap3A_112 = arith.constant 1 : i32
      %swap3A_113 = arith.index_cast %swap3A_112 : i32 to index
      %swap3A_114 = arith.index_cast %mul3A_54 : i32 to index
      %swap3A_115 = tpu.vector_load %arg16[%swap3A_113, %swap3A_114] {strides = array<i32>} : memref<64x256xf32, #tpu.memory_space<vmem>>, vector<16xf32>,
      tpu.vector_store %arg16[%swap3A_113, %swap3A_114], %abs3A_111 {strides = array<i32>} : memref<64x256xf32, #tpu.memory_space<vmem>>, vector<16xf32>,
      %add3A_116 = arith.constant 2 : i32
      %add3A_117 = vector.broadcast %add3A_116 : i32 to vector<16xi32>
      %add3A_118 = arith.addi %shift_left3A_63, %add3A_117 : vector<16xi32>
      %gather3A_119 = tpu.vector_load_idx %arg13[%add3A_81, %add3A_118] : memref<256x128xf32, #tpu.memory_space<vmem>>[vector<16xi32>, vector<16xi32>], vector<16xf32>,
      %add3A_120 = arith.constant 2 : i32
      %add3A_121 = vector.broadcast %add3A_120 : i32 to vector<16xi32>
      %add3A_122 = arith.addi %shift_left3A_69, %add3A_121 : vector<16xi32>
      %gather3A_123 = tpu.vector_load_idx %arg14[%add3A_81, %add3A_122] : memref<256x128xf32, #tpu.memory_space<vmem>>[vector<16xi32>, vector<16xi32>], vector<16xf32>,
      %add3A_124 = arith.constant 2 : i32
      %add3A_125 = vector.broadcast %add3A_124 : i32 to vector<16xi32>
      %add3A_126 = arith.addi %shift_left3A_77, %add3A_125 : vector<16xi32>
      %gather3A_127 = tpu.vector_load_idx %arg15[%shift_right_logical3A_71, %add3A_126] : memref<50x128xf32, #tpu.memory_space<vmem>>[vector<16xi32>, vector<16xi32>], vector<16xf32>,
      %add3A_128 = arith.addf %gather3A_119, %gather3A_127 : vector<16xf32>
      %sub3A_129 = arith.subf %add3A_128, %gather3A_123 : vector<16xf32>
      %abs3A_130 = math.absf %sub3A_129 : vector<16xf32>
      %swap3A_131 = arith.constant 2 : i32
      %swap3A_132 = arith.index_cast %swap3A_131 : i32 to index
      %swap3A_133 = arith.index_cast %mul3A_54 : i32 to index
      %swap3A_134 = tpu.vector_load %arg16[%swap3A_132, %swap3A_133] {strides = array<i32>} : memref<64x256xf32, #tpu.memory_space<vmem>>, vector<16xf32>,
      tpu.vector_store %arg16[%swap3A_132, %swap3A_133], %abs3A_130 {strides = array<i32>} : memref<64x256xf32, #tpu.memory_space<vmem>>, vector<16xf32>,
      %add3A_135 = arith.constant 3 : i32
      %add3A_136 = vector.broadcast %add3A_135 : i32 to vector<16xi32>
      %add3A_137 = arith.addi %shift_left3A_63, %add3A_136 : vector<16xi32>
      %gather3A_138 = tpu.vector_load_idx %arg13[%add3A_81, %add3A_137] : memref<256x128xf32, #tpu.memory_space<vmem>>[vector<16xi32>, vector<16xi32>], vector<16xf32>,
      %add3A_139 = arith.constant 3 : i32
      %add3A_140 = vector.broadcast %add3A_139 : i32 to vector<16xi32>
      %add3A_141 = arith.addi %shift_left3A_69, %add3A_140 : vector<16xi32>
      %gather3A_142 = tpu.vector_load_idx %arg14[%add3A_81, %add3A_141] : memref<256x128xf32, #tpu.memory_space<vmem>>[vector<16xi32>, vector<16xi32>], vector<16xf32>,
      %add3A_143 = arith.constant 3 : i32
      %add3A_144 = vector.broadcast %add3A_143 : i32 to vector<16xi32>
      %add3A_145 = arith.addi %shift_left3A_77, %add3A_144 : vector<16xi32>
      %gather3A_146 = tpu.vector_load_idx %arg15[%shift_right_logical3A_71, %add3A_145] : memref<50x128xf32, #tpu.memory_space<vmem>>[vector<16xi32>, vector<16xi32>], vector<16xf32>,
      %add3A_147 = arith.addf %gather3A_138, %gather3A_146 : vector<16xf32>
      %sub3A_148 = arith.subf %add3A_147, %gather3A_142 : vector<16xf32>
      %abs3A_149 = math.absf %sub3A_148 : vector<16xf32>
      %swap3A_150 = arith.constant 3 : i32
      %swap3A_151 = arith.index_cast %swap3A_150 : i32 to index
      %swap3A_152 = arith.index_cast %mul3A_54 : i32 to index
      %swap3A_153 = tpu.vector_load %arg16[%swap3A_151, %swap3A_152] {strides = array<i32>} : memref<64x256xf32, #tpu.memory_space<vmem>>, vector<16xf32>,
      tpu.vector_store %arg16[%swap3A_151, %swap3A_152], %abs3A_149 {strides = array<i32>} : memref<64x256xf32, #tpu.memory_space<vmem>>, vector<16xf32>,
      %add3A_154 = arith.constant 4 : i32
      %add3A_155 = vector.broadcast %add3A_154 : i32 to vector<16xi32>
      %add3A_156 = arith.addi %shift_left3A_63, %add3A_155 : vector<16xi32>
      %gather3A_157 = tpu.vector_load_idx %arg13[%add3A_81, %add3A_156] : memref<256x128xf32, #tpu.memory_space<vmem>>[vector<16xi32>, vector<16xi32>], vector<16xf32>,
      %add3A_158 = arith.constant 4 : i32
      %add3A_159 = vector.broadcast %add3A_158 : i32 to vector<16xi32>
      %add3A_160 = arith.addi %shift_left3A_69, %add3A_159 : vector<16xi32>
      %gather3A_161 = tpu.vector_load_idx %arg14[%add3A_81, %add3A_160] : memref<256x128xf32, #tpu.memory_space<vmem>>[vector<16xi32>, vector<16xi32>], vector<16xf32>,
      %add3A_162 = arith.constant 4 : i32
      %add3A_163 = vector.broadcast %add3A_162 : i32 to vector<16xi32>
      %add3A_164 = arith.addi %shift_left3A_77, %add3A_163 : vector<16xi32>
      %gather3A_165 = tpu.vector_load_idx %arg15[%shift_right_logical3A_71, %add3A_164] : memref<50x128xf32, #tpu.memory_space<vmem>>[vector<16xi32>, vector<16xi32>], vector<16xf32>,
      %add3A_166 = arith.addf %gather3A_157, %gather3A_165 : vector<16xf32>
      %sub3A_167 = arith.subf %add3A_166, %gather3A_161 : vector<16xf32>
      %abs3A_168 = math.absf %sub3A_167 : vector<16xf32>
      %swap3A_169 = arith.constant 4 : i32
      %swap3A_170 = arith.index_cast %swap3A_169 : i32 to index
      %swap3A_171 = arith.index_cast %mul3A_54 : i32 to index
      %swap3A_172 = tpu.vector_load %arg16[%swap3A_170, %swap3A_171] {strides = array<i32>} : memref<64x256xf32, #tpu.memory_space<vmem>>, vector<16xf32>,
      tpu.vector_store %arg16[%swap3A_170, %swap3A_171], %abs3A_168 {strides = array<i32>} : memref<64x256xf32, #tpu.memory_space<vmem>>, vector<16xf32>,
      %add3A_173 = arith.constant 5 : i32
      %add3A_174 = vector.broadcast %add3A_173 : i32 to vector<16xi32>
      %add3A_175 = arith.addi %shift_left3A_63, %add3A_174 : vector<16xi32>
      %gather3A_176 = tpu.vector_load_idx %arg13[%add3A_81, %add3A_175] : memref<256x128xf32, #tpu.memory_space<vmem>>[vector<16xi32>, vector<16xi32>], vector<16xf32>,
      %add3A_177 = arith.constant 5 : i32
      %add3A_178 = vector.broadcast %add3A_177 : i32 to vector<16xi32>
      %add3A_179 = arith.addi %shift_left3A_69, %add3A_178 : vector<16xi32>
      %gather3A_180 = tpu.vector_load_idx %arg14[%add3A_81, %add3A_179] : memref<256x128xf32, #tpu.memory_space<vmem>>[vector<16xi32>, vector<16xi32>], vector<16xf32>,
      %add3A_181 = arith.constant 5 : i32
      %add3A_182 = vector.broadcast %add3A_181 : i32 to vector<16xi32>
      %add3A_183 = arith.addi %shift_left3A_77, %add3A_182 : vector<16xi32>
      %gather3A_184 = tpu.vector_load_idx %arg15[%shift_right_logical3A_71, %add3A_183] : memref<50x128xf32, #tpu.memory_space<vmem>>[vector<16xi32>, vector<16xi32>], vector<16xf32>,
      %add3A_185 = arith.addf %gather3A_176, %gather3A_184 : vector<16xf32>
      %sub3A_186 = arith.subf %add3A_185, %gather3A_180 : vector<16xf32>
      %abs3A_187 = math.absf %sub3A_186 : vector<16xf32>
      %swap3A_188 = arith.constant 5 : i32
      %swap3A_189 = arith.index_cast %swap3A_188 : i32 to index
      %swap3A_190 = arith.index_cast %mul3A_54 : i32 to index
      %swap3A_191 = tpu.vector_load %arg16[%swap3A_189, %swap3A_190] {strides = array<i32>} : memref<64x256xf32, #tpu.memory_space<vmem>>, vector<16xf32>,
      tpu.vector_store %arg16[%swap3A_189, %swap3A_190], %abs3A_187 {strides = array<i32>} : memref<64x256xf32, #tpu.memory_space<vmem>>, vector<16xf32>,
      %add3A_192 = arith.constant 6 : i32
      %add3A_193 = vector.broadcast %add3A_192 : i32 to vector<16xi32>
      %add3A_194 = arith.addi %shift_left3A_63, %add3A_193 : vector<16xi32>
      %gather3A_195 = tpu.vector_load_idx %arg13[%add3A_81, %add3A_194] : memref<256x128xf32, #tpu.memory_space<vmem>>[vector<16xi32>, vector<16xi32>], vector<16xf32>,
      %add3A_196 = arith.constant 6 : i32
      %add3A_197 = vector.broadcast %add3A_196 : i32 to vector<16xi32>
      %add3A_198 = arith.addi %shift_left3A_69, %add3A_197 : vector<16xi32>
      %gather3A_199 = tpu.vector_load_idx %arg14[%add3A_81, %add3A_198] : memref<256x128xf32, #tpu.memory_space<vmem>>[vector<16xi32>, vector<16xi32>], vector<16xf32>,
      %add3A_200 = arith.constant 6 : i32
      %add3A_201 = vector.broadcast %add3A_200 : i32 to vector<16xi32>
      %add3A_202 = arith.addi %shift_left3A_77, %add3A_201 : vector<16xi32>
      %gather3A_203 = tpu.vector_load_idx %arg15[%shift_right_logical3A_71, %add3A_202] : memref<50x128xf32, #tpu.memory_space<vmem>>[vector<16xi32>, vector<16xi32>], vector<16xf32>,
      %add3A_204 = arith.addf %gather3A_195, %gather3A_203 : vector<16xf32>
      %sub3A_205 = arith.subf %add3A_204, %gather3A_199 : vector<16xf32>
      %abs3A_206 = math.absf %sub3A_205 : vector<16xf32>
      %swap3A_207 = arith.constant 6 : i32
      %swap3A_208 = arith.index_cast %swap3A_207 : i32 to index
      %swap3A_209 = arith.index_cast %mul3A_54 : i32 to index
      %swap3A_210 = tpu.vector_load %arg16[%swap3A_208, %swap3A_209] {strides = array<i32>} : memref<64x256xf32, #tpu.memory_space<vmem>>, vector<16xf32>,
      tpu.vector_store %arg16[%swap3A_208, %swap3A_209], %abs3A_206 {strides = array<i32>} : memref<64x256xf32, #tpu.memory_space<vmem>>, vector<16xf32>,
      %add3A_211 = arith.constant 7 : i32
      %add3A_212 = vector.broadcast %add3A_211 : i32 to vector<16xi32>
      %add3A_213 = arith.addi %shift_left3A_63, %add3A_212 : vector<16xi32>
      %gather3A_214 = tpu.vector_load_idx %arg13[%add3A_81, %add3A_213] : memref<256x128xf32, #tpu.memory_space<vmem>>[vector<16xi32>, vector<16xi32>], vector<16xf32>,
      %add3A_215 = arith.constant 7 : i32
      %add3A_216 = vector.broadcast %add3A_215 : i32 to vector<16xi32>
      %add3A_217 = arith.addi %shift_left3A_69, %add3A_216 : vector<16xi32>
      %gather3A_218 = tpu.vector_load_idx %arg14[%add3A_81, %add3A_217] : memref<256x128xf32, #tpu.memory_space<vmem>>[vector<16xi32>, vector<16xi32>], vector<16xf32>,
      %add3A_219 = arith.constant 7 : i32
      %add3A_220 = vector.broadcast %add3A_219 : i32 to vector<16xi32>
      %add3A_221 = arith.addi %shift_left3A_77, %add3A_220 : vector<16xi32>
      %gather3A_222 = tpu.vector_load_idx %arg15[%shift_right_logical3A_71, %add3A_221] : memref<50x128xf32, #tpu.memory_space<vmem>>[vector<16xi32>, vector<16xi32>], vector<16xf32>,
      %add3A_223 = arith.addf %gather3A_214, %gather3A_222 : vector<16xf32>
      %sub3A_224 = arith.subf %add3A_223, %gather3A_218 : vector<16xf32>
      %abs3A_225 = math.absf %sub3A_224 : vector<16xf32>
      %swap3A_226 = arith.constant 7 : i32
      %swap3A_227 = arith.index_cast %swap3A_226 : i32 to index
      %swap3A_228 = arith.index_cast %mul3A_54 : i32 to index
      %swap3A_229 = tpu.vector_load %arg16[%swap3A_227, %swap3A_228] {strides = array<i32>} : memref<64x256xf32, #tpu.memory_space<vmem>>, vector<16xf32>,
      tpu.vector_store %arg16[%swap3A_227, %swap3A_228], %abs3A_225 {strides = array<i32>} : memref<64x256xf32, #tpu.memory_space<vmem>>, vector<16xf32>,
      %add3A_230 = arith.constant 8 : i32
      %add3A_231 = vector.broadcast %add3A_230 : i32 to vector<16xi32>
      %add3A_232 = arith.addi %shift_left3A_63, %add3A_231 : vector<16xi32>
      %gather3A_233 = tpu.vector_load_idx %arg13[%add3A_81, %add3A_232] : memref<256x128xf32, #tpu.memory_space<vmem>>[vector<16xi32>, vector<16xi32>], vector<16xf32>,
      %add3A_234 = arith.constant 8 : i32
      %add3A_235 = vector.broadcast %add3A_234 : i32 to vector<16xi32>
      %add3A_236 = arith.addi %shift_left3A_69, %add3A_235 : vector<16xi32>
      %gather3A_237 = tpu.vector_load_idx %arg14[%add3A_81, %add3A_236] : memref<256x128xf32, #tpu.memory_space<vmem>>[vector<16xi32>, vector<16xi32>], vector<16xf32>,
      %add3A_238 = arith.constant 8 : i32
      %add3A_239 = vector.broadcast %add3A_238 : i32 to vector<16xi32>
      %add3A_240 = arith.addi %shift_left3A_77, %add3A_239 : vector<16xi32>
      %gather3A_241 = tpu.vector_load_idx %arg15[%shift_right_logical3A_71, %add3A_240] : memref<50x128xf32, #tpu.memory_space<vmem>>[vector<16xi32>, vector<16xi32>], vector<16xf32>,
      %add3A_242 = arith.addf %gather3A_233, %gather3A_241 : vector<16xf32>
      %sub3A_243 = arith.subf %add3A_242, %gather3A_237 : vector<16xf32>
      %abs3A_244 = math.absf %sub3A_243 : vector<16xf32>
      %swap3A_245 = arith.constant 8 : i32
      %swap3A_246 = arith.index_cast %swap3A_245 : i32 to index
      %swap3A_247 = arith.index_cast %mul3A_54 : i32 to index
      %swap3A_248 = tpu.vector_load %arg16[%swap3A_246, %swap3A_247] {strides = array<i32>} : memref<64x256xf32, #tpu.memory_space<vmem>>, vector<16xf32>,
      tpu.vector_store %arg16[%swap3A_246, %swap3A_247], %abs3A_244 {strides = array<i32>} : memref<64x256xf32, #tpu.memory_space<vmem>>, vector<16xf32>,
      %add3A_249 = arith.constant 9 : i32
      %add3A_250 = vector.broadcast %add3A_249 : i32 to vector<16xi32>
      %add3A_251 = arith.addi %shift_left3A_63, %add3A_250 : vector<16xi32>
      %gather3A_252 = tpu.vector_load_idx %arg13[%add3A_81, %add3A_251] : memref<256x128xf32, #tpu.memory_space<vmem>>[vector<16xi32>, vector<16xi32>], vector<16xf32>,
      %add3A_253 = arith.constant 9 : i32
      %add3A_254 = vector.broadcast %add3A_253 : i32 to vector<16xi32>
      %add3A_255 = arith.addi %shift_left3A_69, %add3A_254 : vector<16xi32>
      %gather3A_256 = tpu.vector_load_idx %arg14[%add3A_81, %add3A_255] : memref<256x128xf32, #tpu.memory_space<vmem>>[vector<16xi32>, vector<16xi32>], vector<16xf32>,
      %add3A_257 = arith.constant 9 : i32
      %add3A_258 = vector.broadcast %add3A_257 : i32 to vector<16xi32>
      %add3A_259 = arith.addi %shift_left3A_77, %add3A_258 : vector<16xi32>
      %gather3A_260 = tpu.vector_load_idx %arg15[%shift_right_logical3A_71, %add3A_259] : memref<50x128xf32, #tpu.memory_space<vmem>>[vector<16xi32>, vector<16xi32>], vector<16xf32>,
      %add3A_261 = arith.addf %gather3A_252, %gather3A_260 : vector<16xf32>
      %sub3A_262 = arith.subf %add3A_261, %gather3A_256 : vector<16xf32>
      %abs3A_263 = math.absf %sub3A_262 : vector<16xf32>
      %swap3A_264 = arith.constant 9 : i32
      %swap3A_265 = arith.index_cast %swap3A_264 : i32 to index
      %swap3A_266 = arith.index_cast %mul3A_54 : i32 to index
      %swap3A_267 = tpu.vector_load %arg16[%swap3A_265, %swap3A_266] {strides = array<i32>} : memref<64x256xf32, #tpu.memory_space<vmem>>, vector<16xf32>,
      tpu.vector_store %arg16[%swap3A_265, %swap3A_266], %abs3A_263 {strides = array<i32>} : memref<64x256xf32, #tpu.memory_space<vmem>>, vector<16xf32>,
      %add3A_268 = arith.constant 10 : i32
      %add3A_269 = vector.broadcast %add3A_268 : i32 to vector<16xi32>
      %add3A_270 = arith.addi %shift_left3A_63, %add3A_269 : vector<16xi32>
      %gather3A_271 = tpu.vector_load_idx %arg13[%add3A_81, %add3A_270] : memref<256x128xf32, #tpu.memory_space<vmem>>[vector<16xi32>, vector<16xi32>], vector<16xf32>,
      %add3A_272 = arith.constant 10 : i32
      %add3A_273 = vector.broadcast %add3A_272 : i32 to vector<16xi32>
      %add3A_274 = arith.addi %shift_left3A_69, %add3A_273 : vector<16xi32>
      %gather3A_275 = tpu.vector_load_idx %arg14[%add3A_81, %add3A_274] : memref<256x128xf32, #tpu.memory_space<vmem>>[vector<16xi32>, vector<16xi32>], vector<16xf32>,
      %add3A_276 = arith.constant 10 : i32
      %add3A_277 = vector.broadcast %add3A_276 : i32 to vector<16xi32>
      %add3A_278 = arith.addi %shift_left3A_77, %add3A_277 : vector<16xi32>
      %gather3A_279 = tpu.vector_load_idx %arg15[%shift_right_logical3A_71, %add3A_278] : memref<50x128xf32, #tpu.memory_space<vmem>>[vector<16xi32>, vector<16xi32>], vector<16xf32>,
      %add3A_280 = arith.addf %gather3A_271, %gather3A_279 : vector<16xf32>
      %sub3A_281 = arith.subf %add3A_280, %gather3A_275 : vector<16xf32>
      %abs3A_282 = math.absf %sub3A_281 : vector<16xf32>
      %swap3A_283 = arith.constant 10 : i32
      %swap3A_284 = arith.index_cast %swap3A_283 : i32 to index
      %swap3A_285 = arith.index_cast %mul3A_54 : i32 to index
      %swap3A_286 = tpu.vector_load %arg16[%swap3A_284, %swap3A_285] {strides = array<i32>} : memref<64x256xf32, #tpu.memory_space<vmem>>, vector<16xf32>,
      tpu.vector_store %arg16[%swap3A_284, %swap3A_285], %abs3A_282 {strides = array<i32>} : memref<64x256xf32, #tpu.memory_space<vmem>>, vector<16xf32>,
      %add3A_287 = arith.constant 11 : i32
      %add3A_288 = vector.broadcast %add3A_287 : i32 to vector<16xi32>
      %add3A_289 = arith.addi %shift_left3A_63, %add3A_288 : vector<16xi32>
      %gather3A_290 = tpu.vector_load_idx %arg13[%add3A_81, %add3A_289] : memref<256x128xf32, #tpu.memory_space<vmem>>[vector<16xi32>, vector<16xi32>], vector<16xf32>,
      %add3A_291 = arith.constant 11 : i32
      %add3A_292 = vector.broadcast %add3A_291 : i32 to vector<16xi32>
      %add3A_293 = arith.addi %shift_left3A_69, %add3A_292 : vector<16xi32>
      %gather3A_294 = tpu.vector_load_idx %arg14[%add3A_81, %add3A_293] : memref<256x128xf32, #tpu.memory_space<vmem>>[vector<16xi32>, vector<16xi32>], vector<16xf32>,
      %add3A_295 = arith.constant 11 : i32
      %add3A_296 = vector.broadcast %add3A_295 : i32 to vector<16xi32>
      %add3A_297 = arith.addi %shift_left3A_77, %add3A_296 : vector<16xi32>
      %gather3A_298 = tpu.vector_load_idx %arg15[%shift_right_logical3A_71, %add3A_297] : memref<50x128xf32, #tpu.memory_space<vmem>>[vector<16xi32>, vector<16xi32>], vector<16xf32>,
      %add3A_299 = arith.addf %gather3A_290, %gather3A_298 : vector<16xf32>
      %sub3A_300 = arith.subf %add3A_299, %gather3A_294 : vector<16xf32>
      %abs3A_301 = math.absf %sub3A_300 : vector<16xf32>
      %swap3A_302 = arith.constant 11 : i32
      %swap3A_303 = arith.index_cast %swap3A_302 : i32 to index
      %swap3A_304 = arith.index_cast %mul3A_54 : i32 to index
      %swap3A_305 = tpu.vector_load %arg16[%swap3A_303, %swap3A_304] {strides = array<i32>} : memref<64x256xf32, #tpu.memory_space<vmem>>, vector<16xf32>,
      tpu.vector_store %arg16[%swap3A_303, %swap3A_304], %abs3A_301 {strides = array<i32>} : memref<64x256xf32, #tpu.memory_space<vmem>>, vector<16xf32>,
      %add3A_306 = arith.constant 12 : i32
      %add3A_307 = vector.broadcast %add3A_306 : i32 to vector<16xi32>
      %add3A_308 = arith.addi %shift_left3A_63, %add3A_307 : vector<16xi32>
      %gather3A_309 = tpu.vector_load_idx %arg13[%add3A_81, %add3A_308] : memref<256x128xf32, #tpu.memory_space<vmem>>[vector<16xi32>, vector<16xi32>], vector<16xf32>,
      %add3A_310 = arith.constant 12 : i32
      %add3A_311 = vector.broadcast %add3A_310 : i32 to vector<16xi32>
      %add3A_312 = arith.addi %shift_left3A_69, %add3A_311 : vector<16xi32>
      %gather3A_313 = tpu.vector_load_idx %arg14[%add3A_81, %add3A_312] : memref<256x128xf32, #tpu.memory_space<vmem>>[vector<16xi32>, vector<16xi32>], vector<16xf32>,
      %add3A_314 = arith.constant 12 : i32
      %add3A_315 = vector.broadcast %add3A_314 : i32 to vector<16xi32>
      %add3A_316 = arith.addi %shift_left3A_77, %add3A_315 : vector<16xi32>
      %gather3A_317 = tpu.vector_load_idx %arg15[%shift_right_logical3A_71, %add3A_316] : memref<50x128xf32, #tpu.memory_space<vmem>>[vector<16xi32>, vector<16xi32>], vector<16xf32>,
      %add3A_318 = arith.addf %gather3A_309, %gather3A_317 : vector<16xf32>
      %sub3A_319 = arith.subf %add3A_318, %gather3A_313 : vector<16xf32>
      %abs3A_320 = math.absf %sub3A_319 : vector<16xf32>
      %swap3A_321 = arith.constant 12 : i32
      %swap3A_322 = arith.index_cast %swap3A_321 : i32 to index
      %swap3A_323 = arith.index_cast %mul3A_54 : i32 to index
      %swap3A_324 = tpu.vector_load %arg16[%swap3A_322, %swap3A_323] {strides = array<i32>} : memref<64x256xf32, #tpu.memory_space<vmem>>, vector<16xf32>,
      tpu.vector_store %arg16[%swap3A_322, %swap3A_323], %abs3A_320 {strides = array<i32>} : memref<64x256xf32, #tpu.memory_space<vmem>>, vector<16xf32>,
      %add3A_325 = arith.constant 13 : i32
      %add3A_326 = vector.broadcast %add3A_325 : i32 to vector<16xi32>
      %add3A_327 = arith.addi %shift_left3A_63, %add3A_326 : vector<16xi32>
      %gather3A_328 = tpu.vector_load_idx %arg13[%add3A_81, %add3A_327] : memref<256x128xf32, #tpu.memory_space<vmem>>[vector<16xi32>, vector<16xi32>], vector<16xf32>,
      %add3A_329 = arith.constant 13 : i32
      %add3A_330 = vector.broadcast %add3A_329 : i32 to vector<16xi32>
      %add3A_331 = arith.addi %shift_left3A_69, %add3A_330 : vector<16xi32>
      %gather3A_332 = tpu.vector_load_idx %arg14[%add3A_81, %add3A_331] : memref<256x128xf32, #tpu.memory_space<vmem>>[vector<16xi32>, vector<16xi32>], vector<16xf32>,
      %add3A_333 = arith.constant 13 : i32
      %add3A_334 = vector.broadcast %add3A_333 : i32 to vector<16xi32>
      %add3A_335 = arith.addi %shift_left3A_77, %add3A_334 : vector<16xi32>
      %gather3A_336 = tpu.vector_load_idx %arg15[%shift_right_logical3A_71, %add3A_335] : memref<50x128xf32, #tpu.memory_space<vmem>>[vector<16xi32>, vector<16xi32>], vector<16xf32>,
      %add3A_337 = arith.addf %gather3A_328, %gather3A_336 : vector<16xf32>
      %sub3A_338 = arith.subf %add3A_337, %gather3A_332 : vector<16xf32>
      %abs3A_339 = math.absf %sub3A_338 : vector<16xf32>
      %swap3A_340 = arith.constant 13 : i32
      %swap3A_341 = arith.index_cast %swap3A_340 : i32 to index
      %swap3A_342 = arith.index_cast %mul3A_54 : i32 to index
      %swap3A_343 = tpu.vector_load %arg16[%swap3A_341, %swap3A_342] {strides = array<i32>} : memref<64x256xf32, #tpu.memory_space<vmem>>, vector<16xf32>,
      tpu.vector_store %arg16[%swap3A_341, %swap3A_342], %abs3A_339 {strides = array<i32>} : memref<64x256xf32, #tpu.memory_space<vmem>>, vector<16xf32>,
      %add3A_344 = arith.constant 14 : i32
      %add3A_345 = vector.broadcast %add3A_344 : i32 to vector<16xi32>
      %add3A_346 = arith.addi %shift_left3A_63, %add3A_345 : vector<16xi32>
      %gather3A_347 = tpu.vector_load_idx %arg13[%add3A_81, %add3A_346] : memref<256x128xf32, #tpu.memory_space<vmem>>[vector<16xi32>, vector<16xi32>], vector<16xf32>,
      %add3A_348 = arith.constant 14 : i32
      %add3A_349 = vector.broadcast %add3A_348 : i32 to vector<16xi32>
      %add3A_350 = arith.addi %shift_left3A_69, %add3A_349 : vector<16xi32>
      %gather3A_351 = tpu.vector_load_idx %arg14[%add3A_81, %add3A_350] : memref<256x128xf32, #tpu.memory_space<vmem>>[vector<16xi32>, vector<16xi32>], vector<16xf32>,
      %add3A_352 = arith.constant 14 : i32
      %add3A_353 = vector.broadcast %add3A_352 : i32 to vector<16xi32>
      %add3A_354 = arith.addi %shift_left3A_77, %add3A_353 : vector<16xi32>
      %gather3A_355 = tpu.vector_load_idx %arg15[%shift_right_logical3A_71, %add3A_354] : memref<50x128xf32, #tpu.memory_space<vmem>>[vector<16xi32>, vector<16xi32>], vector<16xf32>,
      %add3A_356 = arith.addf %gather3A_347, %gather3A_355 : vector<16xf32>
      %sub3A_357 = arith.subf %add3A_356, %gather3A_351 : vector<16xf32>
      %abs3A_358 = math.absf %sub3A_357 : vector<16xf32>
      %swap3A_359 = arith.constant 14 : i32
      %swap3A_360 = arith.index_cast %swap3A_359 : i32 to index
      %swap3A_361 = arith.index_cast %mul3A_54 : i32 to index
      %swap3A_362 = tpu.vector_load %arg16[%swap3A_360, %swap3A_361] {strides = array<i32>} : memref<64x256xf32, #tpu.memory_space<vmem>>, vector<16xf32>,
      tpu.vector_store %arg16[%swap3A_360, %swap3A_361], %abs3A_358 {strides = array<i32>} : memref<64x256xf32, #tpu.memory_space<vmem>>, vector<16xf32>,
      %add3A_363 = arith.constant 15 : i32
      %add3A_364 = vector.broadcast %add3A_363 : i32 to vector<16xi32>
      %add3A_365 = arith.addi %shift_left3A_63, %add3A_364 : vector<16xi32>
      %gather3A_366 = tpu.vector_load_idx %arg13[%add3A_81, %add3A_365] : memref<256x128xf32, #tpu.memory_space<vmem>>[vector<16xi32>, vector<16xi32>], vector<16xf32>,
      %add3A_367 = arith.constant 15 : i32
      %add3A_368 = vector.broadcast %add3A_367 : i32 to vector<16xi32>
      %add3A_369 = arith.addi %shift_left3A_69, %add3A_368 : vector<16xi32>
      %gather3A_370 = tpu.vector_load_idx %arg14[%add3A_81, %add3A_369] : memref<256x128xf32, #tpu.memory_space<vmem>>[vector<16xi32>, vector<16xi32>], vector<16xf32>,
      %add3A_371 = arith.constant 15 : i32
      %add3A_372 = vector.broadcast %add3A_371 : i32 to vector<16xi32>
      %add3A_373 = arith.addi %shift_left3A_77, %add3A_372 : vector<16xi32>
      %gather3A_374 = tpu.vector_load_idx %arg15[%shift_right_logical3A_71, %add3A_373] : memref<50x128xf32, #tpu.memory_space<vmem>>[vector<16xi32>, vector<16xi32>], vector<16xf32>,
      %add3A_375 = arith.addf %gather3A_366, %gather3A_374 : vector<16xf32>
      %sub3A_376 = arith.subf %add3A_375, %gather3A_370 : vector<16xf32>
      %abs3A_377 = math.absf %sub3A_376 : vector<16xf32>
      %swap3A_378 = arith.constant 15 : i32
      %swap3A_379 = arith.index_cast %swap3A_378 : i32 to index
      %swap3A_380 = arith.index_cast %mul3A_54 : i32 to index
      %swap3A_381 = tpu.vector_load %arg16[%swap3A_379, %swap3A_380] {strides = array<i32>} : memref<64x256xf32, #tpu.memory_space<vmem>>, vector<16xf32>,
      tpu.vector_store %arg16[%swap3A_379, %swap3A_380], %abs3A_377 {strides = array<i32>} : memref<64x256xf32, #tpu.memory_space<vmem>>, vector<16xf32>,
      %add3A_382 = arith.constant 16 : i32
      %add3A_383 = vector.broadcast %add3A_382 : i32 to vector<16xi32>
      %add3A_384 = arith.addi %shift_left3A_63, %add3A_383 : vector<16xi32>
      %gather3A_385 = tpu.vector_load_idx %arg13[%add3A_81, %add3A_384] : memref<256x128xf32, #tpu.memory_space<vmem>>[vector<16xi32>, vector<16xi32>], vector<16xf32>,
      %add3A_386 = arith.constant 16 : i32
      %add3A_387 = vector.broadcast %add3A_386 : i32 to vector<16xi32>
      %add3A_388 = arith.addi %shift_left3A_69, %add3A_387 : vector<16xi32>
      %gather3A_389 = tpu.vector_load_idx %arg14[%add3A_81, %add3A_388] : memref<256x128xf32, #tpu.memory_space<vmem>>[vector<16xi32>, vector<16xi32>], vector<16xf32>,
      %add3A_390 = arith.constant 16 : i32
      %add3A_391 = vector.broadcast %add3A_390 : i32 to vector<16xi32>
      %add3A_392 = arith.addi %shift_left3A_77, %add3A_391 : vector<16xi32>
      %gather3A_393 = tpu.vector_load_idx %arg15[%shift_right_logical3A_71, %add3A_392] : memref<50x128xf32, #tpu.memory_space<vmem>>[vector<16xi32>, vector<16xi32>], vector<16xf32>,
      %add3A_394 = arith.addf %gather3A_385, %gather3A_393 : vector<16xf32>
      %sub3A_395 = arith.subf %add3A_394, %gather3A_389 : vector<16xf32>
      %abs3A_396 = math.absf %sub3A_395 : vector<16xf32>
      %swap3A_397 = arith.constant 16 : i32
      %swap3A_398 = arith.index_cast %swap3A_397 : i32 to index
      %swap3A_399 = arith.index_cast %mul3A_54 : i32 to index
      %swap3A_400 = tpu.vector_load %arg16[%swap3A_398, %swap3A_399] {strides = array<i32>} : memref<64x256xf32, #tpu.memory_space<vmem>>, vector<16xf32>,
      tpu.vector_store %arg16[%swap3A_398, %swap3A_399], %abs3A_396 {strides = array<i32>} : memref<64x256xf32, #tpu.memory_space<vmem>>, vector<16xf32>,
      %add3A_401 = arith.constant 17 : i32
      %add3A_402 = vector.broadcast %add3A_401 : i32 to vector<16xi32>
      %add3A_403 = arith.addi %shift_left3A_63, %add3A_402 : vector<16xi32>
      %gather3A_404 = tpu.vector_load_idx %arg13[%add3A_81, %add3A_403] : memref<256x128xf32, #tpu.memory_space<vmem>>[vector<16xi32>, vector<16xi32>], vector<16xf32>,
      %add3A_405 = arith.constant 17 : i32
      %add3A_406 = vector.broadcast %add3A_405 : i32 to vector<16xi32>
      %add3A_407 = arith.addi %shift_left3A_69, %add3A_406 : vector<16xi32>
      %gather3A_408 = tpu.vector_load_idx %arg14[%add3A_81, %add3A_407] : memref<256x128xf32, #tpu.memory_space<vmem>>[vector<16xi32>, vector<16xi32>], vector<16xf32>,
      %add3A_409 = arith.constant 17 : i32
      %add3A_410 = vector.broadcast %add3A_409 : i32 to vector<16xi32>
      %add3A_411 = arith.addi %shift_left3A_77, %add3A_410 : vector<16xi32>
      %gather3A_412 = tpu.vector_load_idx %arg15[%shift_right_logical3A_71, %add3A_411] : memref<50x128xf32, #tpu.memory_space<vmem>>[vector<16xi32>, vector<16xi32>], vector<16xf32>,
      %add3A_413 = arith.addf %gather3A_404, %gather3A_412 : vector<16xf32>
      %sub3A_414 = arith.subf %add3A_413, %gather3A_408 : vector<16xf32>
      %abs3A_415 = math.absf %sub3A_414 : vector<16xf32>
      %swap3A_416 = arith.constant 17 : i32
      %swap3A_417 = arith.index_cast %swap3A_416 : i32 to index
      %swap3A_418 = arith.index_cast %mul3A_54 : i32 to index
      %swap3A_419 = tpu.vector_load %arg16[%swap3A_417, %swap3A_418] {strides = array<i32>} : memref<64x256xf32, #tpu.memory_space<vmem>>, vector<16xf32>,
      tpu.vector_store %arg16[%swap3A_417, %swap3A_418], %abs3A_415 {strides = array<i32>} : memref<64x256xf32, #tpu.memory_space<vmem>>, vector<16xf32>,
      %add3A_420 = arith.constant 18 : i32
      %add3A_421 = vector.broadcast %add3A_420 : i32 to vector<16xi32>
      %add3A_422 = arith.addi %shift_left3A_63, %add3A_421 : vector<16xi32>
      %gather3A_423 = tpu.vector_load_idx %arg13[%add3A_81, %add3A_422] : memref<256x128xf32, #tpu.memory_space<vmem>>[vector<16xi32>, vector<16xi32>], vector<16xf32>,
      %add3A_424 = arith.constant 18 : i32
      %add3A_425 = vector.broadcast %add3A_424 : i32 to vector<16xi32>
      %add3A_426 = arith.addi %shift_left3A_69, %add3A_425 : vector<16xi32>
      %gather3A_427 = tpu.vector_load_idx %arg14[%add3A_81, %add3A_426] : memref<256x128xf32, #tpu.memory_space<vmem>>[vector<16xi32>, vector<16xi32>], vector<16xf32>,
      %add3A_428 = arith.constant 18 : i32
      %add3A_429 = vector.broadcast %add3A_428 : i32 to vector<16xi32>
      %add3A_430 = arith.addi %shift_left3A_77, %add3A_429 : vector<16xi32>
      %gather3A_431 = tpu.vector_load_idx %arg15[%shift_right_logical3A_71, %add3A_430] : memref<50x128xf32, #tpu.memory_space<vmem>>[vector<16xi32>, vector<16xi32>], vector<16xf32>,
      %add3A_432 = arith.addf %gather3A_423, %gather3A_431 : vector<16xf32>
      %sub3A_433 = arith.subf %add3A_432, %gather3A_427 : vector<16xf32>
      %abs3A_434 = math.absf %sub3A_433 : vector<16xf32>
      %swap3A_435 = arith.constant 18 : i32
      %swap3A_436 = arith.index_cast %swap3A_435 : i32 to index
      %swap3A_437 = arith.index_cast %mul3A_54 : i32 to index
      %swap3A_438 = tpu.vector_load %arg16[%swap3A_436, %swap3A_437] {strides = array<i32>} : memref<64x256xf32, #tpu.memory_space<vmem>>, vector<16xf32>,
      tpu.vector_store %arg16[%swap3A_436, %swap3A_437], %abs3A_434 {strides = array<i32>} : memref<64x256xf32, #tpu.memory_space<vmem>>, vector<16xf32>,
      %add3A_439 = arith.constant 19 : i32
      %add3A_440 = vector.broadcast %add3A_439 : i32 to vector<16xi32>
      %add3A_441 = arith.addi %shift_left3A_63, %add3A_440 : vector<16xi32>
      %gather3A_442 = tpu.vector_load_idx %arg13[%add3A_81, %add3A_441] : memref<256x128xf32, #tpu.memory_space<vmem>>[vector<16xi32>, vector<16xi32>], vector<16xf32>,
      %add3A_443 = arith.constant 19 : i32
      %add3A_444 = vector.broadcast %add3A_443 : i32 to vector<16xi32>
      %add3A_445 = arith.addi %shift_left3A_69, %add3A_444 : vector<16xi32>
      %gather3A_446 = tpu.vector_load_idx %arg14[%add3A_81, %add3A_445] : memref<256x128xf32, #tpu.memory_space<vmem>>[vector<16xi32>, vector<16xi32>], vector<16xf32>,
      %add3A_447 = arith.constant 19 : i32
      %add3A_448 = vector.broadcast %add3A_447 : i32 to vector<16xi32>
      %add3A_449 = arith.addi %shift_left3A_77, %add3A_448 : vector<16xi32>
      %gather3A_450 = tpu.vector_load_idx %arg15[%shift_right_logical3A_71, %add3A_449] : memref<50x128xf32, #tpu.memory_space<vmem>>[vector<16xi32>, vector<16xi32>], vector<16xf32>,
      %add3A_451 = arith.addf %gather3A_442, %gather3A_450 : vector<16xf32>
      %sub3A_452 = arith.subf %add3A_451, %gather3A_446 : vector<16xf32>
      %abs3A_453 = math.absf %sub3A_452 : vector<16xf32>
      %swap3A_454 = arith.constant 19 : i32
      %swap3A_455 = arith.index_cast %swap3A_454 : i32 to index
      %swap3A_456 = arith.index_cast %mul3A_54 : i32 to index
      %swap3A_457 = tpu.vector_load %arg16[%swap3A_455, %swap3A_456] {strides = array<i32>} : memref<64x256xf32, #tpu.memory_space<vmem>>, vector<16xf32>,
      tpu.vector_store %arg16[%swap3A_455, %swap3A_456], %abs3A_453 {strides = array<i32>} : memref<64x256xf32, #tpu.memory_space<vmem>>, vector<16xf32>,
      %add3A_458 = arith.constant 20 : i32
      %add3A_459 = vector.broadcast %add3A_458 : i32 to vector<16xi32>
      %add3A_460 = arith.addi %shift_left3A_63, %add3A_459 : vector<16xi32>
      %gather3A_461 = tpu.vector_load_idx %arg13[%add3A_81, %add3A_460] : memref<256x128xf32, #tpu.memory_space<vmem>>[vector<16xi32>, vector<16xi32>], vector<16xf32>,
      %add3A_462 = arith.constant 20 : i32
      %add3A_463 = vector.broadcast %add3A_462 : i32 to vector<16xi32>
      %add3A_464 = arith.addi %shift_left3A_69, %add3A_463 : vector<16xi32>
      %gather3A_465 = tpu.vector_load_idx %arg14[%add3A_81, %add3A_464] : memref<256x128xf32, #tpu.memory_space<vmem>>[vector<16xi32>, vector<16xi32>], vector<16xf32>,
      %add3A_466 = arith.constant 20 : i32
      %add3A_467 = vector.broadcast %add3A_466 : i32 to vector<16xi32>
      %add3A_468 = arith.addi %shift_left3A_77, %add3A_467 : vector<16xi32>
      %gather3A_469 = tpu.vector_load_idx %arg15[%shift_right_logical3A_71, %add3A_468] : memref<50x128xf32, #tpu.memory_space<vmem>>[vector<16xi32>, vector<16xi32>], vector<16xf32>,
      %add3A_470 = arith.addf %gather3A_461, %gather3A_469 : vector<16xf32>
      %sub3A_471 = arith.subf %add3A_470, %gather3A_465 : vector<16xf32>
      %abs3A_472 = math.absf %sub3A_471 : vector<16xf32>
      %swap3A_473 = arith.constant 20 : i32
      %swap3A_474 = arith.index_cast %swap3A_473 : i32 to index
      %swap3A_475 = arith.index_cast %mul3A_54 : i32 to index
      %swap3A_476 = tpu.vector_load %arg16[%swap3A_474, %swap3A_475] {strides = array<i32>} : memref<64x256xf32, #tpu.memory_space<vmem>>, vector<16xf32>,
      tpu.vector_store %arg16[%swap3A_474, %swap3A_475], %abs3A_472 {strides = array<i32>} : memref<64x256xf32, #tpu.memory_space<vmem>>, vector<16xf32>,
      %add3A_477 = arith.constant 21 : i32
      %add3A_478 = vector.broadcast %add3A_477 : i32 to vector<16xi32>
      %add3A_479 = arith.addi %shift_left3A_63, %add3A_478 : vector<16xi32>
      %gather3A_480 = tpu.vector_load_idx %arg13[%add3A_81, %add3A_479] : memref<256x128xf32, #tpu.memory_space<vmem>>[vector<16xi32>, vector<16xi32>], vector<16xf32>,
      %add3A_481 = arith.constant 21 : i32
      %add3A_482 = vector.broadcast %add3A_481 : i32 to vector<16xi32>
      %add3A_483 = arith.addi %shift_left3A_69, %add3A_482 : vector<16xi32>
      %gather3A_484 = tpu.vector_load_idx %arg14[%add3A_81, %add3A_483] : memref<256x128xf32, #tpu.memory_space<vmem>>[vector<16xi32>, vector<16xi32>], vector<16xf32>,
      %add3A_485 = arith.constant 21 : i32
      %add3A_486 = vector.broadcast %add3A_485 : i32 to vector<16xi32>
      %add3A_487 = arith.addi %shift_left3A_77, %add3A_486 : vector<16xi32>
      %gather3A_488 = tpu.vector_load_idx %arg15[%shift_right_logical3A_71, %add3A_487] : memref<50x128xf32, #tpu.memory_space<vmem>>[vector<16xi32>, vector<16xi32>], vector<16xf32>,
      %add3A_489 = arith.addf %gather3A_480, %gather3A_488 : vector<16xf32>
      %sub3A_490 = arith.subf %add3A_489, %gather3A_484 : vector<16xf32>
      %abs3A_491 = math.absf %sub3A_490 : vector<16xf32>
      %swap3A_492 = arith.constant 21 : i32
      %swap3A_493 = arith.index_cast %swap3A_492 : i32 to index
      %swap3A_494 = arith.index_cast %mul3A_54 : i32 to index
      %swap3A_495 = tpu.vector_load %arg16[%swap3A_493, %swap3A_494] {strides = array<i32>} : memref<64x256xf32, #tpu.memory_space<vmem>>, vector<16xf32>,
      tpu.vector_store %arg16[%swap3A_493, %swap3A_494], %abs3A_491 {strides = array<i32>} : memref<64x256xf32, #tpu.memory_space<vmem>>, vector<16xf32>,
      %add3A_496 = arith.constant 22 : i32
      %add3A_497 = vector.broadcast %add3A_496 : i32 to vector<16xi32>
      %add3A_498 = arith.addi %shift_left3A_63, %add3A_497 : vector<16xi32>
      %gather3A_499 = tpu.vector_load_idx %arg13[%add3A_81, %add3A_498] : memref<256x128xf32, #tpu.memory_space<vmem>>[vector<16xi32>, vector<16xi32>], vector<16xf32>,
      %add3A_500 = arith.constant 22 : i32
      %add3A_501 = vector.broadcast %add3A_500 : i32 to vector<16xi32>
      %add3A_502 = arith.addi %shift_left3A_69, %add3A_501 : vector<16xi32>
      %gather3A_503 = tpu.vector_load_idx %arg14[%add3A_81, %add3A_502] : memref<256x128xf32, #tpu.memory_space<vmem>>[vector<16xi32>, vector<16xi32>], vector<16xf32>,
      %add3A_504 = arith.constant 22 : i32
      %add3A_505 = vector.broadcast %add3A_504 : i32 to vector<16xi32>
      %add3A_506 = arith.addi %shift_left3A_77, %add3A_505 : vector<16xi32>
      %gather3A_507 = tpu.vector_load_idx %arg15[%shift_right_logical3A_71, %add3A_506] : memref<50x128xf32, #tpu.memory_space<vmem>>[vector<16xi32>, vector<16xi32>], vector<16xf32>,
      %add3A_508 = arith.addf %gather3A_499, %gather3A_507 : vector<16xf32>
      %sub3A_509 = arith.subf %add3A_508, %gather3A_503 : vector<16xf32>
      %abs3A_510 = math.absf %sub3A_509 : vector<16xf32>
      %swap3A_511 = arith.constant 22 : i32
      %swap3A_512 = arith.index_cast %swap3A_511 : i32 to index
      %swap3A_513 = arith.index_cast %mul3A_54 : i32 to index
      %swap3A_514 = tpu.vector_load %arg16[%swap3A_512, %swap3A_513] {strides = array<i32>} : memref<64x256xf32, #tpu.memory_space<vmem>>, vector<16xf32>,
      tpu.vector_store %arg16[%swap3A_512, %swap3A_513], %abs3A_510 {strides = array<i32>} : memref<64x256xf32, #tpu.memory_space<vmem>>, vector<16xf32>,
      %add3A_515 = arith.constant 23 : i32
      %add3A_516 = vector.broadcast %add3A_515 : i32 to vector<16xi32>
      %add3A_517 = arith.addi %shift_left3A_63, %add3A_516 : vector<16xi32>
      %gather3A_518 = tpu.vector_load_idx %arg13[%add3A_81, %add3A_517] : memref<256x128xf32, #tpu.memory_space<vmem>>[vector<16xi32>, vector<16xi32>], vector<16xf32>,
      %add3A_519 = arith.constant 23 : i32
      %add3A_520 = vector.broadcast %add3A_519 : i32 to vector<16xi32>
      %add3A_521 = arith.addi %shift_left3A_69, %add3A_520 : vector<16xi32>
      %gather3A_522 = tpu.vector_load_idx %arg14[%add3A_81, %add3A_521] : memref<256x128xf32, #tpu.memory_space<vmem>>[vector<16xi32>, vector<16xi32>], vector<16xf32>,
      %add3A_523 = arith.constant 23 : i32
      %add3A_524 = vector.broadcast %add3A_523 : i32 to vector<16xi32>
      %add3A_525 = arith.addi %shift_left3A_77, %add3A_524 : vector<16xi32>
      %gather3A_526 = tpu.vector_load_idx %arg15[%shift_right_logical3A_71, %add3A_525] : memref<50x128xf32, #tpu.memory_space<vmem>>[vector<16xi32>, vector<16xi32>], vector<16xf32>,
      %add3A_527 = arith.addf %gather3A_518, %gather3A_526 : vector<16xf32>
      %sub3A_528 = arith.subf %add3A_527, %gather3A_522 : vector<16xf32>
      %abs3A_529 = math.absf %sub3A_528 : vector<16xf32>
      %swap3A_530 = arith.constant 23 : i32
      %swap3A_531 = arith.index_cast %swap3A_530 : i32 to index
      %swap3A_532 = arith.index_cast %mul3A_54 : i32 to index
      %swap3A_533 = tpu.vector_load %arg16[%swap3A_531, %swap3A_532] {strides = array<i32>} : memref<64x256xf32, #tpu.memory_space<vmem>>, vector<16xf32>,
      tpu.vector_store %arg16[%swap3A_531, %swap3A_532], %abs3A_529 {strides = array<i32>} : memref<64x256xf32, #tpu.memory_space<vmem>>, vector<16xf32>,
      %add3A_534 = arith.constant 24 : i32
      %add3A_535 = vector.broadcast %add3A_534 : i32 to vector<16xi32>
      %add3A_536 = arith.addi %shift_left3A_63, %add3A_535 : vector<16xi32>
      %gather3A_537 = tpu.vector_load_idx %arg13[%add3A_81, %add3A_536] : memref<256x128xf32, #tpu.memory_space<vmem>>[vector<16xi32>, vector<16xi32>], vector<16xf32>,
      %add3A_538 = arith.constant 24 : i32
      %add3A_539 = vector.broadcast %add3A_538 : i32 to vector<16xi32>
      %add3A_540 = arith.addi %shift_left3A_69, %add3A_539 : vector<16xi32>
      %gather3A_541 = tpu.vector_load_idx %arg14[%add3A_81, %add3A_540] : memref<256x128xf32, #tpu.memory_space<vmem>>[vector<16xi32>, vector<16xi32>], vector<16xf32>,
      %add3A_542 = arith.constant 24 : i32
      %add3A_543 = vector.broadcast %add3A_542 : i32 to vector<16xi32>
      %add3A_544 = arith.addi %shift_left3A_77, %add3A_543 : vector<16xi32>
      %gather3A_545 = tpu.vector_load_idx %arg15[%shift_right_logical3A_71, %add3A_544] : memref<50x128xf32, #tpu.memory_space<vmem>>[vector<16xi32>, vector<16xi32>], vector<16xf32>,
      %add3A_546 = arith.addf %gather3A_537, %gather3A_545 : vector<16xf32>
      %sub3A_547 = arith.subf %add3A_546, %gather3A_541 : vector<16xf32>
      %abs3A_548 = math.absf %sub3A_547 : vector<16xf32>
      %swap3A_549 = arith.constant 24 : i32
      %swap3A_550 = arith.index_cast %swap3A_549 : i32 to index
      %swap3A_551 = arith.index_cast %mul3A_54 : i32 to index
      %swap3A_552 = tpu.vector_load %arg16[%swap3A_550, %swap3A_551] {strides = array<i32>} : memref<64x256xf32, #tpu.memory_space<vmem>>, vector<16xf32>,
      tpu.vector_store %arg16[%swap3A_550, %swap3A_551], %abs3A_548 {strides = array<i32>} : memref<64x256xf32, #tpu.memory_space<vmem>>, vector<16xf32>,
      %add3A_553 = arith.constant 25 : i32
      %add3A_554 = vector.broadcast %add3A_553 : i32 to vector<16xi32>
      %add3A_555 = arith.addi %shift_left3A_63, %add3A_554 : vector<16xi32>
      %gather3A_556 = tpu.vector_load_idx %arg13[%add3A_81, %add3A_555] : memref<256x128xf32, #tpu.memory_space<vmem>>[vector<16xi32>, vector<16xi32>], vector<16xf32>,
      %add3A_557 = arith.constant 25 : i32
      %add3A_558 = vector.broadcast %add3A_557 : i32 to vector<16xi32>
      %add3A_559 = arith.addi %shift_left3A_69, %add3A_558 : vector<16xi32>
      %gather3A_560 = tpu.vector_load_idx %arg14[%add3A_81, %add3A_559] : memref<256x128xf32, #tpu.memory_space<vmem>>[vector<16xi32>, vector<16xi32>], vector<16xf32>,
      %add3A_561 = arith.constant 25 : i32
      %add3A_562 = vector.broadcast %add3A_561 : i32 to vector<16xi32>
      %add3A_563 = arith.addi %shift_left3A_77, %add3A_562 : vector<16xi32>
      %gather3A_564 = tpu.vector_load_idx %arg15[%shift_right_logical3A_71, %add3A_563] : memref<50x128xf32, #tpu.memory_space<vmem>>[vector<16xi32>, vector<16xi32>], vector<16xf32>,
      %add3A_565 = arith.addf %gather3A_556, %gather3A_564 : vector<16xf32>
      %sub3A_566 = arith.subf %add3A_565, %gather3A_560 : vector<16xf32>
      %abs3A_567 = math.absf %sub3A_566 : vector<16xf32>
      %swap3A_568 = arith.constant 25 : i32
      %swap3A_569 = arith.index_cast %swap3A_568 : i32 to index
      %swap3A_570 = arith.index_cast %mul3A_54 : i32 to index
      %swap3A_571 = tpu.vector_load %arg16[%swap3A_569, %swap3A_570] {strides = array<i32>} : memref<64x256xf32, #tpu.memory_space<vmem>>, vector<16xf32>,
      tpu.vector_store %arg16[%swap3A_569, %swap3A_570], %abs3A_567 {strides = array<i32>} : memref<64x256xf32, #tpu.memory_space<vmem>>, vector<16xf32>,
      %add3A_572 = arith.constant 26 : i32
      %add3A_573 = vector.broadcast %add3A_572 : i32 to vector<16xi32>
      %add3A_574 = arith.addi %shift_left3A_63, %add3A_573 : vector<16xi32>
      %gather3A_575 = tpu.vector_load_idx %arg13[%add3A_81, %add3A_574] : memref<256x128xf32, #tpu.memory_space<vmem>>[vector<16xi32>, vector<16xi32>], vector<16xf32>,
      %add3A_576 = arith.constant 26 : i32
      %add3A_577 = vector.broadcast %add3A_576 : i32 to vector<16xi32>
      %add3A_578 = arith.addi %shift_left3A_69, %add3A_577 : vector<16xi32>
      %gather3A_579 = tpu.vector_load_idx %arg14[%add3A_81, %add3A_578] : memref<256x128xf32, #tpu.memory_space<vmem>>[vector<16xi32>, vector<16xi32>], vector<16xf32>,
      %add3A_580 = arith.constant 26 : i32
      %add3A_581 = vector.broadcast %add3A_580 : i32 to vector<16xi32>
      %add3A_582 = arith.addi %shift_left3A_77, %add3A_581 : vector<16xi32>
      %gather3A_583 = tpu.vector_load_idx %arg15[%shift_right_logical3A_71, %add3A_582] : memref<50x128xf32, #tpu.memory_space<vmem>>[vector<16xi32>, vector<16xi32>], vector<16xf32>,
      %add3A_584 = arith.addf %gather3A_575, %gather3A_583 : vector<16xf32>
      %sub3A_585 = arith.subf %add3A_584, %gather3A_579 : vector<16xf32>
      %abs3A_586 = math.absf %sub3A_585 : vector<16xf32>
      %swap3A_587 = arith.constant 26 : i32
      %swap3A_588 = arith.index_cast %swap3A_587 : i32 to index
      %swap3A_589 = arith.index_cast %mul3A_54 : i32 to index
      %swap3A_590 = tpu.vector_load %arg16[%swap3A_588, %swap3A_589] {strides = array<i32>} : memref<64x256xf32, #tpu.memory_space<vmem>>, vector<16xf32>,
      tpu.vector_store %arg16[%swap3A_588, %swap3A_589], %abs3A_586 {strides = array<i32>} : memref<64x256xf32, #tpu.memory_space<vmem>>, vector<16xf32>,
      %add3A_591 = arith.constant 27 : i32
      %add3A_592 = vector.broadcast %add3A_591 : i32 to vector<16xi32>
      %add3A_593 = arith.addi %shift_left3A_63, %add3A_592 : vector<16xi32>
      %gather3A_594 = tpu.vector_load_idx %arg13[%add3A_81, %add3A_593] : memref<256x128xf32, #tpu.memory_space<vmem>>[vector<16xi32>, vector<16xi32>], vector<16xf32>,
      %add3A_595 = arith.constant 27 : i32
      %add3A_596 = vector.broadcast %add3A_595 : i32 to vector<16xi32>
      %add3A_597 = arith.addi %shift_left3A_69, %add3A_596 : vector<16xi32>
      %gather3A_598 = tpu.vector_load_idx %arg14[%add3A_81, %add3A_597] : memref<256x128xf32, #tpu.memory_space<vmem>>[vector<16xi32>, vector<16xi32>], vector<16xf32>,
      %add3A_599 = arith.constant 27 : i32
      %add3A_600 = vector.broadcast %add3A_599 : i32 to vector<16xi32>
      %add3A_601 = arith.addi %shift_left3A_77, %add3A_600 : vector<16xi32>
      %gather3A_602 = tpu.vector_load_idx %arg15[%shift_right_logical3A_71, %add3A_601] : memref<50x128xf32, #tpu.memory_space<vmem>>[vector<16xi32>, vector<16xi32>], vector<16xf32>,
      %add3A_603 = arith.addf %gather3A_594, %gather3A_602 : vector<16xf32>
      %sub3A_604 = arith.subf %add3A_603, %gather3A_598 : vector<16xf32>
      %abs3A_605 = math.absf %sub3A_604 : vector<16xf32>
      %swap3A_606 = arith.constant 27 : i32
      %swap3A_607 = arith.index_cast %swap3A_606 : i32 to index
      %swap3A_608 = arith.index_cast %mul3A_54 : i32 to index
      %swap3A_609 = tpu.vector_load %arg16[%swap3A_607, %swap3A_608] {strides = array<i32>} : memref<64x256xf32, #tpu.memory_space<vmem>>, vector<16xf32>,
      tpu.vector_store %arg16[%swap3A_607, %swap3A_608], %abs3A_605 {strides = array<i32>} : memref<64x256xf32, #tpu.memory_space<vmem>>, vector<16xf32>,
      %add3A_610 = arith.constant 28 : i32
      %add3A_611 = vector.broadcast %add3A_610 : i32 to vector<16xi32>
      %add3A_612 = arith.addi %shift_left3A_63, %add3A_611 : vector<16xi32>
      %gather3A_613 = tpu.vector_load_idx %arg13[%add3A_81, %add3A_612] : memref<256x128xf32, #tpu.memory_space<vmem>>[vector<16xi32>, vector<16xi32>], vector<16xf32>,
      %add3A_614 = arith.constant 28 : i32
      %add3A_615 = vector.broadcast %add3A_614 : i32 to vector<16xi32>
      %add3A_616 = arith.addi %shift_left3A_69, %add3A_615 : vector<16xi32>
      %gather3A_617 = tpu.vector_load_idx %arg14[%add3A_81, %add3A_616] : memref<256x128xf32, #tpu.memory_space<vmem>>[vector<16xi32>, vector<16xi32>], vector<16xf32>,
      %add3A_618 = arith.constant 28 : i32
      %add3A_619 = vector.broadcast %add3A_618 : i32 to vector<16xi32>
      %add3A_620 = arith.addi %shift_left3A_77, %add3A_619 : vector<16xi32>
      %gather3A_621 = tpu.vector_load_idx %arg15[%shift_right_logical3A_71, %add3A_620] : memref<50x128xf32, #tpu.memory_space<vmem>>[vector<16xi32>, vector<16xi32>], vector<16xf32>,
      %add3A_622 = arith.addf %gather3A_613, %gather3A_621 : vector<16xf32>
      %sub3A_623 = arith.subf %add3A_622, %gather3A_617 : vector<16xf32>
      %abs3A_624 = math.absf %sub3A_623 : vector<16xf32>
      %swap3A_625 = arith.constant 28 : i32
      %swap3A_626 = arith.index_cast %swap3A_625 : i32 to index
      %swap3A_627 = arith.index_cast %mul3A_54 : i32 to index
      %swap3A_628 = tpu.vector_load %arg16[%swap3A_626, %swap3A_627] {strides = array<i32>} : memref<64x256xf32, #tpu.memory_space<vmem>>, vector<16xf32>,
      tpu.vector_store %arg16[%swap3A_626, %swap3A_627], %abs3A_624 {strides = array<i32>} : memref<64x256xf32, #tpu.memory_space<vmem>>, vector<16xf32>,
      %add3A_629 = arith.constant 29 : i32
      %add3A_630 = vector.broadcast %add3A_629 : i32 to vector<16xi32>
      %add3A_631 = arith.addi %shift_left3A_63, %add3A_630 : vector<16xi32>
      %gather3A_632 = tpu.vector_load_idx %arg13[%add3A_81, %add3A_631] : memref<256x128xf32, #tpu.memory_space<vmem>>[vector<16xi32>, vector<16xi32>], vector<16xf32>,
      %add3A_633 = arith.constant 29 : i32
      %add3A_634 = vector.broadcast %add3A_633 : i32 to vector<16xi32>
      %add3A_635 = arith.addi %shift_left3A_69, %add3A_634 : vector<16xi32>
      %gather3A_636 = tpu.vector_load_idx %arg14[%add3A_81, %add3A_635] : memref<256x128xf32, #tpu.memory_space<vmem>>[vector<16xi32>, vector<16xi32>], vector<16xf32>,
      %add3A_637 = arith.constant 29 : i32
      %add3A_638 = vector.broadcast %add3A_637 : i32 to vector<16xi32>
      %add3A_639 = arith.addi %shift_left3A_77, %add3A_638 : vector<16xi32>
      %gather3A_640 = tpu.vector_load_idx %arg15[%shift_right_logical3A_71, %add3A_639] : memref<50x128xf32, #tpu.memory_space<vmem>>[vector<16xi32>, vector<16xi32>], vector<16xf32>,
      %add3A_641 = arith.addf %gather3A_632, %gather3A_640 : vector<16xf32>
      %sub3A_642 = arith.subf %add3A_641, %gather3A_636 : vector<16xf32>
      %abs3A_643 = math.absf %sub3A_642 : vector<16xf32>
      %swap3A_644 = arith.constant 29 : i32
      %swap3A_645 = arith.index_cast %swap3A_644 : i32 to index
      %swap3A_646 = arith.index_cast %mul3A_54 : i32 to index
      %swap3A_647 = tpu.vector_load %arg16[%swap3A_645, %swap3A_646] {strides = array<i32>} : memref<64x256xf32, #tpu.memory_space<vmem>>, vector<16xf32>,
      tpu.vector_store %arg16[%swap3A_645, %swap3A_646], %abs3A_643 {strides = array<i32>} : memref<64x256xf32, #tpu.memory_space<vmem>>, vector<16xf32>,
      %add3A_648 = arith.constant 30 : i32
      %add3A_649 = vector.broadcast %add3A_648 : i32 to vector<16xi32>
      %add3A_650 = arith.addi %shift_left3A_63, %add3A_649 : vector<16xi32>
      %gather3A_651 = tpu.vector_load_idx %arg13[%add3A_81, %add3A_650] : memref<256x128xf32, #tpu.memory_space<vmem>>[vector<16xi32>, vector<16xi32>], vector<16xf32>,
      %add3A_652 = arith.constant 30 : i32
      %add3A_653 = vector.broadcast %add3A_652 : i32 to vector<16xi32>
      %add3A_654 = arith.addi %shift_left3A_69, %add3A_653 : vector<16xi32>
      %gather3A_655 = tpu.vector_load_idx %arg14[%add3A_81, %add3A_654] : memref<256x128xf32, #tpu.memory_space<vmem>>[vector<16xi32>, vector<16xi32>], vector<16xf32>,
      %add3A_656 = arith.constant 30 : i32
      %add3A_657 = vector.broadcast %add3A_656 : i32 to vector<16xi32>
      %add3A_658 = arith.addi %shift_left3A_77, %add3A_657 : vector<16xi32>
      %gather3A_659 = tpu.vector_load_idx %arg15[%shift_right_logical3A_71, %add3A_658] : memref<50x128xf32, #tpu.memory_space<vmem>>[vector<16xi32>, vector<16xi32>], vector<16xf32>,
      %add3A_660 = arith.addf %gather3A_651, %gather3A_659 : vector<16xf32>
      %sub3A_661 = arith.subf %add3A_660, %gather3A_655 : vector<16xf32>
      %abs3A_662 = math.absf %sub3A_661 : vector<16xf32>
      %swap3A_663 = arith.constant 30 : i32
      %swap3A_664 = arith.index_cast %swap3A_663 : i32 to index
      %swap3A_665 = arith.index_cast %mul3A_54 : i32 to index
      %swap3A_666 = tpu.vector_load %arg16[%swap3A_664, %swap3A_665] {strides = array<i32>} : memref<64x256xf32, #tpu.memory_space<vmem>>, vector<16xf32>,
      tpu.vector_store %arg16[%swap3A_664, %swap3A_665], %abs3A_662 {strides = array<i32>} : memref<64x256xf32, #tpu.memory_space<vmem>>, vector<16xf32>,
      %add3A_667 = arith.constant 31 : i32
      %add3A_668 = vector.broadcast %add3A_667 : i32 to vector<16xi32>
      %add3A_669 = arith.addi %shift_left3A_63, %add3A_668 : vector<16xi32>
      %gather3A_670 = tpu.vector_load_idx %arg13[%add3A_81, %add3A_669] : memref<256x128xf32, #tpu.memory_space<vmem>>[vector<16xi32>, vector<16xi32>], vector<16xf32>,
      %add3A_671 = arith.constant 31 : i32
      %add3A_672 = vector.broadcast %add3A_671 : i32 to vector<16xi32>
      %add3A_673 = arith.addi %shift_left3A_69, %add3A_672 : vector<16xi32>
      %gather3A_674 = tpu.vector_load_idx %arg14[%add3A_81, %add3A_673] : memref<256x128xf32, #tpu.memory_space<vmem>>[vector<16xi32>, vector<16xi32>], vector<16xf32>,
      %add3A_675 = arith.constant 31 : i32
      %add3A_676 = vector.broadcast %add3A_675 : i32 to vector<16xi32>
      %add3A_677 = arith.addi %shift_left3A_77, %add3A_676 : vector<16xi32>
      %gather3A_678 = tpu.vector_load_idx %arg15[%shift_right_logical3A_71, %add3A_677] : memref<50x128xf32, #tpu.memory_space<vmem>>[vector<16xi32>, vector<16xi32>], vector<16xf32>,
      %add3A_679 = arith.addf %gather3A_670, %gather3A_678 : vector<16xf32>
      %sub3A_680 = arith.subf %add3A_679, %gather3A_674 : vector<16xf32>
      %abs3A_681 = math.absf %sub3A_680 : vector<16xf32>
      %swap3A_682 = arith.constant 31 : i32
      %swap3A_683 = arith.index_cast %swap3A_682 : i32 to index
      %swap3A_684 = arith.index_cast %mul3A_54 : i32 to index
      %swap3A_685 = tpu.vector_load %arg16[%swap3A_683, %swap3A_684] {strides = array<i32>} : memref<64x256xf32, #tpu.memory_space<vmem>>, vector<16xf32>,
      tpu.vector_store %arg16[%swap3A_683, %swap3A_684], %abs3A_681 {strides = array<i32>} : memref<64x256xf32, #tpu.memory_space<vmem>>, vector<16xf32>,
      %add3A_686 = arith.constant 32 : i32
      %add3A_687 = vector.broadcast %add3A_686 : i32 to vector<16xi32>
      %add3A_688 = arith.addi %shift_left3A_63, %add3A_687 : vector<16xi32>
      %gather3A_689 = tpu.vector_load_idx %arg13[%add3A_81, %add3A_688] : memref<256x128xf32, #tpu.memory_space<vmem>>[vector<16xi32>, vector<16xi32>], vector<16xf32>,
      %add3A_690 = arith.constant 32 : i32
      %add3A_691 = vector.broadcast %add3A_690 : i32 to vector<16xi32>
      %add3A_692 = arith.addi %shift_left3A_69, %add3A_691 : vector<16xi32>
      %gather3A_693 = tpu.vector_load_idx %arg14[%add3A_81, %add3A_692] : memref<256x128xf32, #tpu.memory_space<vmem>>[vector<16xi32>, vector<16xi32>], vector<16xf32>,
      %add3A_694 = arith.constant 32 : i32
      %add3A_695 = vector.broadcast %add3A_694 : i32 to vector<16xi32>
      %add3A_696 = arith.addi %shift_left3A_77, %add3A_695 : vector<16xi32>
      %gather3A_697 = tpu.vector_load_idx %arg15[%shift_right_logical3A_71, %add3A_696] : memref<50x128xf32, #tpu.memory_space<vmem>>[vector<16xi32>, vector<16xi32>], vector<16xf32>,
      %add3A_698 = arith.addf %gather3A_689, %gather3A_697 : vector<16xf32>
      %sub3A_699 = arith.subf %add3A_698, %gather3A_693 : vector<16xf32>
      %abs3A_700 = math.absf %sub3A_699 : vector<16xf32>
      %swap3A_701 = arith.constant 32 : i32
      %swap3A_702 = arith.index_cast %swap3A_701 : i32 to index
      %swap3A_703 = arith.index_cast %mul3A_54 : i32 to index
      %swap3A_704 = tpu.vector_load %arg16[%swap3A_702, %swap3A_703] {strides = array<i32>} : memref<64x256xf32, #tpu.memory_space<vmem>>, vector<16xf32>,
      tpu.vector_store %arg16[%swap3A_702, %swap3A_703], %abs3A_700 {strides = array<i32>} : memref<64x256xf32, #tpu.memory_space<vmem>>, vector<16xf32>,
      %add3A_705 = arith.constant 33 : i32
      %add3A_706 = vector.broadcast %add3A_705 : i32 to vector<16xi32>
      %add3A_707 = arith.addi %shift_left3A_63, %add3A_706 : vector<16xi32>
      %gather3A_708 = tpu.vector_load_idx %arg13[%add3A_81, %add3A_707] : memref<256x128xf32, #tpu.memory_space<vmem>>[vector<16xi32>, vector<16xi32>], vector<16xf32>,
      %add3A_709 = arith.constant 33 : i32
      %add3A_710 = vector.broadcast %add3A_709 : i32 to vector<16xi32>
      %add3A_711 = arith.addi %shift_left3A_69, %add3A_710 : vector<16xi32>
      %gather3A_712 = tpu.vector_load_idx %arg14[%add3A_81, %add3A_711] : memref<256x128xf32, #tpu.memory_space<vmem>>[vector<16xi32>, vector<16xi32>], vector<16xf32>,
      %add3A_713 = arith.constant 33 : i32
      %add3A_714 = vector.broadcast %add3A_713 : i32 to vector<16xi32>
      %add3A_715 = arith.addi %shift_left3A_77, %add3A_714 : vector<16xi32>
      %gather3A_716 = tpu.vector_load_idx %arg15[%shift_right_logical3A_71, %add3A_715] : memref<50x128xf32, #tpu.memory_space<vmem>>[vector<16xi32>, vector<16xi32>], vector<16xf32>,
      %add3A_717 = arith.addf %gather3A_708, %gather3A_716 : vector<16xf32>
      %sub3A_718 = arith.subf %add3A_717, %gather3A_712 : vector<16xf32>
      %abs3A_719 = math.absf %sub3A_718 : vector<16xf32>
      %swap3A_720 = arith.constant 33 : i32
      %swap3A_721 = arith.index_cast %swap3A_720 : i32 to index
      %swap3A_722 = arith.index_cast %mul3A_54 : i32 to index
      %swap3A_723 = tpu.vector_load %arg16[%swap3A_721, %swap3A_722] {strides = array<i32>} : memref<64x256xf32, #tpu.memory_space<vmem>>, vector<16xf32>,
      tpu.vector_store %arg16[%swap3A_721, %swap3A_722], %abs3A_719 {strides = array<i32>} : memref<64x256xf32, #tpu.memory_space<vmem>>, vector<16xf32>,
      %add3A_724 = arith.constant 34 : i32
      %add3A_725 = vector.broadcast %add3A_724 : i32 to vector<16xi32>
      %add3A_726 = arith.addi %shift_left3A_63, %add3A_725 : vector<16xi32>
      %gather3A_727 = tpu.vector_load_idx %arg13[%add3A_81, %add3A_726] : memref<256x128xf32, #tpu.memory_space<vmem>>[vector<16xi32>, vector<16xi32>], vector<16xf32>,
      %add3A_728 = arith.constant 34 : i32
      %add3A_729 = vector.broadcast %add3A_728 : i32 to vector<16xi32>
      %add3A_730 = arith.addi %shift_left3A_69, %add3A_729 : vector<16xi32>
      %gather3A_731 = tpu.vector_load_idx %arg14[%add3A_81, %add3A_730] : memref<256x128xf32, #tpu.memory_space<vmem>>[vector<16xi32>, vector<16xi32>], vector<16xf32>,
      %add3A_732 = arith.constant 34 : i32
      %add3A_733 = vector.broadcast %add3A_732 : i32 to vector<16xi32>
      %add3A_734 = arith.addi %shift_left3A_77, %add3A_733 : vector<16xi32>
      %gather3A_735 = tpu.vector_load_idx %arg15[%shift_right_logical3A_71, %add3A_734] : memref<50x128xf32, #tpu.memory_space<vmem>>[vector<16xi32>, vector<16xi32>], vector<16xf32>,
      %add3A_736 = arith.addf %gather3A_727, %gather3A_735 : vector<16xf32>
      %sub3A_737 = arith.subf %add3A_736, %gather3A_731 : vector<16xf32>
      %abs3A_738 = math.absf %sub3A_737 : vector<16xf32>
      %swap3A_739 = arith.constant 34 : i32
      %swap3A_740 = arith.index_cast %swap3A_739 : i32 to index
      %swap3A_741 = arith.index_cast %mul3A_54 : i32 to index
      %swap3A_742 = tpu.vector_load %arg16[%swap3A_740, %swap3A_741] {strides = array<i32>} : memref<64x256xf32, #tpu.memory_space<vmem>>, vector<16xf32>,
      tpu.vector_store %arg16[%swap3A_740, %swap3A_741], %abs3A_738 {strides = array<i32>} : memref<64x256xf32, #tpu.memory_space<vmem>>, vector<16xf32>,
      %add3A_743 = arith.constant 35 : i32
      %add3A_744 = vector.broadcast %add3A_743 : i32 to vector<16xi32>
      %add3A_745 = arith.addi %shift_left3A_63, %add3A_744 : vector<16xi32>
      %gather3A_746 = tpu.vector_load_idx %arg13[%add3A_81, %add3A_745] : memref<256x128xf32, #tpu.memory_space<vmem>>[vector<16xi32>, vector<16xi32>], vector<16xf32>,
      %add3A_747 = arith.constant 35 : i32
      %add3A_748 = vector.broadcast %add3A_747 : i32 to vector<16xi32>
      %add3A_749 = arith.addi %shift_left3A_69, %add3A_748 : vector<16xi32>
      %gather3A_750 = tpu.vector_load_idx %arg14[%add3A_81, %add3A_749] : memref<256x128xf32, #tpu.memory_space<vmem>>[vector<16xi32>, vector<16xi32>], vector<16xf32>,
      %add3A_751 = arith.constant 35 : i32
      %add3A_752 = vector.broadcast %add3A_751 : i32 to vector<16xi32>
      %add3A_753 = arith.addi %shift_left3A_77, %add3A_752 : vector<16xi32>
      %gather3A_754 = tpu.vector_load_idx %arg15[%shift_right_logical3A_71, %add3A_753] : memref<50x128xf32, #tpu.memory_space<vmem>>[vector<16xi32>, vector<16xi32>], vector<16xf32>,
      %add3A_755 = arith.addf %gather3A_746, %gather3A_754 : vector<16xf32>
      %sub3A_756 = arith.subf %add3A_755, %gather3A_750 : vector<16xf32>
      %abs3A_757 = math.absf %sub3A_756 : vector<16xf32>
      %swap3A_758 = arith.constant 35 : i32
      %swap3A_759 = arith.index_cast %swap3A_758 : i32 to index
      %swap3A_760 = arith.index_cast %mul3A_54 : i32 to index
      %swap3A_761 = tpu.vector_load %arg16[%swap3A_759, %swap3A_760] {strides = array<i32>} : memref<64x256xf32, #tpu.memory_space<vmem>>, vector<16xf32>,
      tpu.vector_store %arg16[%swap3A_759, %swap3A_760], %abs3A_757 {strides = array<i32>} : memref<64x256xf32, #tpu.memory_space<vmem>>, vector<16xf32>,
      %add3A_762 = arith.constant 36 : i32
      %add3A_763 = vector.broadcast %add3A_762 : i32 to vector<16xi32>
      %add3A_764 = arith.addi %shift_left3A_63, %add3A_763 : vector<16xi32>
      %gather3A_765 = tpu.vector_load_idx %arg13[%add3A_81, %add3A_764] : memref<256x128xf32, #tpu.memory_space<vmem>>[vector<16xi32>, vector<16xi32>], vector<16xf32>,
      %add3A_766 = arith.constant 36 : i32
      %add3A_767 = vector.broadcast %add3A_766 : i32 to vector<16xi32>
      %add3A_768 = arith.addi %shift_left3A_69, %add3A_767 : vector<16xi32>
      %gather3A_769 = tpu.vector_load_idx %arg14[%add3A_81, %add3A_768] : memref<256x128xf32, #tpu.memory_space<vmem>>[vector<16xi32>, vector<16xi32>], vector<16xf32>,
      %add3A_770 = arith.constant 36 : i32
      %add3A_771 = vector.broadcast %add3A_770 : i32 to vector<16xi32>
      %add3A_772 = arith.addi %shift_left3A_77, %add3A_771 : vector<16xi32>
      %gather3A_773 = tpu.vector_load_idx %arg15[%shift_right_logical3A_71, %add3A_772] : memref<50x128xf32, #tpu.memory_space<vmem>>[vector<16xi32>, vector<16xi32>], vector<16xf32>,
      %add3A_774 = arith.addf %gather3A_765, %gather3A_773 : vector<16xf32>
      %sub3A_775 = arith.subf %add3A_774, %gather3A_769 : vector<16xf32>
      %abs3A_776 = math.absf %sub3A_775 : vector<16xf32>
      %swap3A_777 = arith.constant 36 : i32
      %swap3A_778 = arith.index_cast %swap3A_777 : i32 to index
      %swap3A_779 = arith.index_cast %mul3A_54 : i32 to index
      %swap3A_780 = tpu.vector_load %arg16[%swap3A_778, %swap3A_779] {strides = array<i32>} : memref<64x256xf32, #tpu.memory_space<vmem>>, vector<16xf32>,
      tpu.vector_store %arg16[%swap3A_778, %swap3A_779], %abs3A_776 {strides = array<i32>} : memref<64x256xf32, #tpu.memory_space<vmem>>, vector<16xf32>,
      %add3A_781 = arith.constant 37 : i32
      %add3A_782 = vector.broadcast %add3A_781 : i32 to vector<16xi32>
      %add3A_783 = arith.addi %shift_left3A_63, %add3A_782 : vector<16xi32>
      %gather3A_784 = tpu.vector_load_idx %arg13[%add3A_81, %add3A_783] : memref<256x128xf32, #tpu.memory_space<vmem>>[vector<16xi32>, vector<16xi32>], vector<16xf32>,
      %add3A_785 = arith.constant 37 : i32
      %add3A_786 = vector.broadcast %add3A_785 : i32 to vector<16xi32>
      %add3A_787 = arith.addi %shift_left3A_69, %add3A_786 : vector<16xi32>
      %gather3A_788 = tpu.vector_load_idx %arg14[%add3A_81, %add3A_787] : memref<256x128xf32, #tpu.memory_space<vmem>>[vector<16xi32>, vector<16xi32>], vector<16xf32>,
      %add3A_789 = arith.constant 37 : i32
      %add3A_790 = vector.broadcast %add3A_789 : i32 to vector<16xi32>
      %add3A_791 = arith.addi %shift_left3A_77, %add3A_790 : vector<16xi32>
      %gather3A_792 = tpu.vector_load_idx %arg15[%shift_right_logical3A_71, %add3A_791] : memref<50x128xf32, #tpu.memory_space<vmem>>[vector<16xi32>, vector<16xi32>], vector<16xf32>,
      %add3A_793 = arith.addf %gather3A_784, %gather3A_792 : vector<16xf32>
      %sub3A_794 = arith.subf %add3A_793, %gather3A_788 : vector<16xf32>
      %abs3A_795 = math.absf %sub3A_794 : vector<16xf32>
      %swap3A_796 = arith.constant 37 : i32
      %swap3A_797 = arith.index_cast %swap3A_796 : i32 to index
      %swap3A_798 = arith.index_cast %mul3A_54 : i32 to index
      %swap3A_799 = tpu.vector_load %arg16[%swap3A_797, %swap3A_798] {strides = array<i32>} : memref<64x256xf32, #tpu.memory_space<vmem>>, vector<16xf32>,
      tpu.vector_store %arg16[%swap3A_797, %swap3A_798], %abs3A_795 {strides = array<i32>} : memref<64x256xf32, #tpu.memory_space<vmem>>, vector<16xf32>,
      %add3A_800 = arith.constant 38 : i32
      %add3A_801 = vector.broadcast %add3A_800 : i32 to vector<16xi32>
      %add3A_802 = arith.addi %shift_left3A_63, %add3A_801 : vector<16xi32>
      %gather3A_803 = tpu.vector_load_idx %arg13[%add3A_81, %add3A_802] : memref<256x128xf32, #tpu.memory_space<vmem>>[vector<16xi32>, vector<16xi32>], vector<16xf32>,
      %add3A_804 = arith.constant 38 : i32
      %add3A_805 = vector.broadcast %add3A_804 : i32 to vector<16xi32>
      %add3A_806 = arith.addi %shift_left3A_69, %add3A_805 : vector<16xi32>
      %gather3A_807 = tpu.vector_load_idx %arg14[%add3A_81, %add3A_806] : memref<256x128xf32, #tpu.memory_space<vmem>>[vector<16xi32>, vector<16xi32>], vector<16xf32>,
      %add3A_808 = arith.constant 38 : i32
      %add3A_809 = vector.broadcast %add3A_808 : i32 to vector<16xi32>
      %add3A_810 = arith.addi %shift_left3A_77, %add3A_809 : vector<16xi32>
      %gather3A_811 = tpu.vector_load_idx %arg15[%shift_right_logical3A_71, %add3A_810] : memref<50x128xf32, #tpu.memory_space<vmem>>[vector<16xi32>, vector<16xi32>], vector<16xf32>,
      %add3A_812 = arith.addf %gather3A_803, %gather3A_811 : vector<16xf32>
      %sub3A_813 = arith.subf %add3A_812, %gather3A_807 : vector<16xf32>
      %abs3A_814 = math.absf %sub3A_813 : vector<16xf32>
      %swap3A_815 = arith.constant 38 : i32
      %swap3A_816 = arith.index_cast %swap3A_815 : i32 to index
      %swap3A_817 = arith.index_cast %mul3A_54 : i32 to index
      %swap3A_818 = tpu.vector_load %arg16[%swap3A_816, %swap3A_817] {strides = array<i32>} : memref<64x256xf32, #tpu.memory_space<vmem>>, vector<16xf32>,
      tpu.vector_store %arg16[%swap3A_816, %swap3A_817], %abs3A_814 {strides = array<i32>} : memref<64x256xf32, #tpu.memory_space<vmem>>, vector<16xf32>,
      %add3A_819 = arith.constant 39 : i32
      %add3A_820 = vector.broadcast %add3A_819 : i32 to vector<16xi32>
      %add3A_821 = arith.addi %shift_left3A_63, %add3A_820 : vector<16xi32>
      %gather3A_822 = tpu.vector_load_idx %arg13[%add3A_81, %add3A_821] : memref<256x128xf32, #tpu.memory_space<vmem>>[vector<16xi32>, vector<16xi32>], vector<16xf32>,
      %add3A_823 = arith.constant 39 : i32
      %add3A_824 = vector.broadcast %add3A_823 : i32 to vector<16xi32>
      %add3A_825 = arith.addi %shift_left3A_69, %add3A_824 : vector<16xi32>
      %gather3A_826 = tpu.vector_load_idx %arg14[%add3A_81, %add3A_825] : memref<256x128xf32, #tpu.memory_space<vmem>>[vector<16xi32>, vector<16xi32>], vector<16xf32>,
      %add3A_827 = arith.constant 39 : i32
      %add3A_828 = vector.broadcast %add3A_827 : i32 to vector<16xi32>
      %add3A_829 = arith.addi %shift_left3A_77, %add3A_828 : vector<16xi32>
      %gather3A_830 = tpu.vector_load_idx %arg15[%shift_right_logical3A_71, %add3A_829] : memref<50x128xf32, #tpu.memory_space<vmem>>[vector<16xi32>, vector<16xi32>], vector<16xf32>,
      %add3A_831 = arith.addf %gather3A_822, %gather3A_830 : vector<16xf32>
      %sub3A_832 = arith.subf %add3A_831, %gather3A_826 : vector<16xf32>
      %abs3A_833 = math.absf %sub3A_832 : vector<16xf32>
      %swap3A_834 = arith.constant 39 : i32
      %swap3A_835 = arith.index_cast %swap3A_834 : i32 to index
      %swap3A_836 = arith.index_cast %mul3A_54 : i32 to index
      %swap3A_837 = tpu.vector_load %arg16[%swap3A_835, %swap3A_836] {strides = array<i32>} : memref<64x256xf32, #tpu.memory_space<vmem>>, vector<16xf32>,
      tpu.vector_store %arg16[%swap3A_835, %swap3A_836], %abs3A_833 {strides = array<i32>} : memref<64x256xf32, #tpu.memory_space<vmem>>, vector<16xf32>,
      %add3A_838 = arith.constant 40 : i32
      %add3A_839 = vector.broadcast %add3A_838 : i32 to vector<16xi32>
      %add3A_840 = arith.addi %shift_left3A_63, %add3A_839 : vector<16xi32>
      %gather3A_841 = tpu.vector_load_idx %arg13[%add3A_81, %add3A_840] : memref<256x128xf32, #tpu.memory_space<vmem>>[vector<16xi32>, vector<16xi32>], vector<16xf32>,
      %add3A_842 = arith.constant 40 : i32
      %add3A_843 = vector.broadcast %add3A_842 : i32 to vector<16xi32>
      %add3A_844 = arith.addi %shift_left3A_69, %add3A_843 : vector<16xi32>
      %gather3A_845 = tpu.vector_load_idx %arg14[%add3A_81, %add3A_844] : memref<256x128xf32, #tpu.memory_space<vmem>>[vector<16xi32>, vector<16xi32>], vector<16xf32>,
      %add3A_846 = arith.constant 40 : i32
      %add3A_847 = vector.broadcast %add3A_846 : i32 to vector<16xi32>
      %add3A_848 = arith.addi %shift_left3A_77, %add3A_847 : vector<16xi32>
      %gather3A_849 = tpu.vector_load_idx %arg15[%shift_right_logical3A_71, %add3A_848] : memref<50x128xf32, #tpu.memory_space<vmem>>[vector<16xi32>, vector<16xi32>], vector<16xf32>,
      %add3A_850 = arith.addf %gather3A_841, %gather3A_849 : vector<16xf32>
      %sub3A_851 = arith.subf %add3A_850, %gather3A_845 : vector<16xf32>
      %abs3A_852 = math.absf %sub3A_851 : vector<16xf32>
      %swap3A_853 = arith.constant 40 : i32
      %swap3A_854 = arith.index_cast %swap3A_853 : i32 to index
      %swap3A_855 = arith.index_cast %mul3A_54 : i32 to index
      %swap3A_856 = tpu.vector_load %arg16[%swap3A_854, %swap3A_855] {strides = array<i32>} : memref<64x256xf32, #tpu.memory_space<vmem>>, vector<16xf32>,
      tpu.vector_store %arg16[%swap3A_854, %swap3A_855], %abs3A_852 {strides = array<i32>} : memref<64x256xf32, #tpu.memory_space<vmem>>, vector<16xf32>,
      %add3A_857 = arith.constant 41 : i32
      %add3A_858 = vector.broadcast %add3A_857 : i32 to vector<16xi32>
      %add3A_859 = arith.addi %shift_left3A_63, %add3A_858 : vector<16xi32>
      %gather3A_860 = tpu.vector_load_idx %arg13[%add3A_81, %add3A_859] : memref<256x128xf32, #tpu.memory_space<vmem>>[vector<16xi32>, vector<16xi32>], vector<16xf32>,
      %add3A_861 = arith.constant 41 : i32
      %add3A_862 = vector.broadcast %add3A_861 : i32 to vector<16xi32>
      %add3A_863 = arith.addi %shift_left3A_69, %add3A_862 : vector<16xi32>
      %gather3A_864 = tpu.vector_load_idx %arg14[%add3A_81, %add3A_863] : memref<256x128xf32, #tpu.memory_space<vmem>>[vector<16xi32>, vector<16xi32>], vector<16xf32>,
      %add3A_865 = arith.constant 41 : i32
      %add3A_866 = vector.broadcast %add3A_865 : i32 to vector<16xi32>
      %add3A_867 = arith.addi %shift_left3A_77, %add3A_866 : vector<16xi32>
      %gather3A_868 = tpu.vector_load_idx %arg15[%shift_right_logical3A_71, %add3A_867] : memref<50x128xf32, #tpu.memory_space<vmem>>[vector<16xi32>, vector<16xi32>], vector<16xf32>,
      %add3A_869 = arith.addf %gather3A_860, %gather3A_868 : vector<16xf32>
      %sub3A_870 = arith.subf %add3A_869, %gather3A_864 : vector<16xf32>
      %abs3A_871 = math.absf %sub3A_870 : vector<16xf32>
      %swap3A_872 = arith.constant 41 : i32
      %swap3A_873 = arith.index_cast %swap3A_872 : i32 to index
      %swap3A_874 = arith.index_cast %mul3A_54 : i32 to index
      %swap3A_875 = tpu.vector_load %arg16[%swap3A_873, %swap3A_874] {strides = array<i32>} : memref<64x256xf32, #tpu.memory_space<vmem>>, vector<16xf32>,
      tpu.vector_store %arg16[%swap3A_873, %swap3A_874], %abs3A_871 {strides = array<i32>} : memref<64x256xf32, #tpu.memory_space<vmem>>, vector<16xf32>,
      %add3A_876 = arith.constant 42 : i32
      %add3A_877 = vector.broadcast %add3A_876 : i32 to vector<16xi32>
      %add3A_878 = arith.addi %shift_left3A_63, %add3A_877 : vector<16xi32>
      %gather3A_879 = tpu.vector_load_idx %arg13[%add3A_81, %add3A_878] : memref<256x128xf32, #tpu.memory_space<vmem>>[vector<16xi32>, vector<16xi32>], vector<16xf32>,
      %add3A_880 = arith.constant 42 : i32
      %add3A_881 = vector.broadcast %add3A_880 : i32 to vector<16xi32>
      %add3A_882 = arith.addi %shift_left3A_69, %add3A_881 : vector<16xi32>
      %gather3A_883 = tpu.vector_load_idx %arg14[%add3A_81, %add3A_882] : memref<256x128xf32, #tpu.memory_space<vmem>>[vector<16xi32>, vector<16xi32>], vector<16xf32>,
      %add3A_884 = arith.constant 42 : i32
      %add3A_885 = vector.broadcast %add3A_884 : i32 to vector<16xi32>
      %add3A_886 = arith.addi %shift_left3A_77, %add3A_885 : vector<16xi32>
      %gather3A_887 = tpu.vector_load_idx %arg15[%shift_right_logical3A_71, %add3A_886] : memref<50x128xf32, #tpu.memory_space<vmem>>[vector<16xi32>, vector<16xi32>], vector<16xf32>,
      %add3A_888 = arith.addf %gather3A_879, %gather3A_887 : vector<16xf32>
      %sub3A_889 = arith.subf %add3A_888, %gather3A_883 : vector<16xf32>
      %abs3A_890 = math.absf %sub3A_889 : vector<16xf32>
      %swap3A_891 = arith.constant 42 : i32
      %swap3A_892 = arith.index_cast %swap3A_891 : i32 to index
      %swap3A_893 = arith.index_cast %mul3A_54 : i32 to index
      %swap3A_894 = tpu.vector_load %arg16[%swap3A_892, %swap3A_893] {strides = array<i32>} : memref<64x256xf32, #tpu.memory_space<vmem>>, vector<16xf32>,
      tpu.vector_store %arg16[%swap3A_892, %swap3A_893], %abs3A_890 {strides = array<i32>} : memref<64x256xf32, #tpu.memory_space<vmem>>, vector<16xf32>,
      %add3A_895 = arith.constant 43 : i32
      %add3A_896 = vector.broadcast %add3A_895 : i32 to vector<16xi32>
      %add3A_897 = arith.addi %shift_left3A_63, %add3A_896 : vector<16xi32>
      %gather3A_898 = tpu.vector_load_idx %arg13[%add3A_81, %add3A_897] : memref<256x128xf32, #tpu.memory_space<vmem>>[vector<16xi32>, vector<16xi32>], vector<16xf32>,
      %add3A_899 = arith.constant 43 : i32
      %add3A_900 = vector.broadcast %add3A_899 : i32 to vector<16xi32>
      %add3A_901 = arith.addi %shift_left3A_69, %add3A_900 : vector<16xi32>
      %gather3A_902 = tpu.vector_load_idx %arg14[%add3A_81, %add3A_901] : memref<256x128xf32, #tpu.memory_space<vmem>>[vector<16xi32>, vector<16xi32>], vector<16xf32>,
      %add3A_903 = arith.constant 43 : i32
      %add3A_904 = vector.broadcast %add3A_903 : i32 to vector<16xi32>
      %add3A_905 = arith.addi %shift_left3A_77, %add3A_904 : vector<16xi32>
      %gather3A_906 = tpu.vector_load_idx %arg15[%shift_right_logical3A_71, %add3A_905] : memref<50x128xf32, #tpu.memory_space<vmem>>[vector<16xi32>, vector<16xi32>], vector<16xf32>,
      %add3A_907 = arith.addf %gather3A_898, %gather3A_906 : vector<16xf32>
      %sub3A_908 = arith.subf %add3A_907, %gather3A_902 : vector<16xf32>
      %abs3A_909 = math.absf %sub3A_908 : vector<16xf32>
      %swap3A_910 = arith.constant 43 : i32
      %swap3A_911 = arith.index_cast %swap3A_910 : i32 to index
      %swap3A_912 = arith.index_cast %mul3A_54 : i32 to index
      %swap3A_913 = tpu.vector_load %arg16[%swap3A_911, %swap3A_912] {strides = array<i32>} : memref<64x256xf32, #tpu.memory_space<vmem>>, vector<16xf32>,
      tpu.vector_store %arg16[%swap3A_911, %swap3A_912], %abs3A_909 {strides = array<i32>} : memref<64x256xf32, #tpu.memory_space<vmem>>, vector<16xf32>,
      %add3A_914 = arith.constant 44 : i32
      %add3A_915 = vector.broadcast %add3A_914 : i32 to vector<16xi32>
      %add3A_916 = arith.addi %shift_left3A_63, %add3A_915 : vector<16xi32>
      %gather3A_917 = tpu.vector_load_idx %arg13[%add3A_81, %add3A_916] : memref<256x128xf32, #tpu.memory_space<vmem>>[vector<16xi32>, vector<16xi32>], vector<16xf32>,
      %add3A_918 = arith.constant 44 : i32
      %add3A_919 = vector.broadcast %add3A_918 : i32 to vector<16xi32>
      %add3A_920 = arith.addi %shift_left3A_69, %add3A_919 : vector<16xi32>
      %gather3A_921 = tpu.vector_load_idx %arg14[%add3A_81, %add3A_920] : memref<256x128xf32, #tpu.memory_space<vmem>>[vector<16xi32>, vector<16xi32>], vector<16xf32>,
      %add3A_922 = arith.constant 44 : i32
      %add3A_923 = vector.broadcast %add3A_922 : i32 to vector<16xi32>
      %add3A_924 = arith.addi %shift_left3A_77, %add3A_923 : vector<16xi32>
      %gather3A_925 = tpu.vector_load_idx %arg15[%shift_right_logical3A_71, %add3A_924] : memref<50x128xf32, #tpu.memory_space<vmem>>[vector<16xi32>, vector<16xi32>], vector<16xf32>,
      %add3A_926 = arith.addf %gather3A_917, %gather3A_925 : vector<16xf32>
      %sub3A_927 = arith.subf %add3A_926, %gather3A_921 : vector<16xf32>
      %abs3A_928 = math.absf %sub3A_927 : vector<16xf32>
      %swap3A_929 = arith.constant 44 : i32
      %swap3A_930 = arith.index_cast %swap3A_929 : i32 to index
      %swap3A_931 = arith.index_cast %mul3A_54 : i32 to index
      %swap3A_932 = tpu.vector_load %arg16[%swap3A_930, %swap3A_931] {strides = array<i32>} : memref<64x256xf32, #tpu.memory_space<vmem>>, vector<16xf32>,
      tpu.vector_store %arg16[%swap3A_930, %swap3A_931], %abs3A_928 {strides = array<i32>} : memref<64x256xf32, #tpu.memory_space<vmem>>, vector<16xf32>,
      %add3A_933 = arith.constant 45 : i32
      %add3A_934 = vector.broadcast %add3A_933 : i32 to vector<16xi32>
      %add3A_935 = arith.addi %shift_left3A_63, %add3A_934 : vector<16xi32>
      %gather3A_936 = tpu.vector_load_idx %arg13[%add3A_81, %add3A_935] : memref<256x128xf32, #tpu.memory_space<vmem>>[vector<16xi32>, vector<16xi32>], vector<16xf32>,
      %add3A_937 = arith.constant 45 : i32
      %add3A_938 = vector.broadcast %add3A_937 : i32 to vector<16xi32>
      %add3A_939 = arith.addi %shift_left3A_69, %add3A_938 : vector<16xi32>
      %gather3A_940 = tpu.vector_load_idx %arg14[%add3A_81, %add3A_939] : memref<256x128xf32, #tpu.memory_space<vmem>>[vector<16xi32>, vector<16xi32>], vector<16xf32>,
      %add3A_941 = arith.constant 45 : i32
      %add3A_942 = vector.broadcast %add3A_941 : i32 to vector<16xi32>
      %add3A_943 = arith.addi %shift_left3A_77, %add3A_942 : vector<16xi32>
      %gather3A_944 = tpu.vector_load_idx %arg15[%shift_right_logical3A_71, %add3A_943] : memref<50x128xf32, #tpu.memory_space<vmem>>[vector<16xi32>, vector<16xi32>], vector<16xf32>,
      %add3A_945 = arith.addf %gather3A_936, %gather3A_944 : vector<16xf32>
      %sub3A_946 = arith.subf %add3A_945, %gather3A_940 : vector<16xf32>
      %abs3A_947 = math.absf %sub3A_946 : vector<16xf32>
      %swap3A_948 = arith.constant 45 : i32
      %swap3A_949 = arith.index_cast %swap3A_948 : i32 to index
      %swap3A_950 = arith.index_cast %mul3A_54 : i32 to index
      %swap3A_951 = tpu.vector_load %arg16[%swap3A_949, %swap3A_950] {strides = array<i32>} : memref<64x256xf32, #tpu.memory_space<vmem>>, vector<16xf32>,
      tpu.vector_store %arg16[%swap3A_949, %swap3A_950], %abs3A_947 {strides = array<i32>} : memref<64x256xf32, #tpu.memory_space<vmem>>, vector<16xf32>,
      %add3A_952 = arith.constant 46 : i32
      %add3A_953 = vector.broadcast %add3A_952 : i32 to vector<16xi32>
      %add3A_954 = arith.addi %shift_left3A_63, %add3A_953 : vector<16xi32>
      %gather3A_955 = tpu.vector_load_idx %arg13[%add3A_81, %add3A_954] : memref<256x128xf32, #tpu.memory_space<vmem>>[vector<16xi32>, vector<16xi32>], vector<16xf32>,
      %add3A_956 = arith.constant 46 : i32
      %add3A_957 = vector.broadcast %add3A_956 : i32 to vector<16xi32>
      %add3A_958 = arith.addi %shift_left3A_69, %add3A_957 : vector<16xi32>
      %gather3A_959 = tpu.vector_load_idx %arg14[%add3A_81, %add3A_958] : memref<256x128xf32, #tpu.memory_space<vmem>>[vector<16xi32>, vector<16xi32>], vector<16xf32>,
      %add3A_960 = arith.constant 46 : i32
      %add3A_961 = vector.broadcast %add3A_960 : i32 to vector<16xi32>
      %add3A_962 = arith.addi %shift_left3A_77, %add3A_961 : vector<16xi32>
      %gather3A_963 = tpu.vector_load_idx %arg15[%shift_right_logical3A_71, %add3A_962] : memref<50x128xf32, #tpu.memory_space<vmem>>[vector<16xi32>, vector<16xi32>], vector<16xf32>,
      %add3A_964 = arith.addf %gather3A_955, %gather3A_963 : vector<16xf32>
      %sub3A_965 = arith.subf %add3A_964, %gather3A_959 : vector<16xf32>
      %abs3A_966 = math.absf %sub3A_965 : vector<16xf32>
      %swap3A_967 = arith.constant 46 : i32
      %swap3A_968 = arith.index_cast %swap3A_967 : i32 to index
      %swap3A_969 = arith.index_cast %mul3A_54 : i32 to index
      %swap3A_970 = tpu.vector_load %arg16[%swap3A_968, %swap3A_969] {strides = array<i32>} : memref<64x256xf32, #tpu.memory_space<vmem>>, vector<16xf32>,
      tpu.vector_store %arg16[%swap3A_968, %swap3A_969], %abs3A_966 {strides = array<i32>} : memref<64x256xf32, #tpu.memory_space<vmem>>, vector<16xf32>,
      %add3A_971 = arith.constant 47 : i32
      %add3A_972 = vector.broadcast %add3A_971 : i32 to vector<16xi32>
      %add3A_973 = arith.addi %shift_left3A_63, %add3A_972 : vector<16xi32>
      %gather3A_974 = tpu.vector_load_idx %arg13[%add3A_81, %add3A_973] : memref<256x128xf32, #tpu.memory_space<vmem>>[vector<16xi32>, vector<16xi32>], vector<16xf32>,
      %add3A_975 = arith.constant 47 : i32
      %add3A_976 = vector.broadcast %add3A_975 : i32 to vector<16xi32>
      %add3A_977 = arith.addi %shift_left3A_69, %add3A_976 : vector<16xi32>
      %gather3A_978 = tpu.vector_load_idx %arg14[%add3A_81, %add3A_977] : memref<256x128xf32, #tpu.memory_space<vmem>>[vector<16xi32>, vector<16xi32>], vector<16xf32>,
      %add3A_979 = arith.constant 47 : i32
      %add3A_980 = vector.broadcast %add3A_979 : i32 to vector<16xi32>
      %add3A_981 = arith.addi %shift_left3A_77, %add3A_980 : vector<16xi32>
      %gather3A_982 = tpu.vector_load_idx %arg15[%shift_right_logical3A_71, %add3A_981] : memref<50x128xf32, #tpu.memory_space<vmem>>[vector<16xi32>, vector<16xi32>], vector<16xf32>,
      %add3A_983 = arith.addf %gather3A_974, %gather3A_982 : vector<16xf32>
      %sub3A_984 = arith.subf %add3A_983, %gather3A_978 : vector<16xf32>
      %abs3A_985 = math.absf %sub3A_984 : vector<16xf32>
      %swap3A_986 = arith.constant 47 : i32
      %swap3A_987 = arith.index_cast %swap3A_986 : i32 to index
      %swap3A_988 = arith.index_cast %mul3A_54 : i32 to index
      %swap3A_989 = tpu.vector_load %arg16[%swap3A_987, %swap3A_988] {strides = array<i32>} : memref<64x256xf32, #tpu.memory_space<vmem>>, vector<16xf32>,
      tpu.vector_store %arg16[%swap3A_987, %swap3A_988], %abs3A_985 {strides = array<i32>} : memref<64x256xf32, #tpu.memory_space<vmem>>, vector<16xf32>,
      %add3A_990 = arith.constant 48 : i32
      %add3A_991 = vector.broadcast %add3A_990 : i32 to vector<16xi32>
      %add3A_992 = arith.addi %shift_left3A_63, %add3A_991 : vector<16xi32>
      %gather3A_993 = tpu.vector_load_idx %arg13[%add3A_81, %add3A_992] : memref<256x128xf32, #tpu.memory_space<vmem>>[vector<16xi32>, vector<16xi32>], vector<16xf32>,
      %add3A_994 = arith.constant 48 : i32
      %add3A_995 = vector.broadcast %add3A_994 : i32 to vector<16xi32>
      %add3A_996 = arith.addi %shift_left3A_69, %add3A_995 : vector<16xi32>
      %gather3A_997 = tpu.vector_load_idx %arg14[%add3A_81, %add3A_996] : memref<256x128xf32, #tpu.memory_space<vmem>>[vector<16xi32>, vector<16xi32>], vector<16xf32>,
      %add3A_998 = arith.constant 48 : i32
      %add3A_999 = vector.broadcast %add3A_998 : i32 to vector<16xi32>
      %add3A_1000 = arith.addi %shift_left3A_77, %add3A_999 : vector<16xi32>
      %gather3A_1001 = tpu.vector_load_idx %arg15[%shift_right_logical3A_71, %add3A_1000] : memref<50x128xf32, #tpu.memory_space<vmem>>[vector<16xi32>, vector<16xi32>], vector<16xf32>,
      %add3A_1002 = arith.addf %gather3A_993, %gather3A_1001 : vector<16xf32>
      %sub3A_1003 = arith.subf %add3A_1002, %gather3A_997 : vector<16xf32>
      %abs3A_1004 = math.absf %sub3A_1003 : vector<16xf32>
      %swap3A_1005 = arith.constant 48 : i32
      %swap3A_1006 = arith.index_cast %swap3A_1005 : i32 to index
      %swap3A_1007 = arith.index_cast %mul3A_54 : i32 to index
      %swap3A_1008 = tpu.vector_load %arg16[%swap3A_1006, %swap3A_1007] {strides = array<i32>} : memref<64x256xf32, #tpu.memory_space<vmem>>, vector<16xf32>,
      tpu.vector_store %arg16[%swap3A_1006, %swap3A_1007], %abs3A_1004 {strides = array<i32>} : memref<64x256xf32, #tpu.memory_space<vmem>>, vector<16xf32>,
      %add3A_1009 = arith.constant 49 : i32
      %add3A_1010 = vector.broadcast %add3A_1009 : i32 to vector<16xi32>
      %add3A_1011 = arith.addi %shift_left3A_63, %add3A_1010 : vector<16xi32>
      %gather3A_1012 = tpu.vector_load_idx %arg13[%add3A_81, %add3A_1011] : memref<256x128xf32, #tpu.memory_space<vmem>>[vector<16xi32>, vector<16xi32>], vector<16xf32>,
      %add3A_1013 = arith.constant 49 : i32
      %add3A_1014 = vector.broadcast %add3A_1013 : i32 to vector<16xi32>
      %add3A_1015 = arith.addi %shift_left3A_69, %add3A_1014 : vector<16xi32>
      %gather3A_1016 = tpu.vector_load_idx %arg14[%add3A_81, %add3A_1015] : memref<256x128xf32, #tpu.memory_space<vmem>>[vector<16xi32>, vector<16xi32>], vector<16xf32>,
      %add3A_1017 = arith.constant 49 : i32
      %add3A_1018 = vector.broadcast %add3A_1017 : i32 to vector<16xi32>
      %add3A_1019 = arith.addi %shift_left3A_77, %add3A_1018 : vector<16xi32>
      %gather3A_1020 = tpu.vector_load_idx %arg15[%shift_right_logical3A_71, %add3A_1019] : memref<50x128xf32, #tpu.memory_space<vmem>>[vector<16xi32>, vector<16xi32>], vector<16xf32>,
      %add3A_1021 = arith.addf %gather3A_1012, %gather3A_1020 : vector<16xf32>
      %sub3A_1022 = arith.subf %add3A_1021, %gather3A_1016 : vector<16xf32>
      %abs3A_1023 = math.absf %sub3A_1022 : vector<16xf32>
      %swap3A_1024 = arith.constant 49 : i32
      %swap3A_1025 = arith.index_cast %swap3A_1024 : i32 to index
      %swap3A_1026 = arith.index_cast %mul3A_54 : i32 to index
      %swap3A_1027 = tpu.vector_load %arg16[%swap3A_1025, %swap3A_1026] {strides = array<i32>} : memref<64x256xf32, #tpu.memory_space<vmem>>, vector<16xf32>,
      tpu.vector_store %arg16[%swap3A_1025, %swap3A_1026], %abs3A_1023 {strides = array<i32>} : memref<64x256xf32, #tpu.memory_space<vmem>>, vector<16xf32>,
      %add3A_1028 = arith.constant 50 : i32
      %add3A_1029 = vector.broadcast %add3A_1028 : i32 to vector<16xi32>
      %add3A_1030 = arith.addi %shift_left3A_63, %add3A_1029 : vector<16xi32>
      %gather3A_1031 = tpu.vector_load_idx %arg13[%add3A_81, %add3A_1030] : memref<256x128xf32, #tpu.memory_space<vmem>>[vector<16xi32>, vector<16xi32>], vector<16xf32>,
      %add3A_1032 = arith.constant 50 : i32
      %add3A_1033 = vector.broadcast %add3A_1032 : i32 to vector<16xi32>
      %add3A_1034 = arith.addi %shift_left3A_69, %add3A_1033 : vector<16xi32>
      %gather3A_1035 = tpu.vector_load_idx %arg14[%add3A_81, %add3A_1034] : memref<256x128xf32, #tpu.memory_space<vmem>>[vector<16xi32>, vector<16xi32>], vector<16xf32>,
      %add3A_1036 = arith.constant 50 : i32
      %add3A_1037 = vector.broadcast %add3A_1036 : i32 to vector<16xi32>
      %add3A_1038 = arith.addi %shift_left3A_77, %add3A_1037 : vector<16xi32>
      %gather3A_1039 = tpu.vector_load_idx %arg15[%shift_right_logical3A_71, %add3A_1038] : memref<50x128xf32, #tpu.memory_space<vmem>>[vector<16xi32>, vector<16xi32>], vector<16xf32>,
      %add3A_1040 = arith.addf %gather3A_1031, %gather3A_1039 : vector<16xf32>
      %sub3A_1041 = arith.subf %add3A_1040, %gather3A_1035 : vector<16xf32>
      %abs3A_1042 = math.absf %sub3A_1041 : vector<16xf32>
      %swap3A_1043 = arith.constant 50 : i32
      %swap3A_1044 = arith.index_cast %swap3A_1043 : i32 to index
      %swap3A_1045 = arith.index_cast %mul3A_54 : i32 to index
      %swap3A_1046 = tpu.vector_load %arg16[%swap3A_1044, %swap3A_1045] {strides = array<i32>} : memref<64x256xf32, #tpu.memory_space<vmem>>, vector<16xf32>,
      tpu.vector_store %arg16[%swap3A_1044, %swap3A_1045], %abs3A_1042 {strides = array<i32>} : memref<64x256xf32, #tpu.memory_space<vmem>>, vector<16xf32>,
      %add3A_1047 = arith.constant 51 : i32
      %add3A_1048 = vector.broadcast %add3A_1047 : i32 to vector<16xi32>
      %add3A_1049 = arith.addi %shift_left3A_63, %add3A_1048 : vector<16xi32>
      %gather3A_1050 = tpu.vector_load_idx %arg13[%add3A_81, %add3A_1049] : memref<256x128xf32, #tpu.memory_space<vmem>>[vector<16xi32>, vector<16xi32>], vector<16xf32>,
      %add3A_1051 = arith.constant 51 : i32
      %add3A_1052 = vector.broadcast %add3A_1051 : i32 to vector<16xi32>
      %add3A_1053 = arith.addi %shift_left3A_69, %add3A_1052 : vector<16xi32>
      %gather3A_1054 = tpu.vector_load_idx %arg14[%add3A_81, %add3A_1053] : memref<256x128xf32, #tpu.memory_space<vmem>>[vector<16xi32>, vector<16xi32>], vector<16xf32>,
      %add3A_1055 = arith.constant 51 : i32
      %add3A_1056 = vector.broadcast %add3A_1055 : i32 to vector<16xi32>
      %add3A_1057 = arith.addi %shift_left3A_77, %add3A_1056 : vector<16xi32>
      %gather3A_1058 = tpu.vector_load_idx %arg15[%shift_right_logical3A_71, %add3A_1057] : memref<50x128xf32, #tpu.memory_space<vmem>>[vector<16xi32>, vector<16xi32>], vector<16xf32>,
      %add3A_1059 = arith.addf %gather3A_1050, %gather3A_1058 : vector<16xf32>
      %sub3A_1060 = arith.subf %add3A_1059, %gather3A_1054 : vector<16xf32>
      %abs3A_1061 = math.absf %sub3A_1060 : vector<16xf32>
      %swap3A_1062 = arith.constant 51 : i32
      %swap3A_1063 = arith.index_cast %swap3A_1062 : i32 to index
      %swap3A_1064 = arith.index_cast %mul3A_54 : i32 to index
      %swap3A_1065 = tpu.vector_load %arg16[%swap3A_1063, %swap3A_1064] {strides = array<i32>} : memref<64x256xf32, #tpu.memory_space<vmem>>, vector<16xf32>,
      tpu.vector_store %arg16[%swap3A_1063, %swap3A_1064], %abs3A_1061 {strides = array<i32>} : memref<64x256xf32, #tpu.memory_space<vmem>>, vector<16xf32>,
      %add3A_1066 = arith.constant 52 : i32
      %add3A_1067 = vector.broadcast %add3A_1066 : i32 to vector<16xi32>
      %add3A_1068 = arith.addi %shift_left3A_63, %add3A_1067 : vector<16xi32>
      %gather3A_1069 = tpu.vector_load_idx %arg13[%add3A_81, %add3A_1068] : memref<256x128xf32, #tpu.memory_space<vmem>>[vector<16xi32>, vector<16xi32>], vector<16xf32>,
      %add3A_1070 = arith.constant 52 : i32
      %add3A_1071 = vector.broadcast %add3A_1070 : i32 to vector<16xi32>
      %add3A_1072 = arith.addi %shift_left3A_69, %add3A_1071 : vector<16xi32>
      %gather3A_1073 = tpu.vector_load_idx %arg14[%add3A_81, %add3A_1072] : memref<256x128xf32, #tpu.memory_space<vmem>>[vector<16xi32>, vector<16xi32>], vector<16xf32>,
      %add3A_1074 = arith.constant 52 : i32
      %add3A_1075 = vector.broadcast %add3A_1074 : i32 to vector<16xi32>
      %add3A_1076 = arith.addi %shift_left3A_77, %add3A_1075 : vector<16xi32>
      %gather3A_1077 = tpu.vector_load_idx %arg15[%shift_right_logical3A_71, %add3A_1076] : memref<50x128xf32, #tpu.memory_space<vmem>>[vector<16xi32>, vector<16xi32>], vector<16xf32>,
      %add3A_1078 = arith.addf %gather3A_1069, %gather3A_1077 : vector<16xf32>
      %sub3A_1079 = arith.subf %add3A_1078, %gather3A_1073 : vector<16xf32>
      %abs3A_1080 = math.absf %sub3A_1079 : vector<16xf32>
      %swap3A_1081 = arith.constant 52 : i32
      %swap3A_1082 = arith.index_cast %swap3A_1081 : i32 to index
      %swap3A_1083 = arith.index_cast %mul3A_54 : i32 to index
      %swap3A_1084 = tpu.vector_load %arg16[%swap3A_1082, %swap3A_1083] {strides = array<i32>} : memref<64x256xf32, #tpu.memory_space<vmem>>, vector<16xf32>,
      tpu.vector_store %arg16[%swap3A_1082, %swap3A_1083], %abs3A_1080 {strides = array<i32>} : memref<64x256xf32, #tpu.memory_space<vmem>>, vector<16xf32>,
      %add3A_1085 = arith.constant 53 : i32
      %add3A_1086 = vector.broadcast %add3A_1085 : i32 to vector<16xi32>
      %add3A_1087 = arith.addi %shift_left3A_63, %add3A_1086 : vector<16xi32>
      %gather3A_1088 = tpu.vector_load_idx %arg13[%add3A_81, %add3A_1087] : memref<256x128xf32, #tpu.memory_space<vmem>>[vector<16xi32>, vector<16xi32>], vector<16xf32>,
      %add3A_1089 = arith.constant 53 : i32
      %add3A_1090 = vector.broadcast %add3A_1089 : i32 to vector<16xi32>
      %add3A_1091 = arith.addi %shift_left3A_69, %add3A_1090 : vector<16xi32>
      %gather3A_1092 = tpu.vector_load_idx %arg14[%add3A_81, %add3A_1091] : memref<256x128xf32, #tpu.memory_space<vmem>>[vector<16xi32>, vector<16xi32>], vector<16xf32>,
      %add3A_1093 = arith.constant 53 : i32
      %add3A_1094 = vector.broadcast %add3A_1093 : i32 to vector<16xi32>
      %add3A_1095 = arith.addi %shift_left3A_77, %add3A_1094 : vector<16xi32>
      %gather3A_1096 = tpu.vector_load_idx %arg15[%shift_right_logical3A_71, %add3A_1095] : memref<50x128xf32, #tpu.memory_space<vmem>>[vector<16xi32>, vector<16xi32>], vector<16xf32>,
      %add3A_1097 = arith.addf %gather3A_1088, %gather3A_1096 : vector<16xf32>
      %sub3A_1098 = arith.subf %add3A_1097, %gather3A_1092 : vector<16xf32>
      %abs3A_1099 = math.absf %sub3A_1098 : vector<16xf32>
      %swap3A_1100 = arith.constant 53 : i32
      %swap3A_1101 = arith.index_cast %swap3A_1100 : i32 to index
      %swap3A_1102 = arith.index_cast %mul3A_54 : i32 to index
      %swap3A_1103 = tpu.vector_load %arg16[%swap3A_1101, %swap3A_1102] {strides = array<i32>} : memref<64x256xf32, #tpu.memory_space<vmem>>, vector<16xf32>,
      tpu.vector_store %arg16[%swap3A_1101, %swap3A_1102], %abs3A_1099 {strides = array<i32>} : memref<64x256xf32, #tpu.memory_space<vmem>>, vector<16xf32>,
      %add3A_1104 = arith.constant 54 : i32
      %add3A_1105 = vector.broadcast %add3A_1104 : i32 to vector<16xi32>
      %add3A_1106 = arith.addi %shift_left3A_63, %add3A_1105 : vector<16xi32>
      %gather3A_1107 = tpu.vector_load_idx %arg13[%add3A_81, %add3A_1106] : memref<256x128xf32, #tpu.memory_space<vmem>>[vector<16xi32>, vector<16xi32>], vector<16xf32>,
      %add3A_1108 = arith.constant 54 : i32
      %add3A_1109 = vector.broadcast %add3A_1108 : i32 to vector<16xi32>
      %add3A_1110 = arith.addi %shift_left3A_69, %add3A_1109 : vector<16xi32>
      %gather3A_1111 = tpu.vector_load_idx %arg14[%add3A_81, %add3A_1110] : memref<256x128xf32, #tpu.memory_space<vmem>>[vector<16xi32>, vector<16xi32>], vector<16xf32>,
      %add3A_1112 = arith.constant 54 : i32
      %add3A_1113 = vector.broadcast %add3A_1112 : i32 to vector<16xi32>
      %add3A_1114 = arith.addi %shift_left3A_77, %add3A_1113 : vector<16xi32>
      %gather3A_1115 = tpu.vector_load_idx %arg15[%shift_right_logical3A_71, %add3A_1114] : memref<50x128xf32, #tpu.memory_space<vmem>>[vector<16xi32>, vector<16xi32>], vector<16xf32>,
      %add3A_1116 = arith.addf %gather3A_1107, %gather3A_1115 : vector<16xf32>
      %sub3A_1117 = arith.subf %add3A_1116, %gather3A_1111 : vector<16xf32>
      %abs3A_1118 = math.absf %sub3A_1117 : vector<16xf32>
      %swap3A_1119 = arith.constant 54 : i32
      %swap3A_1120 = arith.index_cast %swap3A_1119 : i32 to index
      %swap3A_1121 = arith.index_cast %mul3A_54 : i32 to index
      %swap3A_1122 = tpu.vector_load %arg16[%swap3A_1120, %swap3A_1121] {strides = array<i32>} : memref<64x256xf32, #tpu.memory_space<vmem>>, vector<16xf32>,
      tpu.vector_store %arg16[%swap3A_1120, %swap3A_1121], %abs3A_1118 {strides = array<i32>} : memref<64x256xf32, #tpu.memory_space<vmem>>, vector<16xf32>,
      %add3A_1123 = arith.constant 55 : i32
      %add3A_1124 = vector.broadcast %add3A_1123 : i32 to vector<16xi32>
      %add3A_1125 = arith.addi %shift_left3A_63, %add3A_1124 : vector<16xi32>
      %gather3A_1126 = tpu.vector_load_idx %arg13[%add3A_81, %add3A_1125] : memref<256x128xf32, #tpu.memory_space<vmem>>[vector<16xi32>, vector<16xi32>], vector<16xf32>,
      %add3A_1127 = arith.constant 55 : i32
      %add3A_1128 = vector.broadcast %add3A_1127 : i32 to vector<16xi32>
      %add3A_1129 = arith.addi %shift_left3A_69, %add3A_1128 : vector<16xi32>
      %gather3A_1130 = tpu.vector_load_idx %arg14[%add3A_81, %add3A_1129] : memref<256x128xf32, #tpu.memory_space<vmem>>[vector<16xi32>, vector<16xi32>], vector<16xf32>,
      %add3A_1131 = arith.constant 55 : i32
      %add3A_1132 = vector.broadcast %add3A_1131 : i32 to vector<16xi32>
      %add3A_1133 = arith.addi %shift_left3A_77, %add3A_1132 : vector<16xi32>
      %gather3A_1134 = tpu.vector_load_idx %arg15[%shift_right_logical3A_71, %add3A_1133] : memref<50x128xf32, #tpu.memory_space<vmem>>[vector<16xi32>, vector<16xi32>], vector<16xf32>,
      %add3A_1135 = arith.addf %gather3A_1126, %gather3A_1134 : vector<16xf32>
      %sub3A_1136 = arith.subf %add3A_1135, %gather3A_1130 : vector<16xf32>
      %abs3A_1137 = math.absf %sub3A_1136 : vector<16xf32>
      %swap3A_1138 = arith.constant 55 : i32
      %swap3A_1139 = arith.index_cast %swap3A_1138 : i32 to index
      %swap3A_1140 = arith.index_cast %mul3A_54 : i32 to index
      %swap3A_1141 = tpu.vector_load %arg16[%swap3A_1139, %swap3A_1140] {strides = array<i32>} : memref<64x256xf32, #tpu.memory_space<vmem>>, vector<16xf32>,
      tpu.vector_store %arg16[%swap3A_1139, %swap3A_1140], %abs3A_1137 {strides = array<i32>} : memref<64x256xf32, #tpu.memory_space<vmem>>, vector<16xf32>,
      %add3A_1142 = arith.constant 56 : i32
      %add3A_1143 = vector.broadcast %add3A_1142 : i32 to vector<16xi32>
      %add3A_1144 = arith.addi %shift_left3A_63, %add3A_1143 : vector<16xi32>
      %gather3A_1145 = tpu.vector_load_idx %arg13[%add3A_81, %add3A_1144] : memref<256x128xf32, #tpu.memory_space<vmem>>[vector<16xi32>, vector<16xi32>], vector<16xf32>,
      %add3A_1146 = arith.constant 56 : i32
      %add3A_1147 = vector.broadcast %add3A_1146 : i32 to vector<16xi32>
      %add3A_1148 = arith.addi %shift_left3A_69, %add3A_1147 : vector<16xi32>
      %gather3A_1149 = tpu.vector_load_idx %arg14[%add3A_81, %add3A_1148] : memref<256x128xf32, #tpu.memory_space<vmem>>[vector<16xi32>, vector<16xi32>], vector<16xf32>,
      %add3A_1150 = arith.constant 56 : i32
      %add3A_1151 = vector.broadcast %add3A_1150 : i32 to vector<16xi32>
      %add3A_1152 = arith.addi %shift_left3A_77, %add3A_1151 : vector<16xi32>
      %gather3A_1153 = tpu.vector_load_idx %arg15[%shift_right_logical3A_71, %add3A_1152] : memref<50x128xf32, #tpu.memory_space<vmem>>[vector<16xi32>, vector<16xi32>], vector<16xf32>,
      %add3A_1154 = arith.addf %gather3A_1145, %gather3A_1153 : vector<16xf32>
      %sub3A_1155 = arith.subf %add3A_1154, %gather3A_1149 : vector<16xf32>
      %abs3A_1156 = math.absf %sub3A_1155 : vector<16xf32>
      %swap3A_1157 = arith.constant 56 : i32
      %swap3A_1158 = arith.index_cast %swap3A_1157 : i32 to index
      %swap3A_1159 = arith.index_cast %mul3A_54 : i32 to index
      %swap3A_1160 = tpu.vector_load %arg16[%swap3A_1158, %swap3A_1159] {strides = array<i32>} : memref<64x256xf32, #tpu.memory_space<vmem>>, vector<16xf32>,
      tpu.vector_store %arg16[%swap3A_1158, %swap3A_1159], %abs3A_1156 {strides = array<i32>} : memref<64x256xf32, #tpu.memory_space<vmem>>, vector<16xf32>,
      %add3A_1161 = arith.constant 57 : i32
      %add3A_1162 = vector.broadcast %add3A_1161 : i32 to vector<16xi32>
      %add3A_1163 = arith.addi %shift_left3A_63, %add3A_1162 : vector<16xi32>
      %gather3A_1164 = tpu.vector_load_idx %arg13[%add3A_81, %add3A_1163] : memref<256x128xf32, #tpu.memory_space<vmem>>[vector<16xi32>, vector<16xi32>], vector<16xf32>,
      %add3A_1165 = arith.constant 57 : i32
      %add3A_1166 = vector.broadcast %add3A_1165 : i32 to vector<16xi32>
      %add3A_1167 = arith.addi %shift_left3A_69, %add3A_1166 : vector<16xi32>
      %gather3A_1168 = tpu.vector_load_idx %arg14[%add3A_81, %add3A_1167] : memref<256x128xf32, #tpu.memory_space<vmem>>[vector<16xi32>, vector<16xi32>], vector<16xf32>,
      %add3A_1169 = arith.constant 57 : i32
      %add3A_1170 = vector.broadcast %add3A_1169 : i32 to vector<16xi32>
      %add3A_1171 = arith.addi %shift_left3A_77, %add3A_1170 : vector<16xi32>
      %gather3A_1172 = tpu.vector_load_idx %arg15[%shift_right_logical3A_71, %add3A_1171] : memref<50x128xf32, #tpu.memory_space<vmem>>[vector<16xi32>, vector<16xi32>], vector<16xf32>,
      %add3A_1173 = arith.addf %gather3A_1164, %gather3A_1172 : vector<16xf32>
      %sub3A_1174 = arith.subf %add3A_1173, %gather3A_1168 : vector<16xf32>
      %abs3A_1175 = math.absf %sub3A_1174 : vector<16xf32>
      %swap3A_1176 = arith.constant 57 : i32
      %swap3A_1177 = arith.index_cast %swap3A_1176 : i32 to index
      %swap3A_1178 = arith.index_cast %mul3A_54 : i32 to index
      %swap3A_1179 = tpu.vector_load %arg16[%swap3A_1177, %swap3A_1178] {strides = array<i32>} : memref<64x256xf32, #tpu.memory_space<vmem>>, vector<16xf32>,
      tpu.vector_store %arg16[%swap3A_1177, %swap3A_1178], %abs3A_1175 {strides = array<i32>} : memref<64x256xf32, #tpu.memory_space<vmem>>, vector<16xf32>,
      %add3A_1180 = arith.constant 58 : i32
      %add3A_1181 = vector.broadcast %add3A_1180 : i32 to vector<16xi32>
      %add3A_1182 = arith.addi %shift_left3A_63, %add3A_1181 : vector<16xi32>
      %gather3A_1183 = tpu.vector_load_idx %arg13[%add3A_81, %add3A_1182] : memref<256x128xf32, #tpu.memory_space<vmem>>[vector<16xi32>, vector<16xi32>], vector<16xf32>,
      %add3A_1184 = arith.constant 58 : i32
      %add3A_1185 = vector.broadcast %add3A_1184 : i32 to vector<16xi32>
      %add3A_1186 = arith.addi %shift_left3A_69, %add3A_1185 : vector<16xi32>
      %gather3A_1187 = tpu.vector_load_idx %arg14[%add3A_81, %add3A_1186] : memref<256x128xf32, #tpu.memory_space<vmem>>[vector<16xi32>, vector<16xi32>], vector<16xf32>,
      %add3A_1188 = arith.constant 58 : i32
      %add3A_1189 = vector.broadcast %add3A_1188 : i32 to vector<16xi32>
      %add3A_1190 = arith.addi %shift_left3A_77, %add3A_1189 : vector<16xi32>
      %gather3A_1191 = tpu.vector_load_idx %arg15[%shift_right_logical3A_71, %add3A_1190] : memref<50x128xf32, #tpu.memory_space<vmem>>[vector<16xi32>, vector<16xi32>], vector<16xf32>,
      %add3A_1192 = arith.addf %gather3A_1183, %gather3A_1191 : vector<16xf32>
      %sub3A_1193 = arith.subf %add3A_1192, %gather3A_1187 : vector<16xf32>
      %abs3A_1194 = math.absf %sub3A_1193 : vector<16xf32>
      %swap3A_1195 = arith.constant 58 : i32
      %swap3A_1196 = arith.index_cast %swap3A_1195 : i32 to index
      %swap3A_1197 = arith.index_cast %mul3A_54 : i32 to index
      %swap3A_1198 = tpu.vector_load %arg16[%swap3A_1196, %swap3A_1197] {strides = array<i32>} : memref<64x256xf32, #tpu.memory_space<vmem>>, vector<16xf32>,
      tpu.vector_store %arg16[%swap3A_1196, %swap3A_1197], %abs3A_1194 {strides = array<i32>} : memref<64x256xf32, #tpu.memory_space<vmem>>, vector<16xf32>,
      %add3A_1199 = arith.constant 59 : i32
      %add3A_1200 = vector.broadcast %add3A_1199 : i32 to vector<16xi32>
      %add3A_1201 = arith.addi %shift_left3A_63, %add3A_1200 : vector<16xi32>
      %gather3A_1202 = tpu.vector_load_idx %arg13[%add3A_81, %add3A_1201] : memref<256x128xf32, #tpu.memory_space<vmem>>[vector<16xi32>, vector<16xi32>], vector<16xf32>,
      %add3A_1203 = arith.constant 59 : i32
      %add3A_1204 = vector.broadcast %add3A_1203 : i32 to vector<16xi32>
      %add3A_1205 = arith.addi %shift_left3A_69, %add3A_1204 : vector<16xi32>
      %gather3A_1206 = tpu.vector_load_idx %arg14[%add3A_81, %add3A_1205] : memref<256x128xf32, #tpu.memory_space<vmem>>[vector<16xi32>, vector<16xi32>], vector<16xf32>,
      %add3A_1207 = arith.constant 59 : i32
      %add3A_1208 = vector.broadcast %add3A_1207 : i32 to vector<16xi32>
      %add3A_1209 = arith.addi %shift_left3A_77, %add3A_1208 : vector<16xi32>
      %gather3A_1210 = tpu.vector_load_idx %arg15[%shift_right_logical3A_71, %add3A_1209] : memref<50x128xf32, #tpu.memory_space<vmem>>[vector<16xi32>, vector<16xi32>], vector<16xf32>,
      %add3A_1211 = arith.addf %gather3A_1202, %gather3A_1210 : vector<16xf32>
      %sub3A_1212 = arith.subf %add3A_1211, %gather3A_1206 : vector<16xf32>
      %abs3A_1213 = math.absf %sub3A_1212 : vector<16xf32>
      %swap3A_1214 = arith.constant 59 : i32
      %swap3A_1215 = arith.index_cast %swap3A_1214 : i32 to index
      %swap3A_1216 = arith.index_cast %mul3A_54 : i32 to index
      %swap3A_1217 = tpu.vector_load %arg16[%swap3A_1215, %swap3A_1216] {strides = array<i32>} : memref<64x256xf32, #tpu.memory_space<vmem>>, vector<16xf32>,
      tpu.vector_store %arg16[%swap3A_1215, %swap3A_1216], %abs3A_1213 {strides = array<i32>} : memref<64x256xf32, #tpu.memory_space<vmem>>, vector<16xf32>,
      %add3A_1218 = arith.constant 60 : i32
      %add3A_1219 = vector.broadcast %add3A_1218 : i32 to vector<16xi32>
      %add3A_1220 = arith.addi %shift_left3A_63, %add3A_1219 : vector<16xi32>
      %gather3A_1221 = tpu.vector_load_idx %arg13[%add3A_81, %add3A_1220] : memref<256x128xf32, #tpu.memory_space<vmem>>[vector<16xi32>, vector<16xi32>], vector<16xf32>,
      %add3A_1222 = arith.constant 60 : i32
      %add3A_1223 = vector.broadcast %add3A_1222 : i32 to vector<16xi32>
      %add3A_1224 = arith.addi %shift_left3A_69, %add3A_1223 : vector<16xi32>
      %gather3A_1225 = tpu.vector_load_idx %arg14[%add3A_81, %add3A_1224] : memref<256x128xf32, #tpu.memory_space<vmem>>[vector<16xi32>, vector<16xi32>], vector<16xf32>,
      %add3A_1226 = arith.constant 60 : i32
      %add3A_1227 = vector.broadcast %add3A_1226 : i32 to vector<16xi32>
      %add3A_1228 = arith.addi %shift_left3A_77, %add3A_1227 : vector<16xi32>
      %gather3A_1229 = tpu.vector_load_idx %arg15[%shift_right_logical3A_71, %add3A_1228] : memref<50x128xf32, #tpu.memory_space<vmem>>[vector<16xi32>, vector<16xi32>], vector<16xf32>,
      %add3A_1230 = arith.addf %gather3A_1221, %gather3A_1229 : vector<16xf32>
      %sub3A_1231 = arith.subf %add3A_1230, %gather3A_1225 : vector<16xf32>
      %abs3A_1232 = math.absf %sub3A_1231 : vector<16xf32>
      %swap3A_1233 = arith.constant 60 : i32
      %swap3A_1234 = arith.index_cast %swap3A_1233 : i32 to index
      %swap3A_1235 = arith.index_cast %mul3A_54 : i32 to index
      %swap3A_1236 = tpu.vector_load %arg16[%swap3A_1234, %swap3A_1235] {strides = array<i32>} : memref<64x256xf32, #tpu.memory_space<vmem>>, vector<16xf32>,
      tpu.vector_store %arg16[%swap3A_1234, %swap3A_1235], %abs3A_1232 {strides = array<i32>} : memref<64x256xf32, #tpu.memory_space<vmem>>, vector<16xf32>,
      %add3A_1237 = arith.constant 61 : i32
      %add3A_1238 = vector.broadcast %add3A_1237 : i32 to vector<16xi32>
      %add3A_1239 = arith.addi %shift_left3A_63, %add3A_1238 : vector<16xi32>
      %gather3A_1240 = tpu.vector_load_idx %arg13[%add3A_81, %add3A_1239] : memref<256x128xf32, #tpu.memory_space<vmem>>[vector<16xi32>, vector<16xi32>], vector<16xf32>,
      %add3A_1241 = arith.constant 61 : i32
      %add3A_1242 = vector.broadcast %add3A_1241 : i32 to vector<16xi32>
      %add3A_1243 = arith.addi %shift_left3A_69, %add3A_1242 : vector<16xi32>
      %gather3A_1244 = tpu.vector_load_idx %arg14[%add3A_81, %add3A_1243] : memref<256x128xf32, #tpu.memory_space<vmem>>[vector<16xi32>, vector<16xi32>], vector<16xf32>,
      %add3A_1245 = arith.constant 61 : i32
      %add3A_1246 = vector.broadcast %add3A_1245 : i32 to vector<16xi32>
      %add3A_1247 = arith.addi %shift_left3A_77, %add3A_1246 : vector<16xi32>
      %gather3A_1248 = tpu.vector_load_idx %arg15[%shift_right_logical3A_71, %add3A_1247] : memref<50x128xf32, #tpu.memory_space<vmem>>[vector<16xi32>, vector<16xi32>], vector<16xf32>,
      %add3A_1249 = arith.addf %gather3A_1240, %gather3A_1248 : vector<16xf32>
      %sub3A_1250 = arith.subf %add3A_1249, %gather3A_1244 : vector<16xf32>
      %abs3A_1251 = math.absf %sub3A_1250 : vector<16xf32>
      %swap3A_1252 = arith.constant 61 : i32
      %swap3A_1253 = arith.index_cast %swap3A_1252 : i32 to index
      %swap3A_1254 = arith.index_cast %mul3A_54 : i32 to index
      %swap3A_1255 = tpu.vector_load %arg16[%swap3A_1253, %swap3A_1254] {strides = array<i32>} : memref<64x256xf32, #tpu.memory_space<vmem>>, vector<16xf32>,
      tpu.vector_store %arg16[%swap3A_1253, %swap3A_1254], %abs3A_1251 {strides = array<i32>} : memref<64x256xf32, #tpu.memory_space<vmem>>, vector<16xf32>,
      %add3A_1256 = arith.constant 62 : i32
      %add3A_1257 = vector.broadcast %add3A_1256 : i32 to vector<16xi32>
      %add3A_1258 = arith.addi %shift_left3A_63, %add3A_1257 : vector<16xi32>
      %gather3A_1259 = tpu.vector_load_idx %arg13[%add3A_81, %add3A_1258] : memref<256x128xf32, #tpu.memory_space<vmem>>[vector<16xi32>, vector<16xi32>], vector<16xf32>,
      %add3A_1260 = arith.constant 62 : i32
      %add3A_1261 = vector.broadcast %add3A_1260 : i32 to vector<16xi32>
      %add3A_1262 = arith.addi %shift_left3A_69, %add3A_1261 : vector<16xi32>
      %gather3A_1263 = tpu.vector_load_idx %arg14[%add3A_81, %add3A_1262] : memref<256x128xf32, #tpu.memory_space<vmem>>[vector<16xi32>, vector<16xi32>], vector<16xf32>,
      %add3A_1264 = arith.constant 62 : i32
      %add3A_1265 = vector.broadcast %add3A_1264 : i32 to vector<16xi32>
      %add3A_1266 = arith.addi %shift_left3A_77, %add3A_1265 : vector<16xi32>
      %gather3A_1267 = tpu.vector_load_idx %arg15[%shift_right_logical3A_71, %add3A_1266] : memref<50x128xf32, #tpu.memory_space<vmem>>[vector<16xi32>, vector<16xi32>], vector<16xf32>,
      %add3A_1268 = arith.addf %gather3A_1259, %gather3A_1267 : vector<16xf32>
      %sub3A_1269 = arith.subf %add3A_1268, %gather3A_1263 : vector<16xf32>
      %abs3A_1270 = math.absf %sub3A_1269 : vector<16xf32>
      %swap3A_1271 = arith.constant 62 : i32
      %swap3A_1272 = arith.index_cast %swap3A_1271 : i32 to index
      %swap3A_1273 = arith.index_cast %mul3A_54 : i32 to index
      %swap3A_1274 = tpu.vector_load %arg16[%swap3A_1272, %swap3A_1273] {strides = array<i32>} : memref<64x256xf32, #tpu.memory_space<vmem>>, vector<16xf32>,
      tpu.vector_store %arg16[%swap3A_1272, %swap3A_1273], %abs3A_1270 {strides = array<i32>} : memref<64x256xf32, #tpu.memory_space<vmem>>, vector<16xf32>,
      %add3A_1275 = arith.constant 63 : i32
      %add3A_1276 = vector.broadcast %add3A_1275 : i32 to vector<16xi32>
      %add3A_1277 = arith.addi %shift_left3A_63, %add3A_1276 : vector<16xi32>
      %gather3A_1278 = tpu.vector_load_idx %arg13[%add3A_81, %add3A_1277] : memref<256x128xf32, #tpu.memory_space<vmem>>[vector<16xi32>, vector<16xi32>], vector<16xf32>,
      %add3A_1279 = arith.constant 63 : i32
      %add3A_1280 = vector.broadcast %add3A_1279 : i32 to vector<16xi32>
      %add3A_1281 = arith.addi %shift_left3A_69, %add3A_1280 : vector<16xi32>
      %gather3A_1282 = tpu.vector_load_idx %arg14[%add3A_81, %add3A_1281] : memref<256x128xf32, #tpu.memory_space<vmem>>[vector<16xi32>, vector<16xi32>], vector<16xf32>,
      %add3A_1283 = arith.constant 63 : i32
      %add3A_1284 = vector.broadcast %add3A_1283 : i32 to vector<16xi32>
      %add3A_1285 = arith.addi %shift_left3A_77, %add3A_1284 : vector<16xi32>
      %gather3A_1286 = tpu.vector_load_idx %arg15[%shift_right_logical3A_71, %add3A_1285] : memref<50x128xf32, #tpu.memory_space<vmem>>[vector<16xi32>, vector<16xi32>], vector<16xf32>,
      %add3A_1287 = arith.addf %gather3A_1278, %gather3A_1286 : vector<16xf32>
      %sub3A_1288 = arith.subf %add3A_1287, %gather3A_1282 : vector<16xf32>
      %abs3A_1289 = math.absf %sub3A_1288 : vector<16xf32>
      %swap3A_1290 = arith.constant 63 : i32
      %swap3A_1291 = arith.index_cast %swap3A_1290 : i32 to index
      %swap3A_1292 = arith.index_cast %mul3A_54 : i32 to index
      %swap3A_1293 = tpu.vector_load %arg16[%swap3A_1291, %swap3A_1292] {strides = array<i32>} : memref<64x256xf32, #tpu.memory_space<vmem>>, vector<16xf32>,
      tpu.vector_store %arg16[%swap3A_1291, %swap3A_1292], %abs3A_1289 {strides = array<i32>} : memref<64x256xf32, #tpu.memory_space<vmem>>, vector<16xf32>,
    }
    %scan3A_51 = arith.constant 16 : i32
    "tpu.region"() ({
      %run_scoped3A = tpu.sem_alloc : memref<!tpu.dma_semaphore, #tpu.memory_space<semaphore_mem>>
      %dma_start3A_52 = arith.constant 0 : i32
      %dma_start3A_53 = tpu.memref_slice %arg7[%dma_start3A_52, %add3A_27] : memref<64x16384xf32, #tpu.memory_space<hbm>> -> memref<64x256xf32, #tpu.memory_space<hbm>>
      %dma_start3A_54 = arith.constant 0 : i32
      %dma_start3A_55 = tpu.memref_slice %arg7[%dma_start3A_54, %add3A_27] : memref<64x16384xf32, #tpu.memory_space<hbm>> -> memref<64x256xf32, #tpu.memory_space<hbm>>
      tpu.enqueue_dma source(%arg16 : memref<64x256xf32, #tpu.memory_space<vmem>>) target(%dma_start3A_55 : memref<64x256xf32, #tpu.memory_space<hbm>>) target_semaphore(%run_scoped3A : memref<!tpu.dma_semaphore, #tpu.memory_space<semaphore_mem>>)
      %dma_wait3A_56 = arith.constant 0 : i32
      %dma_wait3A_57 = tpu.memref_slice %arg7[%dma_wait3A_56, %add3A_27] : memref<64x16384xf32, #tpu.memory_space<hbm>> -> memref<64x256xf32, #tpu.memory_space<hbm>>
      %dma_wait3A_58 = arith.constant 0 : i32
      %dma_wait3A_59 = tpu.memref_slice %arg7[%dma_wait3A_58, %add3A_27] : memref<64x16384xf32, #tpu.memory_space<hbm>> -> memref<64x256xf32, #tpu.memory_space<hbm>>
      tpu.wait_dma2 semaphore(%run_scoped3A : memref<!tpu.dma_semaphore, #tpu.memory_space<semaphore_mem>>) src(%arg16 : memref<64x256xf32, #tpu.memory_space<vmem>>) dst(%dma_wait3A_59 : memref<64x256xf32, #tpu.memory_space<hbm>>)
      tpu.yield
    }) : () -> ()
    return
  }
}

module attributes {stable_mosaic.version = 14 : i64} {
  func.func @body(%arg0: i32, %arg1: memref<64x16384xf32, #tpu.memory_space<vmem>>, %arg2: memref<8192x128xf32, #tpu.memory_space<vmem>>) attributes {dimension_semantics = [#tpu.dimension_semantics<arbitrary>], iteration_bounds = array<i64: 62>, scalar_prefetch = 0 : i64, scratch_operands = 0 : i64, tpu.core_type = #tpu.core_type<tc>, window_params = [{transform_indices = @transform_0, window_bounds = array<i64: 64, 16384>}, {transform_indices = @transform_1, window_bounds = array<i64: 8192, 128>}]} {
    %get3A = arith.constant 0 : index
    %get3A_0 = arith.constant 0 : index
    %get3A_1 = vector.load %arg1[%get3A, %get3A_0] : memref<64x16384xf32, #tpu.memory_space<vmem>>, vector<64x16384xf32>
    %transpose3A = tpu.transpose %get3A_1, [1, 0] : vector<64x16384xf32> -> vector<16384x64xf32>
    %reshape3A = vector.shape_cast %transpose3A : vector<16384x64xf32> to vector<1024x16x64xf32>
    %slice3A = vector.extract_strided_slice %reshape3A {offsets = [0, 0, 0], sizes = [1024, 8, 64], strides = [1, 1, 1]} : vector<1024x16x64xf32> to vector<1024x8x64xf32>
    %reshape3A_2 = vector.shape_cast %slice3A : vector<1024x8x64xf32> to vector<8192x64xf32>
    %slice3A_3 = vector.extract_strided_slice %reshape3A {offsets = [0, 8, 0], sizes = [1024, 8, 64], strides = [1, 1, 1]} : vector<1024x16x64xf32> to vector<1024x8x64xf32>
    %reshape3A_4 = vector.shape_cast %slice3A_3 : vector<1024x8x64xf32> to vector<8192x64xf32>
    %concatenate3A = tpu.concatenate %reshape3A_2, %reshape3A_4 in 1 : vector<8192x64xf32>, vector<8192x64xf32> -> vector<8192x128xf32>
    %swap3A = arith.constant 0 : index
    %swap3A_5 = arith.constant 0 : index
    %swap3A_6 = vector.load %arg2[%swap3A, %swap3A_5] : memref<8192x128xf32, #tpu.memory_space<vmem>>, vector<8192x128xf32>
    tpu.vector_store %arg2[%swap3A, %swap3A_5], %concatenate3A {strides = array<i32>} : memref<8192x128xf32, #tpu.memory_space<vmem>>, vector<8192x128xf32>,
    return
  }
  func.func @transform_0(%arg0: i32) -> (i32, i32) {
    %c0_i32 = arith.constant 0 : i32
    %c0_i32_0 = arith.constant 0 : i32
    return %c0_i32, %arg0 : i32, i32
  }
  func.func @transform_1(%arg0: i32) -> (i32, i32) {
    %c0_i32 = arith.constant 0 : i32
    %c0_i32_0 = arith.constant 0 : i32
    return %arg0, %c0_i32 : i32, i32
  }
}

</mosaic_0001>

<sc_bundles>
// kernel: kernel.4.cloned.1.call-start
scs
__scs_entry_jumppad:
0x0: {  	(pc) =	sbr.rel $0x88, $3  }
0x1: {  	(tag) =	ssettag $0x0;
	lr =	simm.s32 $0x1  }
0x2: {  	[smem:$0x3F9C] =	sst lr;
	_ =	strace $0xD0000000  }
0x3: {  	_ = 	snop  }
0x4: {  	_ = 	snop  }
0x5: {  	_ = 	snop  }
0x6: {  	_ = 	snop  }
0x7: {  	_ = 	snop  }
__scs_overlays_trampoline_lowered:
0x8: {  	[smem:$0x3FAB] =	sst s0  }
0x9: {  	[smem:$0x3FAC] =	sst s1  }
0xa: {  	[smem:$0x3FAD] =	sst s2  }
0xb: {  	[smem:$0x3FAE] =	sst s3  }
0xc: {  	[smem:$0x3FAF] =	sst s4  }
0xd: {  	[smem:$0x3FB0] =	sst s5  }
0xe: {  	[smem:$0x3FB1] =	sst s6  }
0xf: {  	[smem:$0x3FB2] =	sst s7  }
0x10: {  	[smem:$0x3FB3] =	sst s8  }
0x11: {  	[smem:$0x3FB4] =	sst s9;
	s0 =	simm.s32 @!p0 $0x0  }
0x12: {  	s1 =	sld [smem:$0x3F9A];
	s0 =	simm.s32 @p0 $0x1  }
0x13: {  	[smem:$0x3FB5] =	sst s0;
	s0 =	simm.s32 @!p1 $0x0  }
0x14: {  	s2 =	sld [smem:$0x3F99];
	s0 =	simm.s32 @p1 $0x1  }
0x15: {  	[smem:$0x3FB6] =	sst s0;
	s0 =	simm.s32 @!p2 $0x0  }
0x16: {  	s3 =	sld [smem:$0x3FDB];
	s0 =	simm.s32 @p2 $0x1  }
0x17: {  	s4 =	simm.s32 $0x1BF5;
	[smem:$0x3FB8] =	sst s0  }
0x18: {  	s0 =	sld [smem:$0x3F9B];
	_ =	swait.ge [sflag:s4], $0x0  }
0x19: {  	s7 =	sld [smem:$0x3F9C]  }
0x1a: {  	s8 =	sadd.s32 $0xFFFFE003, lr  }
0x1b: {  	s9 =	sadd.s32 $0xFFFFFEF7, lr;
	s5 =	simm.s32 $0xFFFFFFFF;
	p2 =	slt.u32 s8, $0xFFFFF086  }
0x1c: {  	p1 =	slt.u32 s9, $0xF7A;
	s5 =	simm.s32 @!p2 $0x0  }
0x1d: {  	s5 =	simm.s32 @p1 $0x1;
	p0 =	seq.s32 s7, s2  }
0x1e: {  	s7 =	smul.u32 @!p0 $0xF7A, s2;
	p2 =	seq.s32 @!p0 s5, $0x0  }
0x1f: {  	s9 =	smul.u32 $0xF7A, s1;
	s8 =	simm.s32 @!p0 $0x1BF5;
	p2 =	por !p2, p0  }
0x20: {  	[sflag:s8] =	ssyncset.s32 @!p0 $0xFFFFF086;
	s6 =	sadd.s32 @!p0 s3, s7;
	s7 =	simm.s32 @!p0 $0x108  }
0x21: {  	s3 =	sadd.s32 s3, s9;
	s6 =	sadd.s32 @!p0 $0x88, s6;
	s7 =	simm.s32 @p2 $0x1082  }
0x22: {  	[simem:s7], [sflag:s8] =	dma.local @!p0 [hbm:s6], $0xF7A  }
0x23: {  	s9 =	sor.u32 $0xD0000000, s2;
	s6 =	simm.s32 $0x108;
	_ =	swait.ge @!p0 [sflag:s8], $0x0  }
0x24: {  	s3 =	sadd.s32 $0x88, s3;
	s6 =	simm.s32 @!p1 $0x1082;
	[sflag:s4] =	ssyncset.s32 $0xFFFFF086  }
0x25: {  	[simem:s6], [sflag:s4] =	dma.local [hbm:s3], $0xF7A  }
0x26: {  	[smem:$0x3F9C] =	sst s1;
	(tag) =	ssettag s2;
	_ =	strace s9  }
0x27: {  	s1 =	sld [smem:$0x3FAC]  }
0x28: {  	s2 =	sld [smem:$0x3FAD]  }
0x29: {  	s4 =	sld [smem:$0x3FAF]  }
0x2a: {  	p0 =	seq.s32 s5, $0x0;
	s5 =	sld [smem:$0x3FB0]  }
0x2b: {  	s6 =	sld [smem:$0x3FB1]  }
0x2c: {  	s7 =	sld [smem:$0x3FB2]  }
0x2d: {  	s3 =	simm.s32 $0x108;
	s8 =	sld [smem:$0x3FB3]  }
0x2e: {  	s3 =	simm.s32 @!p0 $0x1082;
	s9 =	sld [smem:$0x3FB4]  }
0x2f: {  	lr =	sadd.s32 s0, s3;
	s0 =	sld [smem:$0x3FAB]  }
0x30: {  	s3 =	sld [smem:$0x3FAE]  }
0x31: {  	[smem:$0x3FB7] =	sst s10  }
0x32: {  	s10 =	sld [smem:$0x3FB5];
	_ =	sdelay $0x3  }
0x33: {  	p0 =	seq.s32 s10, $0x1;
	s10 =	sld [smem:$0x3FB7];
	_ =	sdelay $0x3  }
0x34: {  	[smem:$0x3FB7] =	sst s10  }
0x35: {  	s10 =	sld [smem:$0x3FB6];
	_ =	sdelay $0x3  }
0x36: {  	p1 =	seq.s32 s10, $0x1;
	s10 =	sld [smem:$0x3FB7];
	_ =	sdelay $0x3  }
0x37: {  	[smem:$0x3FB7] =	sst s10  }
0x38: {  	s10 =	sld [smem:$0x3FB8]  }
0x39: {  	_ = 	snop;
	(pc) =	sbr.ind lr, $3  }
0x3a: {  	_ = 	snop  }
0x3b: {  	_ = 	snop  }
0x3c: {  	p2 =	seq.s32 s10, $0x1;
	s10 =	sld [smem:$0x3FB7]  }
0x3d: {  	_ =	shalt  }
0x3e: {  	_ =	shalt  }
0x3f: {  	_ =	shalt  }
0x40: {  	_ =	shalt  }
0x41: {  	_ =	shalt  }
0x42: {  	_ =	shalt  }
0x43: {  	_ =	shalt  }
0x44: {  	_ =	shalt  }
0x45: {  	_ =	shalt  }
0x46: {  	_ =	shalt  }
0x47: {  	_ =	shalt  }
0x48: {  	_ =	shalt  }
0x49: {  	_ =	shalt  }
0x4a: {  	_ =	shalt  }
0x4b: {  	_ =	shalt  }
0x4c: {  	_ =	shalt  }
0x4d: {  	_ =	shalt  }
0x4e: {  	_ =	shalt  }
0x4f: {  	_ =	shalt  }
0x50: {  	_ =	shalt  }
0x51: {  	_ =	shalt  }
0x52: {  	_ =	shalt  }
0x53: {  	_ =	shalt  }
0x54: {  	_ =	shalt  }
0x55: {  	_ =	shalt  }
0x56: {  	_ =	shalt  }
0x57: {  	_ =	shalt  }
0x58: {  	_ =	shalt  }
0x59: {  	_ =	shalt  }
0x5a: {  	_ =	shalt  }
0x5b: {  	_ =	shalt  }
0x5c: {  	_ =	shalt  }
0x5d: {  	_ =	shalt  }
0x5e: {  	_ =	shalt  }
0x5f: {  	_ =	shalt  }
0x60: {  	_ =	shalt  }
0x61: {  	_ =	shalt  }
0x62: {  	_ =	shalt  }
0x63: {  	_ =	shalt  }
0x64: {  	_ =	shalt  }
0x65: {  	_ =	shalt  }
0x66: {  	_ =	shalt  }
0x67: {  	_ =	shalt  }
0x68: {  	_ =	shalt  }
0x69: {  	_ =	shalt  }
0x6a: {  	_ =	shalt  }
0x6b: {  	_ =	shalt  }
0x6c: {  	_ =	shalt  }
0x6d: {  	_ =	shalt  }
0x6e: {  	_ =	shalt  }
0x6f: {  	_ =	shalt  }
0x70: {  	_ =	shalt  }
0x71: {  	_ =	shalt  }
0x72: {  	_ =	shalt  }
0x73: {  	_ =	shalt  }
0x74: {  	_ =	shalt  }
0x75: {  	_ =	shalt  }
0x76: {  	_ =	shalt  }
0x77: {  	_ =	shalt  }
0x78: {  	_ =	shalt  }
0x79: {  	_ =	shalt  }
0x7a: {  	_ =	shalt  }
0x7b: {  	_ =	shalt  }
0x7c: {  	_ =	shalt  }
0x7d: {  	_ =	shalt  }
0x7e: {  	_ =	shalt  }
0x7f: {  	_ =	shalt  }
0x80: {  	_ =	shalt  }
0x81: {  	_ =	shalt  }
0x82: {  	_ =	shalt  }
0x83: {  	_ =	shalt  }
0x84: {  	_ =	shalt  }
0x85: {  	_ =	shalt  }
0x86: {  	_ =	shalt  }
0x87: {  	_ =	shalt  }
.Lfunc_end0:
.L_simem_size_0:
called_computation_lowered:
.L_overlay_start_0:
0x88: {  	s2 =	sld [smem:$0x3FD9]  }
0x89: {  	s3 =	sld [smem:$0x3FFE];
	_ =	sdelay $0x1  }
0x8a: {  	s1 =	srdreg.scid  }
0x8b: {  	s0 =	sand.u32 $0x1, s1  }
0x8c: {  	s17 =	sshll.u32 s0, $0xA;
	s2 =	sadd.s32 s3, s2  }
0x8d: {  	s2 =	sadd.s32 s2, s17  }
0x8e: {  	[smem:$0x3FC3] =	sst s2  }
0x8f: {  	_ = 	snop  }
0x90: {  	s2 =	sld [smem:$0x3FC7]  }
0x91: {  	s18 =	sld [smem:$0x3FC6]  }
0x92: {  	s4 =	sld [smem:$0x3FC5]  }
0x93: {  	s5 =	sld [smem:$0x3FD0];
	(tm) =	ssettm $0x1  }
0x94: {  	s6 =	sld [smem:$0x3FFB];
	_ =	sdelay $0x3  }
0x95: {  	_ =	strace s6  }
0x96: {  	s6 =	sld [smem:$0x3FFC];
	_ =	sdelay $0x3  }
0x97: {  	_ =	strace s6  }
0x98: {  	s6 =	sld [smem:$0x3FFD];
	_ =	sdelay $0x3  }
0x99: {  	_ =	strace s6  }
0x9a: {  	_ =	strace $0x8FFFFFFF  }
0x9b: {  	s19 =	sld [smem:$0x3FDB];
	_ =	sdelay $0x1  }
0x9c: {  	s7 =	simm.s32 $_scs_section_size  }
0x9d: {  	s8 =	simm.s32 $_size__tile_overlayer_lowered;
	s9 =	simm.s32 $_tile_overlayer_lowered  }
0x9e: {  	s22 =	simm.s32 $0x1BFF;
	s21 =	sshll.u32 s9, $0x1;
	s6 =	sadd.s32 s7, s19  }
0x9f: {  	s10 =	simm.s32 $0x0;
	s20 =	sshll.u32 s8, $0x1;
	s8 =	sadd.s32 s21, s6  }
0xa0: {  	[timem:s10], [sflag:s22] =	dma.local [hbm:s8], s20  }
0xa1: {  	_ =	swait.ge [sflag:s22], s20  }
0xa2: {  	s7 =	ssub.s32 $0x0, s20;
	[sflag:s22] =	ssyncset.done $0x0  }
0xa3: {  	[sflag:s22] =	ssyncadd.s32 s7;
	_ =	sdelay $0x1  }
0xa4: {  	s23 =	simm.s32 $0x1B8B  }
0xa5: {  	_ =	swait.ge [sflag:s23], $0x1  }
0xa6: {  	[sflag:s23] =	ssyncset.done $0x0  }
0xa7: {  	s25 =	simm.s32 $0x1B8E;
	s24 =	sld [smem:$0x3FFE];
	[sflag:s23] =	ssyncadd.s32 $0xFFFFFFFF  }
0xa8: {  	s26 =	simm.s32 $execute0_lowered;
	[smem:$0x3FD2] =	sst s25  }
0xa9: {  	s8 =	sshll.u32 s26, $0x1;
	_ =	strace $0x80000046;
	[dreg:$0x1] =	wrdreg $0xFFFFFFFF  }
0xaa: {  	s28 =	simm.s32 $_size_execute0_lowered;
	s6 =	sadd.s32 s6, s8;
	[dreg:$0x0] =	wrdreg $0x0  }
0xab: {  	s8 =	sshll.u32 s28, $0x1;
	[dreg:$0x2] =	wrdreg s6  }
0xac: {  	[dreg:$0x3] =	wrdreg s8  }
0xad: {  	[dreg:$0x4] =	wrdreg $0xC0  }
0xae: {  	_ =	task [dreg:s10], $0x5FFFF  }
0xaf: {  	[dreg:$0x1] =	wrdreg $0xFFFFFFFF  }
0xb0: {  	[dreg:$0x0] =	wrdreg $0x60  }
0xb1: {  	[dreg:$0x2] =	wrdreg s24  }
0xb2: {  	[dreg:$0x3] =	wrdreg s2  }
0xb3: {  	[dreg:$0x4] =	wrdreg s18  }
0xb4: {  	[dreg:$0x5] =	wrdreg s4  }
0xb5: {  	[dreg:$0x6] =	wrdreg s5  }
0xb6: {  	[dreg:$0x7] =	wrdreg $0x9  }
0xb7: {  	_ =	task.clear_ibuf [dreg:s10], $0x8FFFF;
	_ =	strace $0x90000046  }
0xb8: {  	s29 =	simm.s32 $0x9;
	_ =	strace $0x80000048  }
0xb9: {  	_ =	swait.ge [sflag:s29], $0x1  }
0xba: {  	[sflag:s29] =	ssyncadd.s32 $0xFFFFFFFF  }
0xbb: {  	_ =	strace $0x90000048  }
0xbc: {  	_ =	sfence  }
0xbd: {  	s30 =	sld [smem:$0x0];
	_ =	sdelay $0x2  }
0xbe: {  	s31 =	sshll.u32 s1, $0xD;
	s1 =	sshrl.u32 s1, $0x2  }
0xbf: {  	s3 =	sand.u32 $0x4000, s31;
	s1 =	sadd.s32 s1, s30  }
0xc0: {  	s0 =	sor.u32 s3, s0;
	s1 =	sshll.u32 s1, $0x11  }
0xc1: {  	s0 =	sor.u32 s1, s0  }
0xc2: {  	s0 =	sadd.s32 $0x8F2B, s0  }
0xc3: {  	[sflag:s0] =	ssyncadd.remote.s32 $0x1  }
0xc4: {  	_ =	sfence.sel $0xFFFF  }
0xc5: {  	[dreg:$0x0] =	wrdreg $0xFFFFFFFF;
	(pc) =	sbr.abs _section_cstart, $3  }
0xc6: {  	[dreg:$0x1] =	wrdreg $0xFFFFFFFF  }
0xc7: {  	_ =	task.clear_ibuf [dreg:s10], $0x2FFFF;
	_ =	strace $0x9FFFFFFF  }
0xc8: {  	(tm) =	ssettm $0x7FFFFFFF  }
0xc9: {  	_ =	shalt  }
tec
execute0_lowered:
.L_overlay_start_1:
0x0: {  	(tag) =	ssettag $0x1  }
0x1: {  	s0 =	rddreg [dreg:$0x0]  }
0x2: {  	s1 =	rddreg [dreg:$0x1]  }
0x3: {  	s10 =	rddreg [dreg:$0x2]  }
0x4: {  	s11 =	rddreg [dreg:$0x3]  }
0x5: {  	s12 =	rddreg [dreg:$0x4];
	s2 =	simm.s32 $0x0  }
0x6: {  	s3 =	srdreg.scid;
	s4 =	stileid.u32;
	s15 =	simm.s32 $0x3  }
0x7: {  	s18 =	simm.s32 $0x300;
	s19 =	simm.s32 $0x500;
	s20 =	simm.s32 $0x400  }
0x8: {  	s21 =	simm.s32 $0x8500;
	s22 =	simm.s32 $0x1;
	s23 =	simm.s32 $0x2  }
0x9: {  	s24 =	simm.s32 $0x800;
	s25 =	simm.s32 $0x20000;
	s26 =	simm.s32 $0x12100  }
0xa: {  	s28 =	simm.s32 $0x0;
	[smem:$0x7FF] =	sst s2;
	s5 =	sand.u32 $0x1, s3  }
0xb: {  	s3 =	sadd.s32 $0x800, s0;
	s6 =	sshll.u32 s4, $0xA;
	s7 =	sshll.u32 s5, $0x9  }
0xc: {  	s4 =	sadd.s32 $0x400, s0;
	s30 =	ssub.s32 $0x2, s5;
	s8 =	sor.u32 s7, s6  }
0xd: {  	_ =	strace $0x80000047;
	s5 =	sshrl.u32 s30, $0x1;
	s7 =	sshrl.u32 s8, $0x3  }
0xe: {  	s6 =	sshrl.u32 s8, $0x7;
	s0 =	ssub.s32 s30, s5;
	s8 =	sadd.s32 s12, s8  }
0xf: {  	s5 =	sadd.s32 s1, s7;
	s13 =	sor.u32 $0x2, s6;
	s6 =	sadd.s32 s10, s7  }
0x10: {  	s7 =	sadd.s32 s11, s7;
	s14 =	sshll.u32 s13, $0x4;
	s31 =	sshll.u32 s13, $0x7  }
0x11: {  	v0 =	vlaneseq.u32;
	s13 =	smax.u32 s0, $0x1;
	s9 =	sadd.s32 s1, s14;
	s10 =	sadd.s32 s10, s14  }
0x12: {  	v0 =	vmul.u32 $0x80, v0;
	s11 =	sadd.s32 s11, s14;
	s12 =	sadd.s32 s12, s31;
	s14 =	simm.s32 $0x10500  }
.LBB2_1:
0x13: {  	[tilespmem:s14], [sflag:$0x3] =	stream.linear.gather [hbm4b:s4+s2], $0x1900, $0x38;
	[tilespmem:$0x16100] =	vst v63  }
0x14: {  	_ =	swait.ge [sflag:s15], $0x1900  }
0x15: {  	[sflag:s15] =	ssyncset.done $0x0  }
0x16: {  	[sflag:s15] =	ssyncadd.s32 $0xFFFFE700  }
0x17: {  	[tilespmem:s2], [sflag:$0x3] =	stream.linear.gather [hbm4b:s5+s2], $0x100, $0x38;
	[tilespmem:$0x16100] =	vst v63  }
0x18: {  	_ =	swait.ge [sflag:s15], $0x100  }
0x19: {  	[sflag:s15] =	ssyncset.done $0x0  }
0x1a: {  	s0 =	simm.s32 $0x100;
	[sflag:s15] =	ssyncadd.s32 $0xFFFFFF00  }
0x1b: {  	[tilespmem:s0], [sflag:$0x3] =	stream.linear.gather [hbm4b:s6+s2], $0x100, $0x38;
	[tilespmem:$0x16100] =	vst v63  }
0x1c: {  	_ =	swait.ge [sflag:s15], $0x100  }
0x1d: {  	[sflag:s15] =	ssyncset.done $0x0  }
0x1e: {  	s31 =	simm.s32 $0x200;
	[sflag:s15] =	ssyncadd.s32 $0xFFFFFF00  }
0x1f: {  	[tilespmem:s31], [sflag:$0x3] =	stream.linear.gather [hbm4b:s7+s2], $0x100, $0x38;
	[tilespmem:$0x16100] =	vst v63  }
0x20: {  	_ =	swait.ge [sflag:s15], $0x100  }
0x21: {  	[sflag:s15] =	ssyncset.done $0x0  }
0x22: {  	s0 =	simm.s32 $0x0;
	[sflag:s15] =	ssyncadd.s32 $0xFFFFFF00  }
0x23: {  	v1 =	vld [tilespmem:s0+$0x100]  }
0x24: {  	v2 =	vld [tilespmem:s0+$0x0];
	_ =	sdelay $0x1  }
0x25: {  	s1 =	simm.s32 $0x40  }
.LBB2_2:
0x26: {  	p0 =	sne.s32 s1, $0x3C0  }
.Ltmp0:
0x27: {  	s16 =	sshra.s32 s1, $0x2;
	s1 =	sadd.s32 $0x40, s1;
	v3 =	vshrl.u32 v1, $0x1;
	(pc) =	sbr.rel @p0 .LBB2_2-.Ltmp0, $4  }
0x28: {  	v5 =	vand.u32 $0x7, v1;
	v4 =	vshrl.u32 v2, $0x1;
	v3 =	vand.u32 $0x7FFFFFF8, v3;
	v1 =	vld [tilespmem:s16+$0x100]  }
0x29: {  	v6 =	vand.u32 $0x7, v2;
	v4 =	vand.u32 $0x7FFFFFF8, v4;
	v2 =	vld [tilespmem:s16+$0x0];
	v3 =	vor.u32 v5, v3  }
0x2a: {  	v4 =	vor.u32 v6, v4;
	[tilespmem:s0+$0x400] =	vst v3  }
0x2b: {  	[tilespmem:s0+$0x300] =	vst v4;
	s0 =	smov.u32 s16  }
0x2c: {  	_ = 	snop  }
0x2d: {  	v3 =	vshrl.u32 v1, $0x1  }
0x2e: {  	v1 =	vand.u32 $0x7, v1;
	v4 =	vshrl.u32 v2, $0x1;
	v3 =	vand.u32 $0x7FFFFFF8, v3  }
0x2f: {  	v2 =	vand.u32 $0x7, v2;
	v4 =	vand.u32 $0x7FFFFFF8, v4;
	v1 =	vor.u32 v1, v3  }
0x30: {  	v2 =	vor.u32 v2, v4;
	[tilespmem:s0+$0x400] =	vst v1  }
0x31: {  	s29 =	simm.s32 $0x100;
	[tilespmem:s0+$0x300] =	vst v2  }
0x32: {  	[tilespmem:s19], [sflag:$0x1] =	stream.indirect.gather [hbm4b:s3+s29], $0x80, s18, s29, $0xb8;
	[tilespmem:$0x16100] =	vst v63  }
0x33: {  	_ = 	snop  }
0x34: {  	[tilespmem:s21], [sflag:$0x2] =	stream.indirect.gather [hbm4b:s3+s29], $0x80, s20, s29, $0xb8;
	[tilespmem:$0x16100] =	vst v63  }
0x35: {  	_ =	swait.ge [sflag:s22], $0x8000  }
0x36: {  	[sflag:s22] =	ssyncset.done $0x0  }
0x37: {  	[sflag:s22] =	ssyncadd.s32 $0xFFFF8000  }
0x38: {  	_ =	swait.ge [sflag:s23], $0x8000  }
0x39: {  	s30 =	simm.s32 $0x0;
	s31 =	simm.s32 $0x200;
	[sflag:s23] =	ssyncset.done $0x0  }
0x3a: {  	s1 =	simm.s32 $0x0;
	s0 =	simm.s32 $0x0;
	[sflag:s23] =	ssyncadd.s32 $0xFFFF8000  }
.LBB2_4:
0x3b: {  	v1 =	vld [tilespmem:s30+$0x0];
	_ =	sdelay $0x1  }
0x3c: {  	v3 =	vld [tilespmem:s29+$0x0]  }
0x3d: {  	v4 =	vld [tilespmem:s31+$0x0]  }
0x3e: {  	v2 =	vmov s1  }
0x3f: {  	v2 =	vshll.u32 v2, $0x7;
	v1 =	vshll.u32 v1, $0x3  }
0x40: {  	v5 =	vor.u32 v0, v2;
	v1 =	vand.u32 $0x40, v1  }
0x41: {  	v2 =	vor.u32 v5, v1  }
0x42: {  	v3 =	vshll.u32 v3, $0x3;
	v1 =	vshll.u32 v4, $0x6  }
0x43: {  	v3 =	vand.u32 $0x40, v3  }
0x44: {  	v3 =	vor.u32 v5, v3;
	_ =	sdelay $0x1  }
0x45: {  	v28 =	vld.idx.msk [tilespmem:v2+s19+$0x0], $0xffff  }
0x46: {  	v29 =	vld.idx.msk [tilespmem:v1+s14+$0x0], $0xffff;
	_ =	sdelay $0x1  }
0x47: {  	v6 =	vld.idx.msk [tilespmem:v3+s21+$0x0], $0xffff;
	_ =	sdelay $0x2  }
0x48: {  	v4 =	vadd.f32 v29, v28  }
0x49: {  	v30 =	vor.u32 $0x1, v2  }
0x4a: {  	v31 =	vor.u32 $0x1, v1;
	v4 =	vsub.f32 v4, v6  }
0x4b: {  	s16 =	sand.u32 $0x70, s1;
	s17 =	sand.u32 $0x400, s0  }
0x4c: {  	s16 =	sor.u32 s16, s17;
	v7 =	vor.u32 $0x1, v3;
	v4 =	vand.u32 $0x7FFFFFFF, v4  }
0x4d: {  	[tilespmem:s16+$0x12100] =	vst v4  }
0x4e: {  	v4 =	vld.idx.msk [tilespmem:v30+s19+$0x0], $0xffff  }
0x4f: {  	v32 =	vld.idx.msk [tilespmem:v31+s14+$0x0], $0xffff;
	_ =	sdelay $0x1  }
0x50: {  	v33 =	vld.idx.msk [tilespmem:v7+s21+$0x0], $0xffff;
	_ =	sdelay $0x2  }
0x51: {  	v4 =	vadd.f32 v32, v4  }
0x52: {  	v34 =	vor.u32 $0x2, v2  }
0x53: {  	v35 =	vor.u32 $0x2, v1;
	v4 =	vsub.f32 v4, v33;
	_ =	sdelay $0x1  }
0x54: {  	v36 =	vor.u32 $0x2, v3;
	v4 =	vand.u32 $0x7FFFFFFF, v4  }
0x55: {  	[tilespmem:s16+$0x12180] =	vst v4  }
0x56: {  	v4 =	vld.idx.msk [tilespmem:v34+s19+$0x0], $0xffff  }
0x57: {  	v37 =	vld.idx.msk [tilespmem:v35+s14+$0x0], $0xffff;
	_ =	sdelay $0x1  }
0x58: {  	v38 =	vld.idx.msk [tilespmem:v36+s21+$0x0], $0xffff;
	_ =	sdelay $0x2  }
0x59: {  	v4 =	vadd.f32 v37, v4  }
0x5a: {  	v39 =	vor.u32 $0x3, v2  }
0x5b: {  	v40 =	vor.u32 $0x3, v1;
	v4 =	vsub.f32 v4, v38;
	_ =	sdelay $0x1  }
0x5c: {  	v41 =	vor.u32 $0x3, v3;
	v4 =	vand.u32 $0x7FFFFFFF, v4  }
0x5d: {  	[tilespmem:s16+$0x12200] =	vst v4  }
0x5e: {  	v4 =	vld.idx.msk [tilespmem:v39+s19+$0x0], $0xffff  }
0x5f: {  	v42 =	vld.idx.msk [tilespmem:v40+s14+$0x0], $0xffff;
	_ =	sdelay $0x1  }
0x60: {  	v43 =	vld.idx.msk [tilespmem:v41+s21+$0x0], $0xffff;
	_ =	sdelay $0x2  }
0x61: {  	v4 =	vadd.f32 v42, v4  }
0x62: {  	v44 =	vor.u32 $0x4, v2  }
0x63: {  	v45 =	vor.u32 $0x4, v1;
	v4 =	vsub.f32 v4, v43;
	_ =	sdelay $0x1  }
0x64: {  	v46 =	vor.u32 $0x4, v3;
	v4 =	vand.u32 $0x7FFFFFFF, v4  }
0x65: {  	[tilespmem:s16+$0x12280] =	vst v4  }
0x66: {  	v4 =	vld.idx.msk [tilespmem:v44+s19+$0x0], $0xffff  }
0x67: {  	v47 =	vld.idx.msk [tilespmem:v45+s14+$0x0], $0xffff;
	_ =	sdelay $0x1  }
0x68: {  	v48 =	vld.idx.msk [tilespmem:v46+s21+$0x0], $0xffff;
	_ =	sdelay $0x2  }
0x69: {  	v4 =	vadd.f32 v47, v4  }
0x6a: {  	v49 =	vor.u32 $0x5, v2  }
0x6b: {  	v50 =	vor.u32 $0x5, v1;
	v4 =	vsub.f32 v4, v48;
	_ =	sdelay $0x1  }
0x6c: {  	v51 =	vor.u32 $0x5, v3;
	v4 =	vand.u32 $0x7FFFFFFF, v4  }
0x6d: {  	[tilespmem:s16+$0x12300] =	vst v4  }
0x6e: {  	v4 =	vld.idx.msk [tilespmem:v49+s19+$0x0], $0xffff  }
0x6f: {  	v52 =	vld.idx.msk [tilespmem:v50+s14+$0x0], $0xffff;
	_ =	sdelay $0x1  }
0x70: {  	v53 =	vld.idx.msk [tilespmem:v51+s21+$0x0], $0xffff;
	_ =	sdelay $0x2  }
0x71: {  	v4 =	vadd.f32 v52, v4  }
0x72: {  	v54 =	vor.u32 $0x6, v2  }
0x73: {  	v55 =	vor.u32 $0x6, v1;
	v4 =	vsub.f32 v4, v53;
	_ =	sdelay $0x1  }
0x74: {  	v56 =	vor.u32 $0x6, v3;
	v4 =	vand.u32 $0x7FFFFFFF, v4  }
0x75: {  	[tilespmem:s16+$0x12380] =	vst v4  }
0x76: {  	v4 =	vld.idx.msk [tilespmem:v54+s19+$0x0], $0xffff  }
0x77: {  	v57 =	vld.idx.msk [tilespmem:v55+s14+$0x0], $0xffff;
	_ =	sdelay $0x1  }
0x78: {  	v58 =	vld.idx.msk [tilespmem:v56+s21+$0x0], $0xffff;
	_ =	sdelay $0x2  }
0x79: {  	v4 =	vadd.f32 v57, v4  }
0x7a: {  	v59 =	vor.u32 $0x7, v2  }
0x7b: {  	v60 =	vor.u32 $0x7, v1;
	v4 =	vsub.f32 v4, v58;
	_ =	sdelay $0x1  }
0x7c: {  	v61 =	vor.u32 $0x7, v3;
	v4 =	vand.u32 $0x7FFFFFFF, v4  }
0x7d: {  	[tilespmem:s16+$0x12400] =	vst v4  }
0x7e: {  	v4 =	vld.idx.msk [tilespmem:v59+s19+$0x0], $0xffff  }
0x7f: {  	v62 =	vld.idx.msk [tilespmem:v60+s14+$0x0], $0xffff;
	_ =	sdelay $0x1  }
0x80: {  	v63 =	vld.idx.msk [tilespmem:v61+s21+$0x0], $0xffff;
	_ =	sdelay $0x2  }
0x81: {  	v4 =	vadd.f32 v62, v4  }
0x82: {  	v9 =	vor.u32 $0x8, v2  }
0x83: {  	v10 =	vor.u32 $0x8, v1;
	v4 =	vsub.f32 v4, v63  }
0x84: {  	s17 =	sor.u32 s0, s1  }
0x85: {  	s17 =	sor.u32 $0x380, s17;
	v11 =	vor.u32 $0x8, v3;
	v4 =	vand.u32 $0x7FFFFFFF, v4  }
0x86: {  	[tilespmem:s17+$0x12100] =	vst v4  }
0x87: {  	v4 =	vld.idx.msk [tilespmem:v9+s19+$0x0], $0xffff  }
0x88: {  	v12 =	vld.idx.msk [tilespmem:v10+s14+$0x0], $0xffff;
	_ =	sdelay $0x1  }
0x89: {  	v13 =	vld.idx.msk [tilespmem:v11+s21+$0x0], $0xffff;
	_ =	sdelay $0x2  }
0x8a: {  	v4 =	vadd.f32 v12, v4  }
0x8b: {  	v14 =	vor.u32 $0x9, v2  }
0x8c: {  	v15 =	vor.u32 $0x9, v1;
	v4 =	vsub.f32 v4, v13;
	_ =	sdelay $0x1  }
0x8d: {  	v16 =	vor.u32 $0x9, v3;
	v4 =	vand.u32 $0x7FFFFFFF, v4  }
0x8e: {  	[tilespmem:s16+$0x12900] =	vst v4  }
0x8f: {  	v4 =	vld.idx.msk [tilespmem:v14+s19+$0x0], $0xffff  }
0x90: {  	v17 =	vld.idx.msk [tilespmem:v15+s14+$0x0], $0xffff;
	_ =	sdelay $0x1  }
0x91: {  	v18 =	vld.idx.msk [tilespmem:v16+s21+$0x0], $0xffff;
	_ =	sdelay $0x2  }
0x92: {  	v4 =	vadd.f32 v17, v4  }
0x93: {  	v19 =	vor.u32 $0xA, v2  }
0x94: {  	v20 =	vor.u32 $0xA, v1;
	v4 =	vsub.f32 v4, v18;
	_ =	sdelay $0x1  }
0x95: {  	v21 =	vor.u32 $0xA, v3;
	v4 =	vand.u32 $0x7FFFFFFF, v4  }
0x96: {  	[tilespmem:s16+$0x12980] =	vst v4  }
0x97: {  	v4 =	vld.idx.msk [tilespmem:v19+s19+$0x0], $0xffff  }
0x98: {  	v22 =	vld.idx.msk [tilespmem:v20+s14+$0x0], $0xffff;
	_ =	sdelay $0x1  }
0x99: {  	v23 =	vld.idx.msk [tilespmem:v21+s21+$0x0], $0xffff;
	_ =	sdelay $0x2  }
0x9a: {  	v4 =	vadd.f32 v22, v4  }
0x9b: {  	v24 =	vor.u32 $0xB, v2  }
0x9c: {  	v25 =	vor.u32 $0xB, v1;
	v4 =	vsub.f32 v4, v23;
	_ =	sdelay $0x1  }
0x9d: {  	v26 =	vor.u32 $0xB, v3;
	v4 =	vand.u32 $0x7FFFFFFF, v4  }
0x9e: {  	[tilespmem:s16+$0x12A00] =	vst v4  }
0x9f: {  	v4 =	vld.idx.msk [tilespmem:v24+s19+$0x0], $0xffff  }
0xa0: {  	v27 =	vld.idx.msk [tilespmem:v25+s14+$0x0], $0xffff;
	_ =	sdelay $0x1  }
0xa1: {  	v28 =	vld.idx.msk [tilespmem:v26+s21+$0x0], $0xffff;
	_ =	sdelay $0x2  }
0xa2: {  	v4 =	vadd.f32 v27, v4  }
0xa3: {  	v29 =	vor.u32 $0xC, v2  }
0xa4: {  	v30 =	vor.u32 $0xC, v1;
	v4 =	vsub.f32 v4, v28;
	_ =	sdelay $0x1  }
0xa5: {  	v31 =	vor.u32 $0xC, v3;
	v4 =	vand.u32 $0x7FFFFFFF, v4  }
0xa6: {  	[tilespmem:s16+$0x12A80] =	vst v4  }
0xa7: {  	v4 =	vld.idx.msk [tilespmem:v29+s19+$0x0], $0xffff  }
0xa8: {  	v32 =	vld.idx.msk [tilespmem:v30+s14+$0x0], $0xffff;
	_ =	sdelay $0x1  }
0xa9: {  	v33 =	vld.idx.msk [tilespmem:v31+s21+$0x0], $0xffff;
	_ =	sdelay $0x2  }
0xaa: {  	v4 =	vadd.f32 v32, v4  }
0xab: {  	v34 =	vor.u32 $0xD, v2  }
0xac: {  	v35 =	vor.u32 $0xD, v1;
	v4 =	vsub.f32 v4, v33;
	_ =	sdelay $0x1  }
0xad: {  	v36 =	vor.u32 $0xD, v3;
	v4 =	vand.u32 $0x7FFFFFFF, v4  }
0xae: {  	[tilespmem:s16+$0x12B00] =	vst v4  }
0xaf: {  	v4 =	vld.idx.msk [tilespmem:v34+s19+$0x0], $0xffff  }
0xb0: {  	v37 =	vld.idx.msk [tilespmem:v35+s14+$0x0], $0xffff;
	_ =	sdelay $0x1  }
0xb1: {  	v38 =	vld.idx.msk [tilespmem:v36+s21+$0x0], $0xffff;
	_ =	sdelay $0x2  }
0xb2: {  	v4 =	vadd.f32 v37, v4  }
0xb3: {  	v39 =	vor.u32 $0xE, v2  }
0xb4: {  	v40 =	vor.u32 $0xE, v1;
	v4 =	vsub.f32 v4, v38;
	_ =	sdelay $0x1  }
0xb5: {  	v41 =	vor.u32 $0xE, v3;
	v4 =	vand.u32 $0x7FFFFFFF, v4  }
0xb6: {  	[tilespmem:s16+$0x12B80] =	vst v4  }
0xb7: {  	v4 =	vld.idx.msk [tilespmem:v39+s19+$0x0], $0xffff  }
0xb8: {  	v42 =	vld.idx.msk [tilespmem:v40+s14+$0x0], $0xffff;
	_ =	sdelay $0x1  }
0xb9: {  	v43 =	vld.idx.msk [tilespmem:v41+s21+$0x0], $0xffff;
	_ =	sdelay $0x2  }
0xba: {  	v4 =	vadd.f32 v42, v4  }
0xbb: {  	v44 =	vor.u32 $0xF, v2  }
0xbc: {  	v45 =	vor.u32 $0xF, v1;
	v4 =	vsub.f32 v4, v43;
	_ =	sdelay $0x1  }
0xbd: {  	v46 =	vor.u32 $0xF, v3;
	v4 =	vand.u32 $0x7FFFFFFF, v4  }
0xbe: {  	[tilespmem:s16+$0x12C00] =	vst v4  }
0xbf: {  	v4 =	vld.idx.msk [tilespmem:v44+s19+$0x0], $0xffff  }
0xc0: {  	v47 =	vld.idx.msk [tilespmem:v45+s14+$0x0], $0xffff;
	_ =	sdelay $0x1  }
0xc1: {  	v48 =	vld.idx.msk [tilespmem:v46+s21+$0x0], $0xffff;
	_ =	sdelay $0x2  }
0xc2: {  	v4 =	vadd.f32 v47, v4  }
0xc3: {  	v49 =	vor.u32 $0x10, v2  }
0xc4: {  	v50 =	vor.u32 $0x10, v1;
	v4 =	vsub.f32 v4, v48;
	_ =	sdelay $0x1  }
0xc5: {  	v51 =	vor.u32 $0x10, v3;
	v4 =	vand.u32 $0x7FFFFFFF, v4  }
0xc6: {  	[tilespmem:s16+$0x12C80] =	vst v4  }
0xc7: {  	v4 =	vld.idx.msk [tilespmem:v49+s19+$0x0], $0xffff  }
0xc8: {  	v52 =	vld.idx.msk [tilespmem:v50+s14+$0x0], $0xffff;
	_ =	sdelay $0x1  }
0xc9: {  	v53 =	vld.idx.msk [tilespmem:v51+s21+$0x0], $0xffff;
	_ =	sdelay $0x2  }
0xca: {  	v4 =	vadd.f32 v52, v4  }
0xcb: {  	v54 =	vor.u32 $0x11, v2  }
0xcc: {  	v55 =	vor.u32 $0x11, v1;
	v4 =	vsub.f32 v4, v53;
	_ =	sdelay $0x1  }
0xcd: {  	v56 =	vor.u32 $0x11, v3;
	v4 =	vand.u32 $0x7FFFFFFF, v4  }
0xce: {  	[tilespmem:s16+$0x13100] =	vst v4  }
0xcf: {  	v4 =	vld.idx.msk [tilespmem:v54+s19+$0x0], $0xffff  }
0xd0: {  	v57 =	vld.idx.msk [tilespmem:v55+s14+$0x0], $0xffff;
	_ =	sdelay $0x1  }
0xd1: {  	v58 =	vld.idx.msk [tilespmem:v56+s21+$0x0], $0xffff;
	_ =	sdelay $0x2  }
0xd2: {  	v4 =	vadd.f32 v57, v4  }
0xd3: {  	v59 =	vor.u32 $0x12, v2  }
0xd4: {  	v60 =	vor.u32 $0x12, v1;
	v4 =	vsub.f32 v4, v58;
	_ =	sdelay $0x1  }
0xd5: {  	v61 =	vor.u32 $0x12, v3;
	v4 =	vand.u32 $0x7FFFFFFF, v4  }
0xd6: {  	[tilespmem:s16+$0x13180] =	vst v4  }
0xd7: {  	v4 =	vld.idx.msk [tilespmem:v59+s19+$0x0], $0xffff  }
0xd8: {  	v62 =	vld.idx.msk [tilespmem:v60+s14+$0x0], $0xffff;
	_ =	sdelay $0x1  }
0xd9: {  	v63 =	vld.idx.msk [tilespmem:v61+s21+$0x0], $0xffff;
	_ =	sdelay $0x2  }
0xda: {  	v4 =	vadd.f32 v62, v4  }
0xdb: {  	v9 =	vor.u32 $0x13, v2  }
0xdc: {  	v10 =	vor.u32 $0x13, v1;
	v4 =	vsub.f32 v4, v63;
	_ =	sdelay $0x1  }
0xdd: {  	v11 =	vor.u32 $0x13, v3;
	v4 =	vand.u32 $0x7FFFFFFF, v4  }
0xde: {  	[tilespmem:s16+$0x13200] =	vst v4  }
0xdf: {  	v4 =	vld.idx.msk [tilespmem:v9+s19+$0x0], $0xffff  }
0xe0: {  	v12 =	vld.idx.msk [tilespmem:v10+s14+$0x0], $0xffff;
	_ =	sdelay $0x1  }
0xe1: {  	v13 =	vld.idx.msk [tilespmem:v11+s21+$0x0], $0xffff;
	_ =	sdelay $0x2  }
0xe2: {  	v4 =	vadd.f32 v12, v4  }
0xe3: {  	v14 =	vor.u32 $0x14, v2  }
0xe4: {  	v15 =	vor.u32 $0x14, v1;
	v4 =	vsub.f32 v4, v13;
	_ =	sdelay $0x1  }
0xe5: {  	v16 =	vor.u32 $0x14, v3;
	v4 =	vand.u32 $0x7FFFFFFF, v4  }
0xe6: {  	[tilespmem:s16+$0x13280] =	vst v4  }
0xe7: {  	v4 =	vld.idx.msk [tilespmem:v14+s19+$0x0], $0xffff  }
0xe8: {  	v17 =	vld.idx.msk [tilespmem:v15+s14+$0x0], $0xffff;
	_ =	sdelay $0x1  }
0xe9: {  	v18 =	vld.idx.msk [tilespmem:v16+s21+$0x0], $0xffff;
	_ =	sdelay $0x2  }
0xea: {  	v4 =	vadd.f32 v17, v4  }
0xeb: {  	v19 =	vor.u32 $0x15, v2  }
0xec: {  	v20 =	vor.u32 $0x15, v1;
	v4 =	vsub.f32 v4, v18;
	_ =	sdelay $0x1  }
0xed: {  	v21 =	vor.u32 $0x15, v3;
	v4 =	vand.u32 $0x7FFFFFFF, v4  }
0xee: {  	[tilespmem:s16+$0x13300] =	vst v4  }
0xef: {  	v4 =	vld.idx.msk [tilespmem:v19+s19+$0x0], $0xffff  }
0xf0: {  	v22 =	vld.idx.msk [tilespmem:v20+s14+$0x0], $0xffff;
	_ =	sdelay $0x1  }
0xf1: {  	v23 =	vld.idx.msk [tilespmem:v21+s21+$0x0], $0xffff;
	_ =	sdelay $0x2  }
0xf2: {  	v4 =	vadd.f32 v22, v4  }
0xf3: {  	v24 =	vor.u32 $0x16, v2  }
0xf4: {  	v25 =	vor.u32 $0x16, v1;
	v4 =	vsub.f32 v4, v23;
	_ =	sdelay $0x1  }
0xf5: {  	v26 =	vor.u32 $0x16, v3;
	v4 =	vand.u32 $0x7FFFFFFF, v4  }
0xf6: {  	[tilespmem:s16+$0x13380] =	vst v4  }
0xf7: {  	v4 =	vld.idx.msk [tilespmem:v24+s19+$0x0], $0xffff  }
0xf8: {  	v27 =	vld.idx.msk [tilespmem:v25+s14+$0x0], $0xffff;
	_ =	sdelay $0x1  }
0xf9: {  	v28 =	vld.idx.msk [tilespmem:v26+s21+$0x0], $0xffff;
	_ =	sdelay $0x2  }
0xfa: {  	v4 =	vadd.f32 v27, v4  }
0xfb: {  	v29 =	vor.u32 $0x17, v2  }
0xfc: {  	v30 =	vor.u32 $0x17, v1;
	v4 =	vsub.f32 v4, v28;
	_ =	sdelay $0x1  }
0xfd: {  	v31 =	vor.u32 $0x17, v3;
	v4 =	vand.u32 $0x7FFFFFFF, v4  }
0xfe: {  	[tilespmem:s16+$0x13400] =	vst v4  }
0xff: {  	v4 =	vld.idx.msk [tilespmem:v29+s19+$0x0], $0xffff  }
0x100: {  	v32 =	vld.idx.msk [tilespmem:v30+s14+$0x0], $0xffff;
	_ =	sdelay $0x1  }
0x101: {  	v33 =	vld.idx.msk [tilespmem:v31+s21+$0x0], $0xffff;
	_ =	sdelay $0x2  }
0x102: {  	v4 =	vadd.f32 v32, v4  }
0x103: {  	v34 =	vor.u32 $0x18, v2  }
0x104: {  	v35 =	vor.u32 $0x18, v1;
	v4 =	vsub.f32 v4, v33;
	_ =	sdelay $0x1  }
0x105: {  	v36 =	vor.u32 $0x18, v3;
	v4 =	vand.u32 $0x7FFFFFFF, v4  }
0x106: {  	[tilespmem:s16+$0x13480] =	vst v4  }
0x107: {  	v4 =	vld.idx.msk [tilespmem:v34+s19+$0x0], $0xffff  }
0x108: {  	v37 =	vld.idx.msk [tilespmem:v35+s14+$0x0], $0xffff;
	_ =	sdelay $0x1  }
0x109: {  	v38 =	vld.idx.msk [tilespmem:v36+s21+$0x0], $0xffff;
	_ =	sdelay $0x2  }
0x10a: {  	v4 =	vadd.f32 v37, v4  }
0x10b: {  	v39 =	vor.u32 $0x19, v2  }
0x10c: {  	v40 =	vor.u32 $0x19, v1;
	v4 =	vsub.f32 v4, v38;
	_ =	sdelay $0x1  }
0x10d: {  	v41 =	vor.u32 $0x19, v3;
	v4 =	vand.u32 $0x7FFFFFFF, v4  }
0x10e: {  	[tilespmem:s16+$0x13900] =	vst v4  }
0x10f: {  	v4 =	vld.idx.msk [tilespmem:v39+s19+$0x0], $0xffff  }
0x110: {  	v42 =	vld.idx.msk [tilespmem:v40+s14+$0x0], $0xffff;
	_ =	sdelay $0x1  }
0x111: {  	v43 =	vld.idx.msk [tilespmem:v41+s21+$0x0], $0xffff;
	_ =	sdelay $0x2  }
0x112: {  	v4 =	vadd.f32 v42, v4  }
0x113: {  	v44 =	vor.u32 $0x1A, v2  }
0x114: {  	v45 =	vor.u32 $0x1A, v1;
	v4 =	vsub.f32 v4, v43;
	_ =	sdelay $0x1  }
0x115: {  	v46 =	vor.u32 $0x1A, v3;
	v4 =	vand.u32 $0x7FFFFFFF, v4  }
0x116: {  	[tilespmem:s16+$0x13980] =	vst v4  }
0x117: {  	v4 =	vld.idx.msk [tilespmem:v44+s19+$0x0], $0xffff  }
0x118: {  	v47 =	vld.idx.msk [tilespmem:v45+s14+$0x0], $0xffff;
	_ =	sdelay $0x1  }
0x119: {  	v48 =	vld.idx.msk [tilespmem:v46+s21+$0x0], $0xffff;
	_ =	sdelay $0x2  }
0x11a: {  	v4 =	vadd.f32 v47, v4  }
0x11b: {  	v49 =	vor.u32 $0x1B, v2  }
0x11c: {  	v50 =	vor.u32 $0x1B, v1;
	v4 =	vsub.f32 v4, v48;
	_ =	sdelay $0x1  }
0x11d: {  	v51 =	vor.u32 $0x1B, v3;
	v4 =	vand.u32 $0x7FFFFFFF, v4  }
0x11e: {  	[tilespmem:s16+$0x13A00] =	vst v4  }
0x11f: {  	v4 =	vld.idx.msk [tilespmem:v49+s19+$0x0], $0xffff  }
0x120: {  	v52 =	vld.idx.msk [tilespmem:v50+s14+$0x0], $0xffff;
	_ =	sdelay $0x1  }
0x121: {  	v53 =	vld.idx.msk [tilespmem:v51+s21+$0x0], $0xffff;
	_ =	sdelay $0x2  }
0x122: {  	v4 =	vadd.f32 v52, v4  }
0x123: {  	v54 =	vor.u32 $0x1C, v2  }
0x124: {  	v55 =	vor.u32 $0x1C, v1;
	v4 =	vsub.f32 v4, v53;
	_ =	sdelay $0x1  }
0x125: {  	v56 =	vor.u32 $0x1C, v3;
	v4 =	vand.u32 $0x7FFFFFFF, v4  }
0x126: {  	[tilespmem:s16+$0x13A80] =	vst v4  }
0x127: {  	v4 =	vld.idx.msk [tilespmem:v54+s19+$0x0], $0xffff  }
0x128: {  	v57 =	vld.idx.msk [tilespmem:v55+s14+$0x0], $0xffff;
	_ =	sdelay $0x1  }
0x129: {  	v58 =	vld.idx.msk [tilespmem:v56+s21+$0x0], $0xffff;
	_ =	sdelay $0x2  }
0x12a: {  	v4 =	vadd.f32 v57, v4  }
0x12b: {  	v59 =	vor.u32 $0x1D, v2  }
0x12c: {  	v60 =	vor.u32 $0x1D, v1;
	v4 =	vsub.f32 v4, v58;
	_ =	sdelay $0x1  }
0x12d: {  	v61 =	vor.u32 $0x1D, v3;
	v4 =	vand.u32 $0x7FFFFFFF, v4  }
0x12e: {  	[tilespmem:s16+$0x13B00] =	vst v4  }
0x12f: {  	v4 =	vld.idx.msk [tilespmem:v59+s19+$0x0], $0xffff  }
0x130: {  	v62 =	vld.idx.msk [tilespmem:v60+s14+$0x0], $0xffff;
	_ =	sdelay $0x1  }
0x131: {  	v63 =	vld.idx.msk [tilespmem:v61+s21+$0x0], $0xffff;
	_ =	sdelay $0x2  }
0x132: {  	v4 =	vadd.f32 v62, v4  }
0x133: {  	v9 =	vor.u32 $0x1E, v2  }
0x134: {  	v10 =	vor.u32 $0x1E, v1;
	v4 =	vsub.f32 v4, v63;
	_ =	sdelay $0x1  }
0x135: {  	v11 =	vor.u32 $0x1E, v3;
	v4 =	vand.u32 $0x7FFFFFFF, v4  }
0x136: {  	[tilespmem:s16+$0x13B80] =	vst v4  }
0x137: {  	v4 =	vld.idx.msk [tilespmem:v9+s19+$0x0], $0xffff  }
0x138: {  	v12 =	vld.idx.msk [tilespmem:v10+s14+$0x0], $0xffff;
	_ =	sdelay $0x1  }
0x139: {  	v13 =	vld.idx.msk [tilespmem:v11+s21+$0x0], $0xffff;
	_ =	sdelay $0x2  }
0x13a: {  	v4 =	vadd.f32 v12, v4  }
0x13b: {  	v14 =	vor.u32 $0x1F, v2  }
0x13c: {  	v15 =	vor.u32 $0x1F, v1;
	v4 =	vsub.f32 v4, v13;
	_ =	sdelay $0x1  }
0x13d: {  	v16 =	vor.u32 $0x1F, v3;
	v4 =	vand.u32 $0x7FFFFFFF, v4  }
0x13e: {  	[tilespmem:s16+$0x13C00] =	vst v4  }
0x13f: {  	v4 =	vld.idx.msk [tilespmem:v14+s19+$0x0], $0xffff  }
0x140: {  	v17 =	vld.idx.msk [tilespmem:v15+s14+$0x0], $0xffff;
	_ =	sdelay $0x1  }
0x141: {  	v18 =	vld.idx.msk [tilespmem:v16+s21+$0x0], $0xffff;
	_ =	sdelay $0x2  }
0x142: {  	v4 =	vadd.f32 v17, v4  }
0x143: {  	v19 =	vor.u32 $0x20, v2  }
0x144: {  	v20 =	vor.u32 $0x20, v1;
	v4 =	vsub.f32 v4, v18;
	_ =	sdelay $0x1  }
0x145: {  	v21 =	vor.u32 $0x20, v3;
	v4 =	vand.u32 $0x7FFFFFFF, v4  }
0x146: {  	[tilespmem:s16+$0x13C80] =	vst v4  }
0x147: {  	v4 =	vld.idx.msk [tilespmem:v19+s19+$0x0], $0xffff  }
0x148: {  	v22 =	vld.idx.msk [tilespmem:v20+s14+$0x0], $0xffff;
	_ =	sdelay $0x1  }
0x149: {  	v23 =	vld.idx.msk [tilespmem:v21+s21+$0x0], $0xffff;
	_ =	sdelay $0x2  }
0x14a: {  	v4 =	vadd.f32 v22, v4  }
0x14b: {  	v24 =	vor.u32 $0x21, v2  }
0x14c: {  	v25 =	vor.u32 $0x21, v1;
	v4 =	vsub.f32 v4, v23;
	_ =	sdelay $0x1  }
0x14d: {  	v26 =	vor.u32 $0x21, v3;
	v4 =	vand.u32 $0x7FFFFFFF, v4  }
0x14e: {  	[tilespmem:s16+$0x14100] =	vst v4  }
0x14f: {  	v4 =	vld.idx.msk [tilespmem:v24+s19+$0x0], $0xffff  }
0x150: {  	v27 =	vld.idx.msk [tilespmem:v25+s14+$0x0], $0xffff;
	_ =	sdelay $0x1  }
0x151: {  	v28 =	vld.idx.msk [tilespmem:v26+s21+$0x0], $0xffff;
	_ =	sdelay $0x2  }
0x152: {  	v4 =	vadd.f32 v27, v4  }
0x153: {  	v29 =	vor.u32 $0x22, v2  }
0x154: {  	v30 =	vor.u32 $0x22, v1;
	v4 =	vsub.f32 v4, v28;
	_ =	sdelay $0x1  }
0x155: {  	v31 =	vor.u32 $0x22, v3;
	v4 =	vand.u32 $0x7FFFFFFF, v4  }
0x156: {  	[tilespmem:s16+$0x14180] =	vst v4  }
0x157: {  	v4 =	vld.idx.msk [tilespmem:v29+s19+$0x0], $0xffff  }
0x158: {  	v32 =	vld.idx.msk [tilespmem:v30+s14+$0x0], $0xffff;
	_ =	sdelay $0x1  }
0x159: {  	v33 =	vld.idx.msk [tilespmem:v31+s21+$0x0], $0xffff;
	_ =	sdelay $0x2  }
0x15a: {  	v4 =	vadd.f32 v32, v4  }
0x15b: {  	v34 =	vor.u32 $0x23, v2  }
0x15c: {  	v35 =	vor.u32 $0x23, v1;
	v4 =	vsub.f32 v4, v33;
	_ =	sdelay $0x1  }
0x15d: {  	v36 =	vor.u32 $0x23, v3;
	v4 =	vand.u32 $0x7FFFFFFF, v4  }
0x15e: {  	[tilespmem:s16+$0x14200] =	vst v4  }
0x15f: {  	v4 =	vld.idx.msk [tilespmem:v34+s19+$0x0], $0xffff  }
0x160: {  	v37 =	vld.idx.msk [tilespmem:v35+s14+$0x0], $0xffff;
	_ =	sdelay $0x1  }
0x161: {  	v38 =	vld.idx.msk [tilespmem:v36+s21+$0x0], $0xffff;
	_ =	sdelay $0x2  }
0x162: {  	v4 =	vadd.f32 v37, v4  }
0x163: {  	v39 =	vor.u32 $0x24, v2  }
0x164: {  	v40 =	vor.u32 $0x24, v1;
	v4 =	vsub.f32 v4, v38;
	_ =	sdelay $0x1  }
0x165: {  	v41 =	vor.u32 $0x24, v3;
	v4 =	vand.u32 $0x7FFFFFFF, v4  }
0x166: {  	[tilespmem:s16+$0x14280] =	vst v4  }
0x167: {  	v4 =	vld.idx.msk [tilespmem:v39+s19+$0x0], $0xffff  }
0x168: {  	v42 =	vld.idx.msk [tilespmem:v40+s14+$0x0], $0xffff;
	_ =	sdelay $0x1  }
0x169: {  	v43 =	vld.idx.msk [tilespmem:v41+s21+$0x0], $0xffff;
	_ =	sdelay $0x2  }
0x16a: {  	v4 =	vadd.f32 v42, v4  }
0x16b: {  	v44 =	vor.u32 $0x25, v2  }
0x16c: {  	v45 =	vor.u32 $0x25, v1;
	v4 =	vsub.f32 v4, v43;
	_ =	sdelay $0x1  }
0x16d: {  	v46 =	vor.u32 $0x25, v3;
	v4 =	vand.u32 $0x7FFFFFFF, v4  }
0x16e: {  	[tilespmem:s16+$0x14300] =	vst v4  }
0x16f: {  	v4 =	vld.idx.msk [tilespmem:v44+s19+$0x0], $0xffff  }
0x170: {  	v47 =	vld.idx.msk [tilespmem:v45+s14+$0x0], $0xffff;
	_ =	sdelay $0x1  }
0x171: {  	v48 =	vld.idx.msk [tilespmem:v46+s21+$0x0], $0xffff;
	_ =	sdelay $0x2  }
0x172: {  	v4 =	vadd.f32 v47, v4  }
0x173: {  	v49 =	vor.u32 $0x26, v2  }
0x174: {  	v50 =	vor.u32 $0x26, v1;
	v4 =	vsub.f32 v4, v48;
	_ =	sdelay $0x1  }
0x175: {  	v51 =	vor.u32 $0x26, v3;
	v4 =	vand.u32 $0x7FFFFFFF, v4  }
0x176: {  	[tilespmem:s16+$0x14380] =	vst v4  }
0x177: {  	v4 =	vld.idx.msk [tilespmem:v49+s19+$0x0], $0xffff  }
0x178: {  	v52 =	vld.idx.msk [tilespmem:v50+s14+$0x0], $0xffff;
	_ =	sdelay $0x1  }
0x179: {  	v53 =	vld.idx.msk [tilespmem:v51+s21+$0x0], $0xffff;
	_ =	sdelay $0x2  }
0x17a: {  	v4 =	vadd.f32 v52, v4  }
0x17b: {  	v54 =	vor.u32 $0x27, v2  }
0x17c: {  	v55 =	vor.u32 $0x27, v1;
	v4 =	vsub.f32 v4, v53;
	_ =	sdelay $0x1  }
0x17d: {  	v56 =	vor.u32 $0x27, v3;
	v4 =	vand.u32 $0x7FFFFFFF, v4  }
0x17e: {  	[tilespmem:s16+$0x14400] =	vst v4  }
0x17f: {  	v4 =	vld.idx.msk [tilespmem:v54+s19+$0x0], $0xffff  }
0x180: {  	v57 =	vld.idx.msk [tilespmem:v55+s14+$0x0], $0xffff;
	_ =	sdelay $0x1  }
0x181: {  	v58 =	vld.idx.msk [tilespmem:v56+s21+$0x0], $0xffff;
	_ =	sdelay $0x2  }
0x182: {  	v4 =	vadd.f32 v57, v4  }
0x183: {  	v59 =	vor.u32 $0x28, v2  }
0x184: {  	v60 =	vor.u32 $0x28, v1;
	v4 =	vsub.f32 v4, v58;
	_ =	sdelay $0x1  }
0x185: {  	v61 =	vor.u32 $0x28, v3;
	v4 =	vand.u32 $0x7FFFFFFF, v4  }
0x186: {  	[tilespmem:s16+$0x14480] =	vst v4  }
0x187: {  	v4 =	vld.idx.msk [tilespmem:v59+s19+$0x0], $0xffff  }
0x188: {  	v62 =	vld.idx.msk [tilespmem:v60+s14+$0x0], $0xffff;
	_ =	sdelay $0x1  }
0x189: {  	v63 =	vld.idx.msk [tilespmem:v61+s21+$0x0], $0xffff;
	_ =	sdelay $0x2  }
0x18a: {  	v4 =	vadd.f32 v62, v4  }
0x18b: {  	v9 =	vor.u32 $0x29, v2  }
0x18c: {  	v10 =	vor.u32 $0x29, v1;
	v4 =	vsub.f32 v4, v63;
	_ =	sdelay $0x1  }
0x18d: {  	v11 =	vor.u32 $0x29, v3;
	v4 =	vand.u32 $0x7FFFFFFF, v4  }
0x18e: {  	[tilespmem:s16+$0x14900] =	vst v4  }
0x18f: {  	v4 =	vld.idx.msk [tilespmem:v9+s19+$0x0], $0xffff  }
0x190: {  	v12 =	vld.idx.msk [tilespmem:v10+s14+$0x0], $0xffff;
	_ =	sdelay $0x1  }
0x191: {  	v13 =	vld.idx.msk [tilespmem:v11+s21+$0x0], $0xffff;
	_ =	sdelay $0x2  }
0x192: {  	v4 =	vadd.f32 v12, v4  }
0x193: {  	v14 =	vor.u32 $0x2A, v2  }
0x194: {  	v15 =	vor.u32 $0x2A, v1;
	v4 =	vsub.f32 v4, v13;
	_ =	sdelay $0x1  }
0x195: {  	v16 =	vor.u32 $0x2A, v3;
	v4 =	vand.u32 $0x7FFFFFFF, v4  }
0x196: {  	[tilespmem:s16+$0x14980] =	vst v4  }
0x197: {  	v4 =	vld.idx.msk [tilespmem:v14+s19+$0x0], $0xffff  }
0x198: {  	v17 =	vld.idx.msk [tilespmem:v15+s14+$0x0], $0xffff;
	_ =	sdelay $0x1  }
0x199: {  	v18 =	vld.idx.msk [tilespmem:v16+s21+$0x0], $0xffff;
	_ =	sdelay $0x2  }
0x19a: {  	v4 =	vadd.f32 v17, v4  }
0x19b: {  	v19 =	vor.u32 $0x2B, v2  }
0x19c: {  	v20 =	vor.u32 $0x2B, v1;
	v4 =	vsub.f32 v4, v18;
	_ =	sdelay $0x1  }
0x19d: {  	v21 =	vor.u32 $0x2B, v3;
	v4 =	vand.u32 $0x7FFFFFFF, v4  }
0x19e: {  	[tilespmem:s16+$0x14A00] =	vst v4  }
0x19f: {  	v4 =	vld.idx.msk [tilespmem:v19+s19+$0x0], $0xffff  }
0x1a0: {  	v22 =	vld.idx.msk [tilespmem:v20+s14+$0x0], $0xffff;
	_ =	sdelay $0x1  }
0x1a1: {  	v23 =	vld.idx.msk [tilespmem:v21+s21+$0x0], $0xffff;
	_ =	sdelay $0x2  }
0x1a2: {  	v4 =	vadd.f32 v22, v4  }
0x1a3: {  	v24 =	vor.u32 $0x2C, v2  }
0x1a4: {  	v25 =	vor.u32 $0x2C, v1;
	v4 =	vsub.f32 v4, v23;
	_ =	sdelay $0x1  }
0x1a5: {  	v26 =	vor.u32 $0x2C, v3;
	v4 =	vand.u32 $0x7FFFFFFF, v4  }
0x1a6: {  	[tilespmem:s16+$0x14A80] =	vst v4  }
0x1a7: {  	v4 =	vld.idx.msk [tilespmem:v24+s19+$0x0], $0xffff  }
0x1a8: {  	v27 =	vld.idx.msk [tilespmem:v25+s14+$0x0], $0xffff;
	_ =	sdelay $0x1  }
0x1a9: {  	v28 =	vld.idx.msk [tilespmem:v26+s21+$0x0], $0xffff;
	_ =	sdelay $0x2  }
0x1aa: {  	v4 =	vadd.f32 v27, v4  }
0x1ab: {  	v29 =	vor.u32 $0x2D, v2  }
0x1ac: {  	v30 =	vor.u32 $0x2D, v1;
	v4 =	vsub.f32 v4, v28;
	_ =	sdelay $0x1  }
0x1ad: {  	v31 =	vor.u32 $0x2D, v3;
	v4 =	vand.u32 $0x7FFFFFFF, v4  }
0x1ae: {  	[tilespmem:s16+$0x14B00] =	vst v4  }
0x1af: {  	v4 =	vld.idx.msk [tilespmem:v29+s19+$0x0], $0xffff  }
0x1b0: {  	v32 =	vld.idx.msk [tilespmem:v30+s14+$0x0], $0xffff;
	_ =	sdelay $0x1  }
0x1b1: {  	v33 =	vld.idx.msk [tilespmem:v31+s21+$0x0], $0xffff;
	_ =	sdelay $0x2  }
0x1b2: {  	v4 =	vadd.f32 v32, v4  }
0x1b3: {  	v34 =	vor.u32 $0x2E, v2  }
0x1b4: {  	v35 =	vor.u32 $0x2E, v1;
	v4 =	vsub.f32 v4, v33;
	_ =	sdelay $0x1  }
0x1b5: {  	v36 =	vor.u32 $0x2E, v3;
	v4 =	vand.u32 $0x7FFFFFFF, v4  }
0x1b6: {  	[tilespmem:s16+$0x14B80] =	vst v4  }
0x1b7: {  	v4 =	vld.idx.msk [tilespmem:v34+s19+$0x0], $0xffff  }
0x1b8: {  	v37 =	vld.idx.msk [tilespmem:v35+s14+$0x0], $0xffff;
	_ =	sdelay $0x1  }
0x1b9: {  	v38 =	vld.idx.msk [tilespmem:v36+s21+$0x0], $0xffff;
	_ =	sdelay $0x2  }
0x1ba: {  	v4 =	vadd.f32 v37, v4  }
0x1bb: {  	v39 =	vor.u32 $0x2F, v2  }
0x1bc: {  	v40 =	vor.u32 $0x2F, v1;
	v4 =	vsub.f32 v4, v38;
	_ =	sdelay $0x1  }
0x1bd: {  	v41 =	vor.u32 $0x2F, v3;
	v4 =	vand.u32 $0x7FFFFFFF, v4  }
0x1be: {  	[tilespmem:s16+$0x14C00] =	vst v4  }
0x1bf: {  	v4 =	vld.idx.msk [tilespmem:v39+s19+$0x0], $0xffff  }
0x1c0: {  	v42 =	vld.idx.msk [tilespmem:v40+s14+$0x0], $0xffff;
	_ =	sdelay $0x1  }
0x1c1: {  	v43 =	vld.idx.msk [tilespmem:v41+s21+$0x0], $0xffff;
	_ =	sdelay $0x2  }
0x1c2: {  	v4 =	vadd.f32 v42, v4  }
0x1c3: {  	v44 =	vor.u32 $0x30, v2  }
0x1c4: {  	v45 =	vor.u32 $0x30, v1;
	v4 =	vsub.f32 v4, v43;
	_ =	sdelay $0x1  }
0x1c5: {  	v46 =	vor.u32 $0x30, v3;
	v4 =	vand.u32 $0x7FFFFFFF, v4  }
0x1c6: {  	[tilespmem:s16+$0x14C80] =	vst v4  }
0x1c7: {  	v4 =	vld.idx.msk [tilespmem:v44+s19+$0x0], $0xffff  }
0x1c8: {  	v47 =	vld.idx.msk [tilespmem:v45+s14+$0x0], $0xffff;
	_ =	sdelay $0x1  }
0x1c9: {  	v48 =	vld.idx.msk [tilespmem:v46+s21+$0x0], $0xffff;
	_ =	sdelay $0x2  }
0x1ca: {  	v4 =	vadd.f32 v47, v4  }
0x1cb: {  	v49 =	vor.u32 $0x31, v2  }
0x1cc: {  	v50 =	vor.u32 $0x31, v1;
	v4 =	vsub.f32 v4, v48;
	_ =	sdelay $0x1  }
0x1cd: {  	v51 =	vor.u32 $0x31, v3;
	v4 =	vand.u32 $0x7FFFFFFF, v4  }
0x1ce: {  	[tilespmem:s16+$0x15100] =	vst v4  }
0x1cf: {  	v4 =	vld.idx.msk [tilespmem:v49+s19+$0x0], $0xffff  }
0x1d0: {  	v52 =	vld.idx.msk [tilespmem:v50+s14+$0x0], $0xffff;
	_ =	sdelay $0x1  }
0x1d1: {  	v53 =	vld.idx.msk [tilespmem:v51+s21+$0x0], $0xffff;
	_ =	sdelay $0x2  }
0x1d2: {  	v4 =	vadd.f32 v52, v4  }
0x1d3: {  	v54 =	vor.u32 $0x32, v2  }
0x1d4: {  	v55 =	vor.u32 $0x32, v1;
	v4 =	vsub.f32 v4, v53;
	_ =	sdelay $0x1  }
0x1d5: {  	v56 =	vor.u32 $0x32, v3;
	v4 =	vand.u32 $0x7FFFFFFF, v4  }
0x1d6: {  	[tilespmem:s16+$0x15180] =	vst v4  }
0x1d7: {  	v4 =	vld.idx.msk [tilespmem:v54+s19+$0x0], $0xffff  }
0x1d8: {  	v57 =	vld.idx.msk [tilespmem:v55+s14+$0x0], $0xffff;
	_ =	sdelay $0x1  }
0x1d9: {  	v58 =	vld.idx.msk [tilespmem:v56+s21+$0x0], $0xffff;
	_ =	sdelay $0x2  }
0x1da: {  	v4 =	vadd.f32 v57, v4  }
0x1db: {  	v59 =	vor.u32 $0x33, v2  }
0x1dc: {  	v60 =	vor.u32 $0x33, v1;
	v4 =	vsub.f32 v4, v58;
	_ =	sdelay $0x1  }
0x1dd: {  	v61 =	vor.u32 $0x33, v3;
	v4 =	vand.u32 $0x7FFFFFFF, v4  }
0x1de: {  	[tilespmem:s16+$0x15200] =	vst v4  }
0x1df: {  	v4 =	vld.idx.msk [tilespmem:v59+s19+$0x0], $0xffff  }
0x1e0: {  	v62 =	vld.idx.msk [tilespmem:v60+s14+$0x0], $0xffff;
	_ =	sdelay $0x1  }
0x1e1: {  	v63 =	vld.idx.msk [tilespmem:v61+s21+$0x0], $0xffff;
	_ =	sdelay $0x2  }
0x1e2: {  	v4 =	vadd.f32 v62, v4  }
0x1e3: {  	v9 =	vor.u32 $0x34, v2  }
0x1e4: {  	v10 =	vor.u32 $0x34, v1;
	v4 =	vsub.f32 v4, v63;
	_ =	sdelay $0x1  }
0x1e5: {  	v11 =	vor.u32 $0x34, v3;
	v4 =	vand.u32 $0x7FFFFFFF, v4  }
0x1e6: {  	[tilespmem:s16+$0x15280] =	vst v4  }
0x1e7: {  	v4 =	vld.idx.msk [tilespmem:v9+s19+$0x0], $0xffff  }
0x1e8: {  	v12 =	vld.idx.msk [tilespmem:v10+s14+$0x0], $0xffff;
	_ =	sdelay $0x1  }
0x1e9: {  	v13 =	vld.idx.msk [tilespmem:v11+s21+$0x0], $0xffff;
	_ =	sdelay $0x2  }
0x1ea: {  	v4 =	vadd.f32 v12, v4  }
0x1eb: {  	v14 =	vor.u32 $0x35, v2  }
0x1ec: {  	v15 =	vor.u32 $0x35, v1;
	v4 =	vsub.f32 v4, v13;
	_ =	sdelay $0x1  }
0x1ed: {  	v16 =	vor.u32 $0x35, v3;
	v4 =	vand.u32 $0x7FFFFFFF, v4  }
0x1ee: {  	[tilespmem:s16+$0x15300] =	vst v4  }
0x1ef: {  	v4 =	vld.idx.msk [tilespmem:v14+s19+$0x0], $0xffff  }
0x1f0: {  	v17 =	vld.idx.msk [tilespmem:v15+s14+$0x0], $0xffff;
	_ =	sdelay $0x1  }
0x1f1: {  	v18 =	vld.idx.msk [tilespmem:v16+s21+$0x0], $0xffff;
	_ =	sdelay $0x2  }
0x1f2: {  	v4 =	vadd.f32 v17, v4  }
0x1f3: {  	v19 =	vor.u32 $0x36, v2  }
0x1f4: {  	v20 =	vor.u32 $0x36, v1;
	v4 =	vsub.f32 v4, v18;
	_ =	sdelay $0x1  }
0x1f5: {  	v21 =	vor.u32 $0x36, v3;
	v4 =	vand.u32 $0x7FFFFFFF, v4  }
0x1f6: {  	[tilespmem:s16+$0x15380] =	vst v4  }
0x1f7: {  	v4 =	vld.idx.msk [tilespmem:v19+s19+$0x0], $0xffff  }
0x1f8: {  	v22 =	vld.idx.msk [tilespmem:v20+s14+$0x0], $0xffff;
	_ =	sdelay $0x1  }
0x1f9: {  	v23 =	vld.idx.msk [tilespmem:v21+s21+$0x0], $0xffff;
	_ =	sdelay $0x2  }
0x1fa: {  	v4 =	vadd.f32 v22, v4  }
0x1fb: {  	v24 =	vor.u32 $0x37, v2  }
0x1fc: {  	v25 =	vor.u32 $0x37, v1;
	v4 =	vsub.f32 v4, v23;
	_ =	sdelay $0x1  }
0x1fd: {  	v26 =	vor.u32 $0x37, v3;
	v4 =	vand.u32 $0x7FFFFFFF, v4  }
0x1fe: {  	[tilespmem:s16+$0x15400] =	vst v4  }
0x1ff: {  	v4 =	vld.idx.msk [tilespmem:v24+s19+$0x0], $0xffff  }
0x200: {  	v27 =	vld.idx.msk [tilespmem:v25+s14+$0x0], $0xffff;
	_ =	sdelay $0x1  }
0x201: {  	v28 =	vld.idx.msk [tilespmem:v26+s21+$0x0], $0xffff;
	_ =	sdelay $0x2  }
0x202: {  	v4 =	vadd.f32 v27, v4  }
0x203: {  	v29 =	vor.u32 $0x38, v2  }
0x204: {  	v30 =	vor.u32 $0x38, v1;
	v4 =	vsub.f32 v4, v28;
	_ =	sdelay $0x1  }
0x205: {  	v31 =	vor.u32 $0x38, v3;
	v4 =	vand.u32 $0x7FFFFFFF, v4  }
0x206: {  	[tilespmem:s16+$0x15480] =	vst v4  }
0x207: {  	v4 =	vld.idx.msk [tilespmem:v29+s19+$0x0], $0xffff  }
0x208: {  	v32 =	vld.idx.msk [tilespmem:v30+s14+$0x0], $0xffff;
	_ =	sdelay $0x1  }
0x209: {  	v33 =	vld.idx.msk [tilespmem:v31+s21+$0x0], $0xffff;
	_ =	sdelay $0x2  }
0x20a: {  	v4 =	vadd.f32 v32, v4  }
0x20b: {  	v34 =	vor.u32 $0x39, v2  }
0x20c: {  	v35 =	vor.u32 $0x39, v1;
	v4 =	vsub.f32 v4, v33;
	_ =	sdelay $0x1  }
0x20d: {  	v36 =	vor.u32 $0x39, v3;
	v4 =	vand.u32 $0x7FFFFFFF, v4  }
0x20e: {  	[tilespmem:s16+$0x15900] =	vst v4  }
0x20f: {  	v4 =	vld.idx.msk [tilespmem:v34+s19+$0x0], $0xffff  }
0x210: {  	v37 =	vld.idx.msk [tilespmem:v35+s14+$0x0], $0xffff;
	_ =	sdelay $0x1  }
0x211: {  	v38 =	vld.idx.msk [tilespmem:v36+s21+$0x0], $0xffff;
	_ =	sdelay $0x2  }
0x212: {  	v4 =	vadd.f32 v37, v4  }
0x213: {  	v39 =	vor.u32 $0x3A, v2  }
0x214: {  	v40 =	vor.u32 $0x3A, v1;
	v4 =	vsub.f32 v4, v38;
	_ =	sdelay $0x1  }
0x215: {  	v41 =	vor.u32 $0x3A, v3;
	v4 =	vand.u32 $0x7FFFFFFF, v4  }
0x216: {  	[tilespmem:s16+$0x15980] =	vst v4  }
0x217: {  	v4 =	vld.idx.msk [tilespmem:v39+s19+$0x0], $0xffff  }
0x218: {  	v42 =	vld.idx.msk [tilespmem:v40+s14+$0x0], $0xffff;
	_ =	sdelay $0x1  }
0x219: {  	v43 =	vld.idx.msk [tilespmem:v41+s21+$0x0], $0xffff;
	_ =	sdelay $0x2  }
0x21a: {  	v4 =	vadd.f32 v42, v4  }
0x21b: {  	v44 =	vor.u32 $0x3B, v2  }
0x21c: {  	v45 =	vor.u32 $0x3B, v1;
	v4 =	vsub.f32 v4, v43;
	_ =	sdelay $0x1  }
0x21d: {  	v46 =	vor.u32 $0x3B, v3;
	v4 =	vand.u32 $0x7FFFFFFF, v4  }
0x21e: {  	[tilespmem:s16+$0x15A00] =	vst v4  }
0x21f: {  	v4 =	vld.idx.msk [tilespmem:v44+s19+$0x0], $0xffff  }
0x220: {  	v47 =	vld.idx.msk [tilespmem:v45+s14+$0x0], $0xffff;
	_ =	sdelay $0x1  }
0x221: {  	v48 =	vld.idx.msk [tilespmem:v46+s21+$0x0], $0xffff;
	_ =	sdelay $0x2  }
0x222: {  	v4 =	vadd.f32 v47, v4  }
0x223: {  	v49 =	vor.u32 $0x3C, v2  }
0x224: {  	v50 =	vor.u32 $0x3C, v1;
	v4 =	vsub.f32 v4, v48;
	_ =	sdelay $0x1  }
0x225: {  	v51 =	vor.u32 $0x3C, v3;
	v4 =	vand.u32 $0x7FFFFFFF, v4  }
0x226: {  	[tilespmem:s16+$0x15A80] =	vst v4  }
0x227: {  	v4 =	vld.idx.msk [tilespmem:v49+s19+$0x0], $0xffff  }
0x228: {  	v52 =	vld.idx.msk [tilespmem:v50+s14+$0x0], $0xffff;
	_ =	sdelay $0x1  }
0x229: {  	v53 =	vld.idx.msk [tilespmem:v51+s21+$0x0], $0xffff;
	_ =	sdelay $0x2  }
0x22a: {  	v4 =	vadd.f32 v52, v4  }
0x22b: {  	v54 =	vor.u32 $0x3D, v2  }
0x22c: {  	v55 =	vor.u32 $0x3D, v1;
	v4 =	vsub.f32 v4, v53;
	_ =	sdelay $0x1  }
0x22d: {  	v56 =	vor.u32 $0x3D, v3;
	v4 =	vand.u32 $0x7FFFFFFF, v4  }
0x22e: {  	[tilespmem:s16+$0x15B00] =	vst v4  }
0x22f: {  	v4 =	vld.idx.msk [tilespmem:v54+s19+$0x0], $0xffff  }
0x230: {  	v57 =	vld.idx.msk [tilespmem:v55+s14+$0x0], $0xffff;
	_ =	sdelay $0x1  }
0x231: {  	v58 =	vld.idx.msk [tilespmem:v56+s21+$0x0], $0xffff;
	_ =	sdelay $0x2  }
0x232: {  	v4 =	vadd.f32 v57, v4  }
0x233: {  	v59 =	vor.u32 $0x3E, v2  }
0x234: {  	v60 =	vor.u32 $0x3E, v1;
	v4 =	vsub.f32 v4, v58;
	_ =	sdelay $0x1  }
0x235: {  	v61 =	vor.u32 $0x3E, v3;
	v4 =	vand.u32 $0x7FFFFFFF, v4  }
0x236: {  	[tilespmem:s16+$0x15B80] =	vst v4  }
0x237: {  	v4 =	vld.idx.msk [tilespmem:v59+s19+$0x0], $0xffff  }
0x238: {  	v62 =	vld.idx.msk [tilespmem:v60+s14+$0x0], $0xffff;
	_ =	sdelay $0x1  }
0x239: {  	v63 =	vld.idx.msk [tilespmem:v61+s21+$0x0], $0xffff;
	_ =	sdelay $0x2  }
0x23a: {  	v4 =	vadd.f32 v62, v4  }
0x23b: {  	v2 =	vor.u32 $0x3F, v2  }
0x23c: {  	v1 =	vor.u32 $0x3F, v1;
	v4 =	vsub.f32 v4, v63;
	_ =	sdelay $0x1  }
0x23d: {  	v3 =	vor.u32 $0x3F, v3;
	v4 =	vand.u32 $0x7FFFFFFF, v4  }
0x23e: {  	[tilespmem:s16+$0x15C00] =	vst v4  }
0x23f: {  	v2 =	vld.idx.msk [tilespmem:v2+s19+$0x0], $0xffff  }
0x240: {  	v1 =	vld.idx.msk [tilespmem:v1+s14+$0x0], $0xffff;
	_ =	sdelay $0x1  }
0x241: {  	v3 =	vld.idx.msk [tilespmem:v3+s21+$0x0], $0xffff;
	_ =	sdelay $0x2  }
0x242: {  	p0 =	sne.s32 s1, $0xF0;
	v1 =	vadd.f32 v1, v2  }
.Ltmp1:
0x243: {  	_ = 	snop;
	(pc) =	sbr.rel @p0 .LBB2_4-.Ltmp1, $3  }
0x244: {  	v1 =	vsub.f32 v1, v3;
	_ =	sdelay $0x1  }
0x245: {  	s30 =	sadd.s32 $0x10, s30;
	s29 =	sadd.s32 $0x10, s29;
	v1 =	vand.u32 $0x7FFFFFFF, v1  }
0x246: {  	s31 =	sadd.s32 $0x10, s31;
	s0 =	sadd.s32 $0x80, s0;
	s1 =	sadd.s32 $0x10, s1;
	[tilespmem:s16+$0x15C80] =	vst v1  }
0x247: {  	[hbm4b:s8+s24] =	stream.strided.scatter [tilespmem:s26], [sflag:$0x3], $0x4000, s25, s24, $0x38;
	[tilespmem:$0x16100] =	vst v63  }
0x248: {  	_ =	swait.ge [sflag:s15], $0x4000  }
0x249: {  	[sflag:s15] =	ssyncset.done $0x0  }
0x24a: {  	s0 =	simm.s32 $0x0;
	[sflag:s15] =	ssyncadd.s32 $0xFFFFC000  }
0x24b: {  	[tilespmem:s0], [sflag:$0x3] =	stream.linear.gather [hbm4b:s9+s0], $0x100, $0x38;
	[tilespmem:$0x16100] =	vst v63  }
0x24c: {  	_ =	swait.ge [sflag:s15], $0x100  }
0x24d: {  	[sflag:s15] =	ssyncset.done $0x0  }
0x24e: {  	s1 =	simm.s32 $0x100;
	[sflag:s15] =	ssyncadd.s32 $0xFFFFFF00  }
0x24f: {  	[tilespmem:s1], [sflag:$0x3] =	stream.linear.gather [hbm4b:s10+s0], $0x100, $0x38;
	[tilespmem:$0x16100] =	vst v63  }
0x250: {  	_ =	swait.ge [sflag:s15], $0x100  }
0x251: {  	[sflag:s15] =	ssyncset.done $0x0  }
0x252: {  	s31 =	simm.s32 $0x200;
	[sflag:s15] =	ssyncadd.s32 $0xFFFFFF00  }
0x253: {  	[tilespmem:s31], [sflag:$0x3] =	stream.linear.gather [hbm4b:s11+s0], $0x100, $0x38;
	[tilespmem:$0x16100] =	vst v63  }
0x254: {  	_ =	swait.ge [sflag:s15], $0x100  }
0x255: {  	[sflag:s15] =	ssyncset.done $0x0  }
0x256: {  	s0 =	simm.s32 $0x0;
	[sflag:s15] =	ssyncadd.s32 $0xFFFFFF00  }
0x257: {  	v1 =	vld [tilespmem:s0+$0x100]  }
0x258: {  	v2 =	vld [tilespmem:s0+$0x0];
	_ =	sdelay $0x1  }
0x259: {  	s1 =	simm.s32 $0x40  }
.LBB2_6:
0x25a: {  	p0 =	sne.s32 s1, $0x3C0  }
.Ltmp2:
0x25b: {  	s16 =	sshra.s32 s1, $0x2;
	s1 =	sadd.s32 $0x40, s1;
	v3 =	vshrl.u32 v1, $0x1;
	(pc) =	sbr.rel @p0 .LBB2_6-.Ltmp2, $4  }
0x25c: {  	v5 =	vand.u32 $0x7, v1;
	v4 =	vshrl.u32 v2, $0x1;
	v3 =	vand.u32 $0x7FFFFFF8, v3;
	v1 =	vld [tilespmem:s16+$0x100]  }
0x25d: {  	v6 =	vand.u32 $0x7, v2;
	v4 =	vand.u32 $0x7FFFFFF8, v4;
	v2 =	vld [tilespmem:s16+$0x0];
	v3 =	vor.u32 v5, v3  }
0x25e: {  	v4 =	vor.u32 v6, v4;
	[tilespmem:s0+$0x400] =	vst v3  }
0x25f: {  	[tilespmem:s0+$0x300] =	vst v4;
	s0 =	smov.u32 s16  }
0x260: {  	_ = 	snop  }
0x261: {  	v3 =	vshrl.u32 v1, $0x1  }
0x262: {  	v1 =	vand.u32 $0x7, v1;
	v4 =	vshrl.u32 v2, $0x1;
	v3 =	vand.u32 $0x7FFFFFF8, v3  }
0x263: {  	v2 =	vand.u32 $0x7, v2;
	v4 =	vand.u32 $0x7FFFFFF8, v4;
	v1 =	vor.u32 v1, v3  }
0x264: {  	v2 =	vor.u32 v2, v4;
	[tilespmem:s0+$0x400] =	vst v1  }
0x265: {  	s29 =	simm.s32 $0x100;
	[tilespmem:s0+$0x300] =	vst v2  }
0x266: {  	[tilespmem:s19], [sflag:$0x1] =	stream.indirect.gather [hbm4b:s3+s29], $0x80, s18, s29, $0xb8;
	[tilespmem:$0x16100] =	vst v63  }
0x267: {  	_ = 	snop  }
0x268: {  	[tilespmem:s21], [sflag:$0x2] =	stream.indirect.gather [hbm4b:s3+s29], $0x80, s20, s29, $0xb8;
	[tilespmem:$0x16100] =	vst v63  }
0x269: {  	_ =	swait.ge [sflag:s22], $0x8000  }
0x26a: {  	[sflag:s22] =	ssyncset.done $0x0  }
0x26b: {  	[sflag:s22] =	ssyncadd.s32 $0xFFFF8000  }
0x26c: {  	_ =	swait.ge [sflag:s23], $0x8000  }
0x26d: {  	s30 =	simm.s32 $0x0;
	s31 =	simm.s32 $0x200;
	[sflag:s23] =	ssyncset.done $0x0  }
0x26e: {  	s1 =	simm.s32 $0x0;
	s0 =	simm.s32 $0x0;
	[sflag:s23] =	ssyncadd.s32 $0xFFFF8000  }
.LBB2_8:
0x26f: {  	v1 =	vld [tilespmem:s30+$0x0];
	_ =	sdelay $0x1  }
0x270: {  	v3 =	vld [tilespmem:s29+$0x0]  }
0x271: {  	v4 =	vld [tilespmem:s31+$0x0]  }
0x272: {  	v2 =	vmov s1  }
0x273: {  	v2 =	vshll.u32 v2, $0x7;
	v1 =	vshll.u32 v1, $0x3  }
0x274: {  	v5 =	vor.u32 v0, v2;
	v1 =	vand.u32 $0x40, v1  }
0x275: {  	v2 =	vor.u32 v5, v1  }
0x276: {  	v3 =	vshll.u32 v3, $0x3;
	v1 =	vshll.u32 v4, $0x6  }
0x277: {  	v3 =	vand.u32 $0x40, v3  }
0x278: {  	v3 =	vor.u32 v5, v3;
	_ =	sdelay $0x1  }
0x279: {  	v28 =	vld.idx.msk [tilespmem:v2+s19+$0x0], $0xffff  }
0x27a: {  	v29 =	vld.idx.msk [tilespmem:v1+s14+$0x0], $0xffff;
	_ =	sdelay $0x1  }
0x27b: {  	v6 =	vld.idx.msk [tilespmem:v3+s21+$0x0], $0xffff;
	_ =	sdelay $0x2  }
0x27c: {  	v4 =	vadd.f32 v29, v28  }
0x27d: {  	v30 =	vor.u32 $0x1, v2  }
0x27e: {  	v31 =	vor.u32 $0x1, v1;
	v4 =	vsub.f32 v4, v6  }
0x27f: {  	s16 =	sand.u32 $0x70, s1;
	s17 =	sand.u32 $0x400, s0  }
0x280: {  	s16 =	sor.u32 s16, s17;
	v7 =	vor.u32 $0x1, v3;
	v4 =	vand.u32 $0x7FFFFFFF, v4  }
0x281: {  	[tilespmem:s16+$0x12100] =	vst v4  }
0x282: {  	v4 =	vld.idx.msk [tilespmem:v30+s19+$0x0], $0xffff  }
0x283: {  	v32 =	vld.idx.msk [tilespmem:v31+s14+$0x0], $0xffff;
	_ =	sdelay $0x1  }
0x284: {  	v33 =	vld.idx.msk [tilespmem:v7+s21+$0x0], $0xffff;
	_ =	sdelay $0x2  }
0x285: {  	v4 =	vadd.f32 v32, v4  }
0x286: {  	v34 =	vor.u32 $0x2, v2  }
0x287: {  	v35 =	vor.u32 $0x2, v1;
	v4 =	vsub.f32 v4, v33;
	_ =	sdelay $0x1  }
0x288: {  	v36 =	vor.u32 $0x2, v3;
	v4 =	vand.u32 $0x7FFFFFFF, v4  }
0x289: {  	[tilespmem:s16+$0x12180] =	vst v4  }
0x28a: {  	v4 =	vld.idx.msk [tilespmem:v34+s19+$0x0], $0xffff  }
0x28b: {  	v37 =	vld.idx.msk [tilespmem:v35+s14+$0x0], $0xffff;
	_ =	sdelay $0x1  }
0x28c: {  	v38 =	vld.idx.msk [tilespmem:v36+s21+$0x0], $0xffff;
	_ =	sdelay $0x2  }
0x28d: {  	v4 =	vadd.f32 v37, v4  }
0x28e: {  	v39 =	vor.u32 $0x3, v2  }
0x28f: {  	v40 =	vor.u32 $0x3, v1;
	v4 =	vsub.f32 v4, v38;
	_ =	sdelay $0x1  }
0x290: {  	v41 =	vor.u32 $0x3, v3;
	v4 =	vand.u32 $0x7FFFFFFF, v4  }
0x291: {  	[tilespmem:s16+$0x12200] =	vst v4  }
0x292: {  	v4 =	vld.idx.msk [tilespmem:v39+s19+$0x0], $0xffff  }
0x293: {  	v42 =	vld.idx.msk [tilespmem:v40+s14+$0x0], $0xffff;
	_ =	sdelay $0x1  }
0x294: {  	v43 =	vld.idx.msk [tilespmem:v41+s21+$0x0], $0xffff;
	_ =	sdelay $0x2  }
0x295: {  	v4 =	vadd.f32 v42, v4  }
0x296: {  	v44 =	vor.u32 $0x4, v2  }
0x297: {  	v45 =	vor.u32 $0x4, v1;
	v4 =	vsub.f32 v4, v43;
	_ =	sdelay $0x1  }
0x298: {  	v46 =	vor.u32 $0x4, v3;
	v4 =	vand.u32 $0x7FFFFFFF, v4  }
0x299: {  	[tilespmem:s16+$0x12280] =	vst v4  }
0x29a: {  	v4 =	vld.idx.msk [tilespmem:v44+s19+$0x0], $0xffff  }
0x29b: {  	v47 =	vld.idx.msk [tilespmem:v45+s14+$0x0], $0xffff;
	_ =	sdelay $0x1  }
0x29c: {  	v48 =	vld.idx.msk [tilespmem:v46+s21+$0x0], $0xffff;
	_ =	sdelay $0x2  }
0x29d: {  	v4 =	vadd.f32 v47, v4  }
0x29e: {  	v49 =	vor.u32 $0x5, v2  }
0x29f: {  	v50 =	vor.u32 $0x5, v1;
	v4 =	vsub.f32 v4, v48;
	_ =	sdelay $0x1  }
0x2a0: {  	v51 =	vor.u32 $0x5, v3;
	v4 =	vand.u32 $0x7FFFFFFF, v4  }
0x2a1: {  	[tilespmem:s16+$0x12300] =	vst v4  }
0x2a2: {  	v4 =	vld.idx.msk [tilespmem:v49+s19+$0x0], $0xffff  }
0x2a3: {  	v52 =	vld.idx.msk [tilespmem:v50+s14+$0x0], $0xffff;
	_ =	sdelay $0x1  }
0x2a4: {  	v53 =	vld.idx.msk [tilespmem:v51+s21+$0x0], $0xffff;
	_ =	sdelay $0x2  }
0x2a5: {  	v4 =	vadd.f32 v52, v4  }
0x2a6: {  	v54 =	vor.u32 $0x6, v2  }
0x2a7: {  	v55 =	vor.u32 $0x6, v1;
	v4 =	vsub.f32 v4, v53;
	_ =	sdelay $0x1  }
0x2a8: {  	v56 =	vor.u32 $0x6, v3;
	v4 =	vand.u32 $0x7FFFFFFF, v4  }
0x2a9: {  	[tilespmem:s16+$0x12380] =	vst v4  }
0x2aa: {  	v4 =	vld.idx.msk [tilespmem:v54+s19+$0x0], $0xffff  }
0x2ab: {  	v57 =	vld.idx.msk [tilespmem:v55+s14+$0x0], $0xffff;
	_ =	sdelay $0x1  }
0x2ac: {  	v58 =	vld.idx.msk [tilespmem:v56+s21+$0x0], $0xffff;
	_ =	sdelay $0x2  }
0x2ad: {  	v4 =	vadd.f32 v57, v4  }
0x2ae: {  	v59 =	vor.u32 $0x7, v2  }
0x2af: {  	v60 =	vor.u32 $0x7, v1;
	v4 =	vsub.f32 v4, v58;
	_ =	sdelay $0x1  }
0x2b0: {  	v61 =	vor.u32 $0x7, v3;
	v4 =	vand.u32 $0x7FFFFFFF, v4  }
0x2b1: {  	[tilespmem:s16+$0x12400] =	vst v4  }
0x2b2: {  	v4 =	vld.idx.msk [tilespmem:v59+s19+$0x0], $0xffff  }
0x2b3: {  	v62 =	vld.idx.msk [tilespmem:v60+s14+$0x0], $0xffff;
	_ =	sdelay $0x1  }
0x2b4: {  	v63 =	vld.idx.msk [tilespmem:v61+s21+$0x0], $0xffff;
	_ =	sdelay $0x2  }
0x2b5: {  	v4 =	vadd.f32 v62, v4  }
0x2b6: {  	v9 =	vor.u32 $0x8, v2  }
0x2b7: {  	v10 =	vor.u32 $0x8, v1;
	v4 =	vsub.f32 v4, v63  }
0x2b8: {  	s17 =	sor.u32 s0, s1  }
0x2b9: {  	s17 =	sor.u32 $0x380, s17;
	v11 =	vor.u32 $0x8, v3;
	v4 =	vand.u32 $0x7FFFFFFF, v4  }
0x2ba: {  	[tilespmem:s17+$0x12100] =	vst v4  }
0x2bb: {  	v4 =	vld.idx.msk [tilespmem:v9+s19+$0x0], $0xffff  }
0x2bc: {  	v12 =	vld.idx.msk [tilespmem:v10+s14+$0x0], $0xffff;
	_ =	sdelay $0x1  }
0x2bd: {  	v13 =	vld.idx.msk [tilespmem:v11+s21+$0x0], $0xffff;
	_ =	sdelay $0x2  }
0x2be: {  	v4 =	vadd.f32 v12, v4  }
0x2bf: {  	v14 =	vor.u32 $0x9, v2  }
0x2c0: {  	v15 =	vor.u32 $0x9, v1;
	v4 =	vsub.f32 v4, v13;
	_ =	sdelay $0x1  }
0x2c1: {  	v16 =	vor.u32 $0x9, v3;
	v4 =	vand.u32 $0x7FFFFFFF, v4  }
0x2c2: {  	[tilespmem:s16+$0x12900] =	vst v4  }
0x2c3: {  	v4 =	vld.idx.msk [tilespmem:v14+s19+$0x0], $0xffff  }
0x2c4: {  	v17 =	vld.idx.msk [tilespmem:v15+s14+$0x0], $0xffff;
	_ =	sdelay $0x1  }
0x2c5: {  	v18 =	vld.idx.msk [tilespmem:v16+s21+$0x0], $0xffff;
	_ =	sdelay $0x2  }
0x2c6: {  	v4 =	vadd.f32 v17, v4  }
0x2c7: {  	v19 =	vor.u32 $0xA, v2  }
0x2c8: {  	v20 =	vor.u32 $0xA, v1;
	v4 =	vsub.f32 v4, v18;
	_ =	sdelay $0x1  }
0x2c9: {  	v21 =	vor.u32 $0xA, v3;
	v4 =	vand.u32 $0x7FFFFFFF, v4  }
0x2ca: {  	[tilespmem:s16+$0x12980] =	vst v4  }
0x2cb: {  	v4 =	vld.idx.msk [tilespmem:v19+s19+$0x0], $0xffff  }
0x2cc: {  	v22 =	vld.idx.msk [tilespmem:v20+s14+$0x0], $0xffff;
	_ =	sdelay $0x1  }
0x2cd: {  	v23 =	vld.idx.msk [tilespmem:v21+s21+$0x0], $0xffff;
	_ =	sdelay $0x2  }
0x2ce: {  	v4 =	vadd.f32 v22, v4  }
0x2cf: {  	v24 =	vor.u32 $0xB, v2  }
0x2d0: {  	v25 =	vor.u32 $0xB, v1;
	v4 =	vsub.f32 v4, v23;
	_ =	sdelay $0x1  }
0x2d1: {  	v26 =	vor.u32 $0xB, v3;
	v4 =	vand.u32 $0x7FFFFFFF, v4  }
0x2d2: {  	[tilespmem:s16+$0x12A00] =	vst v4  }
0x2d3: {  	v4 =	vld.idx.msk [tilespmem:v24+s19+$0x0], $0xffff  }
0x2d4: {  	v27 =	vld.idx.msk [tilespmem:v25+s14+$0x0], $0xffff;
	_ =	sdelay $0x1  }
0x2d5: {  	v28 =	vld.idx.msk [tilespmem:v26+s21+$0x0], $0xffff;
	_ =	sdelay $0x2  }
0x2d6: {  	v4 =	vadd.f32 v27, v4  }
0x2d7: {  	v29 =	vor.u32 $0xC, v2  }
0x2d8: {  	v30 =	vor.u32 $0xC, v1;
	v4 =	vsub.f32 v4, v28;
	_ =	sdelay $0x1  }
0x2d9: {  	v31 =	vor.u32 $0xC, v3;
	v4 =	vand.u32 $0x7FFFFFFF, v4  }
0x2da: {  	[tilespmem:s16+$0x12A80] =	vst v4  }
0x2db: {  	v4 =	vld.idx.msk [tilespmem:v29+s19+$0x0], $0xffff  }
0x2dc: {  	v32 =	vld.idx.msk [tilespmem:v30+s14+$0x0], $0xffff;
	_ =	sdelay $0x1  }
0x2dd: {  	v33 =	vld.idx.msk [tilespmem:v31+s21+$0x0], $0xffff;
	_ =	sdelay $0x2  }
0x2de: {  	v4 =	vadd.f32 v32, v4  }
0x2df: {  	v34 =	vor.u32 $0xD, v2  }
0x2e0: {  	v35 =	vor.u32 $0xD, v1;
	v4 =	vsub.f32 v4, v33;
	_ =	sdelay $0x1  }
0x2e1: {  	v36 =	vor.u32 $0xD, v3;
	v4 =	vand.u32 $0x7FFFFFFF, v4  }
0x2e2: {  	[tilespmem:s16+$0x12B00] =	vst v4  }
0x2e3: {  	v4 =	vld.idx.msk [tilespmem:v34+s19+$0x0], $0xffff  }
0x2e4: {  	v37 =	vld.idx.msk [tilespmem:v35+s14+$0x0], $0xffff;
	_ =	sdelay $0x1  }
0x2e5: {  	v38 =	vld.idx.msk [tilespmem:v36+s21+$0x0], $0xffff;
	_ =	sdelay $0x2  }
0x2e6: {  	v4 =	vadd.f32 v37, v4  }
0x2e7: {  	v39 =	vor.u32 $0xE, v2  }
0x2e8: {  	v40 =	vor.u32 $0xE, v1;
	v4 =	vsub.f32 v4, v38;
	_ =	sdelay $0x1  }
0x2e9: {  	v41 =	vor.u32 $0xE, v3;
	v4 =	vand.u32 $0x7FFFFFFF, v4  }
0x2ea: {  	[tilespmem:s16+$0x12B80] =	vst v4  }
0x2eb: {  	v4 =	vld.idx.msk [tilespmem:v39+s19+$0x0], $0xffff  }
0x2ec: {  	v42 =	vld.idx.msk [tilespmem:v40+s14+$0x0], $0xffff;
	_ =	sdelay $0x1  }
0x2ed: {  	v43 =	vld.idx.msk [tilespmem:v41+s21+$0x0], $0xffff;
	_ =	sdelay $0x2  }
0x2ee: {  	v4 =	vadd.f32 v42, v4  }
0x2ef: {  	v44 =	vor.u32 $0xF, v2  }
0x2f0: {  	v45 =	vor.u32 $0xF, v1;
	v4 =	vsub.f32 v4, v43;
	_ =	sdelay $0x1  }
0x2f1: {  	v46 =	vor.u32 $0xF, v3;
	v4 =	vand.u32 $0x7FFFFFFF, v4  }
0x2f2: {  	[tilespmem:s16+$0x12C00] =	vst v4  }
0x2f3: {  	v4 =	vld.idx.msk [tilespmem:v44+s19+$0x0], $0xffff  }
0x2f4: {  	v47 =	vld.idx.msk [tilespmem:v45+s14+$0x0], $0xffff;
	_ =	sdelay $0x1  }
0x2f5: {  	v48 =	vld.idx.msk [tilespmem:v46+s21+$0x0], $0xffff;
	_ =	sdelay $0x2  }
0x2f6: {  	v4 =	vadd.f32 v47, v4  }
0x2f7: {  	v49 =	vor.u32 $0x10, v2  }
0x2f8: {  	v50 =	vor.u32 $0x10, v1;
	v4 =	vsub.f32 v4, v48;
	_ =	sdelay $0x1  }
0x2f9: {  	v51 =	vor.u32 $0x10, v3;
	v4 =	vand.u32 $0x7FFFFFFF, v4  }
0x2fa: {  	[tilespmem:s16+$0x12C80] =	vst v4  }
0x2fb: {  	v4 =	vld.idx.msk [tilespmem:v49+s19+$0x0], $0xffff  }
0x2fc: {  	v52 =	vld.idx.msk [tilespmem:v50+s14+$0x0], $0xffff;
	_ =	sdelay $0x1  }
0x2fd: {  	v53 =	vld.idx.msk [tilespmem:v51+s21+$0x0], $0xffff;
	_ =	sdelay $0x2  }
0x2fe: {  	v4 =	vadd.f32 v52, v4  }
0x2ff: {  	v54 =	vor.u32 $0x11, v2  }
0x300: {  	v55 =	vor.u32 $0x11, v1;
	v4 =	vsub.f32 v4, v53;
	_ =	sdelay $0x1  }
0x301: {  	v56 =	vor.u32 $0x11, v3;
	v4 =	vand.u32 $0x7FFFFFFF, v4  }
0x302: {  	[tilespmem:s16+$0x13100] =	vst v4  }
0x303: {  	v4 =	vld.idx.msk [tilespmem:v54+s19+$0x0], $0xffff  }
0x304: {  	v57 =	vld.idx.msk [tilespmem:v55+s14+$0x0], $0xffff;
	_ =	sdelay $0x1  }
0x305: {  	v58 =	vld.idx.msk [tilespmem:v56+s21+$0x0], $0xffff;
	_ =	sdelay $0x2  }
0x306: {  	v4 =	vadd.f32 v57, v4  }
0x307: {  	v59 =	vor.u32 $0x12, v2  }
0x308: {  	v60 =	vor.u32 $0x12, v1;
	v4 =	vsub.f32 v4, v58;
	_ =	sdelay $0x1  }
0x309: {  	v61 =	vor.u32 $0x12, v3;
	v4 =	vand.u32 $0x7FFFFFFF, v4  }
0x30a: {  	[tilespmem:s16+$0x13180] =	vst v4  }
0x30b: {  	v4 =	vld.idx.msk [tilespmem:v59+s19+$0x0], $0xffff  }
0x30c: {  	v62 =	vld.idx.msk [tilespmem:v60+s14+$0x0], $0xffff;
	_ =	sdelay $0x1  }
0x30d: {  	v63 =	vld.idx.msk [tilespmem:v61+s21+$0x0], $0xffff;
	_ =	sdelay $0x2  }
0x30e: {  	v4 =	vadd.f32 v62, v4  }
0x30f: {  	v9 =	vor.u32 $0x13, v2  }
0x310: {  	v10 =	vor.u32 $0x13, v1;
	v4 =	vsub.f32 v4, v63;
	_ =	sdelay $0x1  }
0x311: {  	v11 =	vor.u32 $0x13, v3;
	v4 =	vand.u32 $0x7FFFFFFF, v4  }
0x312: {  	[tilespmem:s16+$0x13200] =	vst v4  }
0x313: {  	v4 =	vld.idx.msk [tilespmem:v9+s19+$0x0], $0xffff  }
0x314: {  	v12 =	vld.idx.msk [tilespmem:v10+s14+$0x0], $0xffff;
	_ =	sdelay $0x1  }
0x315: {  	v13 =	vld.idx.msk [tilespmem:v11+s21+$0x0], $0xffff;
	_ =	sdelay $0x2  }
0x316: {  	v4 =	vadd.f32 v12, v4  }
0x317: {  	v14 =	vor.u32 $0x14, v2  }
0x318: {  	v15 =	vor.u32 $0x14, v1;
	v4 =	vsub.f32 v4, v13;
	_ =	sdelay $0x1  }
0x319: {  	v16 =	vor.u32 $0x14, v3;
	v4 =	vand.u32 $0x7FFFFFFF, v4  }
0x31a: {  	[tilespmem:s16+$0x13280] =	vst v4  }
0x31b: {  	v4 =	vld.idx.msk [tilespmem:v14+s19+$0x0], $0xffff  }
0x31c: {  	v17 =	vld.idx.msk [tilespmem:v15+s14+$0x0], $0xffff;
	_ =	sdelay $0x1  }
0x31d: {  	v18 =	vld.idx.msk [tilespmem:v16+s21+$0x0], $0xffff;
	_ =	sdelay $0x2  }
0x31e: {  	v4 =	vadd.f32 v17, v4  }
0x31f: {  	v19 =	vor.u32 $0x15, v2  }
0x320: {  	v20 =	vor.u32 $0x15, v1;
	v4 =	vsub.f32 v4, v18;
	_ =	sdelay $0x1  }
0x321: {  	v21 =	vor.u32 $0x15, v3;
	v4 =	vand.u32 $0x7FFFFFFF, v4  }
0x322: {  	[tilespmem:s16+$0x13300] =	vst v4  }
0x323: {  	v4 =	vld.idx.msk [tilespmem:v19+s19+$0x0], $0xffff  }
0x324: {  	v22 =	vld.idx.msk [tilespmem:v20+s14+$0x0], $0xffff;
	_ =	sdelay $0x1  }
0x325: {  	v23 =	vld.idx.msk [tilespmem:v21+s21+$0x0], $0xffff;
	_ =	sdelay $0x2  }
0x326: {  	v4 =	vadd.f32 v22, v4  }
0x327: {  	v24 =	vor.u32 $0x16, v2  }
0x328: {  	v25 =	vor.u32 $0x16, v1;
	v4 =	vsub.f32 v4, v23;
	_ =	sdelay $0x1  }
0x329: {  	v26 =	vor.u32 $0x16, v3;
	v4 =	vand.u32 $0x7FFFFFFF, v4  }
0x32a: {  	[tilespmem:s16+$0x13380] =	vst v4  }
0x32b: {  	v4 =	vld.idx.msk [tilespmem:v24+s19+$0x0], $0xffff  }
0x32c: {  	v27 =	vld.idx.msk [tilespmem:v25+s14+$0x0], $0xffff;
	_ =	sdelay $0x1  }
0x32d: {  	v28 =	vld.idx.msk [tilespmem:v26+s21+$0x0], $0xffff;
	_ =	sdelay $0x2  }
0x32e: {  	v4 =	vadd.f32 v27, v4  }
0x32f: {  	v29 =	vor.u32 $0x17, v2  }
0x330: {  	v30 =	vor.u32 $0x17, v1;
	v4 =	vsub.f32 v4, v28;
	_ =	sdelay $0x1  }
0x331: {  	v31 =	vor.u32 $0x17, v3;
	v4 =	vand.u32 $0x7FFFFFFF, v4  }
0x332: {  	[tilespmem:s16+$0x13400] =	vst v4  }
0x333: {  	v4 =	vld.idx.msk [tilespmem:v29+s19+$0x0], $0xffff  }
0x334: {  	v32 =	vld.idx.msk [tilespmem:v30+s14+$0x0], $0xffff;
	_ =	sdelay $0x1  }
0x335: {  	v33 =	vld.idx.msk [tilespmem:v31+s21+$0x0], $0xffff;
	_ =	sdelay $0x2  }
0x336: {  	v4 =	vadd.f32 v32, v4  }
0x337: {  	v34 =	vor.u32 $0x18, v2  }
0x338: {  	v35 =	vor.u32 $0x18, v1;
	v4 =	vsub.f32 v4, v33;
	_ =	sdelay $0x1  }
0x339: {  	v36 =	vor.u32 $0x18, v3;
	v4 =	vand.u32 $0x7FFFFFFF, v4  }
0x33a: {  	[tilespmem:s16+$0x13480] =	vst v4  }
0x33b: {  	v4 =	vld.idx.msk [tilespmem:v34+s19+$0x0], $0xffff  }
0x33c: {  	v37 =	vld.idx.msk [tilespmem:v35+s14+$0x0], $0xffff;
	_ =	sdelay $0x1  }
0x33d: {  	v38 =	vld.idx.msk [tilespmem:v36+s21+$0x0], $0xffff;
	_ =	sdelay $0x2  }
0x33e: {  	v4 =	vadd.f32 v37, v4  }
0x33f: {  	v39 =	vor.u32 $0x19, v2  }
0x340: {  	v40 =	vor.u32 $0x19, v1;
	v4 =	vsub.f32 v4, v38;
	_ =	sdelay $0x1  }
0x341: {  	v41 =	vor.u32 $0x19, v3;
	v4 =	vand.u32 $0x7FFFFFFF, v4  }
0x342: {  	[tilespmem:s16+$0x13900] =	vst v4  }
0x343: {  	v4 =	vld.idx.msk [tilespmem:v39+s19+$0x0], $0xffff  }
0x344: {  	v42 =	vld.idx.msk [tilespmem:v40+s14+$0x0], $0xffff;
	_ =	sdelay $0x1  }
0x345: {  	v43 =	vld.idx.msk [tilespmem:v41+s21+$0x0], $0xffff;
	_ =	sdelay $0x2  }
0x346: {  	v4 =	vadd.f32 v42, v4  }
0x347: {  	v44 =	vor.u32 $0x1A, v2  }
0x348: {  	v45 =	vor.u32 $0x1A, v1;
	v4 =	vsub.f32 v4, v43;
	_ =	sdelay $0x1  }
0x349: {  	v46 =	vor.u32 $0x1A, v3;
	v4 =	vand.u32 $0x7FFFFFFF, v4  }
0x34a: {  	[tilespmem:s16+$0x13980] =	vst v4  }
0x34b: {  	v4 =	vld.idx.msk [tilespmem:v44+s19+$0x0], $0xffff  }
0x34c: {  	v47 =	vld.idx.msk [tilespmem:v45+s14+$0x0], $0xffff;
	_ =	sdelay $0x1  }
0x34d: {  	v48 =	vld.idx.msk [tilespmem:v46+s21+$0x0], $0xffff;
	_ =	sdelay $0x2  }
0x34e: {  	v4 =	vadd.f32 v47, v4  }
0x34f: {  	v49 =	vor.u32 $0x1B, v2  }
0x350: {  	v50 =	vor.u32 $0x1B, v1;
	v4 =	vsub.f32 v4, v48;
	_ =	sdelay $0x1  }
0x351: {  	v51 =	vor.u32 $0x1B, v3;
	v4 =	vand.u32 $0x7FFFFFFF, v4  }
0x352: {  	[tilespmem:s16+$0x13A00] =	vst v4  }
0x353: {  	v4 =	vld.idx.msk [tilespmem:v49+s19+$0x0], $0xffff  }
0x354: {  	v52 =	vld.idx.msk [tilespmem:v50+s14+$0x0], $0xffff;
	_ =	sdelay $0x1  }
0x355: {  	v53 =	vld.idx.msk [tilespmem:v51+s21+$0x0], $0xffff;
	_ =	sdelay $0x2  }
0x356: {  	v4 =	vadd.f32 v52, v4  }
0x357: {  	v54 =	vor.u32 $0x1C, v2  }
0x358: {  	v55 =	vor.u32 $0x1C, v1;
	v4 =	vsub.f32 v4, v53;
	_ =	sdelay $0x1  }
0x359: {  	v56 =	vor.u32 $0x1C, v3;
	v4 =	vand.u32 $0x7FFFFFFF, v4  }
0x35a: {  	[tilespmem:s16+$0x13A80] =	vst v4  }
0x35b: {  	v4 =	vld.idx.msk [tilespmem:v54+s19+$0x0], $0xffff  }
0x35c: {  	v57 =	vld.idx.msk [tilespmem:v55+s14+$0x0], $0xffff;
	_ =	sdelay $0x1  }
0x35d: {  	v58 =	vld.idx.msk [tilespmem:v56+s21+$0x0], $0xffff;
	_ =	sdelay $0x2  }
0x35e: {  	v4 =	vadd.f32 v57, v4  }
0x35f: {  	v59 =	vor.u32 $0x1D, v2  }
0x360: {  	v60 =	vor.u32 $0x1D, v1;
	v4 =	vsub.f32 v4, v58;
	_ =	sdelay $0x1  }
0x361: {  	v61 =	vor.u32 $0x1D, v3;
	v4 =	vand.u32 $0x7FFFFFFF, v4  }
0x362: {  	[tilespmem:s16+$0x13B00] =	vst v4  }
0x363: {  	v4 =	vld.idx.msk [tilespmem:v59+s19+$0x0], $0xffff  }
0x364: {  	v62 =	vld.idx.msk [tilespmem:v60+s14+$0x0], $0xffff;
	_ =	sdelay $0x1  }
0x365: {  	v63 =	vld.idx.msk [tilespmem:v61+s21+$0x0], $0xffff;
	_ =	sdelay $0x2  }
0x366: {  	v4 =	vadd.f32 v62, v4  }
0x367: {  	v9 =	vor.u32 $0x1E, v2  }
0x368: {  	v10 =	vor.u32 $0x1E, v1;
	v4 =	vsub.f32 v4, v63;
	_ =	sdelay $0x1  }
0x369: {  	v11 =	vor.u32 $0x1E, v3;
	v4 =	vand.u32 $0x7FFFFFFF, v4  }
0x36a: {  	[tilespmem:s16+$0x13B80] =	vst v4  }
0x36b: {  	v4 =	vld.idx.msk [tilespmem:v9+s19+$0x0], $0xffff  }
0x36c: {  	v12 =	vld.idx.msk [tilespmem:v10+s14+$0x0], $0xffff;
	_ =	sdelay $0x1  }
0x36d: {  	v13 =	vld.idx.msk [tilespmem:v11+s21+$0x0], $0xffff;
	_ =	sdelay $0x2  }
0x36e: {  	v4 =	vadd.f32 v12, v4  }
0x36f: {  	v14 =	vor.u32 $0x1F, v2  }
0x370: {  	v15 =	vor.u32 $0x1F, v1;
	v4 =	vsub.f32 v4, v13;
	_ =	sdelay $0x1  }
0x371: {  	v16 =	vor.u32 $0x1F, v3;
	v4 =	vand.u32 $0x7FFFFFFF, v4  }
0x372: {  	[tilespmem:s16+$0x13C00] =	vst v4  }
0x373: {  	v4 =	vld.idx.msk [tilespmem:v14+s19+$0x0], $0xffff  }
0x374: {  	v17 =	vld.idx.msk [tilespmem:v15+s14+$0x0], $0xffff;
	_ =	sdelay $0x1  }
0x375: {  	v18 =	vld.idx.msk [tilespmem:v16+s21+$0x0], $0xffff;
	_ =	sdelay $0x2  }
0x376: {  	v4 =	vadd.f32 v17, v4  }
0x377: {  	v19 =	vor.u32 $0x20, v2  }
0x378: {  	v20 =	vor.u32 $0x20, v1;
	v4 =	vsub.f32 v4, v18;
	_ =	sdelay $0x1  }
0x379: {  	v21 =	vor.u32 $0x20, v3;
	v4 =	vand.u32 $0x7FFFFFFF, v4  }
0x37a: {  	[tilespmem:s16+$0x13C80] =	vst v4  }
0x37b: {  	v4 =	vld.idx.msk [tilespmem:v19+s19+$0x0], $0xffff  }
0x37c: {  	v22 =	vld.idx.msk [tilespmem:v20+s14+$0x0], $0xffff;
	_ =	sdelay $0x1  }
0x37d: {  	v23 =	vld.idx.msk [tilespmem:v21+s21+$0x0], $0xffff;
	_ =	sdelay $0x2  }
0x37e: {  	v4 =	vadd.f32 v22, v4  }
0x37f: {  	v24 =	vor.u32 $0x21, v2  }
0x380: {  	v25 =	vor.u32 $0x21, v1;
	v4 =	vsub.f32 v4, v23;
	_ =	sdelay $0x1  }
0x381: {  	v26 =	vor.u32 $0x21, v3;
	v4 =	vand.u32 $0x7FFFFFFF, v4  }
0x382: {  	[tilespmem:s16+$0x14100] =	vst v4  }
0x383: {  	v4 =	vld.idx.msk [tilespmem:v24+s19+$0x0], $0xffff  }
0x384: {  	v27 =	vld.idx.msk [tilespmem:v25+s14+$0x0], $0xffff;
	_ =	sdelay $0x1  }
0x385: {  	v28 =	vld.idx.msk [tilespmem:v26+s21+$0x0], $0xffff;
	_ =	sdelay $0x2  }
0x386: {  	v4 =	vadd.f32 v27, v4  }
0x387: {  	v29 =	vor.u32 $0x22, v2  }
0x388: {  	v30 =	vor.u32 $0x22, v1;
	v4 =	vsub.f32 v4, v28;
	_ =	sdelay $0x1  }
0x389: {  	v31 =	vor.u32 $0x22, v3;
	v4 =	vand.u32 $0x7FFFFFFF, v4  }
0x38a: {  	[tilespmem:s16+$0x14180] =	vst v4  }
0x38b: {  	v4 =	vld.idx.msk [tilespmem:v29+s19+$0x0], $0xffff  }
0x38c: {  	v32 =	vld.idx.msk [tilespmem:v30+s14+$0x0], $0xffff;
	_ =	sdelay $0x1  }
0x38d: {  	v33 =	vld.idx.msk [tilespmem:v31+s21+$0x0], $0xffff;
	_ =	sdelay $0x2  }
0x38e: {  	v4 =	vadd.f32 v32, v4  }
0x38f: {  	v34 =	vor.u32 $0x23, v2  }
0x390: {  	v35 =	vor.u32 $0x23, v1;
	v4 =	vsub.f32 v4, v33;
	_ =	sdelay $0x1  }
0x391: {  	v36 =	vor.u32 $0x23, v3;
	v4 =	vand.u32 $0x7FFFFFFF, v4  }
0x392: {  	[tilespmem:s16+$0x14200] =	vst v4  }
0x393: {  	v4 =	vld.idx.msk [tilespmem:v34+s19+$0x0], $0xffff  }
0x394: {  	v37 =	vld.idx.msk [tilespmem:v35+s14+$0x0], $0xffff;
	_ =	sdelay $0x1  }
0x395: {  	v38 =	vld.idx.msk [tilespmem:v36+s21+$0x0], $0xffff;
	_ =	sdelay $0x2  }
0x396: {  	v4 =	vadd.f32 v37, v4  }
0x397: {  	v39 =	vor.u32 $0x24, v2  }
0x398: {  	v40 =	vor.u32 $0x24, v1;
	v4 =	vsub.f32 v4, v38;
	_ =	sdelay $0x1  }
0x399: {  	v41 =	vor.u32 $0x24, v3;
	v4 =	vand.u32 $0x7FFFFFFF, v4  }
0x39a: {  	[tilespmem:s16+$0x14280] =	vst v4  }
0x39b: {  	v4 =	vld.idx.msk [tilespmem:v39+s19+$0x0], $0xffff  }
0x39c: {  	v42 =	vld.idx.msk [tilespmem:v40+s14+$0x0], $0xffff;
	_ =	sdelay $0x1  }
0x39d: {  	v43 =	vld.idx.msk [tilespmem:v41+s21+$0x0], $0xffff;
	_ =	sdelay $0x2  }
0x39e: {  	v4 =	vadd.f32 v42, v4  }
0x39f: {  	v44 =	vor.u32 $0x25, v2  }
0x3a0: {  	v45 =	vor.u32 $0x25, v1;
	v4 =	vsub.f32 v4, v43;
	_ =	sdelay $0x1  }
0x3a1: {  	v46 =	vor.u32 $0x25, v3;
	v4 =	vand.u32 $0x7FFFFFFF, v4  }
0x3a2: {  	[tilespmem:s16+$0x14300] =	vst v4  }
0x3a3: {  	v4 =	vld.idx.msk [tilespmem:v44+s19+$0x0], $0xffff  }
0x3a4: {  	v47 =	vld.idx.msk [tilespmem:v45+s14+$0x0], $0xffff;
	_ =	sdelay $0x1  }
0x3a5: {  	v48 =	vld.idx.msk [tilespmem:v46+s21+$0x0], $0xffff;
	_ =	sdelay $0x2  }
0x3a6: {  	v4 =	vadd.f32 v47, v4  }
0x3a7: {  	v49 =	vor.u32 $0x26, v2  }
0x3a8: {  	v50 =	vor.u32 $0x26, v1;
	v4 =	vsub.f32 v4, v48;
	_ =	sdelay $0x1  }
0x3a9: {  	v51 =	vor.u32 $0x26, v3;
	v4 =	vand.u32 $0x7FFFFFFF, v4  }
0x3aa: {  	[tilespmem:s16+$0x14380] =	vst v4  }
0x3ab: {  	v4 =	vld.idx.msk [tilespmem:v49+s19+$0x0], $0xffff  }
0x3ac: {  	v52 =	vld.idx.msk [tilespmem:v50+s14+$0x0], $0xffff;
	_ =	sdelay $0x1  }
0x3ad: {  	v53 =	vld.idx.msk [tilespmem:v51+s21+$0x0], $0xffff;
	_ =	sdelay $0x2  }
0x3ae: {  	v4 =	vadd.f32 v52, v4  }
0x3af: {  	v54 =	vor.u32 $0x27, v2  }
0x3b0: {  	v55 =	vor.u32 $0x27, v1;
	v4 =	vsub.f32 v4, v53;
	_ =	sdelay $0x1  }
0x3b1: {  	v56 =	vor.u32 $0x27, v3;
	v4 =	vand.u32 $0x7FFFFFFF, v4  }
0x3b2: {  	[tilespmem:s16+$0x14400] =	vst v4  }
0x3b3: {  	v4 =	vld.idx.msk [tilespmem:v54+s19+$0x0], $0xffff  }
0x3b4: {  	v57 =	vld.idx.msk [tilespmem:v55+s14+$0x0], $0xffff;
	_ =	sdelay $0x1  }
0x3b5: {  	v58 =	vld.idx.msk [tilespmem:v56+s21+$0x0], $0xffff;
	_ =	sdelay $0x2  }
0x3b6: {  	v4 =	vadd.f32 v57, v4  }
0x3b7: {  	v59 =	vor.u32 $0x28, v2  }
0x3b8: {  	v60 =	vor.u32 $0x28, v1;
	v4 =	vsub.f32 v4, v58;
	_ =	sdelay $0x1  }
0x3b9: {  	v61 =	vor.u32 $0x28, v3;
	v4 =	vand.u32 $0x7FFFFFFF, v4  }
0x3ba: {  	[tilespmem:s16+$0x14480] =	vst v4  }
0x3bb: {  	v4 =	vld.idx.msk [tilespmem:v59+s19+$0x0], $0xffff  }
0x3bc: {  	v62 =	vld.idx.msk [tilespmem:v60+s14+$0x0], $0xffff;
	_ =	sdelay $0x1  }
0x3bd: {  	v63 =	vld.idx.msk [tilespmem:v61+s21+$0x0], $0xffff;
	_ =	sdelay $0x2  }
0x3be: {  	v4 =	vadd.f32 v62, v4  }
0x3bf: {  	v9 =	vor.u32 $0x29, v2  }
0x3c0: {  	v10 =	vor.u32 $0x29, v1;
	v4 =	vsub.f32 v4, v63;
	_ =	sdelay $0x1  }
0x3c1: {  	v11 =	vor.u32 $0x29, v3;
	v4 =	vand.u32 $0x7FFFFFFF, v4  }
0x3c2: {  	[tilespmem:s16+$0x14900] =	vst v4  }
0x3c3: {  	v4 =	vld.idx.msk [tilespmem:v9+s19+$0x0], $0xffff  }
0x3c4: {  	v12 =	vld.idx.msk [tilespmem:v10+s14+$0x0], $0xffff;
	_ =	sdelay $0x1  }
0x3c5: {  	v13 =	vld.idx.msk [tilespmem:v11+s21+$0x0], $0xffff;
	_ =	sdelay $0x2  }
0x3c6: {  	v4 =	vadd.f32 v12, v4  }
0x3c7: {  	v14 =	vor.u32 $0x2A, v2  }
0x3c8: {  	v15 =	vor.u32 $0x2A, v1;
	v4 =	vsub.f32 v4, v13;
	_ =	sdelay $0x1  }
0x3c9: {  	v16 =	vor.u32 $0x2A, v3;
	v4 =	vand.u32 $0x7FFFFFFF, v4  }
0x3ca: {  	[tilespmem:s16+$0x14980] =	vst v4  }
0x3cb: {  	v4 =	vld.idx.msk [tilespmem:v14+s19+$0x0], $0xffff  }
0x3cc: {  	v17 =	vld.idx.msk [tilespmem:v15+s14+$0x0], $0xffff;
	_ =	sdelay $0x1  }
0x3cd: {  	v18 =	vld.idx.msk [tilespmem:v16+s21+$0x0], $0xffff;
	_ =	sdelay $0x2  }
0x3ce: {  	v4 =	vadd.f32 v17, v4  }
0x3cf: {  	v19 =	vor.u32 $0x2B, v2  }
0x3d0: {  	v20 =	vor.u32 $0x2B, v1;
	v4 =	vsub.f32 v4, v18;
	_ =	sdelay $0x1  }
0x3d1: {  	v21 =	vor.u32 $0x2B, v3;
	v4 =	vand.u32 $0x7FFFFFFF, v4  }
0x3d2: {  	[tilespmem:s16+$0x14A00] =	vst v4  }
0x3d3: {  	v4 =	vld.idx.msk [tilespmem:v19+s19+$0x0], $0xffff  }
0x3d4: {  	v22 =	vld.idx.msk [tilespmem:v20+s14+$0x0], $0xffff;
	_ =	sdelay $0x1  }
0x3d5: {  	v23 =	vld.idx.msk [tilespmem:v21+s21+$0x0], $0xffff;
	_ =	sdelay $0x2  }
0x3d6: {  	v4 =	vadd.f32 v22, v4  }
0x3d7: {  	v24 =	vor.u32 $0x2C, v2  }
0x3d8: {  	v25 =	vor.u32 $0x2C, v1;
	v4 =	vsub.f32 v4, v23;
	_ =	sdelay $0x1  }
0x3d9: {  	v26 =	vor.u32 $0x2C, v3;
	v4 =	vand.u32 $0x7FFFFFFF, v4  }
0x3da: {  	[tilespmem:s16+$0x14A80] =	vst v4  }
0x3db: {  	v4 =	vld.idx.msk [tilespmem:v24+s19+$0x0], $0xffff  }
0x3dc: {  	v27 =	vld.idx.msk [tilespmem:v25+s14+$0x0], $0xffff;
	_ =	sdelay $0x1  }
0x3dd: {  	v28 =	vld.idx.msk [tilespmem:v26+s21+$0x0], $0xffff;
	_ =	sdelay $0x2  }
0x3de: {  	v4 =	vadd.f32 v27, v4  }
0x3df: {  	v29 =	vor.u32 $0x2D, v2  }
0x3e0: {  	v30 =	vor.u32 $0x2D, v1;
	v4 =	vsub.f32 v4, v28;
	_ =	sdelay $0x1  }
0x3e1: {  	v31 =	vor.u32 $0x2D, v3;
	v4 =	vand.u32 $0x7FFFFFFF, v4  }
0x3e2: {  	[tilespmem:s16+$0x14B00] =	vst v4  }
0x3e3: {  	v4 =	vld.idx.msk [tilespmem:v29+s19+$0x0], $0xffff  }
0x3e4: {  	v32 =	vld.idx.msk [tilespmem:v30+s14+$0x0], $0xffff;
	_ =	sdelay $0x1  }
0x3e5: {  	v33 =	vld.idx.msk [tilespmem:v31+s21+$0x0], $0xffff;
	_ =	sdelay $0x2  }
0x3e6: {  	v4 =	vadd.f32 v32, v4  }
0x3e7: {  	v34 =	vor.u32 $0x2E, v2  }
0x3e8: {  	v35 =	vor.u32 $0x2E, v1;
	v4 =	vsub.f32 v4, v33;
	_ =	sdelay $0x1  }
0x3e9: {  	v36 =	vor.u32 $0x2E, v3;
	v4 =	vand.u32 $0x7FFFFFFF, v4  }
0x3ea: {  	[tilespmem:s16+$0x14B80] =	vst v4  }
0x3eb: {  	v4 =	vld.idx.msk [tilespmem:v34+s19+$0x0], $0xffff  }
0x3ec: {  	v37 =	vld.idx.msk [tilespmem:v35+s14+$0x0], $0xffff;
	_ =	sdelay $0x1  }
0x3ed: {  	v38 =	vld.idx.msk [tilespmem:v36+s21+$0x0], $0xffff;
	_ =	sdelay $0x2  }
0x3ee: {  	v4 =	vadd.f32 v37, v4  }
0x3ef: {  	v39 =	vor.u32 $0x2F, v2  }
0x3f0: {  	v40 =	vor.u32 $0x2F, v1;
	v4 =	vsub.f32 v4, v38;
	_ =	sdelay $0x1  }
0x3f1: {  	v41 =	vor.u32 $0x2F, v3;
	v4 =	vand.u32 $0x7FFFFFFF, v4  }
0x3f2: {  	[tilespmem:s16+$0x14C00] =	vst v4  }
0x3f3: {  	v4 =	vld.idx.msk [tilespmem:v39+s19+$0x0], $0xffff  }
0x3f4: {  	v42 =	vld.idx.msk [tilespmem:v40+s14+$0x0], $0xffff;
	_ =	sdelay $0x1  }
0x3f5: {  	v43 =	vld.idx.msk [tilespmem:v41+s21+$0x0], $0xffff;
	_ =	sdelay $0x2  }
0x3f6: {  	v4 =	vadd.f32 v42, v4  }
0x3f7: {  	v44 =	vor.u32 $0x30, v2  }
0x3f8: {  	v45 =	vor.u32 $0x30, v1;
	v4 =	vsub.f32 v4, v43;
	_ =	sdelay $0x1  }
0x3f9: {  	v46 =	vor.u32 $0x30, v3;
	v4 =	vand.u32 $0x7FFFFFFF, v4  }
0x3fa: {  	[tilespmem:s16+$0x14C80] =	vst v4  }
0x3fb: {  	v4 =	vld.idx.msk [tilespmem:v44+s19+$0x0], $0xffff  }
0x3fc: {  	v47 =	vld.idx.msk [tilespmem:v45+s14+$0x0], $0xffff;
	_ =	sdelay $0x1  }
0x3fd: {  	v48 =	vld.idx.msk [tilespmem:v46+s21+$0x0], $0xffff;
	_ =	sdelay $0x2  }
0x3fe: {  	v4 =	vadd.f32 v47, v4  }
0x3ff: {  	v49 =	vor.u32 $0x31, v2  }
0x400: {  	v50 =	vor.u32 $0x31, v1;
	v4 =	vsub.f32 v4, v48;
	_ =	sdelay $0x1  }
0x401: {  	v51 =	vor.u32 $0x31, v3;
	v4 =	vand.u32 $0x7FFFFFFF, v4  }
0x402: {  	[tilespmem:s16+$0x15100] =	vst v4  }
0x403: {  	v4 =	vld.idx.msk [tilespmem:v49+s19+$0x0], $0xffff  }
0x404: {  	v52 =	vld.idx.msk [tilespmem:v50+s14+$0x0], $0xffff;
	_ =	sdelay $0x1  }
0x405: {  	v53 =	vld.idx.msk [tilespmem:v51+s21+$0x0], $0xffff;
	_ =	sdelay $0x2  }
0x406: {  	v4 =	vadd.f32 v52, v4  }
0x407: {  	v54 =	vor.u32 $0x32, v2  }
0x408: {  	v55 =	vor.u32 $0x32, v1;
	v4 =	vsub.f32 v4, v53;
	_ =	sdelay $0x1  }
0x409: {  	v56 =	vor.u32 $0x32, v3;
	v4 =	vand.u32 $0x7FFFFFFF, v4  }
0x40a: {  	[tilespmem:s16+$0x15180] =	vst v4  }
0x40b: {  	v4 =	vld.idx.msk [tilespmem:v54+s19+$0x0], $0xffff  }
0x40c: {  	v57 =	vld.idx.msk [tilespmem:v55+s14+$0x0], $0xffff;
	_ =	sdelay $0x1  }
0x40d: {  	v58 =	vld.idx.msk [tilespmem:v56+s21+$0x0], $0xffff;
	_ =	sdelay $0x2  }
0x40e: {  	v4 =	vadd.f32 v57, v4  }
0x40f: {  	v59 =	vor.u32 $0x33, v2  }
0x410: {  	v60 =	vor.u32 $0x33, v1;
	v4 =	vsub.f32 v4, v58;
	_ =	sdelay $0x1  }
0x411: {  	v61 =	vor.u32 $0x33, v3;
	v4 =	vand.u32 $0x7FFFFFFF, v4  }
0x412: {  	[tilespmem:s16+$0x15200] =	vst v4  }
0x413: {  	v4 =	vld.idx.msk [tilespmem:v59+s19+$0x0], $0xffff  }
0x414: {  	v62 =	vld.idx.msk [tilespmem:v60+s14+$0x0], $0xffff;
	_ =	sdelay $0x1  }
0x415: {  	v63 =	vld.idx.msk [tilespmem:v61+s21+$0x0], $0xffff;
	_ =	sdelay $0x2  }
0x416: {  	v4 =	vadd.f32 v62, v4  }
0x417: {  	v9 =	vor.u32 $0x34, v2  }
0x418: {  	v10 =	vor.u32 $0x34, v1;
	v4 =	vsub.f32 v4, v63;
	_ =	sdelay $0x1  }
0x419: {  	v11 =	vor.u32 $0x34, v3;
	v4 =	vand.u32 $0x7FFFFFFF, v4  }
0x41a: {  	[tilespmem:s16+$0x15280] =	vst v4  }
0x41b: {  	v4 =	vld.idx.msk [tilespmem:v9+s19+$0x0], $0xffff  }
0x41c: {  	v12 =	vld.idx.msk [tilespmem:v10+s14+$0x0], $0xffff;
	_ =	sdelay $0x1  }
0x41d: {  	v13 =	vld.idx.msk [tilespmem:v11+s21+$0x0], $0xffff;
	_ =	sdelay $0x2  }
0x41e: {  	v4 =	vadd.f32 v12, v4  }
0x41f: {  	v14 =	vor.u32 $0x35, v2  }
0x420: {  	v15 =	vor.u32 $0x35, v1;
	v4 =	vsub.f32 v4, v13;
	_ =	sdelay $0x1  }
0x421: {  	v16 =	vor.u32 $0x35, v3;
	v4 =	vand.u32 $0x7FFFFFFF, v4  }
0x422: {  	[tilespmem:s16+$0x15300] =	vst v4  }
0x423: {  	v4 =	vld.idx.msk [tilespmem:v14+s19+$0x0], $0xffff  }
0x424: {  	v17 =	vld.idx.msk [tilespmem:v15+s14+$0x0], $0xffff;
	_ =	sdelay $0x1  }
0x425: {  	v18 =	vld.idx.msk [tilespmem:v16+s21+$0x0], $0xffff;
	_ =	sdelay $0x2  }
0x426: {  	v4 =	vadd.f32 v17, v4  }
0x427: {  	v19 =	vor.u32 $0x36, v2  }
0x428: {  	v20 =	vor.u32 $0x36, v1;
	v4 =	vsub.f32 v4, v18;
	_ =	sdelay $0x1  }
0x429: {  	v21 =	vor.u32 $0x36, v3;
	v4 =	vand.u32 $0x7FFFFFFF, v4  }
0x42a: {  	[tilespmem:s16+$0x15380] =	vst v4  }
0x42b: {  	v4 =	vld.idx.msk [tilespmem:v19+s19+$0x0], $0xffff  }
0x42c: {  	v22 =	vld.idx.msk [tilespmem:v20+s14+$0x0], $0xffff;
	_ =	sdelay $0x1  }
0x42d: {  	v23 =	vld.idx.msk [tilespmem:v21+s21+$0x0], $0xffff;
	_ =	sdelay $0x2  }
0x42e: {  	v4 =	vadd.f32 v22, v4  }
0x42f: {  	v24 =	vor.u32 $0x37, v2  }
0x430: {  	v25 =	vor.u32 $0x37, v1;
	v4 =	vsub.f32 v4, v23;
	_ =	sdelay $0x1  }
0x431: {  	v26 =	vor.u32 $0x37, v3;
	v4 =	vand.u32 $0x7FFFFFFF, v4  }
0x432: {  	[tilespmem:s16+$0x15400] =	vst v4  }
0x433: {  	v4 =	vld.idx.msk [tilespmem:v24+s19+$0x0], $0xffff  }
0x434: {  	v27 =	vld.idx.msk [tilespmem:v25+s14+$0x0], $0xffff;
	_ =	sdelay $0x1  }
0x435: {  	v28 =	vld.idx.msk [tilespmem:v26+s21+$0x0], $0xffff;
	_ =	sdelay $0x2  }
0x436: {  	v4 =	vadd.f32 v27, v4  }
0x437: {  	v29 =	vor.u32 $0x38, v2  }
0x438: {  	v30 =	vor.u32 $0x38, v1;
	v4 =	vsub.f32 v4, v28;
	_ =	sdelay $0x1  }
0x439: {  	v31 =	vor.u32 $0x38, v3;
	v4 =	vand.u32 $0x7FFFFFFF, v4  }
0x43a: {  	[tilespmem:s16+$0x15480] =	vst v4  }
0x43b: {  	v4 =	vld.idx.msk [tilespmem:v29+s19+$0x0], $0xffff  }
0x43c: {  	v32 =	vld.idx.msk [tilespmem:v30+s14+$0x0], $0xffff;
	_ =	sdelay $0x1  }
0x43d: {  	v33 =	vld.idx.msk [tilespmem:v31+s21+$0x0], $0xffff;
	_ =	sdelay $0x2  }
0x43e: {  	v4 =	vadd.f32 v32, v4  }
0x43f: {  	v34 =	vor.u32 $0x39, v2  }
0x440: {  	v35 =	vor.u32 $0x39, v1;
	v4 =	vsub.f32 v4, v33;
	_ =	sdelay $0x1  }
0x441: {  	v36 =	vor.u32 $0x39, v3;
	v4 =	vand.u32 $0x7FFFFFFF, v4  }
0x442: {  	[tilespmem:s16+$0x15900] =	vst v4  }
0x443: {  	v4 =	vld.idx.msk [tilespmem:v34+s19+$0x0], $0xffff  }
0x444: {  	v37 =	vld.idx.msk [tilespmem:v35+s14+$0x0], $0xffff;
	_ =	sdelay $0x1  }
0x445: {  	v38 =	vld.idx.msk [tilespmem:v36+s21+$0x0], $0xffff;
	_ =	sdelay $0x2  }
0x446: {  	v4 =	vadd.f32 v37, v4  }
0x447: {  	v39 =	vor.u32 $0x3A, v2  }
0x448: {  	v40 =	vor.u32 $0x3A, v1;
	v4 =	vsub.f32 v4, v38;
	_ =	sdelay $0x1  }
0x449: {  	v41 =	vor.u32 $0x3A, v3;
	v4 =	vand.u32 $0x7FFFFFFF, v4  }
0x44a: {  	[tilespmem:s16+$0x15980] =	vst v4  }
0x44b: {  	v4 =	vld.idx.msk [tilespmem:v39+s19+$0x0], $0xffff  }
0x44c: {  	v42 =	vld.idx.msk [tilespmem:v40+s14+$0x0], $0xffff;
	_ =	sdelay $0x1  }
0x44d: {  	v43 =	vld.idx.msk [tilespmem:v41+s21+$0x0], $0xffff;
	_ =	sdelay $0x2  }
0x44e: {  	v4 =	vadd.f32 v42, v4  }
0x44f: {  	v44 =	vor.u32 $0x3B, v2  }
0x450: {  	v45 =	vor.u32 $0x3B, v1;
	v4 =	vsub.f32 v4, v43;
	_ =	sdelay $0x1  }
0x451: {  	v46 =	vor.u32 $0x3B, v3;
	v4 =	vand.u32 $0x7FFFFFFF, v4  }
0x452: {  	[tilespmem:s16+$0x15A00] =	vst v4  }
0x453: {  	v4 =	vld.idx.msk [tilespmem:v44+s19+$0x0], $0xffff  }
0x454: {  	v47 =	vld.idx.msk [tilespmem:v45+s14+$0x0], $0xffff;
	_ =	sdelay $0x1  }
0x455: {  	v48 =	vld.idx.msk [tilespmem:v46+s21+$0x0], $0xffff;
	_ =	sdelay $0x2  }
0x456: {  	v4 =	vadd.f32 v47, v4  }
0x457: {  	v49 =	vor.u32 $0x3C, v2  }
0x458: {  	v50 =	vor.u32 $0x3C, v1;
	v4 =	vsub.f32 v4, v48;
	_ =	sdelay $0x1  }
0x459: {  	v51 =	vor.u32 $0x3C, v3;
	v4 =	vand.u32 $0x7FFFFFFF, v4  }
0x45a: {  	[tilespmem:s16+$0x15A80] =	vst v4  }
0x45b: {  	v4 =	vld.idx.msk [tilespmem:v49+s19+$0x0], $0xffff  }
0x45c: {  	v52 =	vld.idx.msk [tilespmem:v50+s14+$0x0], $0xffff;
	_ =	sdelay $0x1  }
0x45d: {  	v53 =	vld.idx.msk [tilespmem:v51+s21+$0x0], $0xffff;
	_ =	sdelay $0x2  }
0x45e: {  	v4 =	vadd.f32 v52, v4  }
0x45f: {  	v54 =	vor.u32 $0x3D, v2  }
0x460: {  	v55 =	vor.u32 $0x3D, v1;
	v4 =	vsub.f32 v4, v53;
	_ =	sdelay $0x1  }
0x461: {  	v56 =	vor.u32 $0x3D, v3;
	v4 =	vand.u32 $0x7FFFFFFF, v4  }
0x462: {  	[tilespmem:s16+$0x15B00] =	vst v4  }
0x463: {  	v4 =	vld.idx.msk [tilespmem:v54+s19+$0x0], $0xffff  }
0x464: {  	v57 =	vld.idx.msk [tilespmem:v55+s14+$0x0], $0xffff;
	_ =	sdelay $0x1  }
0x465: {  	v58 =	vld.idx.msk [tilespmem:v56+s21+$0x0], $0xffff;
	_ =	sdelay $0x2  }
0x466: {  	v4 =	vadd.f32 v57, v4  }
0x467: {  	v59 =	vor.u32 $0x3E, v2  }
0x468: {  	v60 =	vor.u32 $0x3E, v1;
	v4 =	vsub.f32 v4, v58;
	_ =	sdelay $0x1  }
0x469: {  	v61 =	vor.u32 $0x3E, v3;
	v4 =	vand.u32 $0x7FFFFFFF, v4  }
0x46a: {  	[tilespmem:s16+$0x15B80] =	vst v4  }
0x46b: {  	v4 =	vld.idx.msk [tilespmem:v59+s19+$0x0], $0xffff  }
0x46c: {  	v62 =	vld.idx.msk [tilespmem:v60+s14+$0x0], $0xffff;
	_ =	sdelay $0x1  }
0x46d: {  	v63 =	vld.idx.msk [tilespmem:v61+s21+$0x0], $0xffff;
	_ =	sdelay $0x2  }
0x46e: {  	v4 =	vadd.f32 v62, v4  }
0x46f: {  	v2 =	vor.u32 $0x3F, v2  }
0x470: {  	v1 =	vor.u32 $0x3F, v1;
	v4 =	vsub.f32 v4, v63;
	_ =	sdelay $0x1  }
0x471: {  	v3 =	vor.u32 $0x3F, v3;
	v4 =	vand.u32 $0x7FFFFFFF, v4  }
0x472: {  	[tilespmem:s16+$0x15C00] =	vst v4  }
0x473: {  	v2 =	vld.idx.msk [tilespmem:v2+s19+$0x0], $0xffff  }
0x474: {  	v1 =	vld.idx.msk [tilespmem:v1+s14+$0x0], $0xffff;
	_ =	sdelay $0x1  }
0x475: {  	v3 =	vld.idx.msk [tilespmem:v3+s21+$0x0], $0xffff;
	_ =	sdelay $0x2  }
0x476: {  	p0 =	sne.s32 s1, $0xF0;
	v1 =	vadd.f32 v1, v2  }
.Ltmp3:
0x477: {  	_ = 	snop;
	(pc) =	sbr.rel @p0 .LBB2_8-.Ltmp3, $3  }
0x478: {  	v1 =	vsub.f32 v1, v3;
	_ =	sdelay $0x1  }
0x479: {  	s30 =	sadd.s32 $0x10, s30;
	s29 =	sadd.s32 $0x10, s29;
	v1 =	vand.u32 $0x7FFFFFFF, v1  }
0x47a: {  	s31 =	sadd.s32 $0x10, s31;
	s0 =	sadd.s32 $0x80, s0;
	s1 =	sadd.s32 $0x10, s1;
	[tilespmem:s16+$0x15C80] =	vst v1  }
0x47b: {  	s28 =	sadd.s32 $0x1, s28  }
0x47c: {  	p0 =	sne.s32 s28, s13  }
.Ltmp4:
0x47d: {  	_ = 	snop;
	(pc) =	sbr.rel @p0 .LBB2_1-.Ltmp4, $4  }
0x47e: {  	[hbm4b:s12+s24] =	stream.strided.scatter [tilespmem:s26], [sflag:$0x3], $0x4000, s25, s24, $0x38;
	[tilespmem:$0x16100] =	vst v63  }
0x47f: {  	_ =	swait.ge [sflag:s15], $0x4000  }
0x480: {  	[sflag:s15] =	ssyncset.done $0x0  }
0x481: {  	[sflag:s15] =	ssyncadd.s32 $0xFFFFC000  }
0x482: {  	_ =	sfence.sel $0x180000  }
0x483: {  	[bflag:$0x0] =	sbarrier.arrive $0xFFFF  }
0x484: {  	_ =	strace $0x90000047  }
0x485: {  	s0 =	stileid.u32;
	[bflag:$0x2] =	sbarrier.arrive $0xFFFF  }
0x486: {  	p0 =	sne.s32 s0, $0x0;
	s0 =	rddreg [dreg:$0x5]  }
0x487: {  	s0 =	sadd.s32 @!p0 $0x100000, s0  }
0x488: {  	[sflag:s0] =	ssyncadd.tile.s32 @!p0 $0x1;
	_ =	shalt  }
.Lfunc_end2:
_tile_overlayer_lowered:
.L_overlay_start_2:
0x489: {  	(tag) =	ssettag $0x2  }
0x48a: {  	s0 =	rddreg [dreg:$0x0];
	s2 =	stileid.u32  }
0x48b: {  	s1 =	rddreg [dreg:$0x1];
	p0 =	sne.s32 s2, $0x0  }
0x48c: {  	s3 =	rddreg [dreg:$0x2];
	[bflag:$0x3] =	sbarrier.arrive $0xFFFF;
	s2 =	simm.s32 @!p0 $0x1C03  }
0x48d: {  	[timem:s3], [sflag:s2] =	dma.local @!p0 [hbm:s0], s1  }
0x48e: {  	s0 =	simm.s32 @!p0 $0x3  }
0x48f: {  	_ =	swait.ge @!p0 [sflag:s0], s1  }
0x490: {  	s1 =	ssub.s32 @!p0 $0x0, s1;
	[sflag:s0] =	ssyncset.done @!p0 $0x0  }
0x491: {  	[sflag:s0] =	ssyncadd.s32 @!p0 s1  }
0x492: {  	[bflag:$0x3] =	sbarrier.arrive $0xFFFF  }
0x493: {  	_ =	shalt  }

</sc_bundles>
